<compile_context>
chip_gen: v7x
topology: tpu7x:2x2x1
jax: 0.10.2.dev20260603
libtpu: 0.0.44.dev20260713+nightly
codegen_flags: <defaults>
</compile_context>

<pallas_src>
import functools

import jax
import jax.numpy as jnp
from jax import lax
from jax.experimental import pallas as pl
from jax.experimental.pallas import tpu as pltpu
from jax.experimental.pallas import tpu_sc as plsc

VOCAB = 256
B = 4096
L = 50

NC = 2
NS = 16
NW = NC * NS

TOTAL = B * L
BLK = B // NW
SUB = 64
NBUF = 6
H = BLK // SUB
NCH = L * H


def _sc_gather(idx_t, W):
    mesh = plsc.VectorSubcoreMesh(core_axis_name="c", subcore_axis_name="s")

    @functools.partial(
        pl.kernel,
        mesh=mesh,
        out_type=jax.ShapeDtypeStruct((TOTAL, VOCAB), jnp.float32),
        scratch_types=(
            [pltpu.VMEM((L * BLK,), jnp.int32)]
            + [pltpu.VMEM((SUB,), jnp.int32)] * NBUF
            + [pltpu.VMEM((SUB, VOCAB), jnp.float32)] * NBUF
            + [pltpu.SemaphoreType.DMA] * (2 * NBUF)
        ),
    )
    def k(idxt_hbm, w_hbm, out_hbm, idx_ws, *bufs):
        tri = list(bufs[:NBUF])
        rows = list(bufs[NBUF:2 * NBUF])
        gsem = list(bufs[2 * NBUF:3 * NBUF])
        osem = list(bufs[3 * NBUF:4 * NBUF])

        wid = lax.axis_index("s") * NC + lax.axis_index("c")
        b0 = wid * BLK
        pltpu.sync_copy(idxt_hbm.at[pl.ds(wid * (L * BLK), L * BLK)], idx_ws)

        def compute_tri(g, b):
            l = g // H
            h = g % H
            lm1 = jnp.maximum(l - 1, 0)
            valid = jnp.where(l == 0, 0, 1)
            for t in range(SUB // 16):
                cur = idx_ws[pl.ds(l * BLK + h * SUB + t * 16, 16)]
                prv = idx_ws[pl.ds(lm1 * BLK + h * SUB + t * 16, 16)]
                tri[b][pl.ds(t * 16, 16)] = (prv * VOCAB + cur) * valid

        def rbase(g):
            return (g // H) * B + b0 + (g % H) * SUB

        def start_gather(b):
            pltpu.async_copy(w_hbm.at[tri[b]], rows[b], gsem[b])

        def wait_gather(b):
            pltpu.make_async_copy(w_hbm.at[tri[b]], rows[b], gsem[b]).wait()

        def start_out(g, b):
            pltpu.async_copy(rows[b], out_hbm.at[pl.ds(rbase(g), SUB)], osem[b])

        def wait_out(g, b):
            pltpu.make_async_copy(rows[b], out_hbm.at[pl.ds(rbase(g), SUB)],
                                  osem[b]).wait()

        for g in range(NBUF):
            compute_tri(g, g)
            start_gather(g)
        wait_gather(0)
        start_out(0, 0)

        def step(j, fb):
            wait_out(j - 1, fb)
            compute_tri(j + NBUF - 1, fb)
            start_gather(fb)
            cb = (fb + 1) % NBUF
            wait_gather(cb)
            start_out(j, cb)

        full = NCH - NBUF
        ngroups = full // NBUF

        def group_body(i, carry):
            for jj in range(NBUF):
                step(i * NBUF + 1 + jj, jj)
            return carry

        lax.fori_loop(0, ngroups, group_body, 0)
        for kk in range(full % NBUF):
            j = ngroups * NBUF + 1 + kk
            step(j, (j - 1) % NBUF)

        for j in range(NCH - NBUF + 1, NCH):
            wait_out(j - 1, (j - 1) % NBUF)
            wait_gather(j % NBUF)
            start_out(j, j % NBUF)
        wait_out(NCH - 1, (NCH - 1) % NBUF)

    return k(idx_t, W)


def kernel(idx, W):
    idx_a = jnp.transpose(idx.astype(jnp.int32).reshape(NW, BLK, L),
                          (0, 2, 1)).reshape(NW * L * BLK)
    out = _sc_gather(idx_a, W)
    return jnp.transpose(out.reshape(L, B, VOCAB), (1, 0, 2))

# --- scband reference (transcript-rebuilt; emitter-appended) ---
"""Pipeline reference for scband-trigram-22883585753834 (READ-ONLY COPY).

The authoritative reference and input builder live on the scoring server;
editing this copy changes nothing except your own understanding.
"""

import jax, jax.numpy as jnp
import numpy as np

VOCAB = 256
B = 4096
L = 50

def setup_inputs(seed: int = 0) -> dict:
    key = jax.random.key(seed)
    k1, k2 = jax.random.split(key)
    idx = jax.random.randint(k1, (B, L), 0, VOCAB)
    W = jax.random.normal(k2, (VOCAB * VOCAB, VOCAB), dtype=jnp.float32)
    return {"idx": idx, "W": W}

def include_index(idx, n):
    zeros = jnp.zeros((idx.shape[0], 1), dtype=idx.dtype)
    tri = n * idx[:, :-1] + idx[:, 1:]
    return jnp.concatenate([zeros, tri], axis=1)

def reference(idx, W):
    # Faithful translation of Trigram.forward with targets=None.
    idx_tg = include_index(idx, VOCAB)
    logits = jnp.take(W, idx_tg, axis=0)
    return logits

if __name__ == "__main__":
    import jax
    _d = setup_inputs()
    print(jax.jit(kernel)(*tuple(_d.values())))

</pallas_src>

<mosaic_0001>
#map = affine_map<(d0, d1) -> (0)>
#map1 = affine_map<(d0, d1) -> (0, 0)>
module attributes {stable_mosaic.version = 14 : i64} {
  func.func @k(%arg0: i32, %arg1: i32, %arg2: memref<204800xi32, #tpu.memory_space<hbm>>, %arg3: memref<65536x256xf32, #tpu.memory_space<hbm>>, %arg4: memref<204800x256xf32, #tpu.memory_space<hbm>>, %arg5: memref<6400xi32, #tpu.memory_space<vmem>>, %arg6: memref<64xi32, #tpu.memory_space<vmem>>, %arg7: memref<64xi32, #tpu.memory_space<vmem>>, %arg8: memref<64xi32, #tpu.memory_space<vmem>>, %arg9: memref<64xi32, #tpu.memory_space<vmem>>, %arg10: memref<64xi32, #tpu.memory_space<vmem>>, %arg11: memref<64xi32, #tpu.memory_space<vmem>>, %arg12: memref<64x256xf32, #tpu.memory_space<vmem>>, %arg13: memref<64x256xf32, #tpu.memory_space<vmem>>, %arg14: memref<64x256xf32, #tpu.memory_space<vmem>>, %arg15: memref<64x256xf32, #tpu.memory_space<vmem>>, %arg16: memref<64x256xf32, #tpu.memory_space<vmem>>, %arg17: memref<64x256xf32, #tpu.memory_space<vmem>>, %arg18: memref<!tpu.dma_semaphore, #tpu.memory_space<semaphore_mem>>, %arg19: memref<!tpu.dma_semaphore, #tpu.memory_space<semaphore_mem>>, %arg20: memref<!tpu.dma_semaphore, #tpu.memory_space<semaphore_mem>>, %arg21: memref<!tpu.dma_semaphore, #tpu.memory_space<semaphore_mem>>, %arg22: memref<!tpu.dma_semaphore, #tpu.memory_space<semaphore_mem>>, %arg23: memref<!tpu.dma_semaphore, #tpu.memory_space<semaphore_mem>>, %arg24: memref<!tpu.dma_semaphore, #tpu.memory_space<semaphore_mem>>, %arg25: memref<!tpu.dma_semaphore, #tpu.memory_space<semaphore_mem>>, %arg26: memref<!tpu.dma_semaphore, #tpu.memory_space<semaphore_mem>>, %arg27: memref<!tpu.dma_semaphore, #tpu.memory_space<semaphore_mem>>, %arg28: memref<!tpu.dma_semaphore, #tpu.memory_space<semaphore_mem>>, %arg29: memref<!tpu.dma_semaphore, #tpu.memory_space<semaphore_mem>>) attributes {dimension_semantics = [#tpu.dimension_semantics<core_parallel>, #tpu.dimension_semantics<subcore_parallel>], iteration_bounds = array<i64: 2, 16>, scalar_prefetch = 0 : i64, scratch_operands = 25 : i64, tpu.core_type = #tpu.core_type<sc_vector_subcore>, window_params = [{transform_indices = #map}, {transform_indices = #map1}, {transform_indices = #map1}]} {
    %mul3A = arith.constant 2 : i32
    %mul3A_0 = arith.muli %arg1, %mul3A : i32
    %add3A = arith.addi %mul3A_0, %arg0 : i32
    %mul3A_1 = arith.constant 128 : i32
    %mul3A_2 = arith.muli %add3A, %mul3A_1 : i32
    %mul3A_3 = arith.constant 6400 : i32
    %mul3A_4 = arith.muli %add3A, %mul3A_3 : i32
    "tpu.region"() ({
      %run_scoped3A = tpu.sem_alloc : memref<!tpu.dma_semaphore, #tpu.memory_space<semaphore_mem>>
      %dma_start3A_1173 = tpu.memref_slice %arg2[%mul3A_4] : memref<204800xi32, #tpu.memory_space<hbm>> -> memref<6400xi32, #tpu.memory_space<hbm>>
      %dma_start3A_1174 = tpu.memref_slice %arg2[%mul3A_4] : memref<204800xi32, #tpu.memory_space<hbm>> -> memref<6400xi32, #tpu.memory_space<hbm>>
      tpu.enqueue_dma source(%dma_start3A_1174 : memref<6400xi32, #tpu.memory_space<hbm>>) target(%arg5 : memref<6400xi32, #tpu.memory_space<vmem>>) target_semaphore(%run_scoped3A : memref<!tpu.dma_semaphore, #tpu.memory_space<semaphore_mem>>)
      %dma_wait3A_1175 = tpu.memref_slice %arg2[%mul3A_4] : memref<204800xi32, #tpu.memory_space<hbm>> -> memref<6400xi32, #tpu.memory_space<hbm>>
      %dma_wait3A_1176 = tpu.memref_slice %arg2[%mul3A_4] : memref<204800xi32, #tpu.memory_space<hbm>> -> memref<6400xi32, #tpu.memory_space<hbm>>
      tpu.wait_dma2 semaphore(%run_scoped3A : memref<!tpu.dma_semaphore, #tpu.memory_space<semaphore_mem>>) src(%dma_wait3A_1176 : memref<6400xi32, #tpu.memory_space<hbm>>) dst(%arg5 : memref<6400xi32, #tpu.memory_space<vmem>>)
      tpu.yield
    }) : () -> ()
    %max3A = arith.constant -1 : i32
    %max3A_5 = arith.constant 0 : i32
    %max3A_6 = arith.maxsi %max3A, %max3A_5 : i32
    %jit3A = arith.constant true
    %jit3A_7 = arith.constant 0 : i32
    %jit3A_8 = arith.constant 1 : i32
    %select_n3A = arith.select %jit3A, %jit3A_7, %jit3A_8 : i32
    %get3A = arith.constant 0 : index
    %get3A_9 = tpu.vector_load %arg5[%get3A] {strides = array<i32>} : memref<6400xi32, #tpu.memory_space<vmem>>, vector<16xi32>,
    %get3A_10 = vector.shape_cast %get3A_9 : vector<16xi32> to vector<16xi32>
    %mul3A_11 = arith.constant 128 : i32
    %mul3A_12 = arith.muli %max3A_6, %mul3A_11 : i32
    %add3A_13 = arith.constant 0 : i32
    %add3A_14 = arith.addi %mul3A_12, %add3A_13 : i32
    %add3A_15 = arith.constant 0 : i32
    %add3A_16 = arith.addi %add3A_14, %add3A_15 : i32
    %get3A_17 = arith.index_cast %add3A_16 : i32 to index
    %get3A_18 = tpu.vector_load %arg5[%get3A_17] {strides = array<i32>} : memref<6400xi32, #tpu.memory_space<vmem>>, vector<16xi32>,
    %get3A_19 = vector.shape_cast %get3A_18 : vector<16xi32> to vector<16xi32>
    %mul3A_20 = arith.constant 256 : i32
    %mul3A_21 = vector.broadcast %mul3A_20 : i32 to vector<16xi32>
    %mul3A_22 = arith.muli %get3A_19, %mul3A_21 : vector<16xi32>
    %add3A_23 = arith.addi %mul3A_22, %get3A_10 : vector<16xi32>
    %mul3A_24 = vector.broadcast %select_n3A : i32 to vector<16xi32>
    %mul3A_25 = arith.muli %add3A_23, %mul3A_24 : vector<16xi32>
    %swap3A = arith.constant 0 : index
    %swap3A_26 = tpu.vector_load %arg6[%swap3A] {strides = array<i32>} : memref<64xi32, #tpu.memory_space<vmem>>, vector<16xi32>,
    %swap3A_27 = vector.shape_cast %swap3A_26 : vector<16xi32> to vector<16xi32>
    %swap3A_28 = vector.shape_cast %mul3A_25 : vector<16xi32> to vector<16xi32>
    tpu.vector_store %arg6[%swap3A], %swap3A_28 {strides = array<i32>} : memref<64xi32, #tpu.memory_space<vmem>>, vector<16xi32>,
    %get3A_29 = arith.constant 16 : index
    %get3A_30 = tpu.vector_load %arg5[%get3A_29] {strides = array<i32>} : memref<6400xi32, #tpu.memory_space<vmem>>, vector<16xi32>,
    %get3A_31 = vector.shape_cast %get3A_30 : vector<16xi32> to vector<16xi32>
    %mul3A_32 = arith.constant 128 : i32
    %mul3A_33 = arith.muli %max3A_6, %mul3A_32 : i32
    %add3A_34 = arith.constant 0 : i32
    %add3A_35 = arith.addi %mul3A_33, %add3A_34 : i32
    %add3A_36 = arith.constant 16 : i32
    %add3A_37 = arith.addi %add3A_35, %add3A_36 : i32
    %get3A_38 = arith.index_cast %add3A_37 : i32 to index
    %get3A_39 = tpu.vector_load %arg5[%get3A_38] {strides = array<i32>} : memref<6400xi32, #tpu.memory_space<vmem>>, vector<16xi32>,
    %get3A_40 = vector.shape_cast %get3A_39 : vector<16xi32> to vector<16xi32>
    %mul3A_41 = arith.constant 256 : i32
    %mul3A_42 = vector.broadcast %mul3A_41 : i32 to vector<16xi32>
    %mul3A_43 = arith.muli %get3A_40, %mul3A_42 : vector<16xi32>
    %add3A_44 = arith.addi %mul3A_43, %get3A_31 : vector<16xi32>
    %mul3A_45 = vector.broadcast %select_n3A : i32 to vector<16xi32>
    %mul3A_46 = arith.muli %add3A_44, %mul3A_45 : vector<16xi32>
    %swap3A_47 = arith.constant 16 : index
    %swap3A_48 = tpu.vector_load %arg6[%swap3A_47] {strides = array<i32>} : memref<64xi32, #tpu.memory_space<vmem>>, vector<16xi32>,
    %swap3A_49 = vector.shape_cast %swap3A_48 : vector<16xi32> to vector<16xi32>
    %swap3A_50 = vector.shape_cast %mul3A_46 : vector<16xi32> to vector<16xi32>
    tpu.vector_store %arg6[%swap3A_47], %swap3A_50 {strides = array<i32>} : memref<64xi32, #tpu.memory_space<vmem>>, vector<16xi32>,
    %get3A_51 = arith.constant 32 : index
    %get3A_52 = tpu.vector_load %arg5[%get3A_51] {strides = array<i32>} : memref<6400xi32, #tpu.memory_space<vmem>>, vector<16xi32>,
    %get3A_53 = vector.shape_cast %get3A_52 : vector<16xi32> to vector<16xi32>
    %mul3A_54 = arith.constant 128 : i32
    %mul3A_55 = arith.muli %max3A_6, %mul3A_54 : i32
    %add3A_56 = arith.constant 0 : i32
    %add3A_57 = arith.addi %mul3A_55, %add3A_56 : i32
    %add3A_58 = arith.constant 32 : i32
    %add3A_59 = arith.addi %add3A_57, %add3A_58 : i32
    %get3A_60 = arith.index_cast %add3A_59 : i32 to index
    %get3A_61 = tpu.vector_load %arg5[%get3A_60] {strides = array<i32>} : memref<6400xi32, #tpu.memory_space<vmem>>, vector<16xi32>,
    %get3A_62 = vector.shape_cast %get3A_61 : vector<16xi32> to vector<16xi32>
    %mul3A_63 = arith.constant 256 : i32
    %mul3A_64 = vector.broadcast %mul3A_63 : i32 to vector<16xi32>
    %mul3A_65 = arith.muli %get3A_62, %mul3A_64 : vector<16xi32>
    %add3A_66 = arith.addi %mul3A_65, %get3A_53 : vector<16xi32>
    %mul3A_67 = vector.broadcast %select_n3A : i32 to vector<16xi32>
    %mul3A_68 = arith.muli %add3A_66, %mul3A_67 : vector<16xi32>
    %swap3A_69 = arith.constant 32 : index
    %swap3A_70 = tpu.vector_load %arg6[%swap3A_69] {strides = array<i32>} : memref<64xi32, #tpu.memory_space<vmem>>, vector<16xi32>,
    %swap3A_71 = vector.shape_cast %swap3A_70 : vector<16xi32> to vector<16xi32>
    %swap3A_72 = vector.shape_cast %mul3A_68 : vector<16xi32> to vector<16xi32>
    tpu.vector_store %arg6[%swap3A_69], %swap3A_72 {strides = array<i32>} : memref<64xi32, #tpu.memory_space<vmem>>, vector<16xi32>,
    %get3A_73 = arith.constant 48 : index
    %get3A_74 = tpu.vector_load %arg5[%get3A_73] {strides = array<i32>} : memref<6400xi32, #tpu.memory_space<vmem>>, vector<16xi32>,
    %get3A_75 = vector.shape_cast %get3A_74 : vector<16xi32> to vector<16xi32>
    %mul3A_76 = arith.constant 128 : i32
    %mul3A_77 = arith.muli %max3A_6, %mul3A_76 : i32
    %add3A_78 = arith.constant 0 : i32
    %add3A_79 = arith.addi %mul3A_77, %add3A_78 : i32
    %add3A_80 = arith.constant 48 : i32
    %add3A_81 = arith.addi %add3A_79, %add3A_80 : i32
    %get3A_82 = arith.index_cast %add3A_81 : i32 to index
    %get3A_83 = tpu.vector_load %arg5[%get3A_82] {strides = array<i32>} : memref<6400xi32, #tpu.memory_space<vmem>>, vector<16xi32>,
    %get3A_84 = vector.shape_cast %get3A_83 : vector<16xi32> to vector<16xi32>
    %mul3A_85 = arith.constant 256 : i32
    %mul3A_86 = vector.broadcast %mul3A_85 : i32 to vector<16xi32>
    %mul3A_87 = arith.muli %get3A_84, %mul3A_86 : vector<16xi32>
    %add3A_88 = arith.addi %mul3A_87, %get3A_75 : vector<16xi32>
    %mul3A_89 = vector.broadcast %select_n3A : i32 to vector<16xi32>
    %mul3A_90 = arith.muli %add3A_88, %mul3A_89 : vector<16xi32>
    %swap3A_91 = arith.constant 48 : index
    %swap3A_92 = tpu.vector_load %arg6[%swap3A_91] {strides = array<i32>} : memref<64xi32, #tpu.memory_space<vmem>>, vector<16xi32>,
    %swap3A_93 = vector.shape_cast %swap3A_92 : vector<16xi32> to vector<16xi32>
    %swap3A_94 = vector.shape_cast %mul3A_90 : vector<16xi32> to vector<16xi32>
    tpu.vector_store %arg6[%swap3A_91], %swap3A_94 {strides = array<i32>} : memref<64xi32, #tpu.memory_space<vmem>>, vector<16xi32>,
    %dma_start3A = arith.constant 0 : i32
    %dma_start3A_95 = arith.constant 0 : i32
    %dma_start3A_96 = tpu.memref_slice %arg3[%dma_start3A, %dma_start3A_95] : memref<65536x256xf32, #tpu.memory_space<hbm>> -> memref<65536x256xf32, #tpu.memory_space<hbm>>
    tpu.enqueue_indirect_dma source(%dma_start3A_96 : memref<65536x256xf32, #tpu.memory_space<hbm>>) target(%arg12 : memref<64x256xf32, #tpu.memory_space<vmem>>) offsets(%arg6 : memref<64xi32, #tpu.memory_space<vmem>>) semaphore(%arg18 : memref<!tpu.dma_semaphore, #tpu.memory_space<semaphore_mem>>)
    %max3A_97 = arith.constant -1 : i32
    %max3A_98 = arith.constant 0 : i32
    %max3A_99 = arith.maxsi %max3A_97, %max3A_98 : i32
    %jit3A_100 = arith.constant true
    %jit3A_101 = arith.constant 0 : i32
    %jit3A_102 = arith.constant 1 : i32
    %select_n3A_103 = arith.select %jit3A_100, %jit3A_101, %jit3A_102 : i32
    %get3A_104 = arith.constant 64 : index
    %get3A_105 = tpu.vector_load %arg5[%get3A_104] {strides = array<i32>} : memref<6400xi32, #tpu.memory_space<vmem>>, vector<16xi32>,
    %get3A_106 = vector.shape_cast %get3A_105 : vector<16xi32> to vector<16xi32>
    %mul3A_107 = arith.constant 128 : i32
    %mul3A_108 = arith.muli %max3A_99, %mul3A_107 : i32
    %add3A_109 = arith.constant 64 : i32
    %add3A_110 = arith.addi %mul3A_108, %add3A_109 : i32
    %add3A_111 = arith.constant 0 : i32
    %add3A_112 = arith.addi %add3A_110, %add3A_111 : i32
    %get3A_113 = arith.index_cast %add3A_112 : i32 to index
    %get3A_114 = tpu.vector_load %arg5[%get3A_113] {strides = array<i32>} : memref<6400xi32, #tpu.memory_space<vmem>>, vector<16xi32>,
    %get3A_115 = vector.shape_cast %get3A_114 : vector<16xi32> to vector<16xi32>
    %mul3A_116 = arith.constant 256 : i32
    %mul3A_117 = vector.broadcast %mul3A_116 : i32 to vector<16xi32>
    %mul3A_118 = arith.muli %get3A_115, %mul3A_117 : vector<16xi32>
    %add3A_119 = arith.addi %mul3A_118, %get3A_106 : vector<16xi32>
    %mul3A_120 = vector.broadcast %select_n3A_103 : i32 to vector<16xi32>
    %mul3A_121 = arith.muli %add3A_119, %mul3A_120 : vector<16xi32>
    %swap3A_122 = arith.constant 0 : index
    %swap3A_123 = tpu.vector_load %arg7[%swap3A_122] {strides = array<i32>} : memref<64xi32, #tpu.memory_space<vmem>>, vector<16xi32>,
    %swap3A_124 = vector.shape_cast %swap3A_123 : vector<16xi32> to vector<16xi32>
    %swap3A_125 = vector.shape_cast %mul3A_121 : vector<16xi32> to vector<16xi32>
    tpu.vector_store %arg7[%swap3A_122], %swap3A_125 {strides = array<i32>} : memref<64xi32, #tpu.memory_space<vmem>>, vector<16xi32>,
    %get3A_126 = arith.constant 80 : index
    %get3A_127 = tpu.vector_load %arg5[%get3A_126] {strides = array<i32>} : memref<6400xi32, #tpu.memory_space<vmem>>, vector<16xi32>,
    %get3A_128 = vector.shape_cast %get3A_127 : vector<16xi32> to vector<16xi32>
    %mul3A_129 = arith.constant 128 : i32
    %mul3A_130 = arith.muli %max3A_99, %mul3A_129 : i32
    %add3A_131 = arith.constant 64 : i32
    %add3A_132 = arith.addi %mul3A_130, %add3A_131 : i32
    %add3A_133 = arith.constant 16 : i32
    %add3A_134 = arith.addi %add3A_132, %add3A_133 : i32
    %get3A_135 = arith.index_cast %add3A_134 : i32 to index
    %get3A_136 = tpu.vector_load %arg5[%get3A_135] {strides = array<i32>} : memref<6400xi32, #tpu.memory_space<vmem>>, vector<16xi32>,
    %get3A_137 = vector.shape_cast %get3A_136 : vector<16xi32> to vector<16xi32>
    %mul3A_138 = arith.constant 256 : i32
    %mul3A_139 = vector.broadcast %mul3A_138 : i32 to vector<16xi32>
    %mul3A_140 = arith.muli %get3A_137, %mul3A_139 : vector<16xi32>
    %add3A_141 = arith.addi %mul3A_140, %get3A_128 : vector<16xi32>
    %mul3A_142 = vector.broadcast %select_n3A_103 : i32 to vector<16xi32>
    %mul3A_143 = arith.muli %add3A_141, %mul3A_142 : vector<16xi32>
    %swap3A_144 = arith.constant 16 : index
    %swap3A_145 = tpu.vector_load %arg7[%swap3A_144] {strides = array<i32>} : memref<64xi32, #tpu.memory_space<vmem>>, vector<16xi32>,
    %swap3A_146 = vector.shape_cast %swap3A_145 : vector<16xi32> to vector<16xi32>
    %swap3A_147 = vector.shape_cast %mul3A_143 : vector<16xi32> to vector<16xi32>
    tpu.vector_store %arg7[%swap3A_144], %swap3A_147 {strides = array<i32>} : memref<64xi32, #tpu.memory_space<vmem>>, vector<16xi32>,
    %get3A_148 = arith.constant 96 : index
    %get3A_149 = tpu.vector_load %arg5[%get3A_148] {strides = array<i32>} : memref<6400xi32, #tpu.memory_space<vmem>>, vector<16xi32>,
    %get3A_150 = vector.shape_cast %get3A_149 : vector<16xi32> to vector<16xi32>
    %mul3A_151 = arith.constant 128 : i32
    %mul3A_152 = arith.muli %max3A_99, %mul3A_151 : i32
    %add3A_153 = arith.constant 64 : i32
    %add3A_154 = arith.addi %mul3A_152, %add3A_153 : i32
    %add3A_155 = arith.constant 32 : i32
    %add3A_156 = arith.addi %add3A_154, %add3A_155 : i32
    %get3A_157 = arith.index_cast %add3A_156 : i32 to index
    %get3A_158 = tpu.vector_load %arg5[%get3A_157] {strides = array<i32>} : memref<6400xi32, #tpu.memory_space<vmem>>, vector<16xi32>,
    %get3A_159 = vector.shape_cast %get3A_158 : vector<16xi32> to vector<16xi32>
    %mul3A_160 = arith.constant 256 : i32
    %mul3A_161 = vector.broadcast %mul3A_160 : i32 to vector<16xi32>
    %mul3A_162 = arith.muli %get3A_159, %mul3A_161 : vector<16xi32>
    %add3A_163 = arith.addi %mul3A_162, %get3A_150 : vector<16xi32>
    %mul3A_164 = vector.broadcast %select_n3A_103 : i32 to vector<16xi32>
    %mul3A_165 = arith.muli %add3A_163, %mul3A_164 : vector<16xi32>
    %swap3A_166 = arith.constant 32 : index
    %swap3A_167 = tpu.vector_load %arg7[%swap3A_166] {strides = array<i32>} : memref<64xi32, #tpu.memory_space<vmem>>, vector<16xi32>,
    %swap3A_168 = vector.shape_cast %swap3A_167 : vector<16xi32> to vector<16xi32>
    %swap3A_169 = vector.shape_cast %mul3A_165 : vector<16xi32> to vector<16xi32>
    tpu.vector_store %arg7[%swap3A_166], %swap3A_169 {strides = array<i32>} : memref<64xi32, #tpu.memory_space<vmem>>, vector<16xi32>,
    %get3A_170 = arith.constant 112 : index
    %get3A_171 = tpu.vector_load %arg5[%get3A_170] {strides = array<i32>} : memref<6400xi32, #tpu.memory_space<vmem>>, vector<16xi32>,
    %get3A_172 = vector.shape_cast %get3A_171 : vector<16xi32> to vector<16xi32>
    %mul3A_173 = arith.constant 128 : i32
    %mul3A_174 = arith.muli %max3A_99, %mul3A_173 : i32
    %add3A_175 = arith.constant 64 : i32
    %add3A_176 = arith.addi %mul3A_174, %add3A_175 : i32
    %add3A_177 = arith.constant 48 : i32
    %add3A_178 = arith.addi %add3A_176, %add3A_177 : i32
    %get3A_179 = arith.index_cast %add3A_178 : i32 to index
    %get3A_180 = tpu.vector_load %arg5[%get3A_179] {strides = array<i32>} : memref<6400xi32, #tpu.memory_space<vmem>>, vector<16xi32>,
    %get3A_181 = vector.shape_cast %get3A_180 : vector<16xi32> to vector<16xi32>
    %mul3A_182 = arith.constant 256 : i32
    %mul3A_183 = vector.broadcast %mul3A_182 : i32 to vector<16xi32>
    %mul3A_184 = arith.muli %get3A_181, %mul3A_183 : vector<16xi32>
    %add3A_185 = arith.addi %mul3A_184, %get3A_172 : vector<16xi32>
    %mul3A_186 = vector.broadcast %select_n3A_103 : i32 to vector<16xi32>
    %mul3A_187 = arith.muli %add3A_185, %mul3A_186 : vector<16xi32>
    %swap3A_188 = arith.constant 48 : index
    %swap3A_189 = tpu.vector_load %arg7[%swap3A_188] {strides = array<i32>} : memref<64xi32, #tpu.memory_space<vmem>>, vector<16xi32>,
    %swap3A_190 = vector.shape_cast %swap3A_189 : vector<16xi32> to vector<16xi32>
    %swap3A_191 = vector.shape_cast %mul3A_187 : vector<16xi32> to vector<16xi32>
    tpu.vector_store %arg7[%swap3A_188], %swap3A_191 {strides = array<i32>} : memref<64xi32, #tpu.memory_space<vmem>>, vector<16xi32>,
    %dma_start3A_192 = arith.constant 0 : i32
    %dma_start3A_193 = arith.constant 0 : i32
    %dma_start3A_194 = tpu.memref_slice %arg3[%dma_start3A_192, %dma_start3A_193] : memref<65536x256xf32, #tpu.memory_space<hbm>> -> memref<65536x256xf32, #tpu.memory_space<hbm>>
    tpu.enqueue_indirect_dma source(%dma_start3A_194 : memref<65536x256xf32, #tpu.memory_space<hbm>>) target(%arg13 : memref<64x256xf32, #tpu.memory_space<vmem>>) offsets(%arg7 : memref<64xi32, #tpu.memory_space<vmem>>) semaphore(%arg19 : memref<!tpu.dma_semaphore, #tpu.memory_space<semaphore_mem>>)
    %max3A_195 = arith.constant 0 : i32
    %max3A_196 = arith.constant 0 : i32
    %max3A_197 = arith.maxsi %max3A_195, %max3A_196 : i32
    %jit3A_198 = arith.constant false
    %jit3A_199 = arith.constant 0 : i32
    %jit3A_200 = arith.constant 1 : i32
    %select_n3A_201 = arith.select %jit3A_198, %jit3A_199, %jit3A_200 : i32
    %get3A_202 = arith.constant 128 : index
    %get3A_203 = tpu.vector_load %arg5[%get3A_202] {strides = array<i32>} : memref<6400xi32, #tpu.memory_space<vmem>>, vector<16xi32>,
    %get3A_204 = vector.shape_cast %get3A_203 : vector<16xi32> to vector<16xi32>
    %mul3A_205 = arith.constant 128 : i32
    %mul3A_206 = arith.muli %max3A_197, %mul3A_205 : i32
    %add3A_207 = arith.constant 0 : i32
    %add3A_208 = arith.addi %mul3A_206, %add3A_207 : i32
    %add3A_209 = arith.constant 0 : i32
    %add3A_210 = arith.addi %add3A_208, %add3A_209 : i32
    %get3A_211 = arith.index_cast %add3A_210 : i32 to index
    %get3A_212 = tpu.vector_load %arg5[%get3A_211] {strides = array<i32>} : memref<6400xi32, #tpu.memory_space<vmem>>, vector<16xi32>,
    %get3A_213 = vector.shape_cast %get3A_212 : vector<16xi32> to vector<16xi32>
    %mul3A_214 = arith.constant 256 : i32
    %mul3A_215 = vector.broadcast %mul3A_214 : i32 to vector<16xi32>
    %mul3A_216 = arith.muli %get3A_213, %mul3A_215 : vector<16xi32>
    %add3A_217 = arith.addi %mul3A_216, %get3A_204 : vector<16xi32>
    %mul3A_218 = vector.broadcast %select_n3A_201 : i32 to vector<16xi32>
    %mul3A_219 = arith.muli %add3A_217, %mul3A_218 : vector<16xi32>
    %swap3A_220 = arith.constant 0 : index
    %swap3A_221 = tpu.vector_load %arg8[%swap3A_220] {strides = array<i32>} : memref<64xi32, #tpu.memory_space<vmem>>, vector<16xi32>,
    %swap3A_222 = vector.shape_cast %swap3A_221 : vector<16xi32> to vector<16xi32>
    %swap3A_223 = vector.shape_cast %mul3A_219 : vector<16xi32> to vector<16xi32>
    tpu.vector_store %arg8[%swap3A_220], %swap3A_223 {strides = array<i32>} : memref<64xi32, #tpu.memory_space<vmem>>, vector<16xi32>,
    %get3A_224 = arith.constant 144 : index
    %get3A_225 = tpu.vector_load %arg5[%get3A_224] {strides = array<i32>} : memref<6400xi32, #tpu.memory_space<vmem>>, vector<16xi32>,
    %get3A_226 = vector.shape_cast %get3A_225 : vector<16xi32> to vector<16xi32>
    %mul3A_227 = arith.constant 128 : i32
    %mul3A_228 = arith.muli %max3A_197, %mul3A_227 : i32
    %add3A_229 = arith.constant 0 : i32
    %add3A_230 = arith.addi %mul3A_228, %add3A_229 : i32
    %add3A_231 = arith.constant 16 : i32
    %add3A_232 = arith.addi %add3A_230, %add3A_231 : i32
    %get3A_233 = arith.index_cast %add3A_232 : i32 to index
    %get3A_234 = tpu.vector_load %arg5[%get3A_233] {strides = array<i32>} : memref<6400xi32, #tpu.memory_space<vmem>>, vector<16xi32>,
    %get3A_235 = vector.shape_cast %get3A_234 : vector<16xi32> to vector<16xi32>
    %mul3A_236 = arith.constant 256 : i32
    %mul3A_237 = vector.broadcast %mul3A_236 : i32 to vector<16xi32>
    %mul3A_238 = arith.muli %get3A_235, %mul3A_237 : vector<16xi32>
    %add3A_239 = arith.addi %mul3A_238, %get3A_226 : vector<16xi32>
    %mul3A_240 = vector.broadcast %select_n3A_201 : i32 to vector<16xi32>
    %mul3A_241 = arith.muli %add3A_239, %mul3A_240 : vector<16xi32>
    %swap3A_242 = arith.constant 16 : index
    %swap3A_243 = tpu.vector_load %arg8[%swap3A_242] {strides = array<i32>} : memref<64xi32, #tpu.memory_space<vmem>>, vector<16xi32>,
    %swap3A_244 = vector.shape_cast %swap3A_243 : vector<16xi32> to vector<16xi32>
    %swap3A_245 = vector.shape_cast %mul3A_241 : vector<16xi32> to vector<16xi32>
    tpu.vector_store %arg8[%swap3A_242], %swap3A_245 {strides = array<i32>} : memref<64xi32, #tpu.memory_space<vmem>>, vector<16xi32>,
    %get3A_246 = arith.constant 160 : index
    %get3A_247 = tpu.vector_load %arg5[%get3A_246] {strides = array<i32>} : memref<6400xi32, #tpu.memory_space<vmem>>, vector<16xi32>,
    %get3A_248 = vector.shape_cast %get3A_247 : vector<16xi32> to vector<16xi32>
    %mul3A_249 = arith.constant 128 : i32
    %mul3A_250 = arith.muli %max3A_197, %mul3A_249 : i32
    %add3A_251 = arith.constant 0 : i32
    %add3A_252 = arith.addi %mul3A_250, %add3A_251 : i32
    %add3A_253 = arith.constant 32 : i32
    %add3A_254 = arith.addi %add3A_252, %add3A_253 : i32
    %get3A_255 = arith.index_cast %add3A_254 : i32 to index
    %get3A_256 = tpu.vector_load %arg5[%get3A_255] {strides = array<i32>} : memref<6400xi32, #tpu.memory_space<vmem>>, vector<16xi32>,
    %get3A_257 = vector.shape_cast %get3A_256 : vector<16xi32> to vector<16xi32>
    %mul3A_258 = arith.constant 256 : i32
    %mul3A_259 = vector.broadcast %mul3A_258 : i32 to vector<16xi32>
    %mul3A_260 = arith.muli %get3A_257, %mul3A_259 : vector<16xi32>
    %add3A_261 = arith.addi %mul3A_260, %get3A_248 : vector<16xi32>
    %mul3A_262 = vector.broadcast %select_n3A_201 : i32 to vector<16xi32>
    %mul3A_263 = arith.muli %add3A_261, %mul3A_262 : vector<16xi32>
    %swap3A_264 = arith.constant 32 : index
    %swap3A_265 = tpu.vector_load %arg8[%swap3A_264] {strides = array<i32>} : memref<64xi32, #tpu.memory_space<vmem>>, vector<16xi32>,
    %swap3A_266 = vector.shape_cast %swap3A_265 : vector<16xi32> to vector<16xi32>
    %swap3A_267 = vector.shape_cast %mul3A_263 : vector<16xi32> to vector<16xi32>
    tpu.vector_store %arg8[%swap3A_264], %swap3A_267 {strides = array<i32>} : memref<64xi32, #tpu.memory_space<vmem>>, vector<16xi32>,
    %get3A_268 = arith.constant 176 : index
    %get3A_269 = tpu.vector_load %arg5[%get3A_268] {strides = array<i32>} : memref<6400xi32, #tpu.memory_space<vmem>>, vector<16xi32>,
    %get3A_270 = vector.shape_cast %get3A_269 : vector<16xi32> to vector<16xi32>
    %mul3A_271 = arith.constant 128 : i32
    %mul3A_272 = arith.muli %max3A_197, %mul3A_271 : i32
    %add3A_273 = arith.constant 0 : i32
    %add3A_274 = arith.addi %mul3A_272, %add3A_273 : i32
    %add3A_275 = arith.constant 48 : i32
    %add3A_276 = arith.addi %add3A_274, %add3A_275 : i32
    %get3A_277 = arith.index_cast %add3A_276 : i32 to index
    %get3A_278 = tpu.vector_load %arg5[%get3A_277] {strides = array<i32>} : memref<6400xi32, #tpu.memory_space<vmem>>, vector<16xi32>,
    %get3A_279 = vector.shape_cast %get3A_278 : vector<16xi32> to vector<16xi32>
    %mul3A_280 = arith.constant 256 : i32
    %mul3A_281 = vector.broadcast %mul3A_280 : i32 to vector<16xi32>
    %mul3A_282 = arith.muli %get3A_279, %mul3A_281 : vector<16xi32>
    %add3A_283 = arith.addi %mul3A_282, %get3A_270 : vector<16xi32>
    %mul3A_284 = vector.broadcast %select_n3A_201 : i32 to vector<16xi32>
    %mul3A_285 = arith.muli %add3A_283, %mul3A_284 : vector<16xi32>
    %swap3A_286 = arith.constant 48 : index
    %swap3A_287 = tpu.vector_load %arg8[%swap3A_286] {strides = array<i32>} : memref<64xi32, #tpu.memory_space<vmem>>, vector<16xi32>,
    %swap3A_288 = vector.shape_cast %swap3A_287 : vector<16xi32> to vector<16xi32>
    %swap3A_289 = vector.shape_cast %mul3A_285 : vector<16xi32> to vector<16xi32>
    tpu.vector_store %arg8[%swap3A_286], %swap3A_289 {strides = array<i32>} : memref<64xi32, #tpu.memory_space<vmem>>, vector<16xi32>,
    %dma_start3A_290 = arith.constant 0 : i32
    %dma_start3A_291 = arith.constant 0 : i32
    %dma_start3A_292 = tpu.memref_slice %arg3[%dma_start3A_290, %dma_start3A_291] : memref<65536x256xf32, #tpu.memory_space<hbm>> -> memref<65536x256xf32, #tpu.memory_space<hbm>>
    tpu.enqueue_indirect_dma source(%dma_start3A_292 : memref<65536x256xf32, #tpu.memory_space<hbm>>) target(%arg14 : memref<64x256xf32, #tpu.memory_space<vmem>>) offsets(%arg8 : memref<64xi32, #tpu.memory_space<vmem>>) semaphore(%arg20 : memref<!tpu.dma_semaphore, #tpu.memory_space<semaphore_mem>>)
    %max3A_293 = arith.constant 0 : i32
    %max3A_294 = arith.constant 0 : i32
    %max3A_295 = arith.maxsi %max3A_293, %max3A_294 : i32
    %jit3A_296 = arith.constant false
    %jit3A_297 = arith.constant 0 : i32
    %jit3A_298 = arith.constant 1 : i32
    %select_n3A_299 = arith.select %jit3A_296, %jit3A_297, %jit3A_298 : i32
    %get3A_300 = arith.constant 192 : index
    %get3A_301 = tpu.vector_load %arg5[%get3A_300] {strides = array<i32>} : memref<6400xi32, #tpu.memory_space<vmem>>, vector<16xi32>,
    %get3A_302 = vector.shape_cast %get3A_301 : vector<16xi32> to vector<16xi32>
    %mul3A_303 = arith.constant 128 : i32
    %mul3A_304 = arith.muli %max3A_295, %mul3A_303 : i32
    %add3A_305 = arith.constant 64 : i32
    %add3A_306 = arith.addi %mul3A_304, %add3A_305 : i32
    %add3A_307 = arith.constant 0 : i32
    %add3A_308 = arith.addi %add3A_306, %add3A_307 : i32
    %get3A_309 = arith.index_cast %add3A_308 : i32 to index
    %get3A_310 = tpu.vector_load %arg5[%get3A_309] {strides = array<i32>} : memref<6400xi32, #tpu.memory_space<vmem>>, vector<16xi32>,
    %get3A_311 = vector.shape_cast %get3A_310 : vector<16xi32> to vector<16xi32>
    %mul3A_312 = arith.constant 256 : i32
    %mul3A_313 = vector.broadcast %mul3A_312 : i32 to vector<16xi32>
    %mul3A_314 = arith.muli %get3A_311, %mul3A_313 : vector<16xi32>
    %add3A_315 = arith.addi %mul3A_314, %get3A_302 : vector<16xi32>
    %mul3A_316 = vector.broadcast %select_n3A_299 : i32 to vector<16xi32>
    %mul3A_317 = arith.muli %add3A_315, %mul3A_316 : vector<16xi32>
    %swap3A_318 = arith.constant 0 : index
    %swap3A_319 = tpu.vector_load %arg9[%swap3A_318] {strides = array<i32>} : memref<64xi32, #tpu.memory_space<vmem>>, vector<16xi32>,
    %swap3A_320 = vector.shape_cast %swap3A_319 : vector<16xi32> to vector<16xi32>
    %swap3A_321 = vector.shape_cast %mul3A_317 : vector<16xi32> to vector<16xi32>
    tpu.vector_store %arg9[%swap3A_318], %swap3A_321 {strides = array<i32>} : memref<64xi32, #tpu.memory_space<vmem>>, vector<16xi32>,
    %get3A_322 = arith.constant 208 : index
    %get3A_323 = tpu.vector_load %arg5[%get3A_322] {strides = array<i32>} : memref<6400xi32, #tpu.memory_space<vmem>>, vector<16xi32>,
    %get3A_324 = vector.shape_cast %get3A_323 : vector<16xi32> to vector<16xi32>
    %mul3A_325 = arith.constant 128 : i32
    %mul3A_326 = arith.muli %max3A_295, %mul3A_325 : i32
    %add3A_327 = arith.constant 64 : i32
    %add3A_328 = arith.addi %mul3A_326, %add3A_327 : i32
    %add3A_329 = arith.constant 16 : i32
    %add3A_330 = arith.addi %add3A_328, %add3A_329 : i32
    %get3A_331 = arith.index_cast %add3A_330 : i32 to index
    %get3A_332 = tpu.vector_load %arg5[%get3A_331] {strides = array<i32>} : memref<6400xi32, #tpu.memory_space<vmem>>, vector<16xi32>,
    %get3A_333 = vector.shape_cast %get3A_332 : vector<16xi32> to vector<16xi32>
    %mul3A_334 = arith.constant 256 : i32
    %mul3A_335 = vector.broadcast %mul3A_334 : i32 to vector<16xi32>
    %mul3A_336 = arith.muli %get3A_333, %mul3A_335 : vector<16xi32>
    %add3A_337 = arith.addi %mul3A_336, %get3A_324 : vector<16xi32>
    %mul3A_338 = vector.broadcast %select_n3A_299 : i32 to vector<16xi32>
    %mul3A_339 = arith.muli %add3A_337, %mul3A_338 : vector<16xi32>
    %swap3A_340 = arith.constant 16 : index
    %swap3A_341 = tpu.vector_load %arg9[%swap3A_340] {strides = array<i32>} : memref<64xi32, #tpu.memory_space<vmem>>, vector<16xi32>,
    %swap3A_342 = vector.shape_cast %swap3A_341 : vector<16xi32> to vector<16xi32>
    %swap3A_343 = vector.shape_cast %mul3A_339 : vector<16xi32> to vector<16xi32>
    tpu.vector_store %arg9[%swap3A_340], %swap3A_343 {strides = array<i32>} : memref<64xi32, #tpu.memory_space<vmem>>, vector<16xi32>,
    %get3A_344 = arith.constant 224 : index
    %get3A_345 = tpu.vector_load %arg5[%get3A_344] {strides = array<i32>} : memref<6400xi32, #tpu.memory_space<vmem>>, vector<16xi32>,
    %get3A_346 = vector.shape_cast %get3A_345 : vector<16xi32> to vector<16xi32>
    %mul3A_347 = arith.constant 128 : i32
    %mul3A_348 = arith.muli %max3A_295, %mul3A_347 : i32
    %add3A_349 = arith.constant 64 : i32
    %add3A_350 = arith.addi %mul3A_348, %add3A_349 : i32
    %add3A_351 = arith.constant 32 : i32
    %add3A_352 = arith.addi %add3A_350, %add3A_351 : i32
    %get3A_353 = arith.index_cast %add3A_352 : i32 to index
    %get3A_354 = tpu.vector_load %arg5[%get3A_353] {strides = array<i32>} : memref<6400xi32, #tpu.memory_space<vmem>>, vector<16xi32>,
    %get3A_355 = vector.shape_cast %get3A_354 : vector<16xi32> to vector<16xi32>
    %mul3A_356 = arith.constant 256 : i32
    %mul3A_357 = vector.broadcast %mul3A_356 : i32 to vector<16xi32>
    %mul3A_358 = arith.muli %get3A_355, %mul3A_357 : vector<16xi32>
    %add3A_359 = arith.addi %mul3A_358, %get3A_346 : vector<16xi32>
    %mul3A_360 = vector.broadcast %select_n3A_299 : i32 to vector<16xi32>
    %mul3A_361 = arith.muli %add3A_359, %mul3A_360 : vector<16xi32>
    %swap3A_362 = arith.constant 32 : index
    %swap3A_363 = tpu.vector_load %arg9[%swap3A_362] {strides = array<i32>} : memref<64xi32, #tpu.memory_space<vmem>>, vector<16xi32>,
    %swap3A_364 = vector.shape_cast %swap3A_363 : vector<16xi32> to vector<16xi32>
    %swap3A_365 = vector.shape_cast %mul3A_361 : vector<16xi32> to vector<16xi32>
    tpu.vector_store %arg9[%swap3A_362], %swap3A_365 {strides = array<i32>} : memref<64xi32, #tpu.memory_space<vmem>>, vector<16xi32>,
    %get3A_366 = arith.constant 240 : index
    %get3A_367 = tpu.vector_load %arg5[%get3A_366] {strides = array<i32>} : memref<6400xi32, #tpu.memory_space<vmem>>, vector<16xi32>,
    %get3A_368 = vector.shape_cast %get3A_367 : vector<16xi32> to vector<16xi32>
    %mul3A_369 = arith.constant 128 : i32
    %mul3A_370 = arith.muli %max3A_295, %mul3A_369 : i32
    %add3A_371 = arith.constant 64 : i32
    %add3A_372 = arith.addi %mul3A_370, %add3A_371 : i32
    %add3A_373 = arith.constant 48 : i32
    %add3A_374 = arith.addi %add3A_372, %add3A_373 : i32
    %get3A_375 = arith.index_cast %add3A_374 : i32 to index
    %get3A_376 = tpu.vector_load %arg5[%get3A_375] {strides = array<i32>} : memref<6400xi32, #tpu.memory_space<vmem>>, vector<16xi32>,
    %get3A_377 = vector.shape_cast %get3A_376 : vector<16xi32> to vector<16xi32>
    %mul3A_378 = arith.constant 256 : i32
    %mul3A_379 = vector.broadcast %mul3A_378 : i32 to vector<16xi32>
    %mul3A_380 = arith.muli %get3A_377, %mul3A_379 : vector<16xi32>
    %add3A_381 = arith.addi %mul3A_380, %get3A_368 : vector<16xi32>
    %mul3A_382 = vector.broadcast %select_n3A_299 : i32 to vector<16xi32>
    %mul3A_383 = arith.muli %add3A_381, %mul3A_382 : vector<16xi32>
    %swap3A_384 = arith.constant 48 : index
    %swap3A_385 = tpu.vector_load %arg9[%swap3A_384] {strides = array<i32>} : memref<64xi32, #tpu.memory_space<vmem>>, vector<16xi32>,
    %swap3A_386 = vector.shape_cast %swap3A_385 : vector<16xi32> to vector<16xi32>
    %swap3A_387 = vector.shape_cast %mul3A_383 : vector<16xi32> to vector<16xi32>
    tpu.vector_store %arg9[%swap3A_384], %swap3A_387 {strides = array<i32>} : memref<64xi32, #tpu.memory_space<vmem>>, vector<16xi32>,
    %dma_start3A_388 = arith.constant 0 : i32
    %dma_start3A_389 = arith.constant 0 : i32
    %dma_start3A_390 = tpu.memref_slice %arg3[%dma_start3A_388, %dma_start3A_389] : memref<65536x256xf32, #tpu.memory_space<hbm>> -> memref<65536x256xf32, #tpu.memory_space<hbm>>
    tpu.enqueue_indirect_dma source(%dma_start3A_390 : memref<65536x256xf32, #tpu.memory_space<hbm>>) target(%arg15 : memref<64x256xf32, #tpu.memory_space<vmem>>) offsets(%arg9 : memref<64xi32, #tpu.memory_space<vmem>>) semaphore(%arg21 : memref<!tpu.dma_semaphore, #tpu.memory_space<semaphore_mem>>)
    %max3A_391 = arith.constant 1 : i32
    %max3A_392 = arith.constant 0 : i32
    %max3A_393 = arith.maxsi %max3A_391, %max3A_392 : i32
    %jit3A_394 = arith.constant false
    %jit3A_395 = arith.constant 0 : i32
    %jit3A_396 = arith.constant 1 : i32
    %select_n3A_397 = arith.select %jit3A_394, %jit3A_395, %jit3A_396 : i32
    %get3A_398 = arith.constant 256 : index
    %get3A_399 = tpu.vector_load %arg5[%get3A_398] {strides = array<i32>} : memref<6400xi32, #tpu.memory_space<vmem>>, vector<16xi32>,
    %get3A_400 = vector.shape_cast %get3A_399 : vector<16xi32> to vector<16xi32>
    %mul3A_401 = arith.constant 128 : i32
    %mul3A_402 = arith.muli %max3A_393, %mul3A_401 : i32
    %add3A_403 = arith.constant 0 : i32
    %add3A_404 = arith.addi %mul3A_402, %add3A_403 : i32
    %add3A_405 = arith.constant 0 : i32
    %add3A_406 = arith.addi %add3A_404, %add3A_405 : i32
    %get3A_407 = arith.index_cast %add3A_406 : i32 to index
    %get3A_408 = tpu.vector_load %arg5[%get3A_407] {strides = array<i32>} : memref<6400xi32, #tpu.memory_space<vmem>>, vector<16xi32>,
    %get3A_409 = vector.shape_cast %get3A_408 : vector<16xi32> to vector<16xi32>
    %mul3A_410 = arith.constant 256 : i32
    %mul3A_411 = vector.broadcast %mul3A_410 : i32 to vector<16xi32>
    %mul3A_412 = arith.muli %get3A_409, %mul3A_411 : vector<16xi32>
    %add3A_413 = arith.addi %mul3A_412, %get3A_400 : vector<16xi32>
    %mul3A_414 = vector.broadcast %select_n3A_397 : i32 to vector<16xi32>
    %mul3A_415 = arith.muli %add3A_413, %mul3A_414 : vector<16xi32>
    %swap3A_416 = arith.constant 0 : index
    %swap3A_417 = tpu.vector_load %arg10[%swap3A_416] {strides = array<i32>} : memref<64xi32, #tpu.memory_space<vmem>>, vector<16xi32>,
    %swap3A_418 = vector.shape_cast %swap3A_417 : vector<16xi32> to vector<16xi32>
    %swap3A_419 = vector.shape_cast %mul3A_415 : vector<16xi32> to vector<16xi32>
    tpu.vector_store %arg10[%swap3A_416], %swap3A_419 {strides = array<i32>} : memref<64xi32, #tpu.memory_space<vmem>>, vector<16xi32>,
    %get3A_420 = arith.constant 272 : index
    %get3A_421 = tpu.vector_load %arg5[%get3A_420] {strides = array<i32>} : memref<6400xi32, #tpu.memory_space<vmem>>, vector<16xi32>,
    %get3A_422 = vector.shape_cast %get3A_421 : vector<16xi32> to vector<16xi32>
    %mul3A_423 = arith.constant 128 : i32
    %mul3A_424 = arith.muli %max3A_393, %mul3A_423 : i32
    %add3A_425 = arith.constant 0 : i32
    %add3A_426 = arith.addi %mul3A_424, %add3A_425 : i32
    %add3A_427 = arith.constant 16 : i32
    %add3A_428 = arith.addi %add3A_426, %add3A_427 : i32
    %get3A_429 = arith.index_cast %add3A_428 : i32 to index
    %get3A_430 = tpu.vector_load %arg5[%get3A_429] {strides = array<i32>} : memref<6400xi32, #tpu.memory_space<vmem>>, vector<16xi32>,
    %get3A_431 = vector.shape_cast %get3A_430 : vector<16xi32> to vector<16xi32>
    %mul3A_432 = arith.constant 256 : i32
    %mul3A_433 = vector.broadcast %mul3A_432 : i32 to vector<16xi32>
    %mul3A_434 = arith.muli %get3A_431, %mul3A_433 : vector<16xi32>
    %add3A_435 = arith.addi %mul3A_434, %get3A_422 : vector<16xi32>
    %mul3A_436 = vector.broadcast %select_n3A_397 : i32 to vector<16xi32>
    %mul3A_437 = arith.muli %add3A_435, %mul3A_436 : vector<16xi32>
    %swap3A_438 = arith.constant 16 : index
    %swap3A_439 = tpu.vector_load %arg10[%swap3A_438] {strides = array<i32>} : memref<64xi32, #tpu.memory_space<vmem>>, vector<16xi32>,
    %swap3A_440 = vector.shape_cast %swap3A_439 : vector<16xi32> to vector<16xi32>
    %swap3A_441 = vector.shape_cast %mul3A_437 : vector<16xi32> to vector<16xi32>
    tpu.vector_store %arg10[%swap3A_438], %swap3A_441 {strides = array<i32>} : memref<64xi32, #tpu.memory_space<vmem>>, vector<16xi32>,
    %get3A_442 = arith.constant 288 : index
    %get3A_443 = tpu.vector_load %arg5[%get3A_442] {strides = array<i32>} : memref<6400xi32, #tpu.memory_space<vmem>>, vector<16xi32>,
    %get3A_444 = vector.shape_cast %get3A_443 : vector<16xi32> to vector<16xi32>
    %mul3A_445 = arith.constant 128 : i32
    %mul3A_446 = arith.muli %max3A_393, %mul3A_445 : i32
    %add3A_447 = arith.constant 0 : i32
    %add3A_448 = arith.addi %mul3A_446, %add3A_447 : i32
    %add3A_449 = arith.constant 32 : i32
    %add3A_450 = arith.addi %add3A_448, %add3A_449 : i32
    %get3A_451 = arith.index_cast %add3A_450 : i32 to index
    %get3A_452 = tpu.vector_load %arg5[%get3A_451] {strides = array<i32>} : memref<6400xi32, #tpu.memory_space<vmem>>, vector<16xi32>,
    %get3A_453 = vector.shape_cast %get3A_452 : vector<16xi32> to vector<16xi32>
    %mul3A_454 = arith.constant 256 : i32
    %mul3A_455 = vector.broadcast %mul3A_454 : i32 to vector<16xi32>
    %mul3A_456 = arith.muli %get3A_453, %mul3A_455 : vector<16xi32>
    %add3A_457 = arith.addi %mul3A_456, %get3A_444 : vector<16xi32>
    %mul3A_458 = vector.broadcast %select_n3A_397 : i32 to vector<16xi32>
    %mul3A_459 = arith.muli %add3A_457, %mul3A_458 : vector<16xi32>
    %swap3A_460 = arith.constant 32 : index
    %swap3A_461 = tpu.vector_load %arg10[%swap3A_460] {strides = array<i32>} : memref<64xi32, #tpu.memory_space<vmem>>, vector<16xi32>,
    %swap3A_462 = vector.shape_cast %swap3A_461 : vector<16xi32> to vector<16xi32>
    %swap3A_463 = vector.shape_cast %mul3A_459 : vector<16xi32> to vector<16xi32>
    tpu.vector_store %arg10[%swap3A_460], %swap3A_463 {strides = array<i32>} : memref<64xi32, #tpu.memory_space<vmem>>, vector<16xi32>,
    %get3A_464 = arith.constant 304 : index
    %get3A_465 = tpu.vector_load %arg5[%get3A_464] {strides = array<i32>} : memref<6400xi32, #tpu.memory_space<vmem>>, vector<16xi32>,
    %get3A_466 = vector.shape_cast %get3A_465 : vector<16xi32> to vector<16xi32>
    %mul3A_467 = arith.constant 128 : i32
    %mul3A_468 = arith.muli %max3A_393, %mul3A_467 : i32
    %add3A_469 = arith.constant 0 : i32
    %add3A_470 = arith.addi %mul3A_468, %add3A_469 : i32
    %add3A_471 = arith.constant 48 : i32
    %add3A_472 = arith.addi %add3A_470, %add3A_471 : i32
    %get3A_473 = arith.index_cast %add3A_472 : i32 to index
    %get3A_474 = tpu.vector_load %arg5[%get3A_473] {strides = array<i32>} : memref<6400xi32, #tpu.memory_space<vmem>>, vector<16xi32>,
    %get3A_475 = vector.shape_cast %get3A_474 : vector<16xi32> to vector<16xi32>
    %mul3A_476 = arith.constant 256 : i32
    %mul3A_477 = vector.broadcast %mul3A_476 : i32 to vector<16xi32>
    %mul3A_478 = arith.muli %get3A_475, %mul3A_477 : vector<16xi32>
    %add3A_479 = arith.addi %mul3A_478, %get3A_466 : vector<16xi32>
    %mul3A_480 = vector.broadcast %select_n3A_397 : i32 to vector<16xi32>
    %mul3A_481 = arith.muli %add3A_479, %mul3A_480 : vector<16xi32>
    %swap3A_482 = arith.constant 48 : index
    %swap3A_483 = tpu.vector_load %arg10[%swap3A_482] {strides = array<i32>} : memref<64xi32, #tpu.memory_space<vmem>>, vector<16xi32>,
    %swap3A_484 = vector.shape_cast %swap3A_483 : vector<16xi32> to vector<16xi32>
    %swap3A_485 = vector.shape_cast %mul3A_481 : vector<16xi32> to vector<16xi32>
    tpu.vector_store %arg10[%swap3A_482], %swap3A_485 {strides = array<i32>} : memref<64xi32, #tpu.memory_space<vmem>>, vector<16xi32>,
    %dma_start3A_486 = arith.constant 0 : i32
    %dma_start3A_487 = arith.constant 0 : i32
    %dma_start3A_488 = tpu.memref_slice %arg3[%dma_start3A_486, %dma_start3A_487] : memref<65536x256xf32, #tpu.memory_space<hbm>> -> memref<65536x256xf32, #tpu.memory_space<hbm>>
    tpu.enqueue_indirect_dma source(%dma_start3A_488 : memref<65536x256xf32, #tpu.memory_space<hbm>>) target(%arg16 : memref<64x256xf32, #tpu.memory_space<vmem>>) offsets(%arg10 : memref<64xi32, #tpu.memory_space<vmem>>) semaphore(%arg22 : memref<!tpu.dma_semaphore, #tpu.memory_space<semaphore_mem>>)
    %max3A_489 = arith.constant 1 : i32
    %max3A_490 = arith.constant 0 : i32
    %max3A_491 = arith.maxsi %max3A_489, %max3A_490 : i32
    %jit3A_492 = arith.constant false
    %jit3A_493 = arith.constant 0 : i32
    %jit3A_494 = arith.constant 1 : i32
    %select_n3A_495 = arith.select %jit3A_492, %jit3A_493, %jit3A_494 : i32
    %get3A_496 = arith.constant 320 : index
    %get3A_497 = tpu.vector_load %arg5[%get3A_496] {strides = array<i32>} : memref<6400xi32, #tpu.memory_space<vmem>>, vector<16xi32>,
    %get3A_498 = vector.shape_cast %get3A_497 : vector<16xi32> to vector<16xi32>
    %mul3A_499 = arith.constant 128 : i32
    %mul3A_500 = arith.muli %max3A_491, %mul3A_499 : i32
    %add3A_501 = arith.constant 64 : i32
    %add3A_502 = arith.addi %mul3A_500, %add3A_501 : i32
    %add3A_503 = arith.constant 0 : i32
    %add3A_504 = arith.addi %add3A_502, %add3A_503 : i32
    %get3A_505 = arith.index_cast %add3A_504 : i32 to index
    %get3A_506 = tpu.vector_load %arg5[%get3A_505] {strides = array<i32>} : memref<6400xi32, #tpu.memory_space<vmem>>, vector<16xi32>,
    %get3A_507 = vector.shape_cast %get3A_506 : vector<16xi32> to vector<16xi32>
    %mul3A_508 = arith.constant 256 : i32
    %mul3A_509 = vector.broadcast %mul3A_508 : i32 to vector<16xi32>
    %mul3A_510 = arith.muli %get3A_507, %mul3A_509 : vector<16xi32>
    %add3A_511 = arith.addi %mul3A_510, %get3A_498 : vector<16xi32>
    %mul3A_512 = vector.broadcast %select_n3A_495 : i32 to vector<16xi32>
    %mul3A_513 = arith.muli %add3A_511, %mul3A_512 : vector<16xi32>
    %swap3A_514 = arith.constant 0 : index
    %swap3A_515 = tpu.vector_load %arg11[%swap3A_514] {strides = array<i32>} : memref<64xi32, #tpu.memory_space<vmem>>, vector<16xi32>,
    %swap3A_516 = vector.shape_cast %swap3A_515 : vector<16xi32> to vector<16xi32>
    %swap3A_517 = vector.shape_cast %mul3A_513 : vector<16xi32> to vector<16xi32>
    tpu.vector_store %arg11[%swap3A_514], %swap3A_517 {strides = array<i32>} : memref<64xi32, #tpu.memory_space<vmem>>, vector<16xi32>,
    %get3A_518 = arith.constant 336 : index
    %get3A_519 = tpu.vector_load %arg5[%get3A_518] {strides = array<i32>} : memref<6400xi32, #tpu.memory_space<vmem>>, vector<16xi32>,
    %get3A_520 = vector.shape_cast %get3A_519 : vector<16xi32> to vector<16xi32>
    %mul3A_521 = arith.constant 128 : i32
    %mul3A_522 = arith.muli %max3A_491, %mul3A_521 : i32
    %add3A_523 = arith.constant 64 : i32
    %add3A_524 = arith.addi %mul3A_522, %add3A_523 : i32
    %add3A_525 = arith.constant 16 : i32
    %add3A_526 = arith.addi %add3A_524, %add3A_525 : i32
    %get3A_527 = arith.index_cast %add3A_526 : i32 to index
    %get3A_528 = tpu.vector_load %arg5[%get3A_527] {strides = array<i32>} : memref<6400xi32, #tpu.memory_space<vmem>>, vector<16xi32>,
    %get3A_529 = vector.shape_cast %get3A_528 : vector<16xi32> to vector<16xi32>
    %mul3A_530 = arith.constant 256 : i32
    %mul3A_531 = vector.broadcast %mul3A_530 : i32 to vector<16xi32>
    %mul3A_532 = arith.muli %get3A_529, %mul3A_531 : vector<16xi32>
    %add3A_533 = arith.addi %mul3A_532, %get3A_520 : vector<16xi32>
    %mul3A_534 = vector.broadcast %select_n3A_495 : i32 to vector<16xi32>
    %mul3A_535 = arith.muli %add3A_533, %mul3A_534 : vector<16xi32>
    %swap3A_536 = arith.constant 16 : index
    %swap3A_537 = tpu.vector_load %arg11[%swap3A_536] {strides = array<i32>} : memref<64xi32, #tpu.memory_space<vmem>>, vector<16xi32>,
    %swap3A_538 = vector.shape_cast %swap3A_537 : vector<16xi32> to vector<16xi32>
    %swap3A_539 = vector.shape_cast %mul3A_535 : vector<16xi32> to vector<16xi32>
    tpu.vector_store %arg11[%swap3A_536], %swap3A_539 {strides = array<i32>} : memref<64xi32, #tpu.memory_space<vmem>>, vector<16xi32>,
    %get3A_540 = arith.constant 352 : index
    %get3A_541 = tpu.vector_load %arg5[%get3A_540] {strides = array<i32>} : memref<6400xi32, #tpu.memory_space<vmem>>, vector<16xi32>,
    %get3A_542 = vector.shape_cast %get3A_541 : vector<16xi32> to vector<16xi32>
    %mul3A_543 = arith.constant 128 : i32
    %mul3A_544 = arith.muli %max3A_491, %mul3A_543 : i32
    %add3A_545 = arith.constant 64 : i32
    %add3A_546 = arith.addi %mul3A_544, %add3A_545 : i32
    %add3A_547 = arith.constant 32 : i32
    %add3A_548 = arith.addi %add3A_546, %add3A_547 : i32
    %get3A_549 = arith.index_cast %add3A_548 : i32 to index
    %get3A_550 = tpu.vector_load %arg5[%get3A_549] {strides = array<i32>} : memref<6400xi32, #tpu.memory_space<vmem>>, vector<16xi32>,
    %get3A_551 = vector.shape_cast %get3A_550 : vector<16xi32> to vector<16xi32>
    %mul3A_552 = arith.constant 256 : i32
    %mul3A_553 = vector.broadcast %mul3A_552 : i32 to vector<16xi32>
    %mul3A_554 = arith.muli %get3A_551, %mul3A_553 : vector<16xi32>
    %add3A_555 = arith.addi %mul3A_554, %get3A_542 : vector<16xi32>
    %mul3A_556 = vector.broadcast %select_n3A_495 : i32 to vector<16xi32>
    %mul3A_557 = arith.muli %add3A_555, %mul3A_556 : vector<16xi32>
    %swap3A_558 = arith.constant 32 : index
    %swap3A_559 = tpu.vector_load %arg11[%swap3A_558] {strides = array<i32>} : memref<64xi32, #tpu.memory_space<vmem>>, vector<16xi32>,
    %swap3A_560 = vector.shape_cast %swap3A_559 : vector<16xi32> to vector<16xi32>
    %swap3A_561 = vector.shape_cast %mul3A_557 : vector<16xi32> to vector<16xi32>
    tpu.vector_store %arg11[%swap3A_558], %swap3A_561 {strides = array<i32>} : memref<64xi32, #tpu.memory_space<vmem>>, vector<16xi32>,
    %get3A_562 = arith.constant 368 : index
    %get3A_563 = tpu.vector_load %arg5[%get3A_562] {strides = array<i32>} : memref<6400xi32, #tpu.memory_space<vmem>>, vector<16xi32>,
    %get3A_564 = vector.shape_cast %get3A_563 : vector<16xi32> to vector<16xi32>
    %mul3A_565 = arith.constant 128 : i32
    %mul3A_566 = arith.muli %max3A_491, %mul3A_565 : i32
    %add3A_567 = arith.constant 64 : i32
    %add3A_568 = arith.addi %mul3A_566, %add3A_567 : i32
    %add3A_569 = arith.constant 48 : i32
    %add3A_570 = arith.addi %add3A_568, %add3A_569 : i32
    %get3A_571 = arith.index_cast %add3A_570 : i32 to index
    %get3A_572 = tpu.vector_load %arg5[%get3A_571] {strides = array<i32>} : memref<6400xi32, #tpu.memory_space<vmem>>, vector<16xi32>,
    %get3A_573 = vector.shape_cast %get3A_572 : vector<16xi32> to vector<16xi32>
    %mul3A_574 = arith.constant 256 : i32
    %mul3A_575 = vector.broadcast %mul3A_574 : i32 to vector<16xi32>
    %mul3A_576 = arith.muli %get3A_573, %mul3A_575 : vector<16xi32>
    %add3A_577 = arith.addi %mul3A_576, %get3A_564 : vector<16xi32>
    %mul3A_578 = vector.broadcast %select_n3A_495 : i32 to vector<16xi32>
    %mul3A_579 = arith.muli %add3A_577, %mul3A_578 : vector<16xi32>
    %swap3A_580 = arith.constant 48 : index
    %swap3A_581 = tpu.vector_load %arg11[%swap3A_580] {strides = array<i32>} : memref<64xi32, #tpu.memory_space<vmem>>, vector<16xi32>,
    %swap3A_582 = vector.shape_cast %swap3A_581 : vector<16xi32> to vector<16xi32>
    %swap3A_583 = vector.shape_cast %mul3A_579 : vector<16xi32> to vector<16xi32>
    tpu.vector_store %arg11[%swap3A_580], %swap3A_583 {strides = array<i32>} : memref<64xi32, #tpu.memory_space<vmem>>, vector<16xi32>,
    %dma_start3A_584 = arith.constant 0 : i32
    %dma_start3A_585 = arith.constant 0 : i32
    %dma_start3A_586 = tpu.memref_slice %arg3[%dma_start3A_584, %dma_start3A_585] : memref<65536x256xf32, #tpu.memory_space<hbm>> -> memref<65536x256xf32, #tpu.memory_space<hbm>>
    tpu.enqueue_indirect_dma source(%dma_start3A_586 : memref<65536x256xf32, #tpu.memory_space<hbm>>) target(%arg17 : memref<64x256xf32, #tpu.memory_space<vmem>>) offsets(%arg11 : memref<64xi32, #tpu.memory_space<vmem>>) semaphore(%arg23 : memref<!tpu.dma_semaphore, #tpu.memory_space<semaphore_mem>>)
    %dma_wait3A = arith.constant 0 : i32
    %dma_wait3A_587 = arith.constant 0 : i32
    %dma_wait3A_588 = tpu.memref_slice %arg3[%dma_wait3A, %dma_wait3A_587] : memref<65536x256xf32, #tpu.memory_space<hbm>> -> memref<65536x256xf32, #tpu.memory_space<hbm>>
    tpu.wait_indirect_dma semaphore(%arg18 : memref<!tpu.dma_semaphore, #tpu.memory_space<semaphore_mem>>) src(%dma_wait3A_588 : memref<65536x256xf32, #tpu.memory_space<hbm>>) dst(%arg12 : memref<64x256xf32, #tpu.memory_space<vmem>>)
    %add3A_589 = arith.constant 0 : i32
    %add3A_590 = arith.addi %add3A_589, %mul3A_2 : i32
    %add3A_591 = arith.constant 0 : i32
    %add3A_592 = arith.addi %add3A_590, %add3A_591 : i32
    %dma_start3A_593 = arith.constant 0 : i32
    %dma_start3A_594 = tpu.memref_slice %arg4[%add3A_592, %dma_start3A_593] : memref<204800x256xf32, #tpu.memory_space<hbm>> -> memref<64x256xf32, #tpu.memory_space<hbm>>
    %dma_start3A_595 = arith.constant 0 : i32
    %dma_start3A_596 = tpu.memref_slice %arg4[%add3A_592, %dma_start3A_595] : memref<204800x256xf32, #tpu.memory_space<hbm>> -> memref<64x256xf32, #tpu.memory_space<hbm>>
    tpu.enqueue_dma source(%arg12 : memref<64x256xf32, #tpu.memory_space<vmem>>) target(%dma_start3A_596 : memref<64x256xf32, #tpu.memory_space<hbm>>) target_semaphore(%arg24 : memref<!tpu.dma_semaphore, #tpu.memory_space<semaphore_mem>>)
    %scan3A = arith.constant 0 : i32
    %scan3A_597 = arith.constant 0 : i32
    %scan3A_598 = arith.constant 15 : i32
    %scan3A_599 = arith.addi %scan3A_597, %scan3A_598 : i32
    %scan3A_600 = arith.constant 1 : i32
    scf.for %scan3A_1173 = %scan3A_597 to %scan3A_599 step %scan3A_600  : i32 {
      %mul3A_1174 = arith.constant 6 : i32
      %mul3A_1175 = arith.muli %scan3A_1173, %mul3A_1174 : i32
      %add3A_1176 = arith.constant 1 : i32
      %add3A_1177 = arith.addi %mul3A_1175, %add3A_1176 : i32
      %add3A_1178 = arith.constant 0 : i32
      %add3A_1179 = arith.addi %add3A_1177, %add3A_1178 : i32
      %sub3A = arith.constant 1 : i32
      %sub3A_1180 = arith.subi %add3A_1179, %sub3A : i32
      %jit3A_1181 = arith.constant 2 : i32
      %div3A = arith.divsi %sub3A_1180, %jit3A_1181 : i32
      %sign3A = arith.constant 0 : i32
      %sign3A_1182 = arith.cmpi sgt, %sub3A_1180, %sign3A : i32
      %sign3A_1183 = arith.extui %sign3A_1182 : i1 to i32
      %sign3A_1184 = arith.constant 0 : i32
      %sign3A_1185 = arith.cmpi slt, %sub3A_1180, %sign3A_1184 : i32
      %sign3A_1186 = arith.extui %sign3A_1185 : i1 to i32
      %sign3A_1187 = arith.subi %sign3A_1183, %sign3A_1186 : i32
      %sign3A_1188 = arith.constant 0 : i32
      %sign3A_1189 = arith.cmpi sgt, %jit3A_1181, %sign3A_1188 : i32
      %sign3A_1190 = arith.extui %sign3A_1189 : i1 to i32
      %sign3A_1191 = arith.constant 0 : i32
      %sign3A_1192 = arith.cmpi slt, %jit3A_1181, %sign3A_1191 : i32
      %sign3A_1193 = arith.extui %sign3A_1192 : i1 to i32
      %sign3A_1194 = arith.subi %sign3A_1190, %sign3A_1193 : i32
      %ne3A = arith.cmpi ne, %sign3A_1187, %sign3A_1194 : i32
      %rem3A = arith.remsi %sub3A_1180, %jit3A_1181 : i32
      %ne3A_1195 = arith.constant 0 : i32
      %ne3A_1196 = arith.cmpi ne, %rem3A, %ne3A_1195 : i32
      %and3A = arith.andi %ne3A, %ne3A_1196 : i1
      %sub3A_1197 = arith.constant 1 : i32
      %sub3A_1198 = arith.subi %div3A, %sub3A_1197 : i32
      %select_n3A_1199 = arith.select %and3A, %sub3A_1198, %div3A : i32
      %mul3A_1200 = arith.constant 4096 : i32
      %mul3A_1201 = arith.muli %select_n3A_1199, %mul3A_1200 : i32
      %add3A_1202 = arith.addi %mul3A_1201, %mul3A_2 : i32
      %jit3A_1203 = arith.constant 2 : i32
      %eq3A = arith.constant 0 : i32
      %eq3A_1204 = arith.cmpi eq, %jit3A_1203, %eq3A : i32
      %jit3A_1205 = arith.constant 1 : i32
      %select_n3A_1206 = arith.select %eq3A_1204, %jit3A_1205, %jit3A_1203 : i32
      %rem3A_1207 = arith.remsi %sub3A_1180, %select_n3A_1206 : i32
      %ne3A_1208 = arith.constant 0 : i32
      %ne3A_1209 = arith.cmpi ne, %rem3A_1207, %ne3A_1208 : i32
      %lt3A = arith.constant 0 : i32
      %lt3A_1210 = arith.cmpi slt, %rem3A_1207, %lt3A : i32
      %lt3A_1211 = arith.constant 0 : i32
      %lt3A_1212 = arith.cmpi slt, %select_n3A_1206, %lt3A_1211 : i32
      %ne3A_1213 = arith.xori %lt3A_1210, %lt3A_1212 : i1
      %and3A_1214 = arith.andi %ne3A_1213, %ne3A_1209 : i1
      %add3A_1215 = arith.addi %rem3A_1207, %select_n3A_1206 : i32
      %select_n3A_1216 = arith.select %and3A_1214, %add3A_1215, %rem3A_1207 : i32
      %mul3A_1217 = arith.constant 64 : i32
      %mul3A_1218 = arith.muli %select_n3A_1216, %mul3A_1217 : i32
      %add3A_1219 = arith.addi %add3A_1202, %mul3A_1218 : i32
      %dma_wait3A_1220 = arith.constant 0 : i32
      %dma_wait3A_1221 = tpu.memref_slice %arg4[%add3A_1219, %dma_wait3A_1220] : memref<204800x256xf32, #tpu.memory_space<hbm>> -> memref<64x256xf32, #tpu.memory_space<hbm>>
      %dma_wait3A_1222 = arith.constant 0 : i32
      %dma_wait3A_1223 = tpu.memref_slice %arg4[%add3A_1219, %dma_wait3A_1222] : memref<204800x256xf32, #tpu.memory_space<hbm>> -> memref<64x256xf32, #tpu.memory_space<hbm>>
      tpu.wait_dma2 semaphore(%arg24 : memref<!tpu.dma_semaphore, #tpu.memory_space<semaphore_mem>>) src(%arg12 : memref<64x256xf32, #tpu.memory_space<vmem>>) dst(%dma_wait3A_1223 : memref<64x256xf32, #tpu.memory_space<hbm>>)
      %add3A_1224 = arith.constant 6 : i32
      %add3A_1225 = arith.addi %add3A_1179, %add3A_1224 : i32
      %sub3A_1226 = arith.constant 1 : i32
      %sub3A_1227 = arith.subi %add3A_1225, %sub3A_1226 : i32
      %jit3A_1228 = arith.constant 2 : i32
      %div3A_1229 = arith.divsi %sub3A_1227, %jit3A_1228 : i32
      %sign3A_1230 = arith.constant 0 : i32
      %sign3A_1231 = arith.cmpi sgt, %sub3A_1227, %sign3A_1230 : i32
      %sign3A_1232 = arith.extui %sign3A_1231 : i1 to i32
      %sign3A_1233 = arith.constant 0 : i32
      %sign3A_1234 = arith.cmpi slt, %sub3A_1227, %sign3A_1233 : i32
      %sign3A_1235 = arith.extui %sign3A_1234 : i1 to i32
      %sign3A_1236 = arith.subi %sign3A_1232, %sign3A_1235 : i32
      %sign3A_1237 = arith.constant 0 : i32
      %sign3A_1238 = arith.cmpi sgt, %jit3A_1228, %sign3A_1237 : i32
      %sign3A_1239 = arith.extui %sign3A_1238 : i1 to i32
      %sign3A_1240 = arith.constant 0 : i32
      %sign3A_1241 = arith.cmpi slt, %jit3A_1228, %sign3A_1240 : i32
      %sign3A_1242 = arith.extui %sign3A_1241 : i1 to i32
      %sign3A_1243 = arith.subi %sign3A_1239, %sign3A_1242 : i32
      %ne3A_1244 = arith.cmpi ne, %sign3A_1236, %sign3A_1243 : i32
      %rem3A_1245 = arith.remsi %sub3A_1227, %jit3A_1228 : i32
      %ne3A_1246 = arith.constant 0 : i32
      %ne3A_1247 = arith.cmpi ne, %rem3A_1245, %ne3A_1246 : i32
      %and3A_1248 = arith.andi %ne3A_1244, %ne3A_1247 : i1
      %sub3A_1249 = arith.constant 1 : i32
      %sub3A_1250 = arith.subi %div3A_1229, %sub3A_1249 : i32
      %select_n3A_1251 = arith.select %and3A_1248, %sub3A_1250, %div3A_1229 : i32
      %jit3A_1252 = arith.constant 2 : i32
      %eq3A_1253 = arith.constant 0 : i32
      %eq3A_1254 = arith.cmpi eq, %jit3A_1252, %eq3A_1253 : i32
      %jit3A_1255 = arith.constant 1 : i32
      %select_n3A_1256 = arith.select %eq3A_1254, %jit3A_1255, %jit3A_1252 : i32
      %rem3A_1257 = arith.remsi %sub3A_1227, %select_n3A_1256 : i32
      %ne3A_1258 = arith.constant 0 : i32
      %ne3A_1259 = arith.cmpi ne, %rem3A_1257, %ne3A_1258 : i32
      %lt3A_1260 = arith.constant 0 : i32
      %lt3A_1261 = arith.cmpi slt, %rem3A_1257, %lt3A_1260 : i32
      %lt3A_1262 = arith.constant 0 : i32
      %lt3A_1263 = arith.cmpi slt, %select_n3A_1256, %lt3A_1262 : i32
      %ne3A_1264 = arith.xori %lt3A_1261, %lt3A_1263 : i1
      %and3A_1265 = arith.andi %ne3A_1264, %ne3A_1259 : i1
      %add3A_1266 = arith.addi %rem3A_1257, %select_n3A_1256 : i32
      %select_n3A_1267 = arith.select %and3A_1265, %add3A_1266, %rem3A_1257 : i32
      %sub3A_1268 = arith.constant 1 : i32
      %sub3A_1269 = arith.subi %select_n3A_1251, %sub3A_1268 : i32
      %max3A_1270 = arith.constant 0 : i32
      %max3A_1271 = arith.maxsi %sub3A_1269, %max3A_1270 : i32
      %eq3A_1272 = arith.constant 0 : i32
      %eq3A_1273 = arith.cmpi eq, %select_n3A_1251, %eq3A_1272 : i32
      %jit3A_1274 = arith.constant 0 : i32
      %jit3A_1275 = arith.constant 1 : i32
      %select_n3A_1276 = arith.select %eq3A_1273, %jit3A_1274, %jit3A_1275 : i32
      %mul3A_1277 = arith.constant 128 : i32
      %mul3A_1278 = arith.muli %select_n3A_1251, %mul3A_1277 : i32
      %mul3A_1279 = arith.constant 64 : i32
      %mul3A_1280 = arith.muli %select_n3A_1267, %mul3A_1279 : i32
      %add3A_1281 = arith.addi %mul3A_1278, %mul3A_1280 : i32
      %add3A_1282 = arith.constant 0 : i32
      %add3A_1283 = arith.addi %add3A_1281, %add3A_1282 : i32
      %get3A_1284 = arith.index_cast %add3A_1283 : i32 to index
      %get3A_1285 = tpu.vector_load %arg5[%get3A_1284] {strides = array<i32>} : memref<6400xi32, #tpu.memory_space<vmem>>, vector<16xi32>,
      %get3A_1286 = vector.shape_cast %get3A_1285 : vector<16xi32> to vector<16xi32>
      %mul3A_1287 = arith.constant 128 : i32
      %mul3A_1288 = arith.muli %max3A_1271, %mul3A_1287 : i32
      %mul3A_1289 = arith.constant 64 : i32
      %mul3A_1290 = arith.muli %select_n3A_1267, %mul3A_1289 : i32
      %add3A_1291 = arith.addi %mul3A_1288, %mul3A_1290 : i32
      %add3A_1292 = arith.constant 0 : i32
      %add3A_1293 = arith.addi %add3A_1291, %add3A_1292 : i32
      %get3A_1294 = arith.index_cast %add3A_1293 : i32 to index
      %get3A_1295 = tpu.vector_load %arg5[%get3A_1294] {strides = array<i32>} : memref<6400xi32, #tpu.memory_space<vmem>>, vector<16xi32>,
      %get3A_1296 = vector.shape_cast %get3A_1295 : vector<16xi32> to vector<16xi32>
      %mul3A_1297 = arith.constant 256 : i32
      %mul3A_1298 = vector.broadcast %mul3A_1297 : i32 to vector<16xi32>
      %mul3A_1299 = arith.muli %get3A_1296, %mul3A_1298 : vector<16xi32>
      %add3A_1300 = arith.addi %mul3A_1299, %get3A_1286 : vector<16xi32>
      %mul3A_1301 = vector.broadcast %select_n3A_1276 : i32 to vector<16xi32>
      %mul3A_1302 = arith.muli %add3A_1300, %mul3A_1301 : vector<16xi32>
      %swap3A_1303 = arith.constant 0 : index
      %swap3A_1304 = tpu.vector_load %arg6[%swap3A_1303] {strides = array<i32>} : memref<64xi32, #tpu.memory_space<vmem>>, vector<16xi32>,
      %swap3A_1305 = vector.shape_cast %swap3A_1304 : vector<16xi32> to vector<16xi32>
      %swap3A_1306 = vector.shape_cast %mul3A_1302 : vector<16xi32> to vector<16xi32>
      tpu.vector_store %arg6[%swap3A_1303], %swap3A_1306 {strides = array<i32>} : memref<64xi32, #tpu.memory_space<vmem>>, vector<16xi32>,
      %mul3A_1307 = arith.constant 128 : i32
      %mul3A_1308 = arith.muli %select_n3A_1251, %mul3A_1307 : i32
      %mul3A_1309 = arith.constant 64 : i32
      %mul3A_1310 = arith.muli %select_n3A_1267, %mul3A_1309 : i32
      %add3A_1311 = arith.addi %mul3A_1308, %mul3A_1310 : i32
      %add3A_1312 = arith.constant 16 : i32
      %add3A_1313 = arith.addi %add3A_1311, %add3A_1312 : i32
      %get3A_1314 = arith.index_cast %add3A_1313 : i32 to index
      %get3A_1315 = tpu.vector_load %arg5[%get3A_1314] {strides = array<i32>} : memref<6400xi32, #tpu.memory_space<vmem>>, vector<16xi32>,
      %get3A_1316 = vector.shape_cast %get3A_1315 : vector<16xi32> to vector<16xi32>
      %mul3A_1317 = arith.constant 128 : i32
      %mul3A_1318 = arith.muli %max3A_1271, %mul3A_1317 : i32
      %mul3A_1319 = arith.constant 64 : i32
      %mul3A_1320 = arith.muli %select_n3A_1267, %mul3A_1319 : i32
      %add3A_1321 = arith.addi %mul3A_1318, %mul3A_1320 : i32
      %add3A_1322 = arith.constant 16 : i32
      %add3A_1323 = arith.addi %add3A_1321, %add3A_1322 : i32
      %get3A_1324 = arith.index_cast %add3A_1323 : i32 to index
      %get3A_1325 = tpu.vector_load %arg5[%get3A_1324] {strides = array<i32>} : memref<6400xi32, #tpu.memory_space<vmem>>, vector<16xi32>,
      %get3A_1326 = vector.shape_cast %get3A_1325 : vector<16xi32> to vector<16xi32>
      %mul3A_1327 = arith.constant 256 : i32
      %mul3A_1328 = vector.broadcast %mul3A_1327 : i32 to vector<16xi32>
      %mul3A_1329 = arith.muli %get3A_1326, %mul3A_1328 : vector<16xi32>
      %add3A_1330 = arith.addi %mul3A_1329, %get3A_1316 : vector<16xi32>
      %mul3A_1331 = vector.broadcast %select_n3A_1276 : i32 to vector<16xi32>
      %mul3A_1332 = arith.muli %add3A_1330, %mul3A_1331 : vector<16xi32>
      %swap3A_1333 = arith.constant 16 : index
      %swap3A_1334 = tpu.vector_load %arg6[%swap3A_1333] {strides = array<i32>} : memref<64xi32, #tpu.memory_space<vmem>>, vector<16xi32>,
      %swap3A_1335 = vector.shape_cast %swap3A_1334 : vector<16xi32> to vector<16xi32>
      %swap3A_1336 = vector.shape_cast %mul3A_1332 : vector<16xi32> to vector<16xi32>
      tpu.vector_store %arg6[%swap3A_1333], %swap3A_1336 {strides = array<i32>} : memref<64xi32, #tpu.memory_space<vmem>>, vector<16xi32>,
      %mul3A_1337 = arith.constant 128 : i32
      %mul3A_1338 = arith.muli %select_n3A_1251, %mul3A_1337 : i32
      %mul3A_1339 = arith.constant 64 : i32
      %mul3A_1340 = arith.muli %select_n3A_1267, %mul3A_1339 : i32
      %add3A_1341 = arith.addi %mul3A_1338, %mul3A_1340 : i32
      %add3A_1342 = arith.constant 32 : i32
      %add3A_1343 = arith.addi %add3A_1341, %add3A_1342 : i32
      %get3A_1344 = arith.index_cast %add3A_1343 : i32 to index
      %get3A_1345 = tpu.vector_load %arg5[%get3A_1344] {strides = array<i32>} : memref<6400xi32, #tpu.memory_space<vmem>>, vector<16xi32>,
      %get3A_1346 = vector.shape_cast %get3A_1345 : vector<16xi32> to vector<16xi32>
      %mul3A_1347 = arith.constant 128 : i32
      %mul3A_1348 = arith.muli %max3A_1271, %mul3A_1347 : i32
      %mul3A_1349 = arith.constant 64 : i32
      %mul3A_1350 = arith.muli %select_n3A_1267, %mul3A_1349 : i32
      %add3A_1351 = arith.addi %mul3A_1348, %mul3A_1350 : i32
      %add3A_1352 = arith.constant 32 : i32
      %add3A_1353 = arith.addi %add3A_1351, %add3A_1352 : i32
      %get3A_1354 = arith.index_cast %add3A_1353 : i32 to index
      %get3A_1355 = tpu.vector_load %arg5[%get3A_1354] {strides = array<i32>} : memref<6400xi32, #tpu.memory_space<vmem>>, vector<16xi32>,
      %get3A_1356 = vector.shape_cast %get3A_1355 : vector<16xi32> to vector<16xi32>
      %mul3A_1357 = arith.constant 256 : i32
      %mul3A_1358 = vector.broadcast %mul3A_1357 : i32 to vector<16xi32>
      %mul3A_1359 = arith.muli %get3A_1356, %mul3A_1358 : vector<16xi32>
      %add3A_1360 = arith.addi %mul3A_1359, %get3A_1346 : vector<16xi32>
      %mul3A_1361 = vector.broadcast %select_n3A_1276 : i32 to vector<16xi32>
      %mul3A_1362 = arith.muli %add3A_1360, %mul3A_1361 : vector<16xi32>
      %swap3A_1363 = arith.constant 32 : index
      %swap3A_1364 = tpu.vector_load %arg6[%swap3A_1363] {strides = array<i32>} : memref<64xi32, #tpu.memory_space<vmem>>, vector<16xi32>,
      %swap3A_1365 = vector.shape_cast %swap3A_1364 : vector<16xi32> to vector<16xi32>
      %swap3A_1366 = vector.shape_cast %mul3A_1362 : vector<16xi32> to vector<16xi32>
      tpu.vector_store %arg6[%swap3A_1363], %swap3A_1366 {strides = array<i32>} : memref<64xi32, #tpu.memory_space<vmem>>, vector<16xi32>,
      %mul3A_1367 = arith.constant 128 : i32
      %mul3A_1368 = arith.muli %select_n3A_1251, %mul3A_1367 : i32
      %mul3A_1369 = arith.constant 64 : i32
      %mul3A_1370 = arith.muli %select_n3A_1267, %mul3A_1369 : i32
      %add3A_1371 = arith.addi %mul3A_1368, %mul3A_1370 : i32
      %add3A_1372 = arith.constant 48 : i32
      %add3A_1373 = arith.addi %add3A_1371, %add3A_1372 : i32
      %get3A_1374 = arith.index_cast %add3A_1373 : i32 to index
      %get3A_1375 = tpu.vector_load %arg5[%get3A_1374] {strides = array<i32>} : memref<6400xi32, #tpu.memory_space<vmem>>, vector<16xi32>,
      %get3A_1376 = vector.shape_cast %get3A_1375 : vector<16xi32> to vector<16xi32>
      %mul3A_1377 = arith.constant 128 : i32
      %mul3A_1378 = arith.muli %max3A_1271, %mul3A_1377 : i32
      %mul3A_1379 = arith.constant 64 : i32
      %mul3A_1380 = arith.muli %select_n3A_1267, %mul3A_1379 : i32
      %add3A_1381 = arith.addi %mul3A_1378, %mul3A_1380 : i32
      %add3A_1382 = arith.constant 48 : i32
      %add3A_1383 = arith.addi %add3A_1381, %add3A_1382 : i32
      %get3A_1384 = arith.index_cast %add3A_1383 : i32 to index
      %get3A_1385 = tpu.vector_load %arg5[%get3A_1384] {strides = array<i32>} : memref<6400xi32, #tpu.memory_space<vmem>>, vector<16xi32>,
      %get3A_1386 = vector.shape_cast %get3A_1385 : vector<16xi32> to vector<16xi32>
      %mul3A_1387 = arith.constant 256 : i32
      %mul3A_1388 = vector.broadcast %mul3A_1387 : i32 to vector<16xi32>
      %mul3A_1389 = arith.muli %get3A_1386, %mul3A_1388 : vector<16xi32>
      %add3A_1390 = arith.addi %mul3A_1389, %get3A_1376 : vector<16xi32>
      %mul3A_1391 = vector.broadcast %select_n3A_1276 : i32 to vector<16xi32>
      %mul3A_1392 = arith.muli %add3A_1390, %mul3A_1391 : vector<16xi32>
      %swap3A_1393 = arith.constant 48 : index
      %swap3A_1394 = tpu.vector_load %arg6[%swap3A_1393] {strides = array<i32>} : memref<64xi32, #tpu.memory_space<vmem>>, vector<16xi32>,
      %swap3A_1395 = vector.shape_cast %swap3A_1394 : vector<16xi32> to vector<16xi32>
      %swap3A_1396 = vector.shape_cast %mul3A_1392 : vector<16xi32> to vector<16xi32>
      tpu.vector_store %arg6[%swap3A_1393], %swap3A_1396 {strides = array<i32>} : memref<64xi32, #tpu.memory_space<vmem>>, vector<16xi32>,
      %dma_start3A_1397 = arith.constant 0 : i32
      %dma_start3A_1398 = arith.constant 0 : i32
      %dma_start3A_1399 = tpu.memref_slice %arg3[%dma_start3A_1397, %dma_start3A_1398] : memref<65536x256xf32, #tpu.memory_space<hbm>> -> memref<65536x256xf32, #tpu.memory_space<hbm>>
      tpu.enqueue_indirect_dma source(%dma_start3A_1399 : memref<65536x256xf32, #tpu.memory_space<hbm>>) target(%arg12 : memref<64x256xf32, #tpu.memory_space<vmem>>) offsets(%arg6 : memref<64xi32, #tpu.memory_space<vmem>>) semaphore(%arg18 : memref<!tpu.dma_semaphore, #tpu.memory_space<semaphore_mem>>)
      %dma_wait3A_1400 = arith.constant 0 : i32
      %dma_wait3A_1401 = arith.constant 0 : i32
      %dma_wait3A_1402 = tpu.memref_slice %arg3[%dma_wait3A_1400, %dma_wait3A_1401] : memref<65536x256xf32, #tpu.memory_space<hbm>> -> memref<65536x256xf32, #tpu.memory_space<hbm>>
      tpu.wait_indirect_dma semaphore(%arg19 : memref<!tpu.dma_semaphore, #tpu.memory_space<semaphore_mem>>) src(%dma_wait3A_1402 : memref<65536x256xf32, #tpu.memory_space<hbm>>) dst(%arg13 : memref<64x256xf32, #tpu.memory_space<vmem>>)
      %jit3A_1403 = arith.constant 2 : i32
      %div3A_1404 = arith.divsi %add3A_1179, %jit3A_1403 : i32
      %sign3A_1405 = arith.constant 0 : i32
      %sign3A_1406 = arith.cmpi sgt, %add3A_1179, %sign3A_1405 : i32
      %sign3A_1407 = arith.extui %sign3A_1406 : i1 to i32
      %sign3A_1408 = arith.constant 0 : i32
      %sign3A_1409 = arith.cmpi slt, %add3A_1179, %sign3A_1408 : i32
      %sign3A_1410 = arith.extui %sign3A_1409 : i1 to i32
      %sign3A_1411 = arith.subi %sign3A_1407, %sign3A_1410 : i32
      %sign3A_1412 = arith.constant 0 : i32
      %sign3A_1413 = arith.cmpi sgt, %jit3A_1403, %sign3A_1412 : i32
      %sign3A_1414 = arith.extui %sign3A_1413 : i1 to i32
      %sign3A_1415 = arith.constant 0 : i32
      %sign3A_1416 = arith.cmpi slt, %jit3A_1403, %sign3A_1415 : i32
      %sign3A_1417 = arith.extui %sign3A_1416 : i1 to i32
      %sign3A_1418 = arith.subi %sign3A_1414, %sign3A_1417 : i32
      %ne3A_1419 = arith.cmpi ne, %sign3A_1411, %sign3A_1418 : i32
      %rem3A_1420 = arith.remsi %add3A_1179, %jit3A_1403 : i32
      %ne3A_1421 = arith.constant 0 : i32
      %ne3A_1422 = arith.cmpi ne, %rem3A_1420, %ne3A_1421 : i32
      %and3A_1423 = arith.andi %ne3A_1419, %ne3A_1422 : i1
      %sub3A_1424 = arith.constant 1 : i32
      %sub3A_1425 = arith.subi %div3A_1404, %sub3A_1424 : i32
      %select_n3A_1426 = arith.select %and3A_1423, %sub3A_1425, %div3A_1404 : i32
      %mul3A_1427 = arith.constant 4096 : i32
      %mul3A_1428 = arith.muli %select_n3A_1426, %mul3A_1427 : i32
      %add3A_1429 = arith.addi %mul3A_1428, %mul3A_2 : i32
      %jit3A_1430 = arith.constant 2 : i32
      %eq3A_1431 = arith.constant 0 : i32
      %eq3A_1432 = arith.cmpi eq, %jit3A_1430, %eq3A_1431 : i32
      %jit3A_1433 = arith.constant 1 : i32
      %select_n3A_1434 = arith.select %eq3A_1432, %jit3A_1433, %jit3A_1430 : i32
      %rem3A_1435 = arith.remsi %add3A_1179, %select_n3A_1434 : i32
      %ne3A_1436 = arith.constant 0 : i32
      %ne3A_1437 = arith.cmpi ne, %rem3A_1435, %ne3A_1436 : i32
      %lt3A_1438 = arith.constant 0 : i32
      %lt3A_1439 = arith.cmpi slt, %rem3A_1435, %lt3A_1438 : i32
      %lt3A_1440 = arith.constant 0 : i32
      %lt3A_1441 = arith.cmpi slt, %select_n3A_1434, %lt3A_1440 : i32
      %ne3A_1442 = arith.xori %lt3A_1439, %lt3A_1441 : i1
      %and3A_1443 = arith.andi %ne3A_1442, %ne3A_1437 : i1
      %add3A_1444 = arith.addi %rem3A_1435, %select_n3A_1434 : i32
      %select_n3A_1445 = arith.select %and3A_1443, %add3A_1444, %rem3A_1435 : i32
      %mul3A_1446 = arith.constant 64 : i32
      %mul3A_1447 = arith.muli %select_n3A_1445, %mul3A_1446 : i32
      %add3A_1448 = arith.addi %add3A_1429, %mul3A_1447 : i32
      %dma_start3A_1449 = arith.constant 0 : i32
      %dma_start3A_1450 = tpu.memref_slice %arg4[%add3A_1448, %dma_start3A_1449] : memref<204800x256xf32, #tpu.memory_space<hbm>> -> memref<64x256xf32, #tpu.memory_space<hbm>>
      %dma_start3A_1451 = arith.constant 0 : i32
      %dma_start3A_1452 = tpu.memref_slice %arg4[%add3A_1448, %dma_start3A_1451] : memref<204800x256xf32, #tpu.memory_space<hbm>> -> memref<64x256xf32, #tpu.memory_space<hbm>>
      tpu.enqueue_dma source(%arg13 : memref<64x256xf32, #tpu.memory_space<vmem>>) target(%dma_start3A_1452 : memref<64x256xf32, #tpu.memory_space<hbm>>) target_semaphore(%arg25 : memref<!tpu.dma_semaphore, #tpu.memory_space<semaphore_mem>>)
      %mul3A_1453 = arith.constant 6 : i32
      %mul3A_1454 = arith.muli %scan3A_1173, %mul3A_1453 : i32
      %add3A_1455 = arith.constant 1 : i32
      %add3A_1456 = arith.addi %mul3A_1454, %add3A_1455 : i32
      %add3A_1457 = arith.constant 1 : i32
      %add3A_1458 = arith.addi %add3A_1456, %add3A_1457 : i32
      %sub3A_1459 = arith.constant 1 : i32
      %sub3A_1460 = arith.subi %add3A_1458, %sub3A_1459 : i32
      %jit3A_1461 = arith.constant 2 : i32
      %div3A_1462 = arith.divsi %sub3A_1460, %jit3A_1461 : i32
      %sign3A_1463 = arith.constant 0 : i32
      %sign3A_1464 = arith.cmpi sgt, %sub3A_1460, %sign3A_1463 : i32
      %sign3A_1465 = arith.extui %sign3A_1464 : i1 to i32
      %sign3A_1466 = arith.constant 0 : i32
      %sign3A_1467 = arith.cmpi slt, %sub3A_1460, %sign3A_1466 : i32
      %sign3A_1468 = arith.extui %sign3A_1467 : i1 to i32
      %sign3A_1469 = arith.subi %sign3A_1465, %sign3A_1468 : i32
      %sign3A_1470 = arith.constant 0 : i32
      %sign3A_1471 = arith.cmpi sgt, %jit3A_1461, %sign3A_1470 : i32
      %sign3A_1472 = arith.extui %sign3A_1471 : i1 to i32
      %sign3A_1473 = arith.constant 0 : i32
      %sign3A_1474 = arith.cmpi slt, %jit3A_1461, %sign3A_1473 : i32
      %sign3A_1475 = arith.extui %sign3A_1474 : i1 to i32
      %sign3A_1476 = arith.subi %sign3A_1472, %sign3A_1475 : i32
      %ne3A_1477 = arith.cmpi ne, %sign3A_1469, %sign3A_1476 : i32
      %rem3A_1478 = arith.remsi %sub3A_1460, %jit3A_1461 : i32
      %ne3A_1479 = arith.constant 0 : i32
      %ne3A_1480 = arith.cmpi ne, %rem3A_1478, %ne3A_1479 : i32
      %and3A_1481 = arith.andi %ne3A_1477, %ne3A_1480 : i1
      %sub3A_1482 = arith.constant 1 : i32
      %sub3A_1483 = arith.subi %div3A_1462, %sub3A_1482 : i32
      %select_n3A_1484 = arith.select %and3A_1481, %sub3A_1483, %div3A_1462 : i32
      %mul3A_1485 = arith.constant 4096 : i32
      %mul3A_1486 = arith.muli %select_n3A_1484, %mul3A_1485 : i32
      %add3A_1487 = arith.addi %mul3A_1486, %mul3A_2 : i32
      %jit3A_1488 = arith.constant 2 : i32
      %eq3A_1489 = arith.constant 0 : i32
      %eq3A_1490 = arith.cmpi eq, %jit3A_1488, %eq3A_1489 : i32
      %jit3A_1491 = arith.constant 1 : i32
      %select_n3A_1492 = arith.select %eq3A_1490, %jit3A_1491, %jit3A_1488 : i32
      %rem3A_1493 = arith.remsi %sub3A_1460, %select_n3A_1492 : i32
      %ne3A_1494 = arith.constant 0 : i32
      %ne3A_1495 = arith.cmpi ne, %rem3A_1493, %ne3A_1494 : i32
      %lt3A_1496 = arith.constant 0 : i32
      %lt3A_1497 = arith.cmpi slt, %rem3A_1493, %lt3A_1496 : i32
      %lt3A_1498 = arith.constant 0 : i32
      %lt3A_1499 = arith.cmpi slt, %select_n3A_1492, %lt3A_1498 : i32
      %ne3A_1500 = arith.xori %lt3A_1497, %lt3A_1499 : i1
      %and3A_1501 = arith.andi %ne3A_1500, %ne3A_1495 : i1
      %add3A_1502 = arith.addi %rem3A_1493, %select_n3A_1492 : i32
      %select_n3A_1503 = arith.select %and3A_1501, %add3A_1502, %rem3A_1493 : i32
      %mul3A_1504 = arith.constant 64 : i32
      %mul3A_1505 = arith.muli %select_n3A_1503, %mul3A_1504 : i32
      %add3A_1506 = arith.addi %add3A_1487, %mul3A_1505 : i32
      %dma_wait3A_1507 = arith.constant 0 : i32
      %dma_wait3A_1508 = tpu.memref_slice %arg4[%add3A_1506, %dma_wait3A_1507] : memref<204800x256xf32, #tpu.memory_space<hbm>> -> memref<64x256xf32, #tpu.memory_space<hbm>>
      %dma_wait3A_1509 = arith.constant 0 : i32
      %dma_wait3A_1510 = tpu.memref_slice %arg4[%add3A_1506, %dma_wait3A_1509] : memref<204800x256xf32, #tpu.memory_space<hbm>> -> memref<64x256xf32, #tpu.memory_space<hbm>>
      tpu.wait_dma2 semaphore(%arg25 : memref<!tpu.dma_semaphore, #tpu.memory_space<semaphore_mem>>) src(%arg13 : memref<64x256xf32, #tpu.memory_space<vmem>>) dst(%dma_wait3A_1510 : memref<64x256xf32, #tpu.memory_space<hbm>>)
      %add3A_1511 = arith.constant 6 : i32
      %add3A_1512 = arith.addi %add3A_1458, %add3A_1511 : i32
      %sub3A_1513 = arith.constant 1 : i32
      %sub3A_1514 = arith.subi %add3A_1512, %sub3A_1513 : i32
      %jit3A_1515 = arith.constant 2 : i32
      %div3A_1516 = arith.divsi %sub3A_1514, %jit3A_1515 : i32
      %sign3A_1517 = arith.constant 0 : i32
      %sign3A_1518 = arith.cmpi sgt, %sub3A_1514, %sign3A_1517 : i32
      %sign3A_1519 = arith.extui %sign3A_1518 : i1 to i32
      %sign3A_1520 = arith.constant 0 : i32
      %sign3A_1521 = arith.cmpi slt, %sub3A_1514, %sign3A_1520 : i32
      %sign3A_1522 = arith.extui %sign3A_1521 : i1 to i32
      %sign3A_1523 = arith.subi %sign3A_1519, %sign3A_1522 : i32
      %sign3A_1524 = arith.constant 0 : i32
      %sign3A_1525 = arith.cmpi sgt, %jit3A_1515, %sign3A_1524 : i32
      %sign3A_1526 = arith.extui %sign3A_1525 : i1 to i32
      %sign3A_1527 = arith.constant 0 : i32
      %sign3A_1528 = arith.cmpi slt, %jit3A_1515, %sign3A_1527 : i32
      %sign3A_1529 = arith.extui %sign3A_1528 : i1 to i32
      %sign3A_1530 = arith.subi %sign3A_1526, %sign3A_1529 : i32
      %ne3A_1531 = arith.cmpi ne, %sign3A_1523, %sign3A_1530 : i32
      %rem3A_1532 = arith.remsi %sub3A_1514, %jit3A_1515 : i32
      %ne3A_1533 = arith.constant 0 : i32
      %ne3A_1534 = arith.cmpi ne, %rem3A_1532, %ne3A_1533 : i32
      %and3A_1535 = arith.andi %ne3A_1531, %ne3A_1534 : i1
      %sub3A_1536 = arith.constant 1 : i32
      %sub3A_1537 = arith.subi %div3A_1516, %sub3A_1536 : i32
      %select_n3A_1538 = arith.select %and3A_1535, %sub3A_1537, %div3A_1516 : i32
      %jit3A_1539 = arith.constant 2 : i32
      %eq3A_1540 = arith.constant 0 : i32
      %eq3A_1541 = arith.cmpi eq, %jit3A_1539, %eq3A_1540 : i32
      %jit3A_1542 = arith.constant 1 : i32
      %select_n3A_1543 = arith.select %eq3A_1541, %jit3A_1542, %jit3A_1539 : i32
      %rem3A_1544 = arith.remsi %sub3A_1514, %select_n3A_1543 : i32
      %ne3A_1545 = arith.constant 0 : i32
      %ne3A_1546 = arith.cmpi ne, %rem3A_1544, %ne3A_1545 : i32
      %lt3A_1547 = arith.constant 0 : i32
      %lt3A_1548 = arith.cmpi slt, %rem3A_1544, %lt3A_1547 : i32
      %lt3A_1549 = arith.constant 0 : i32
      %lt3A_1550 = arith.cmpi slt, %select_n3A_1543, %lt3A_1549 : i32
      %ne3A_1551 = arith.xori %lt3A_1548, %lt3A_1550 : i1
      %and3A_1552 = arith.andi %ne3A_1551, %ne3A_1546 : i1
      %add3A_1553 = arith.addi %rem3A_1544, %select_n3A_1543 : i32
      %select_n3A_1554 = arith.select %and3A_1552, %add3A_1553, %rem3A_1544 : i32
      %sub3A_1555 = arith.constant 1 : i32
      %sub3A_1556 = arith.subi %select_n3A_1538, %sub3A_1555 : i32
      %max3A_1557 = arith.constant 0 : i32
      %max3A_1558 = arith.maxsi %sub3A_1556, %max3A_1557 : i32
      %eq3A_1559 = arith.constant 0 : i32
      %eq3A_1560 = arith.cmpi eq, %select_n3A_1538, %eq3A_1559 : i32
      %jit3A_1561 = arith.constant 0 : i32
      %jit3A_1562 = arith.constant 1 : i32
      %select_n3A_1563 = arith.select %eq3A_1560, %jit3A_1561, %jit3A_1562 : i32
      %mul3A_1564 = arith.constant 128 : i32
      %mul3A_1565 = arith.muli %select_n3A_1538, %mul3A_1564 : i32
      %mul3A_1566 = arith.constant 64 : i32
      %mul3A_1567 = arith.muli %select_n3A_1554, %mul3A_1566 : i32
      %add3A_1568 = arith.addi %mul3A_1565, %mul3A_1567 : i32
      %add3A_1569 = arith.constant 0 : i32
      %add3A_1570 = arith.addi %add3A_1568, %add3A_1569 : i32
      %get3A_1571 = arith.index_cast %add3A_1570 : i32 to index
      %get3A_1572 = tpu.vector_load %arg5[%get3A_1571] {strides = array<i32>} : memref<6400xi32, #tpu.memory_space<vmem>>, vector<16xi32>,
      %get3A_1573 = vector.shape_cast %get3A_1572 : vector<16xi32> to vector<16xi32>
      %mul3A_1574 = arith.constant 128 : i32
      %mul3A_1575 = arith.muli %max3A_1558, %mul3A_1574 : i32
      %mul3A_1576 = arith.constant 64 : i32
      %mul3A_1577 = arith.muli %select_n3A_1554, %mul3A_1576 : i32
      %add3A_1578 = arith.addi %mul3A_1575, %mul3A_1577 : i32
      %add3A_1579 = arith.constant 0 : i32
      %add3A_1580 = arith.addi %add3A_1578, %add3A_1579 : i32
      %get3A_1581 = arith.index_cast %add3A_1580 : i32 to index
      %get3A_1582 = tpu.vector_load %arg5[%get3A_1581] {strides = array<i32>} : memref<6400xi32, #tpu.memory_space<vmem>>, vector<16xi32>,
      %get3A_1583 = vector.shape_cast %get3A_1582 : vector<16xi32> to vector<16xi32>
      %mul3A_1584 = arith.constant 256 : i32
      %mul3A_1585 = vector.broadcast %mul3A_1584 : i32 to vector<16xi32>
      %mul3A_1586 = arith.muli %get3A_1583, %mul3A_1585 : vector<16xi32>
      %add3A_1587 = arith.addi %mul3A_1586, %get3A_1573 : vector<16xi32>
      %mul3A_1588 = vector.broadcast %select_n3A_1563 : i32 to vector<16xi32>
      %mul3A_1589 = arith.muli %add3A_1587, %mul3A_1588 : vector<16xi32>
      %swap3A_1590 = arith.constant 0 : index
      %swap3A_1591 = tpu.vector_load %arg7[%swap3A_1590] {strides = array<i32>} : memref<64xi32, #tpu.memory_space<vmem>>, vector<16xi32>,
      %swap3A_1592 = vector.shape_cast %swap3A_1591 : vector<16xi32> to vector<16xi32>
      %swap3A_1593 = vector.shape_cast %mul3A_1589 : vector<16xi32> to vector<16xi32>
      tpu.vector_store %arg7[%swap3A_1590], %swap3A_1593 {strides = array<i32>} : memref<64xi32, #tpu.memory_space<vmem>>, vector<16xi32>,
      %mul3A_1594 = arith.constant 128 : i32
      %mul3A_1595 = arith.muli %select_n3A_1538, %mul3A_1594 : i32
      %mul3A_1596 = arith.constant 64 : i32
      %mul3A_1597 = arith.muli %select_n3A_1554, %mul3A_1596 : i32
      %add3A_1598 = arith.addi %mul3A_1595, %mul3A_1597 : i32
      %add3A_1599 = arith.constant 16 : i32
      %add3A_1600 = arith.addi %add3A_1598, %add3A_1599 : i32
      %get3A_1601 = arith.index_cast %add3A_1600 : i32 to index
      %get3A_1602 = tpu.vector_load %arg5[%get3A_1601] {strides = array<i32>} : memref<6400xi32, #tpu.memory_space<vmem>>, vector<16xi32>,
      %get3A_1603 = vector.shape_cast %get3A_1602 : vector<16xi32> to vector<16xi32>
      %mul3A_1604 = arith.constant 128 : i32
      %mul3A_1605 = arith.muli %max3A_1558, %mul3A_1604 : i32
      %mul3A_1606 = arith.constant 64 : i32
      %mul3A_1607 = arith.muli %select_n3A_1554, %mul3A_1606 : i32
      %add3A_1608 = arith.addi %mul3A_1605, %mul3A_1607 : i32
      %add3A_1609 = arith.constant 16 : i32
      %add3A_1610 = arith.addi %add3A_1608, %add3A_1609 : i32
      %get3A_1611 = arith.index_cast %add3A_1610 : i32 to index
      %get3A_1612 = tpu.vector_load %arg5[%get3A_1611] {strides = array<i32>} : memref<6400xi32, #tpu.memory_space<vmem>>, vector<16xi32>,
      %get3A_1613 = vector.shape_cast %get3A_1612 : vector<16xi32> to vector<16xi32>
      %mul3A_1614 = arith.constant 256 : i32
      %mul3A_1615 = vector.broadcast %mul3A_1614 : i32 to vector<16xi32>
      %mul3A_1616 = arith.muli %get3A_1613, %mul3A_1615 : vector<16xi32>
      %add3A_1617 = arith.addi %mul3A_1616, %get3A_1603 : vector<16xi32>
      %mul3A_1618 = vector.broadcast %select_n3A_1563 : i32 to vector<16xi32>
      %mul3A_1619 = arith.muli %add3A_1617, %mul3A_1618 : vector<16xi32>
      %swap3A_1620 = arith.constant 16 : index
      %swap3A_1621 = tpu.vector_load %arg7[%swap3A_1620] {strides = array<i32>} : memref<64xi32, #tpu.memory_space<vmem>>, vector<16xi32>,
      %swap3A_1622 = vector.shape_cast %swap3A_1621 : vector<16xi32> to vector<16xi32>
      %swap3A_1623 = vector.shape_cast %mul3A_1619 : vector<16xi32> to vector<16xi32>
      tpu.vector_store %arg7[%swap3A_1620], %swap3A_1623 {strides = array<i32>} : memref<64xi32, #tpu.memory_space<vmem>>, vector<16xi32>,
      %mul3A_1624 = arith.constant 128 : i32
      %mul3A_1625 = arith.muli %select_n3A_1538, %mul3A_1624 : i32
      %mul3A_1626 = arith.constant 64 : i32
      %mul3A_1627 = arith.muli %select_n3A_1554, %mul3A_1626 : i32
      %add3A_1628 = arith.addi %mul3A_1625, %mul3A_1627 : i32
      %add3A_1629 = arith.constant 32 : i32
      %add3A_1630 = arith.addi %add3A_1628, %add3A_1629 : i32
      %get3A_1631 = arith.index_cast %add3A_1630 : i32 to index
      %get3A_1632 = tpu.vector_load %arg5[%get3A_1631] {strides = array<i32>} : memref<6400xi32, #tpu.memory_space<vmem>>, vector<16xi32>,
      %get3A_1633 = vector.shape_cast %get3A_1632 : vector<16xi32> to vector<16xi32>
      %mul3A_1634 = arith.constant 128 : i32
      %mul3A_1635 = arith.muli %max3A_1558, %mul3A_1634 : i32
      %mul3A_1636 = arith.constant 64 : i32
      %mul3A_1637 = arith.muli %select_n3A_1554, %mul3A_1636 : i32
      %add3A_1638 = arith.addi %mul3A_1635, %mul3A_1637 : i32
      %add3A_1639 = arith.constant 32 : i32
      %add3A_1640 = arith.addi %add3A_1638, %add3A_1639 : i32
      %get3A_1641 = arith.index_cast %add3A_1640 : i32 to index
      %get3A_1642 = tpu.vector_load %arg5[%get3A_1641] {strides = array<i32>} : memref<6400xi32, #tpu.memory_space<vmem>>, vector<16xi32>,
      %get3A_1643 = vector.shape_cast %get3A_1642 : vector<16xi32> to vector<16xi32>
      %mul3A_1644 = arith.constant 256 : i32
      %mul3A_1645 = vector.broadcast %mul3A_1644 : i32 to vector<16xi32>
      %mul3A_1646 = arith.muli %get3A_1643, %mul3A_1645 : vector<16xi32>
      %add3A_1647 = arith.addi %mul3A_1646, %get3A_1633 : vector<16xi32>
      %mul3A_1648 = vector.broadcast %select_n3A_1563 : i32 to vector<16xi32>
      %mul3A_1649 = arith.muli %add3A_1647, %mul3A_1648 : vector<16xi32>
      %swap3A_1650 = arith.constant 32 : index
      %swap3A_1651 = tpu.vector_load %arg7[%swap3A_1650] {strides = array<i32>} : memref<64xi32, #tpu.memory_space<vmem>>, vector<16xi32>,
      %swap3A_1652 = vector.shape_cast %swap3A_1651 : vector<16xi32> to vector<16xi32>
      %swap3A_1653 = vector.shape_cast %mul3A_1649 : vector<16xi32> to vector<16xi32>
      tpu.vector_store %arg7[%swap3A_1650], %swap3A_1653 {strides = array<i32>} : memref<64xi32, #tpu.memory_space<vmem>>, vector<16xi32>,
      %mul3A_1654 = arith.constant 128 : i32
      %mul3A_1655 = arith.muli %select_n3A_1538, %mul3A_1654 : i32
      %mul3A_1656 = arith.constant 64 : i32
      %mul3A_1657 = arith.muli %select_n3A_1554, %mul3A_1656 : i32
      %add3A_1658 = arith.addi %mul3A_1655, %mul3A_1657 : i32
      %add3A_1659 = arith.constant 48 : i32
      %add3A_1660 = arith.addi %add3A_1658, %add3A_1659 : i32
      %get3A_1661 = arith.index_cast %add3A_1660 : i32 to index
      %get3A_1662 = tpu.vector_load %arg5[%get3A_1661] {strides = array<i32>} : memref<6400xi32, #tpu.memory_space<vmem>>, vector<16xi32>,
      %get3A_1663 = vector.shape_cast %get3A_1662 : vector<16xi32> to vector<16xi32>
      %mul3A_1664 = arith.constant 128 : i32
      %mul3A_1665 = arith.muli %max3A_1558, %mul3A_1664 : i32
      %mul3A_1666 = arith.constant 64 : i32
      %mul3A_1667 = arith.muli %select_n3A_1554, %mul3A_1666 : i32
      %add3A_1668 = arith.addi %mul3A_1665, %mul3A_1667 : i32
      %add3A_1669 = arith.constant 48 : i32
      %add3A_1670 = arith.addi %add3A_1668, %add3A_1669 : i32
      %get3A_1671 = arith.index_cast %add3A_1670 : i32 to index
      %get3A_1672 = tpu.vector_load %arg5[%get3A_1671] {strides = array<i32>} : memref<6400xi32, #tpu.memory_space<vmem>>, vector<16xi32>,
      %get3A_1673 = vector.shape_cast %get3A_1672 : vector<16xi32> to vector<16xi32>
      %mul3A_1674 = arith.constant 256 : i32
      %mul3A_1675 = vector.broadcast %mul3A_1674 : i32 to vector<16xi32>
      %mul3A_1676 = arith.muli %get3A_1673, %mul3A_1675 : vector<16xi32>
      %add3A_1677 = arith.addi %mul3A_1676, %get3A_1663 : vector<16xi32>
      %mul3A_1678 = vector.broadcast %select_n3A_1563 : i32 to vector<16xi32>
      %mul3A_1679 = arith.muli %add3A_1677, %mul3A_1678 : vector<16xi32>
      %swap3A_1680 = arith.constant 48 : index
      %swap3A_1681 = tpu.vector_load %arg7[%swap3A_1680] {strides = array<i32>} : memref<64xi32, #tpu.memory_space<vmem>>, vector<16xi32>,
      %swap3A_1682 = vector.shape_cast %swap3A_1681 : vector<16xi32> to vector<16xi32>
      %swap3A_1683 = vector.shape_cast %mul3A_1679 : vector<16xi32> to vector<16xi32>
      tpu.vector_store %arg7[%swap3A_1680], %swap3A_1683 {strides = array<i32>} : memref<64xi32, #tpu.memory_space<vmem>>, vector<16xi32>,
      %dma_start3A_1684 = arith.constant 0 : i32
      %dma_start3A_1685 = arith.constant 0 : i32
      %dma_start3A_1686 = tpu.memref_slice %arg3[%dma_start3A_1684, %dma_start3A_1685] : memref<65536x256xf32, #tpu.memory_space<hbm>> -> memref<65536x256xf32, #tpu.memory_space<hbm>>
      tpu.enqueue_indirect_dma source(%dma_start3A_1686 : memref<65536x256xf32, #tpu.memory_space<hbm>>) target(%arg13 : memref<64x256xf32, #tpu.memory_space<vmem>>) offsets(%arg7 : memref<64xi32, #tpu.memory_space<vmem>>) semaphore(%arg19 : memref<!tpu.dma_semaphore, #tpu.memory_space<semaphore_mem>>)
      %dma_wait3A_1687 = arith.constant 0 : i32
      %dma_wait3A_1688 = arith.constant 0 : i32
      %dma_wait3A_1689 = tpu.memref_slice %arg3[%dma_wait3A_1687, %dma_wait3A_1688] : memref<65536x256xf32, #tpu.memory_space<hbm>> -> memref<65536x256xf32, #tpu.memory_space<hbm>>
      tpu.wait_indirect_dma semaphore(%arg20 : memref<!tpu.dma_semaphore, #tpu.memory_space<semaphore_mem>>) src(%dma_wait3A_1689 : memref<65536x256xf32, #tpu.memory_space<hbm>>) dst(%arg14 : memref<64x256xf32, #tpu.memory_space<vmem>>)
      %jit3A_1690 = arith.constant 2 : i32
      %div3A_1691 = arith.divsi %add3A_1458, %jit3A_1690 : i32
      %sign3A_1692 = arith.constant 0 : i32
      %sign3A_1693 = arith.cmpi sgt, %add3A_1458, %sign3A_1692 : i32
      %sign3A_1694 = arith.extui %sign3A_1693 : i1 to i32
      %sign3A_1695 = arith.constant 0 : i32
      %sign3A_1696 = arith.cmpi slt, %add3A_1458, %sign3A_1695 : i32
      %sign3A_1697 = arith.extui %sign3A_1696 : i1 to i32
      %sign3A_1698 = arith.subi %sign3A_1694, %sign3A_1697 : i32
      %sign3A_1699 = arith.constant 0 : i32
      %sign3A_1700 = arith.cmpi sgt, %jit3A_1690, %sign3A_1699 : i32
      %sign3A_1701 = arith.extui %sign3A_1700 : i1 to i32
      %sign3A_1702 = arith.constant 0 : i32
      %sign3A_1703 = arith.cmpi slt, %jit3A_1690, %sign3A_1702 : i32
      %sign3A_1704 = arith.extui %sign3A_1703 : i1 to i32
      %sign3A_1705 = arith.subi %sign3A_1701, %sign3A_1704 : i32
      %ne3A_1706 = arith.cmpi ne, %sign3A_1698, %sign3A_1705 : i32
      %rem3A_1707 = arith.remsi %add3A_1458, %jit3A_1690 : i32
      %ne3A_1708 = arith.constant 0 : i32
      %ne3A_1709 = arith.cmpi ne, %rem3A_1707, %ne3A_1708 : i32
      %and3A_1710 = arith.andi %ne3A_1706, %ne3A_1709 : i1
      %sub3A_1711 = arith.constant 1 : i32
      %sub3A_1712 = arith.subi %div3A_1691, %sub3A_1711 : i32
      %select_n3A_1713 = arith.select %and3A_1710, %sub3A_1712, %div3A_1691 : i32
      %mul3A_1714 = arith.constant 4096 : i32
      %mul3A_1715 = arith.muli %select_n3A_1713, %mul3A_1714 : i32
      %add3A_1716 = arith.addi %mul3A_1715, %mul3A_2 : i32
      %jit3A_1717 = arith.constant 2 : i32
      %eq3A_1718 = arith.constant 0 : i32
      %eq3A_1719 = arith.cmpi eq, %jit3A_1717, %eq3A_1718 : i32
      %jit3A_1720 = arith.constant 1 : i32
      %select_n3A_1721 = arith.select %eq3A_1719, %jit3A_1720, %jit3A_1717 : i32
      %rem3A_1722 = arith.remsi %add3A_1458, %select_n3A_1721 : i32
      %ne3A_1723 = arith.constant 0 : i32
      %ne3A_1724 = arith.cmpi ne, %rem3A_1722, %ne3A_1723 : i32
      %lt3A_1725 = arith.constant 0 : i32
      %lt3A_1726 = arith.cmpi slt, %rem3A_1722, %lt3A_1725 : i32
      %lt3A_1727 = arith.constant 0 : i32
      %lt3A_1728 = arith.cmpi slt, %select_n3A_1721, %lt3A_1727 : i32
      %ne3A_1729 = arith.xori %lt3A_1726, %lt3A_1728 : i1
      %and3A_1730 = arith.andi %ne3A_1729, %ne3A_1724 : i1
      %add3A_1731 = arith.addi %rem3A_1722, %select_n3A_1721 : i32
      %select_n3A_1732 = arith.select %and3A_1730, %add3A_1731, %rem3A_1722 : i32
      %mul3A_1733 = arith.constant 64 : i32
      %mul3A_1734 = arith.muli %select_n3A_1732, %mul3A_1733 : i32
      %add3A_1735 = arith.addi %add3A_1716, %mul3A_1734 : i32
      %dma_start3A_1736 = arith.constant 0 : i32
      %dma_start3A_1737 = tpu.memref_slice %arg4[%add3A_1735, %dma_start3A_1736] : memref<204800x256xf32, #tpu.memory_space<hbm>> -> memref<64x256xf32, #tpu.memory_space<hbm>>
      %dma_start3A_1738 = arith.constant 0 : i32
      %dma_start3A_1739 = tpu.memref_slice %arg4[%add3A_1735, %dma_start3A_1738] : memref<204800x256xf32, #tpu.memory_space<hbm>> -> memref<64x256xf32, #tpu.memory_space<hbm>>
      tpu.enqueue_dma source(%arg14 : memref<64x256xf32, #tpu.memory_space<vmem>>) target(%dma_start3A_1739 : memref<64x256xf32, #tpu.memory_space<hbm>>) target_semaphore(%arg26 : memref<!tpu.dma_semaphore, #tpu.memory_space<semaphore_mem>>)
      %mul3A_1740 = arith.constant 6 : i32
      %mul3A_1741 = arith.muli %scan3A_1173, %mul3A_1740 : i32
      %add3A_1742 = arith.constant 1 : i32
      %add3A_1743 = arith.addi %mul3A_1741, %add3A_1742 : i32
      %add3A_1744 = arith.constant 2 : i32
      %add3A_1745 = arith.addi %add3A_1743, %add3A_1744 : i32
      %sub3A_1746 = arith.constant 1 : i32
      %sub3A_1747 = arith.subi %add3A_1745, %sub3A_1746 : i32
      %jit3A_1748 = arith.constant 2 : i32
      %div3A_1749 = arith.divsi %sub3A_1747, %jit3A_1748 : i32
      %sign3A_1750 = arith.constant 0 : i32
      %sign3A_1751 = arith.cmpi sgt, %sub3A_1747, %sign3A_1750 : i32
      %sign3A_1752 = arith.extui %sign3A_1751 : i1 to i32
      %sign3A_1753 = arith.constant 0 : i32
      %sign3A_1754 = arith.cmpi slt, %sub3A_1747, %sign3A_1753 : i32
      %sign3A_1755 = arith.extui %sign3A_1754 : i1 to i32
      %sign3A_1756 = arith.subi %sign3A_1752, %sign3A_1755 : i32
      %sign3A_1757 = arith.constant 0 : i32
      %sign3A_1758 = arith.cmpi sgt, %jit3A_1748, %sign3A_1757 : i32
      %sign3A_1759 = arith.extui %sign3A_1758 : i1 to i32
      %sign3A_1760 = arith.constant 0 : i32
      %sign3A_1761 = arith.cmpi slt, %jit3A_1748, %sign3A_1760 : i32
      %sign3A_1762 = arith.extui %sign3A_1761 : i1 to i32
      %sign3A_1763 = arith.subi %sign3A_1759, %sign3A_1762 : i32
      %ne3A_1764 = arith.cmpi ne, %sign3A_1756, %sign3A_1763 : i32
      %rem3A_1765 = arith.remsi %sub3A_1747, %jit3A_1748 : i32
      %ne3A_1766 = arith.constant 0 : i32
      %ne3A_1767 = arith.cmpi ne, %rem3A_1765, %ne3A_1766 : i32
      %and3A_1768 = arith.andi %ne3A_1764, %ne3A_1767 : i1
      %sub3A_1769 = arith.constant 1 : i32
      %sub3A_1770 = arith.subi %div3A_1749, %sub3A_1769 : i32
      %select_n3A_1771 = arith.select %and3A_1768, %sub3A_1770, %div3A_1749 : i32
      %mul3A_1772 = arith.constant 4096 : i32
      %mul3A_1773 = arith.muli %select_n3A_1771, %mul3A_1772 : i32
      %add3A_1774 = arith.addi %mul3A_1773, %mul3A_2 : i32
      %jit3A_1775 = arith.constant 2 : i32
      %eq3A_1776 = arith.constant 0 : i32
      %eq3A_1777 = arith.cmpi eq, %jit3A_1775, %eq3A_1776 : i32
      %jit3A_1778 = arith.constant 1 : i32
      %select_n3A_1779 = arith.select %eq3A_1777, %jit3A_1778, %jit3A_1775 : i32
      %rem3A_1780 = arith.remsi %sub3A_1747, %select_n3A_1779 : i32
      %ne3A_1781 = arith.constant 0 : i32
      %ne3A_1782 = arith.cmpi ne, %rem3A_1780, %ne3A_1781 : i32
      %lt3A_1783 = arith.constant 0 : i32
      %lt3A_1784 = arith.cmpi slt, %rem3A_1780, %lt3A_1783 : i32
      %lt3A_1785 = arith.constant 0 : i32
      %lt3A_1786 = arith.cmpi slt, %select_n3A_1779, %lt3A_1785 : i32
      %ne3A_1787 = arith.xori %lt3A_1784, %lt3A_1786 : i1
      %and3A_1788 = arith.andi %ne3A_1787, %ne3A_1782 : i1
      %add3A_1789 = arith.addi %rem3A_1780, %select_n3A_1779 : i32
      %select_n3A_1790 = arith.select %and3A_1788, %add3A_1789, %rem3A_1780 : i32
      %mul3A_1791 = arith.constant 64 : i32
      %mul3A_1792 = arith.muli %select_n3A_1790, %mul3A_1791 : i32
      %add3A_1793 = arith.addi %add3A_1774, %mul3A_1792 : i32
      %dma_wait3A_1794 = arith.constant 0 : i32
      %dma_wait3A_1795 = tpu.memref_slice %arg4[%add3A_1793, %dma_wait3A_1794] : memref<204800x256xf32, #tpu.memory_space<hbm>> -> memref<64x256xf32, #tpu.memory_space<hbm>>
      %dma_wait3A_1796 = arith.constant 0 : i32
      %dma_wait3A_1797 = tpu.memref_slice %arg4[%add3A_1793, %dma_wait3A_1796] : memref<204800x256xf32, #tpu.memory_space<hbm>> -> memref<64x256xf32, #tpu.memory_space<hbm>>
      tpu.wait_dma2 semaphore(%arg26 : memref<!tpu.dma_semaphore, #tpu.memory_space<semaphore_mem>>) src(%arg14 : memref<64x256xf32, #tpu.memory_space<vmem>>) dst(%dma_wait3A_1797 : memref<64x256xf32, #tpu.memory_space<hbm>>)
      %add3A_1798 = arith.constant 6 : i32
      %add3A_1799 = arith.addi %add3A_1745, %add3A_1798 : i32
      %sub3A_1800 = arith.constant 1 : i32
      %sub3A_1801 = arith.subi %add3A_1799, %sub3A_1800 : i32
      %jit3A_1802 = arith.constant 2 : i32
      %div3A_1803 = arith.divsi %sub3A_1801, %jit3A_1802 : i32
      %sign3A_1804 = arith.constant 0 : i32
      %sign3A_1805 = arith.cmpi sgt, %sub3A_1801, %sign3A_1804 : i32
      %sign3A_1806 = arith.extui %sign3A_1805 : i1 to i32
      %sign3A_1807 = arith.constant 0 : i32
      %sign3A_1808 = arith.cmpi slt, %sub3A_1801, %sign3A_1807 : i32
      %sign3A_1809 = arith.extui %sign3A_1808 : i1 to i32
      %sign3A_1810 = arith.subi %sign3A_1806, %sign3A_1809 : i32
      %sign3A_1811 = arith.constant 0 : i32
      %sign3A_1812 = arith.cmpi sgt, %jit3A_1802, %sign3A_1811 : i32
      %sign3A_1813 = arith.extui %sign3A_1812 : i1 to i32
      %sign3A_1814 = arith.constant 0 : i32
      %sign3A_1815 = arith.cmpi slt, %jit3A_1802, %sign3A_1814 : i32
      %sign3A_1816 = arith.extui %sign3A_1815 : i1 to i32
      %sign3A_1817 = arith.subi %sign3A_1813, %sign3A_1816 : i32
      %ne3A_1818 = arith.cmpi ne, %sign3A_1810, %sign3A_1817 : i32
      %rem3A_1819 = arith.remsi %sub3A_1801, %jit3A_1802 : i32
      %ne3A_1820 = arith.constant 0 : i32
      %ne3A_1821 = arith.cmpi ne, %rem3A_1819, %ne3A_1820 : i32
      %and3A_1822 = arith.andi %ne3A_1818, %ne3A_1821 : i1
      %sub3A_1823 = arith.constant 1 : i32
      %sub3A_1824 = arith.subi %div3A_1803, %sub3A_1823 : i32
      %select_n3A_1825 = arith.select %and3A_1822, %sub3A_1824, %div3A_1803 : i32
      %jit3A_1826 = arith.constant 2 : i32
      %eq3A_1827 = arith.constant 0 : i32
      %eq3A_1828 = arith.cmpi eq, %jit3A_1826, %eq3A_1827 : i32
      %jit3A_1829 = arith.constant 1 : i32
      %select_n3A_1830 = arith.select %eq3A_1828, %jit3A_1829, %jit3A_1826 : i32
      %rem3A_1831 = arith.remsi %sub3A_1801, %select_n3A_1830 : i32
      %ne3A_1832 = arith.constant 0 : i32
      %ne3A_1833 = arith.cmpi ne, %rem3A_1831, %ne3A_1832 : i32
      %lt3A_1834 = arith.constant 0 : i32
      %lt3A_1835 = arith.cmpi slt, %rem3A_1831, %lt3A_1834 : i32
      %lt3A_1836 = arith.constant 0 : i32
      %lt3A_1837 = arith.cmpi slt, %select_n3A_1830, %lt3A_1836 : i32
      %ne3A_1838 = arith.xori %lt3A_1835, %lt3A_1837 : i1
      %and3A_1839 = arith.andi %ne3A_1838, %ne3A_1833 : i1
      %add3A_1840 = arith.addi %rem3A_1831, %select_n3A_1830 : i32
      %select_n3A_1841 = arith.select %and3A_1839, %add3A_1840, %rem3A_1831 : i32
      %sub3A_1842 = arith.constant 1 : i32
      %sub3A_1843 = arith.subi %select_n3A_1825, %sub3A_1842 : i32
      %max3A_1844 = arith.constant 0 : i32
      %max3A_1845 = arith.maxsi %sub3A_1843, %max3A_1844 : i32
      %eq3A_1846 = arith.constant 0 : i32
      %eq3A_1847 = arith.cmpi eq, %select_n3A_1825, %eq3A_1846 : i32
      %jit3A_1848 = arith.constant 0 : i32
      %jit3A_1849 = arith.constant 1 : i32
      %select_n3A_1850 = arith.select %eq3A_1847, %jit3A_1848, %jit3A_1849 : i32
      %mul3A_1851 = arith.constant 128 : i32
      %mul3A_1852 = arith.muli %select_n3A_1825, %mul3A_1851 : i32
      %mul3A_1853 = arith.constant 64 : i32
      %mul3A_1854 = arith.muli %select_n3A_1841, %mul3A_1853 : i32
      %add3A_1855 = arith.addi %mul3A_1852, %mul3A_1854 : i32
      %add3A_1856 = arith.constant 0 : i32
      %add3A_1857 = arith.addi %add3A_1855, %add3A_1856 : i32
      %get3A_1858 = arith.index_cast %add3A_1857 : i32 to index
      %get3A_1859 = tpu.vector_load %arg5[%get3A_1858] {strides = array<i32>} : memref<6400xi32, #tpu.memory_space<vmem>>, vector<16xi32>,
      %get3A_1860 = vector.shape_cast %get3A_1859 : vector<16xi32> to vector<16xi32>
      %mul3A_1861 = arith.constant 128 : i32
      %mul3A_1862 = arith.muli %max3A_1845, %mul3A_1861 : i32
      %mul3A_1863 = arith.constant 64 : i32
      %mul3A_1864 = arith.muli %select_n3A_1841, %mul3A_1863 : i32
      %add3A_1865 = arith.addi %mul3A_1862, %mul3A_1864 : i32
      %add3A_1866 = arith.constant 0 : i32
      %add3A_1867 = arith.addi %add3A_1865, %add3A_1866 : i32
      %get3A_1868 = arith.index_cast %add3A_1867 : i32 to index
      %get3A_1869 = tpu.vector_load %arg5[%get3A_1868] {strides = array<i32>} : memref<6400xi32, #tpu.memory_space<vmem>>, vector<16xi32>,
      %get3A_1870 = vector.shape_cast %get3A_1869 : vector<16xi32> to vector<16xi32>
      %mul3A_1871 = arith.constant 256 : i32
      %mul3A_1872 = vector.broadcast %mul3A_1871 : i32 to vector<16xi32>
      %mul3A_1873 = arith.muli %get3A_1870, %mul3A_1872 : vector<16xi32>
      %add3A_1874 = arith.addi %mul3A_1873, %get3A_1860 : vector<16xi32>
      %mul3A_1875 = vector.broadcast %select_n3A_1850 : i32 to vector<16xi32>
      %mul3A_1876 = arith.muli %add3A_1874, %mul3A_1875 : vector<16xi32>
      %swap3A_1877 = arith.constant 0 : index
      %swap3A_1878 = tpu.vector_load %arg8[%swap3A_1877] {strides = array<i32>} : memref<64xi32, #tpu.memory_space<vmem>>, vector<16xi32>,
      %swap3A_1879 = vector.shape_cast %swap3A_1878 : vector<16xi32> to vector<16xi32>
      %swap3A_1880 = vector.shape_cast %mul3A_1876 : vector<16xi32> to vector<16xi32>
      tpu.vector_store %arg8[%swap3A_1877], %swap3A_1880 {strides = array<i32>} : memref<64xi32, #tpu.memory_space<vmem>>, vector<16xi32>,
      %mul3A_1881 = arith.constant 128 : i32
      %mul3A_1882 = arith.muli %select_n3A_1825, %mul3A_1881 : i32
      %mul3A_1883 = arith.constant 64 : i32
      %mul3A_1884 = arith.muli %select_n3A_1841, %mul3A_1883 : i32
      %add3A_1885 = arith.addi %mul3A_1882, %mul3A_1884 : i32
      %add3A_1886 = arith.constant 16 : i32
      %add3A_1887 = arith.addi %add3A_1885, %add3A_1886 : i32
      %get3A_1888 = arith.index_cast %add3A_1887 : i32 to index
      %get3A_1889 = tpu.vector_load %arg5[%get3A_1888] {strides = array<i32>} : memref<6400xi32, #tpu.memory_space<vmem>>, vector<16xi32>,
      %get3A_1890 = vector.shape_cast %get3A_1889 : vector<16xi32> to vector<16xi32>
      %mul3A_1891 = arith.constant 128 : i32
      %mul3A_1892 = arith.muli %max3A_1845, %mul3A_1891 : i32
      %mul3A_1893 = arith.constant 64 : i32
      %mul3A_1894 = arith.muli %select_n3A_1841, %mul3A_1893 : i32
      %add3A_1895 = arith.addi %mul3A_1892, %mul3A_1894 : i32
      %add3A_1896 = arith.constant 16 : i32
      %add3A_1897 = arith.addi %add3A_1895, %add3A_1896 : i32
      %get3A_1898 = arith.index_cast %add3A_1897 : i32 to index
      %get3A_1899 = tpu.vector_load %arg5[%get3A_1898] {strides = array<i32>} : memref<6400xi32, #tpu.memory_space<vmem>>, vector<16xi32>,
      %get3A_1900 = vector.shape_cast %get3A_1899 : vector<16xi32> to vector<16xi32>
      %mul3A_1901 = arith.constant 256 : i32
      %mul3A_1902 = vector.broadcast %mul3A_1901 : i32 to vector<16xi32>
      %mul3A_1903 = arith.muli %get3A_1900, %mul3A_1902 : vector<16xi32>
      %add3A_1904 = arith.addi %mul3A_1903, %get3A_1890 : vector<16xi32>
      %mul3A_1905 = vector.broadcast %select_n3A_1850 : i32 to vector<16xi32>
      %mul3A_1906 = arith.muli %add3A_1904, %mul3A_1905 : vector<16xi32>
      %swap3A_1907 = arith.constant 16 : index
      %swap3A_1908 = tpu.vector_load %arg8[%swap3A_1907] {strides = array<i32>} : memref<64xi32, #tpu.memory_space<vmem>>, vector<16xi32>,
      %swap3A_1909 = vector.shape_cast %swap3A_1908 : vector<16xi32> to vector<16xi32>
      %swap3A_1910 = vector.shape_cast %mul3A_1906 : vector<16xi32> to vector<16xi32>
      tpu.vector_store %arg8[%swap3A_1907], %swap3A_1910 {strides = array<i32>} : memref<64xi32, #tpu.memory_space<vmem>>, vector<16xi32>,
      %mul3A_1911 = arith.constant 128 : i32
      %mul3A_1912 = arith.muli %select_n3A_1825, %mul3A_1911 : i32
      %mul3A_1913 = arith.constant 64 : i32
      %mul3A_1914 = arith.muli %select_n3A_1841, %mul3A_1913 : i32
      %add3A_1915 = arith.addi %mul3A_1912, %mul3A_1914 : i32
      %add3A_1916 = arith.constant 32 : i32
      %add3A_1917 = arith.addi %add3A_1915, %add3A_1916 : i32
      %get3A_1918 = arith.index_cast %add3A_1917 : i32 to index
      %get3A_1919 = tpu.vector_load %arg5[%get3A_1918] {strides = array<i32>} : memref<6400xi32, #tpu.memory_space<vmem>>, vector<16xi32>,
      %get3A_1920 = vector.shape_cast %get3A_1919 : vector<16xi32> to vector<16xi32>
      %mul3A_1921 = arith.constant 128 : i32
      %mul3A_1922 = arith.muli %max3A_1845, %mul3A_1921 : i32
      %mul3A_1923 = arith.constant 64 : i32
      %mul3A_1924 = arith.muli %select_n3A_1841, %mul3A_1923 : i32
      %add3A_1925 = arith.addi %mul3A_1922, %mul3A_1924 : i32
      %add3A_1926 = arith.constant 32 : i32
      %add3A_1927 = arith.addi %add3A_1925, %add3A_1926 : i32
      %get3A_1928 = arith.index_cast %add3A_1927 : i32 to index
      %get3A_1929 = tpu.vector_load %arg5[%get3A_1928] {strides = array<i32>} : memref<6400xi32, #tpu.memory_space<vmem>>, vector<16xi32>,
      %get3A_1930 = vector.shape_cast %get3A_1929 : vector<16xi32> to vector<16xi32>
      %mul3A_1931 = arith.constant 256 : i32
      %mul3A_1932 = vector.broadcast %mul3A_1931 : i32 to vector<16xi32>
      %mul3A_1933 = arith.muli %get3A_1930, %mul3A_1932 : vector<16xi32>
      %add3A_1934 = arith.addi %mul3A_1933, %get3A_1920 : vector<16xi32>
      %mul3A_1935 = vector.broadcast %select_n3A_1850 : i32 to vector<16xi32>
      %mul3A_1936 = arith.muli %add3A_1934, %mul3A_1935 : vector<16xi32>
      %swap3A_1937 = arith.constant 32 : index
      %swap3A_1938 = tpu.vector_load %arg8[%swap3A_1937] {strides = array<i32>} : memref<64xi32, #tpu.memory_space<vmem>>, vector<16xi32>,
      %swap3A_1939 = vector.shape_cast %swap3A_1938 : vector<16xi32> to vector<16xi32>
      %swap3A_1940 = vector.shape_cast %mul3A_1936 : vector<16xi32> to vector<16xi32>
      tpu.vector_store %arg8[%swap3A_1937], %swap3A_1940 {strides = array<i32>} : memref<64xi32, #tpu.memory_space<vmem>>, vector<16xi32>,
      %mul3A_1941 = arith.constant 128 : i32
      %mul3A_1942 = arith.muli %select_n3A_1825, %mul3A_1941 : i32
      %mul3A_1943 = arith.constant 64 : i32
      %mul3A_1944 = arith.muli %select_n3A_1841, %mul3A_1943 : i32
      %add3A_1945 = arith.addi %mul3A_1942, %mul3A_1944 : i32
      %add3A_1946 = arith.constant 48 : i32
      %add3A_1947 = arith.addi %add3A_1945, %add3A_1946 : i32
      %get3A_1948 = arith.index_cast %add3A_1947 : i32 to index
      %get3A_1949 = tpu.vector_load %arg5[%get3A_1948] {strides = array<i32>} : memref<6400xi32, #tpu.memory_space<vmem>>, vector<16xi32>,
      %get3A_1950 = vector.shape_cast %get3A_1949 : vector<16xi32> to vector<16xi32>
      %mul3A_1951 = arith.constant 128 : i32
      %mul3A_1952 = arith.muli %max3A_1845, %mul3A_1951 : i32
      %mul3A_1953 = arith.constant 64 : i32
      %mul3A_1954 = arith.muli %select_n3A_1841, %mul3A_1953 : i32
      %add3A_1955 = arith.addi %mul3A_1952, %mul3A_1954 : i32
      %add3A_1956 = arith.constant 48 : i32
      %add3A_1957 = arith.addi %add3A_1955, %add3A_1956 : i32
      %get3A_1958 = arith.index_cast %add3A_1957 : i32 to index
      %get3A_1959 = tpu.vector_load %arg5[%get3A_1958] {strides = array<i32>} : memref<6400xi32, #tpu.memory_space<vmem>>, vector<16xi32>,
      %get3A_1960 = vector.shape_cast %get3A_1959 : vector<16xi32> to vector<16xi32>
      %mul3A_1961 = arith.constant 256 : i32
      %mul3A_1962 = vector.broadcast %mul3A_1961 : i32 to vector<16xi32>
      %mul3A_1963 = arith.muli %get3A_1960, %mul3A_1962 : vector<16xi32>
      %add3A_1964 = arith.addi %mul3A_1963, %get3A_1950 : vector<16xi32>
      %mul3A_1965 = vector.broadcast %select_n3A_1850 : i32 to vector<16xi32>
      %mul3A_1966 = arith.muli %add3A_1964, %mul3A_1965 : vector<16xi32>
      %swap3A_1967 = arith.constant 48 : index
      %swap3A_1968 = tpu.vector_load %arg8[%swap3A_1967] {strides = array<i32>} : memref<64xi32, #tpu.memory_space<vmem>>, vector<16xi32>,
      %swap3A_1969 = vector.shape_cast %swap3A_1968 : vector<16xi32> to vector<16xi32>
      %swap3A_1970 = vector.shape_cast %mul3A_1966 : vector<16xi32> to vector<16xi32>
      tpu.vector_store %arg8[%swap3A_1967], %swap3A_1970 {strides = array<i32>} : memref<64xi32, #tpu.memory_space<vmem>>, vector<16xi32>,
      %dma_start3A_1971 = arith.constant 0 : i32
      %dma_start3A_1972 = arith.constant 0 : i32
      %dma_start3A_1973 = tpu.memref_slice %arg3[%dma_start3A_1971, %dma_start3A_1972] : memref<65536x256xf32, #tpu.memory_space<hbm>> -> memref<65536x256xf32, #tpu.memory_space<hbm>>
      tpu.enqueue_indirect_dma source(%dma_start3A_1973 : memref<65536x256xf32, #tpu.memory_space<hbm>>) target(%arg14 : memref<64x256xf32, #tpu.memory_space<vmem>>) offsets(%arg8 : memref<64xi32, #tpu.memory_space<vmem>>) semaphore(%arg20 : memref<!tpu.dma_semaphore, #tpu.memory_space<semaphore_mem>>)
      %dma_wait3A_1974 = arith.constant 0 : i32
      %dma_wait3A_1975 = arith.constant 0 : i32
      %dma_wait3A_1976 = tpu.memref_slice %arg3[%dma_wait3A_1974, %dma_wait3A_1975] : memref<65536x256xf32, #tpu.memory_space<hbm>> -> memref<65536x256xf32, #tpu.memory_space<hbm>>
      tpu.wait_indirect_dma semaphore(%arg21 : memref<!tpu.dma_semaphore, #tpu.memory_space<semaphore_mem>>) src(%dma_wait3A_1976 : memref<65536x256xf32, #tpu.memory_space<hbm>>) dst(%arg15 : memref<64x256xf32, #tpu.memory_space<vmem>>)
      %jit3A_1977 = arith.constant 2 : i32
      %div3A_1978 = arith.divsi %add3A_1745, %jit3A_1977 : i32
      %sign3A_1979 = arith.constant 0 : i32
      %sign3A_1980 = arith.cmpi sgt, %add3A_1745, %sign3A_1979 : i32
      %sign3A_1981 = arith.extui %sign3A_1980 : i1 to i32
      %sign3A_1982 = arith.constant 0 : i32
      %sign3A_1983 = arith.cmpi slt, %add3A_1745, %sign3A_1982 : i32
      %sign3A_1984 = arith.extui %sign3A_1983 : i1 to i32
      %sign3A_1985 = arith.subi %sign3A_1981, %sign3A_1984 : i32
      %sign3A_1986 = arith.constant 0 : i32
      %sign3A_1987 = arith.cmpi sgt, %jit3A_1977, %sign3A_1986 : i32
      %sign3A_1988 = arith.extui %sign3A_1987 : i1 to i32
      %sign3A_1989 = arith.constant 0 : i32
      %sign3A_1990 = arith.cmpi slt, %jit3A_1977, %sign3A_1989 : i32
      %sign3A_1991 = arith.extui %sign3A_1990 : i1 to i32
      %sign3A_1992 = arith.subi %sign3A_1988, %sign3A_1991 : i32
      %ne3A_1993 = arith.cmpi ne, %sign3A_1985, %sign3A_1992 : i32
      %rem3A_1994 = arith.remsi %add3A_1745, %jit3A_1977 : i32
      %ne3A_1995 = arith.constant 0 : i32
      %ne3A_1996 = arith.cmpi ne, %rem3A_1994, %ne3A_1995 : i32
      %and3A_1997 = arith.andi %ne3A_1993, %ne3A_1996 : i1
      %sub3A_1998 = arith.constant 1 : i32
      %sub3A_1999 = arith.subi %div3A_1978, %sub3A_1998 : i32
      %select_n3A_2000 = arith.select %and3A_1997, %sub3A_1999, %div3A_1978 : i32
      %mul3A_2001 = arith.constant 4096 : i32
      %mul3A_2002 = arith.muli %select_n3A_2000, %mul3A_2001 : i32
      %add3A_2003 = arith.addi %mul3A_2002, %mul3A_2 : i32
      %jit3A_2004 = arith.constant 2 : i32
      %eq3A_2005 = arith.constant 0 : i32
      %eq3A_2006 = arith.cmpi eq, %jit3A_2004, %eq3A_2005 : i32
      %jit3A_2007 = arith.constant 1 : i32
      %select_n3A_2008 = arith.select %eq3A_2006, %jit3A_2007, %jit3A_2004 : i32
      %rem3A_2009 = arith.remsi %add3A_1745, %select_n3A_2008 : i32
      %ne3A_2010 = arith.constant 0 : i32
      %ne3A_2011 = arith.cmpi ne, %rem3A_2009, %ne3A_2010 : i32
      %lt3A_2012 = arith.constant 0 : i32
      %lt3A_2013 = arith.cmpi slt, %rem3A_2009, %lt3A_2012 : i32
      %lt3A_2014 = arith.constant 0 : i32
      %lt3A_2015 = arith.cmpi slt, %select_n3A_2008, %lt3A_2014 : i32
      %ne3A_2016 = arith.xori %lt3A_2013, %lt3A_2015 : i1
      %and3A_2017 = arith.andi %ne3A_2016, %ne3A_2011 : i1
      %add3A_2018 = arith.addi %rem3A_2009, %select_n3A_2008 : i32
      %select_n3A_2019 = arith.select %and3A_2017, %add3A_2018, %rem3A_2009 : i32
      %mul3A_2020 = arith.constant 64 : i32
      %mul3A_2021 = arith.muli %select_n3A_2019, %mul3A_2020 : i32
      %add3A_2022 = arith.addi %add3A_2003, %mul3A_2021 : i32
      %dma_start3A_2023 = arith.constant 0 : i32
      %dma_start3A_2024 = tpu.memref_slice %arg4[%add3A_2022, %dma_start3A_2023] : memref<204800x256xf32, #tpu.memory_space<hbm>> -> memref<64x256xf32, #tpu.memory_space<hbm>>
      %dma_start3A_2025 = arith.constant 0 : i32
      %dma_start3A_2026 = tpu.memref_slice %arg4[%add3A_2022, %dma_start3A_2025] : memref<204800x256xf32, #tpu.memory_space<hbm>> -> memref<64x256xf32, #tpu.memory_space<hbm>>
      tpu.enqueue_dma source(%arg15 : memref<64x256xf32, #tpu.memory_space<vmem>>) target(%dma_start3A_2026 : memref<64x256xf32, #tpu.memory_space<hbm>>) target_semaphore(%arg27 : memref<!tpu.dma_semaphore, #tpu.memory_space<semaphore_mem>>)
      %mul3A_2027 = arith.constant 6 : i32
      %mul3A_2028 = arith.muli %scan3A_1173, %mul3A_2027 : i32
      %add3A_2029 = arith.constant 1 : i32
      %add3A_2030 = arith.addi %mul3A_2028, %add3A_2029 : i32
      %add3A_2031 = arith.constant 3 : i32
      %add3A_2032 = arith.addi %add3A_2030, %add3A_2031 : i32
      %sub3A_2033 = arith.constant 1 : i32
      %sub3A_2034 = arith.subi %add3A_2032, %sub3A_2033 : i32
      %jit3A_2035 = arith.constant 2 : i32
      %div3A_2036 = arith.divsi %sub3A_2034, %jit3A_2035 : i32
      %sign3A_2037 = arith.constant 0 : i32
      %sign3A_2038 = arith.cmpi sgt, %sub3A_2034, %sign3A_2037 : i32
      %sign3A_2039 = arith.extui %sign3A_2038 : i1 to i32
      %sign3A_2040 = arith.constant 0 : i32
      %sign3A_2041 = arith.cmpi slt, %sub3A_2034, %sign3A_2040 : i32
      %sign3A_2042 = arith.extui %sign3A_2041 : i1 to i32
      %sign3A_2043 = arith.subi %sign3A_2039, %sign3A_2042 : i32
      %sign3A_2044 = arith.constant 0 : i32
      %sign3A_2045 = arith.cmpi sgt, %jit3A_2035, %sign3A_2044 : i32
      %sign3A_2046 = arith.extui %sign3A_2045 : i1 to i32
      %sign3A_2047 = arith.constant 0 : i32
      %sign3A_2048 = arith.cmpi slt, %jit3A_2035, %sign3A_2047 : i32
      %sign3A_2049 = arith.extui %sign3A_2048 : i1 to i32
      %sign3A_2050 = arith.subi %sign3A_2046, %sign3A_2049 : i32
      %ne3A_2051 = arith.cmpi ne, %sign3A_2043, %sign3A_2050 : i32
      %rem3A_2052 = arith.remsi %sub3A_2034, %jit3A_2035 : i32
      %ne3A_2053 = arith.constant 0 : i32
      %ne3A_2054 = arith.cmpi ne, %rem3A_2052, %ne3A_2053 : i32
      %and3A_2055 = arith.andi %ne3A_2051, %ne3A_2054 : i1
      %sub3A_2056 = arith.constant 1 : i32
      %sub3A_2057 = arith.subi %div3A_2036, %sub3A_2056 : i32
      %select_n3A_2058 = arith.select %and3A_2055, %sub3A_2057, %div3A_2036 : i32
      %mul3A_2059 = arith.constant 4096 : i32
      %mul3A_2060 = arith.muli %select_n3A_2058, %mul3A_2059 : i32
      %add3A_2061 = arith.addi %mul3A_2060, %mul3A_2 : i32
      %jit3A_2062 = arith.constant 2 : i32
      %eq3A_2063 = arith.constant 0 : i32
      %eq3A_2064 = arith.cmpi eq, %jit3A_2062, %eq3A_2063 : i32
      %jit3A_2065 = arith.constant 1 : i32
      %select_n3A_2066 = arith.select %eq3A_2064, %jit3A_2065, %jit3A_2062 : i32
      %rem3A_2067 = arith.remsi %sub3A_2034, %select_n3A_2066 : i32
      %ne3A_2068 = arith.constant 0 : i32
      %ne3A_2069 = arith.cmpi ne, %rem3A_2067, %ne3A_2068 : i32
      %lt3A_2070 = arith.constant 0 : i32
      %lt3A_2071 = arith.cmpi slt, %rem3A_2067, %lt3A_2070 : i32
      %lt3A_2072 = arith.constant 0 : i32
      %lt3A_2073 = arith.cmpi slt, %select_n3A_2066, %lt3A_2072 : i32
      %ne3A_2074 = arith.xori %lt3A_2071, %lt3A_2073 : i1
      %and3A_2075 = arith.andi %ne3A_2074, %ne3A_2069 : i1
      %add3A_2076 = arith.addi %rem3A_2067, %select_n3A_2066 : i32
      %select_n3A_2077 = arith.select %and3A_2075, %add3A_2076, %rem3A_2067 : i32
      %mul3A_2078 = arith.constant 64 : i32
      %mul3A_2079 = arith.muli %select_n3A_2077, %mul3A_2078 : i32
      %add3A_2080 = arith.addi %add3A_2061, %mul3A_2079 : i32
      %dma_wait3A_2081 = arith.constant 0 : i32
      %dma_wait3A_2082 = tpu.memref_slice %arg4[%add3A_2080, %dma_wait3A_2081] : memref<204800x256xf32, #tpu.memory_space<hbm>> -> memref<64x256xf32, #tpu.memory_space<hbm>>
      %dma_wait3A_2083 = arith.constant 0 : i32
      %dma_wait3A_2084 = tpu.memref_slice %arg4[%add3A_2080, %dma_wait3A_2083] : memref<204800x256xf32, #tpu.memory_space<hbm>> -> memref<64x256xf32, #tpu.memory_space<hbm>>
      tpu.wait_dma2 semaphore(%arg27 : memref<!tpu.dma_semaphore, #tpu.memory_space<semaphore_mem>>) src(%arg15 : memref<64x256xf32, #tpu.memory_space<vmem>>) dst(%dma_wait3A_2084 : memref<64x256xf32, #tpu.memory_space<hbm>>)
      %add3A_2085 = arith.constant 6 : i32
      %add3A_2086 = arith.addi %add3A_2032, %add3A_2085 : i32
      %sub3A_2087 = arith.constant 1 : i32
      %sub3A_2088 = arith.subi %add3A_2086, %sub3A_2087 : i32
      %jit3A_2089 = arith.constant 2 : i32
      %div3A_2090 = arith.divsi %sub3A_2088, %jit3A_2089 : i32
      %sign3A_2091 = arith.constant 0 : i32
      %sign3A_2092 = arith.cmpi sgt, %sub3A_2088, %sign3A_2091 : i32
      %sign3A_2093 = arith.extui %sign3A_2092 : i1 to i32
      %sign3A_2094 = arith.constant 0 : i32
      %sign3A_2095 = arith.cmpi slt, %sub3A_2088, %sign3A_2094 : i32
      %sign3A_2096 = arith.extui %sign3A_2095 : i1 to i32
      %sign3A_2097 = arith.subi %sign3A_2093, %sign3A_2096 : i32
      %sign3A_2098 = arith.constant 0 : i32
      %sign3A_2099 = arith.cmpi sgt, %jit3A_2089, %sign3A_2098 : i32
      %sign3A_2100 = arith.extui %sign3A_2099 : i1 to i32
      %sign3A_2101 = arith.constant 0 : i32
      %sign3A_2102 = arith.cmpi slt, %jit3A_2089, %sign3A_2101 : i32
      %sign3A_2103 = arith.extui %sign3A_2102 : i1 to i32
      %sign3A_2104 = arith.subi %sign3A_2100, %sign3A_2103 : i32
      %ne3A_2105 = arith.cmpi ne, %sign3A_2097, %sign3A_2104 : i32
      %rem3A_2106 = arith.remsi %sub3A_2088, %jit3A_2089 : i32
      %ne3A_2107 = arith.constant 0 : i32
      %ne3A_2108 = arith.cmpi ne, %rem3A_2106, %ne3A_2107 : i32
      %and3A_2109 = arith.andi %ne3A_2105, %ne3A_2108 : i1
      %sub3A_2110 = arith.constant 1 : i32
      %sub3A_2111 = arith.subi %div3A_2090, %sub3A_2110 : i32
      %select_n3A_2112 = arith.select %and3A_2109, %sub3A_2111, %div3A_2090 : i32
      %jit3A_2113 = arith.constant 2 : i32
      %eq3A_2114 = arith.constant 0 : i32
      %eq3A_2115 = arith.cmpi eq, %jit3A_2113, %eq3A_2114 : i32
      %jit3A_2116 = arith.constant 1 : i32
      %select_n3A_2117 = arith.select %eq3A_2115, %jit3A_2116, %jit3A_2113 : i32
      %rem3A_2118 = arith.remsi %sub3A_2088, %select_n3A_2117 : i32
      %ne3A_2119 = arith.constant 0 : i32
      %ne3A_2120 = arith.cmpi ne, %rem3A_2118, %ne3A_2119 : i32
      %lt3A_2121 = arith.constant 0 : i32
      %lt3A_2122 = arith.cmpi slt, %rem3A_2118, %lt3A_2121 : i32
      %lt3A_2123 = arith.constant 0 : i32
      %lt3A_2124 = arith.cmpi slt, %select_n3A_2117, %lt3A_2123 : i32
      %ne3A_2125 = arith.xori %lt3A_2122, %lt3A_2124 : i1
      %and3A_2126 = arith.andi %ne3A_2125, %ne3A_2120 : i1
      %add3A_2127 = arith.addi %rem3A_2118, %select_n3A_2117 : i32
      %select_n3A_2128 = arith.select %and3A_2126, %add3A_2127, %rem3A_2118 : i32
      %sub3A_2129 = arith.constant 1 : i32
      %sub3A_2130 = arith.subi %select_n3A_2112, %sub3A_2129 : i32
      %max3A_2131 = arith.constant 0 : i32
      %max3A_2132 = arith.maxsi %sub3A_2130, %max3A_2131 : i32
      %eq3A_2133 = arith.constant 0 : i32
      %eq3A_2134 = arith.cmpi eq, %select_n3A_2112, %eq3A_2133 : i32
      %jit3A_2135 = arith.constant 0 : i32
      %jit3A_2136 = arith.constant 1 : i32
      %select_n3A_2137 = arith.select %eq3A_2134, %jit3A_2135, %jit3A_2136 : i32
      %mul3A_2138 = arith.constant 128 : i32
      %mul3A_2139 = arith.muli %select_n3A_2112, %mul3A_2138 : i32
      %mul3A_2140 = arith.constant 64 : i32
      %mul3A_2141 = arith.muli %select_n3A_2128, %mul3A_2140 : i32
      %add3A_2142 = arith.addi %mul3A_2139, %mul3A_2141 : i32
      %add3A_2143 = arith.constant 0 : i32
      %add3A_2144 = arith.addi %add3A_2142, %add3A_2143 : i32
      %get3A_2145 = arith.index_cast %add3A_2144 : i32 to index
      %get3A_2146 = tpu.vector_load %arg5[%get3A_2145] {strides = array<i32>} : memref<6400xi32, #tpu.memory_space<vmem>>, vector<16xi32>,
      %get3A_2147 = vector.shape_cast %get3A_2146 : vector<16xi32> to vector<16xi32>
      %mul3A_2148 = arith.constant 128 : i32
      %mul3A_2149 = arith.muli %max3A_2132, %mul3A_2148 : i32
      %mul3A_2150 = arith.constant 64 : i32
      %mul3A_2151 = arith.muli %select_n3A_2128, %mul3A_2150 : i32
      %add3A_2152 = arith.addi %mul3A_2149, %mul3A_2151 : i32
      %add3A_2153 = arith.constant 0 : i32
      %add3A_2154 = arith.addi %add3A_2152, %add3A_2153 : i32
      %get3A_2155 = arith.index_cast %add3A_2154 : i32 to index
      %get3A_2156 = tpu.vector_load %arg5[%get3A_2155] {strides = array<i32>} : memref<6400xi32, #tpu.memory_space<vmem>>, vector<16xi32>,
      %get3A_2157 = vector.shape_cast %get3A_2156 : vector<16xi32> to vector<16xi32>
      %mul3A_2158 = arith.constant 256 : i32
      %mul3A_2159 = vector.broadcast %mul3A_2158 : i32 to vector<16xi32>
      %mul3A_2160 = arith.muli %get3A_2157, %mul3A_2159 : vector<16xi32>
      %add3A_2161 = arith.addi %mul3A_2160, %get3A_2147 : vector<16xi32>
      %mul3A_2162 = vector.broadcast %select_n3A_2137 : i32 to vector<16xi32>
      %mul3A_2163 = arith.muli %add3A_2161, %mul3A_2162 : vector<16xi32>
      %swap3A_2164 = arith.constant 0 : index
      %swap3A_2165 = tpu.vector_load %arg9[%swap3A_2164] {strides = array<i32>} : memref<64xi32, #tpu.memory_space<vmem>>, vector<16xi32>,
      %swap3A_2166 = vector.shape_cast %swap3A_2165 : vector<16xi32> to vector<16xi32>
      %swap3A_2167 = vector.shape_cast %mul3A_2163 : vector<16xi32> to vector<16xi32>
      tpu.vector_store %arg9[%swap3A_2164], %swap3A_2167 {strides = array<i32>} : memref<64xi32, #tpu.memory_space<vmem>>, vector<16xi32>,
      %mul3A_2168 = arith.constant 128 : i32
      %mul3A_2169 = arith.muli %select_n3A_2112, %mul3A_2168 : i32
      %mul3A_2170 = arith.constant 64 : i32
      %mul3A_2171 = arith.muli %select_n3A_2128, %mul3A_2170 : i32
      %add3A_2172 = arith.addi %mul3A_2169, %mul3A_2171 : i32
      %add3A_2173 = arith.constant 16 : i32
      %add3A_2174 = arith.addi %add3A_2172, %add3A_2173 : i32
      %get3A_2175 = arith.index_cast %add3A_2174 : i32 to index
      %get3A_2176 = tpu.vector_load %arg5[%get3A_2175] {strides = array<i32>} : memref<6400xi32, #tpu.memory_space<vmem>>, vector<16xi32>,
      %get3A_2177 = vector.shape_cast %get3A_2176 : vector<16xi32> to vector<16xi32>
      %mul3A_2178 = arith.constant 128 : i32
      %mul3A_2179 = arith.muli %max3A_2132, %mul3A_2178 : i32
      %mul3A_2180 = arith.constant 64 : i32
      %mul3A_2181 = arith.muli %select_n3A_2128, %mul3A_2180 : i32
      %add3A_2182 = arith.addi %mul3A_2179, %mul3A_2181 : i32
      %add3A_2183 = arith.constant 16 : i32
      %add3A_2184 = arith.addi %add3A_2182, %add3A_2183 : i32
      %get3A_2185 = arith.index_cast %add3A_2184 : i32 to index
      %get3A_2186 = tpu.vector_load %arg5[%get3A_2185] {strides = array<i32>} : memref<6400xi32, #tpu.memory_space<vmem>>, vector<16xi32>,
      %get3A_2187 = vector.shape_cast %get3A_2186 : vector<16xi32> to vector<16xi32>
      %mul3A_2188 = arith.constant 256 : i32
      %mul3A_2189 = vector.broadcast %mul3A_2188 : i32 to vector<16xi32>
      %mul3A_2190 = arith.muli %get3A_2187, %mul3A_2189 : vector<16xi32>
      %add3A_2191 = arith.addi %mul3A_2190, %get3A_2177 : vector<16xi32>
      %mul3A_2192 = vector.broadcast %select_n3A_2137 : i32 to vector<16xi32>
      %mul3A_2193 = arith.muli %add3A_2191, %mul3A_2192 : vector<16xi32>
      %swap3A_2194 = arith.constant 16 : index
      %swap3A_2195 = tpu.vector_load %arg9[%swap3A_2194] {strides = array<i32>} : memref<64xi32, #tpu.memory_space<vmem>>, vector<16xi32>,
      %swap3A_2196 = vector.shape_cast %swap3A_2195 : vector<16xi32> to vector<16xi32>
      %swap3A_2197 = vector.shape_cast %mul3A_2193 : vector<16xi32> to vector<16xi32>
      tpu.vector_store %arg9[%swap3A_2194], %swap3A_2197 {strides = array<i32>} : memref<64xi32, #tpu.memory_space<vmem>>, vector<16xi32>,
      %mul3A_2198 = arith.constant 128 : i32
      %mul3A_2199 = arith.muli %select_n3A_2112, %mul3A_2198 : i32
      %mul3A_2200 = arith.constant 64 : i32
      %mul3A_2201 = arith.muli %select_n3A_2128, %mul3A_2200 : i32
      %add3A_2202 = arith.addi %mul3A_2199, %mul3A_2201 : i32
      %add3A_2203 = arith.constant 32 : i32
      %add3A_2204 = arith.addi %add3A_2202, %add3A_2203 : i32
      %get3A_2205 = arith.index_cast %add3A_2204 : i32 to index
      %get3A_2206 = tpu.vector_load %arg5[%get3A_2205] {strides = array<i32>} : memref<6400xi32, #tpu.memory_space<vmem>>, vector<16xi32>,
      %get3A_2207 = vector.shape_cast %get3A_2206 : vector<16xi32> to vector<16xi32>
      %mul3A_2208 = arith.constant 128 : i32
      %mul3A_2209 = arith.muli %max3A_2132, %mul3A_2208 : i32
      %mul3A_2210 = arith.constant 64 : i32
      %mul3A_2211 = arith.muli %select_n3A_2128, %mul3A_2210 : i32
      %add3A_2212 = arith.addi %mul3A_2209, %mul3A_2211 : i32
      %add3A_2213 = arith.constant 32 : i32
      %add3A_2214 = arith.addi %add3A_2212, %add3A_2213 : i32
      %get3A_2215 = arith.index_cast %add3A_2214 : i32 to index
      %get3A_2216 = tpu.vector_load %arg5[%get3A_2215] {strides = array<i32>} : memref<6400xi32, #tpu.memory_space<vmem>>, vector<16xi32>,
      %get3A_2217 = vector.shape_cast %get3A_2216 : vector<16xi32> to vector<16xi32>
      %mul3A_2218 = arith.constant 256 : i32
      %mul3A_2219 = vector.broadcast %mul3A_2218 : i32 to vector<16xi32>
      %mul3A_2220 = arith.muli %get3A_2217, %mul3A_2219 : vector<16xi32>
      %add3A_2221 = arith.addi %mul3A_2220, %get3A_2207 : vector<16xi32>
      %mul3A_2222 = vector.broadcast %select_n3A_2137 : i32 to vector<16xi32>
      %mul3A_2223 = arith.muli %add3A_2221, %mul3A_2222 : vector<16xi32>
      %swap3A_2224 = arith.constant 32 : index
      %swap3A_2225 = tpu.vector_load %arg9[%swap3A_2224] {strides = array<i32>} : memref<64xi32, #tpu.memory_space<vmem>>, vector<16xi32>,
      %swap3A_2226 = vector.shape_cast %swap3A_2225 : vector<16xi32> to vector<16xi32>
      %swap3A_2227 = vector.shape_cast %mul3A_2223 : vector<16xi32> to vector<16xi32>
      tpu.vector_store %arg9[%swap3A_2224], %swap3A_2227 {strides = array<i32>} : memref<64xi32, #tpu.memory_space<vmem>>, vector<16xi32>,
      %mul3A_2228 = arith.constant 128 : i32
      %mul3A_2229 = arith.muli %select_n3A_2112, %mul3A_2228 : i32
      %mul3A_2230 = arith.constant 64 : i32
      %mul3A_2231 = arith.muli %select_n3A_2128, %mul3A_2230 : i32
      %add3A_2232 = arith.addi %mul3A_2229, %mul3A_2231 : i32
      %add3A_2233 = arith.constant 48 : i32
      %add3A_2234 = arith.addi %add3A_2232, %add3A_2233 : i32
      %get3A_2235 = arith.index_cast %add3A_2234 : i32 to index
      %get3A_2236 = tpu.vector_load %arg5[%get3A_2235] {strides = array<i32>} : memref<6400xi32, #tpu.memory_space<vmem>>, vector<16xi32>,
      %get3A_2237 = vector.shape_cast %get3A_2236 : vector<16xi32> to vector<16xi32>
      %mul3A_2238 = arith.constant 128 : i32
      %mul3A_2239 = arith.muli %max3A_2132, %mul3A_2238 : i32
      %mul3A_2240 = arith.constant 64 : i32
      %mul3A_2241 = arith.muli %select_n3A_2128, %mul3A_2240 : i32
      %add3A_2242 = arith.addi %mul3A_2239, %mul3A_2241 : i32
      %add3A_2243 = arith.constant 48 : i32
      %add3A_2244 = arith.addi %add3A_2242, %add3A_2243 : i32
      %get3A_2245 = arith.index_cast %add3A_2244 : i32 to index
      %get3A_2246 = tpu.vector_load %arg5[%get3A_2245] {strides = array<i32>} : memref<6400xi32, #tpu.memory_space<vmem>>, vector<16xi32>,
      %get3A_2247 = vector.shape_cast %get3A_2246 : vector<16xi32> to vector<16xi32>
      %mul3A_2248 = arith.constant 256 : i32
      %mul3A_2249 = vector.broadcast %mul3A_2248 : i32 to vector<16xi32>
      %mul3A_2250 = arith.muli %get3A_2247, %mul3A_2249 : vector<16xi32>
      %add3A_2251 = arith.addi %mul3A_2250, %get3A_2237 : vector<16xi32>
      %mul3A_2252 = vector.broadcast %select_n3A_2137 : i32 to vector<16xi32>
      %mul3A_2253 = arith.muli %add3A_2251, %mul3A_2252 : vector<16xi32>
      %swap3A_2254 = arith.constant 48 : index
      %swap3A_2255 = tpu.vector_load %arg9[%swap3A_2254] {strides = array<i32>} : memref<64xi32, #tpu.memory_space<vmem>>, vector<16xi32>,
      %swap3A_2256 = vector.shape_cast %swap3A_2255 : vector<16xi32> to vector<16xi32>
      %swap3A_2257 = vector.shape_cast %mul3A_2253 : vector<16xi32> to vector<16xi32>
      tpu.vector_store %arg9[%swap3A_2254], %swap3A_2257 {strides = array<i32>} : memref<64xi32, #tpu.memory_space<vmem>>, vector<16xi32>,
      %dma_start3A_2258 = arith.constant 0 : i32
      %dma_start3A_2259 = arith.constant 0 : i32
      %dma_start3A_2260 = tpu.memref_slice %arg3[%dma_start3A_2258, %dma_start3A_2259] : memref<65536x256xf32, #tpu.memory_space<hbm>> -> memref<65536x256xf32, #tpu.memory_space<hbm>>
      tpu.enqueue_indirect_dma source(%dma_start3A_2260 : memref<65536x256xf32, #tpu.memory_space<hbm>>) target(%arg15 : memref<64x256xf32, #tpu.memory_space<vmem>>) offsets(%arg9 : memref<64xi32, #tpu.memory_space<vmem>>) semaphore(%arg21 : memref<!tpu.dma_semaphore, #tpu.memory_space<semaphore_mem>>)
      %dma_wait3A_2261 = arith.constant 0 : i32
      %dma_wait3A_2262 = arith.constant 0 : i32
      %dma_wait3A_2263 = tpu.memref_slice %arg3[%dma_wait3A_2261, %dma_wait3A_2262] : memref<65536x256xf32, #tpu.memory_space<hbm>> -> memref<65536x256xf32, #tpu.memory_space<hbm>>
      tpu.wait_indirect_dma semaphore(%arg22 : memref<!tpu.dma_semaphore, #tpu.memory_space<semaphore_mem>>) src(%dma_wait3A_2263 : memref<65536x256xf32, #tpu.memory_space<hbm>>) dst(%arg16 : memref<64x256xf32, #tpu.memory_space<vmem>>)
      %jit3A_2264 = arith.constant 2 : i32
      %div3A_2265 = arith.divsi %add3A_2032, %jit3A_2264 : i32
      %sign3A_2266 = arith.constant 0 : i32
      %sign3A_2267 = arith.cmpi sgt, %add3A_2032, %sign3A_2266 : i32
      %sign3A_2268 = arith.extui %sign3A_2267 : i1 to i32
      %sign3A_2269 = arith.constant 0 : i32
      %sign3A_2270 = arith.cmpi slt, %add3A_2032, %sign3A_2269 : i32
      %sign3A_2271 = arith.extui %sign3A_2270 : i1 to i32
      %sign3A_2272 = arith.subi %sign3A_2268, %sign3A_2271 : i32
      %sign3A_2273 = arith.constant 0 : i32
      %sign3A_2274 = arith.cmpi sgt, %jit3A_2264, %sign3A_2273 : i32
      %sign3A_2275 = arith.extui %sign3A_2274 : i1 to i32
      %sign3A_2276 = arith.constant 0 : i32
      %sign3A_2277 = arith.cmpi slt, %jit3A_2264, %sign3A_2276 : i32
      %sign3A_2278 = arith.extui %sign3A_2277 : i1 to i32
      %sign3A_2279 = arith.subi %sign3A_2275, %sign3A_2278 : i32
      %ne3A_2280 = arith.cmpi ne, %sign3A_2272, %sign3A_2279 : i32
      %rem3A_2281 = arith.remsi %add3A_2032, %jit3A_2264 : i32
      %ne3A_2282 = arith.constant 0 : i32
      %ne3A_2283 = arith.cmpi ne, %rem3A_2281, %ne3A_2282 : i32
      %and3A_2284 = arith.andi %ne3A_2280, %ne3A_2283 : i1
      %sub3A_2285 = arith.constant 1 : i32
      %sub3A_2286 = arith.subi %div3A_2265, %sub3A_2285 : i32
      %select_n3A_2287 = arith.select %and3A_2284, %sub3A_2286, %div3A_2265 : i32
      %mul3A_2288 = arith.constant 4096 : i32
      %mul3A_2289 = arith.muli %select_n3A_2287, %mul3A_2288 : i32
      %add3A_2290 = arith.addi %mul3A_2289, %mul3A_2 : i32
      %jit3A_2291 = arith.constant 2 : i32
      %eq3A_2292 = arith.constant 0 : i32
      %eq3A_2293 = arith.cmpi eq, %jit3A_2291, %eq3A_2292 : i32
      %jit3A_2294 = arith.constant 1 : i32
      %select_n3A_2295 = arith.select %eq3A_2293, %jit3A_2294, %jit3A_2291 : i32
      %rem3A_2296 = arith.remsi %add3A_2032, %select_n3A_2295 : i32
      %ne3A_2297 = arith.constant 0 : i32
      %ne3A_2298 = arith.cmpi ne, %rem3A_2296, %ne3A_2297 : i32
      %lt3A_2299 = arith.constant 0 : i32
      %lt3A_2300 = arith.cmpi slt, %rem3A_2296, %lt3A_2299 : i32
      %lt3A_2301 = arith.constant 0 : i32
      %lt3A_2302 = arith.cmpi slt, %select_n3A_2295, %lt3A_2301 : i32
      %ne3A_2303 = arith.xori %lt3A_2300, %lt3A_2302 : i1
      %and3A_2304 = arith.andi %ne3A_2303, %ne3A_2298 : i1
      %add3A_2305 = arith.addi %rem3A_2296, %select_n3A_2295 : i32
      %select_n3A_2306 = arith.select %and3A_2304, %add3A_2305, %rem3A_2296 : i32
      %mul3A_2307 = arith.constant 64 : i32
      %mul3A_2308 = arith.muli %select_n3A_2306, %mul3A_2307 : i32
      %add3A_2309 = arith.addi %add3A_2290, %mul3A_2308 : i32
      %dma_start3A_2310 = arith.constant 0 : i32
      %dma_start3A_2311 = tpu.memref_slice %arg4[%add3A_2309, %dma_start3A_2310] : memref<204800x256xf32, #tpu.memory_space<hbm>> -> memref<64x256xf32, #tpu.memory_space<hbm>>
      %dma_start3A_2312 = arith.constant 0 : i32
      %dma_start3A_2313 = tpu.memref_slice %arg4[%add3A_2309, %dma_start3A_2312] : memref<204800x256xf32, #tpu.memory_space<hbm>> -> memref<64x256xf32, #tpu.memory_space<hbm>>
      tpu.enqueue_dma source(%arg16 : memref<64x256xf32, #tpu.memory_space<vmem>>) target(%dma_start3A_2313 : memref<64x256xf32, #tpu.memory_space<hbm>>) target_semaphore(%arg28 : memref<!tpu.dma_semaphore, #tpu.memory_space<semaphore_mem>>)
      %mul3A_2314 = arith.constant 6 : i32
      %mul3A_2315 = arith.muli %scan3A_1173, %mul3A_2314 : i32
      %add3A_2316 = arith.constant 1 : i32
      %add3A_2317 = arith.addi %mul3A_2315, %add3A_2316 : i32
      %add3A_2318 = arith.constant 4 : i32
      %add3A_2319 = arith.addi %add3A_2317, %add3A_2318 : i32
      %sub3A_2320 = arith.constant 1 : i32
      %sub3A_2321 = arith.subi %add3A_2319, %sub3A_2320 : i32
      %jit3A_2322 = arith.constant 2 : i32
      %div3A_2323 = arith.divsi %sub3A_2321, %jit3A_2322 : i32
      %sign3A_2324 = arith.constant 0 : i32
      %sign3A_2325 = arith.cmpi sgt, %sub3A_2321, %sign3A_2324 : i32
      %sign3A_2326 = arith.extui %sign3A_2325 : i1 to i32
      %sign3A_2327 = arith.constant 0 : i32
      %sign3A_2328 = arith.cmpi slt, %sub3A_2321, %sign3A_2327 : i32
      %sign3A_2329 = arith.extui %sign3A_2328 : i1 to i32
      %sign3A_2330 = arith.subi %sign3A_2326, %sign3A_2329 : i32
      %sign3A_2331 = arith.constant 0 : i32
      %sign3A_2332 = arith.cmpi sgt, %jit3A_2322, %sign3A_2331 : i32
      %sign3A_2333 = arith.extui %sign3A_2332 : i1 to i32
      %sign3A_2334 = arith.constant 0 : i32
      %sign3A_2335 = arith.cmpi slt, %jit3A_2322, %sign3A_2334 : i32
      %sign3A_2336 = arith.extui %sign3A_2335 : i1 to i32
      %sign3A_2337 = arith.subi %sign3A_2333, %sign3A_2336 : i32
      %ne3A_2338 = arith.cmpi ne, %sign3A_2330, %sign3A_2337 : i32
      %rem3A_2339 = arith.remsi %sub3A_2321, %jit3A_2322 : i32
      %ne3A_2340 = arith.constant 0 : i32
      %ne3A_2341 = arith.cmpi ne, %rem3A_2339, %ne3A_2340 : i32
      %and3A_2342 = arith.andi %ne3A_2338, %ne3A_2341 : i1
      %sub3A_2343 = arith.constant 1 : i32
      %sub3A_2344 = arith.subi %div3A_2323, %sub3A_2343 : i32
      %select_n3A_2345 = arith.select %and3A_2342, %sub3A_2344, %div3A_2323 : i32
      %mul3A_2346 = arith.constant 4096 : i32
      %mul3A_2347 = arith.muli %select_n3A_2345, %mul3A_2346 : i32
      %add3A_2348 = arith.addi %mul3A_2347, %mul3A_2 : i32
      %jit3A_2349 = arith.constant 2 : i32
      %eq3A_2350 = arith.constant 0 : i32
      %eq3A_2351 = arith.cmpi eq, %jit3A_2349, %eq3A_2350 : i32
      %jit3A_2352 = arith.constant 1 : i32
      %select_n3A_2353 = arith.select %eq3A_2351, %jit3A_2352, %jit3A_2349 : i32
      %rem3A_2354 = arith.remsi %sub3A_2321, %select_n3A_2353 : i32
      %ne3A_2355 = arith.constant 0 : i32
      %ne3A_2356 = arith.cmpi ne, %rem3A_2354, %ne3A_2355 : i32
      %lt3A_2357 = arith.constant 0 : i32
      %lt3A_2358 = arith.cmpi slt, %rem3A_2354, %lt3A_2357 : i32
      %lt3A_2359 = arith.constant 0 : i32
      %lt3A_2360 = arith.cmpi slt, %select_n3A_2353, %lt3A_2359 : i32
      %ne3A_2361 = arith.xori %lt3A_2358, %lt3A_2360 : i1
      %and3A_2362 = arith.andi %ne3A_2361, %ne3A_2356 : i1
      %add3A_2363 = arith.addi %rem3A_2354, %select_n3A_2353 : i32
      %select_n3A_2364 = arith.select %and3A_2362, %add3A_2363, %rem3A_2354 : i32
      %mul3A_2365 = arith.constant 64 : i32
      %mul3A_2366 = arith.muli %select_n3A_2364, %mul3A_2365 : i32
      %add3A_2367 = arith.addi %add3A_2348, %mul3A_2366 : i32
      %dma_wait3A_2368 = arith.constant 0 : i32
      %dma_wait3A_2369 = tpu.memref_slice %arg4[%add3A_2367, %dma_wait3A_2368] : memref<204800x256xf32, #tpu.memory_space<hbm>> -> memref<64x256xf32, #tpu.memory_space<hbm>>
      %dma_wait3A_2370 = arith.constant 0 : i32
      %dma_wait3A_2371 = tpu.memref_slice %arg4[%add3A_2367, %dma_wait3A_2370] : memref<204800x256xf32, #tpu.memory_space<hbm>> -> memref<64x256xf32, #tpu.memory_space<hbm>>
      tpu.wait_dma2 semaphore(%arg28 : memref<!tpu.dma_semaphore, #tpu.memory_space<semaphore_mem>>) src(%arg16 : memref<64x256xf32, #tpu.memory_space<vmem>>) dst(%dma_wait3A_2371 : memref<64x256xf32, #tpu.memory_space<hbm>>)
      %add3A_2372 = arith.constant 6 : i32
      %add3A_2373 = arith.addi %add3A_2319, %add3A_2372 : i32
      %sub3A_2374 = arith.constant 1 : i32
      %sub3A_2375 = arith.subi %add3A_2373, %sub3A_2374 : i32
      %jit3A_2376 = arith.constant 2 : i32
      %div3A_2377 = arith.divsi %sub3A_2375, %jit3A_2376 : i32
      %sign3A_2378 = arith.constant 0 : i32
      %sign3A_2379 = arith.cmpi sgt, %sub3A_2375, %sign3A_2378 : i32
      %sign3A_2380 = arith.extui %sign3A_2379 : i1 to i32
      %sign3A_2381 = arith.constant 0 : i32
      %sign3A_2382 = arith.cmpi slt, %sub3A_2375, %sign3A_2381 : i32
      %sign3A_2383 = arith.extui %sign3A_2382 : i1 to i32
      %sign3A_2384 = arith.subi %sign3A_2380, %sign3A_2383 : i32
      %sign3A_2385 = arith.constant 0 : i32
      %sign3A_2386 = arith.cmpi sgt, %jit3A_2376, %sign3A_2385 : i32
      %sign3A_2387 = arith.extui %sign3A_2386 : i1 to i32
      %sign3A_2388 = arith.constant 0 : i32
      %sign3A_2389 = arith.cmpi slt, %jit3A_2376, %sign3A_2388 : i32
      %sign3A_2390 = arith.extui %sign3A_2389 : i1 to i32
      %sign3A_2391 = arith.subi %sign3A_2387, %sign3A_2390 : i32
      %ne3A_2392 = arith.cmpi ne, %sign3A_2384, %sign3A_2391 : i32
      %rem3A_2393 = arith.remsi %sub3A_2375, %jit3A_2376 : i32
      %ne3A_2394 = arith.constant 0 : i32
      %ne3A_2395 = arith.cmpi ne, %rem3A_2393, %ne3A_2394 : i32
      %and3A_2396 = arith.andi %ne3A_2392, %ne3A_2395 : i1
      %sub3A_2397 = arith.constant 1 : i32
      %sub3A_2398 = arith.subi %div3A_2377, %sub3A_2397 : i32
      %select_n3A_2399 = arith.select %and3A_2396, %sub3A_2398, %div3A_2377 : i32
      %jit3A_2400 = arith.constant 2 : i32
      %eq3A_2401 = arith.constant 0 : i32
      %eq3A_2402 = arith.cmpi eq, %jit3A_2400, %eq3A_2401 : i32
      %jit3A_2403 = arith.constant 1 : i32
      %select_n3A_2404 = arith.select %eq3A_2402, %jit3A_2403, %jit3A_2400 : i32
      %rem3A_2405 = arith.remsi %sub3A_2375, %select_n3A_2404 : i32
      %ne3A_2406 = arith.constant 0 : i32
      %ne3A_2407 = arith.cmpi ne, %rem3A_2405, %ne3A_2406 : i32
      %lt3A_2408 = arith.constant 0 : i32
      %lt3A_2409 = arith.cmpi slt, %rem3A_2405, %lt3A_2408 : i32
      %lt3A_2410 = arith.constant 0 : i32
      %lt3A_2411 = arith.cmpi slt, %select_n3A_2404, %lt3A_2410 : i32
      %ne3A_2412 = arith.xori %lt3A_2409, %lt3A_2411 : i1
      %and3A_2413 = arith.andi %ne3A_2412, %ne3A_2407 : i1
      %add3A_2414 = arith.addi %rem3A_2405, %select_n3A_2404 : i32
      %select_n3A_2415 = arith.select %and3A_2413, %add3A_2414, %rem3A_2405 : i32
      %sub3A_2416 = arith.constant 1 : i32
      %sub3A_2417 = arith.subi %select_n3A_2399, %sub3A_2416 : i32
      %max3A_2418 = arith.constant 0 : i32
      %max3A_2419 = arith.maxsi %sub3A_2417, %max3A_2418 : i32
      %eq3A_2420 = arith.constant 0 : i32
      %eq3A_2421 = arith.cmpi eq, %select_n3A_2399, %eq3A_2420 : i32
      %jit3A_2422 = arith.constant 0 : i32
      %jit3A_2423 = arith.constant 1 : i32
      %select_n3A_2424 = arith.select %eq3A_2421, %jit3A_2422, %jit3A_2423 : i32
      %mul3A_2425 = arith.constant 128 : i32
      %mul3A_2426 = arith.muli %select_n3A_2399, %mul3A_2425 : i32
      %mul3A_2427 = arith.constant 64 : i32
      %mul3A_2428 = arith.muli %select_n3A_2415, %mul3A_2427 : i32
      %add3A_2429 = arith.addi %mul3A_2426, %mul3A_2428 : i32
      %add3A_2430 = arith.constant 0 : i32
      %add3A_2431 = arith.addi %add3A_2429, %add3A_2430 : i32
      %get3A_2432 = arith.index_cast %add3A_2431 : i32 to index
      %get3A_2433 = tpu.vector_load %arg5[%get3A_2432] {strides = array<i32>} : memref<6400xi32, #tpu.memory_space<vmem>>, vector<16xi32>,
      %get3A_2434 = vector.shape_cast %get3A_2433 : vector<16xi32> to vector<16xi32>
      %mul3A_2435 = arith.constant 128 : i32
      %mul3A_2436 = arith.muli %max3A_2419, %mul3A_2435 : i32
      %mul3A_2437 = arith.constant 64 : i32
      %mul3A_2438 = arith.muli %select_n3A_2415, %mul3A_2437 : i32
      %add3A_2439 = arith.addi %mul3A_2436, %mul3A_2438 : i32
      %add3A_2440 = arith.constant 0 : i32
      %add3A_2441 = arith.addi %add3A_2439, %add3A_2440 : i32
      %get3A_2442 = arith.index_cast %add3A_2441 : i32 to index
      %get3A_2443 = tpu.vector_load %arg5[%get3A_2442] {strides = array<i32>} : memref<6400xi32, #tpu.memory_space<vmem>>, vector<16xi32>,
      %get3A_2444 = vector.shape_cast %get3A_2443 : vector<16xi32> to vector<16xi32>
      %mul3A_2445 = arith.constant 256 : i32
      %mul3A_2446 = vector.broadcast %mul3A_2445 : i32 to vector<16xi32>
      %mul3A_2447 = arith.muli %get3A_2444, %mul3A_2446 : vector<16xi32>
      %add3A_2448 = arith.addi %mul3A_2447, %get3A_2434 : vector<16xi32>
      %mul3A_2449 = vector.broadcast %select_n3A_2424 : i32 to vector<16xi32>
      %mul3A_2450 = arith.muli %add3A_2448, %mul3A_2449 : vector<16xi32>
      %swap3A_2451 = arith.constant 0 : index
      %swap3A_2452 = tpu.vector_load %arg10[%swap3A_2451] {strides = array<i32>} : memref<64xi32, #tpu.memory_space<vmem>>, vector<16xi32>,
      %swap3A_2453 = vector.shape_cast %swap3A_2452 : vector<16xi32> to vector<16xi32>
      %swap3A_2454 = vector.shape_cast %mul3A_2450 : vector<16xi32> to vector<16xi32>
      tpu.vector_store %arg10[%swap3A_2451], %swap3A_2454 {strides = array<i32>} : memref<64xi32, #tpu.memory_space<vmem>>, vector<16xi32>,
      %mul3A_2455 = arith.constant 128 : i32
      %mul3A_2456 = arith.muli %select_n3A_2399, %mul3A_2455 : i32
      %mul3A_2457 = arith.constant 64 : i32
      %mul3A_2458 = arith.muli %select_n3A_2415, %mul3A_2457 : i32
      %add3A_2459 = arith.addi %mul3A_2456, %mul3A_2458 : i32
      %add3A_2460 = arith.constant 16 : i32
      %add3A_2461 = arith.addi %add3A_2459, %add3A_2460 : i32
      %get3A_2462 = arith.index_cast %add3A_2461 : i32 to index
      %get3A_2463 = tpu.vector_load %arg5[%get3A_2462] {strides = array<i32>} : memref<6400xi32, #tpu.memory_space<vmem>>, vector<16xi32>,
      %get3A_2464 = vector.shape_cast %get3A_2463 : vector<16xi32> to vector<16xi32>
      %mul3A_2465 = arith.constant 128 : i32
      %mul3A_2466 = arith.muli %max3A_2419, %mul3A_2465 : i32
      %mul3A_2467 = arith.constant 64 : i32
      %mul3A_2468 = arith.muli %select_n3A_2415, %mul3A_2467 : i32
      %add3A_2469 = arith.addi %mul3A_2466, %mul3A_2468 : i32
      %add3A_2470 = arith.constant 16 : i32
      %add3A_2471 = arith.addi %add3A_2469, %add3A_2470 : i32
      %get3A_2472 = arith.index_cast %add3A_2471 : i32 to index
      %get3A_2473 = tpu.vector_load %arg5[%get3A_2472] {strides = array<i32>} : memref<6400xi32, #tpu.memory_space<vmem>>, vector<16xi32>,
      %get3A_2474 = vector.shape_cast %get3A_2473 : vector<16xi32> to vector<16xi32>
      %mul3A_2475 = arith.constant 256 : i32
      %mul3A_2476 = vector.broadcast %mul3A_2475 : i32 to vector<16xi32>
      %mul3A_2477 = arith.muli %get3A_2474, %mul3A_2476 : vector<16xi32>
      %add3A_2478 = arith.addi %mul3A_2477, %get3A_2464 : vector<16xi32>
      %mul3A_2479 = vector.broadcast %select_n3A_2424 : i32 to vector<16xi32>
      %mul3A_2480 = arith.muli %add3A_2478, %mul3A_2479 : vector<16xi32>
      %swap3A_2481 = arith.constant 16 : index
      %swap3A_2482 = tpu.vector_load %arg10[%swap3A_2481] {strides = array<i32>} : memref<64xi32, #tpu.memory_space<vmem>>, vector<16xi32>,
      %swap3A_2483 = vector.shape_cast %swap3A_2482 : vector<16xi32> to vector<16xi32>
      %swap3A_2484 = vector.shape_cast %mul3A_2480 : vector<16xi32> to vector<16xi32>
      tpu.vector_store %arg10[%swap3A_2481], %swap3A_2484 {strides = array<i32>} : memref<64xi32, #tpu.memory_space<vmem>>, vector<16xi32>,
      %mul3A_2485 = arith.constant 128 : i32
      %mul3A_2486 = arith.muli %select_n3A_2399, %mul3A_2485 : i32
      %mul3A_2487 = arith.constant 64 : i32
      %mul3A_2488 = arith.muli %select_n3A_2415, %mul3A_2487 : i32
      %add3A_2489 = arith.addi %mul3A_2486, %mul3A_2488 : i32
      %add3A_2490 = arith.constant 32 : i32
      %add3A_2491 = arith.addi %add3A_2489, %add3A_2490 : i32
      %get3A_2492 = arith.index_cast %add3A_2491 : i32 to index
      %get3A_2493 = tpu.vector_load %arg5[%get3A_2492] {strides = array<i32>} : memref<6400xi32, #tpu.memory_space<vmem>>, vector<16xi32>,
      %get3A_2494 = vector.shape_cast %get3A_2493 : vector<16xi32> to vector<16xi32>
      %mul3A_2495 = arith.constant 128 : i32
      %mul3A_2496 = arith.muli %max3A_2419, %mul3A_2495 : i32
      %mul3A_2497 = arith.constant 64 : i32
      %mul3A_2498 = arith.muli %select_n3A_2415, %mul3A_2497 : i32
      %add3A_2499 = arith.addi %mul3A_2496, %mul3A_2498 : i32
      %add3A_2500 = arith.constant 32 : i32
      %add3A_2501 = arith.addi %add3A_2499, %add3A_2500 : i32
      %get3A_2502 = arith.index_cast %add3A_2501 : i32 to index
      %get3A_2503 = tpu.vector_load %arg5[%get3A_2502] {strides = array<i32>} : memref<6400xi32, #tpu.memory_space<vmem>>, vector<16xi32>,
      %get3A_2504 = vector.shape_cast %get3A_2503 : vector<16xi32> to vector<16xi32>
      %mul3A_2505 = arith.constant 256 : i32
      %mul3A_2506 = vector.broadcast %mul3A_2505 : i32 to vector<16xi32>
      %mul3A_2507 = arith.muli %get3A_2504, %mul3A_2506 : vector<16xi32>
      %add3A_2508 = arith.addi %mul3A_2507, %get3A_2494 : vector<16xi32>
      %mul3A_2509 = vector.broadcast %select_n3A_2424 : i32 to vector<16xi32>
      %mul3A_2510 = arith.muli %add3A_2508, %mul3A_2509 : vector<16xi32>
      %swap3A_2511 = arith.constant 32 : index
      %swap3A_2512 = tpu.vector_load %arg10[%swap3A_2511] {strides = array<i32>} : memref<64xi32, #tpu.memory_space<vmem>>, vector<16xi32>,
      %swap3A_2513 = vector.shape_cast %swap3A_2512 : vector<16xi32> to vector<16xi32>
      %swap3A_2514 = vector.shape_cast %mul3A_2510 : vector<16xi32> to vector<16xi32>
      tpu.vector_store %arg10[%swap3A_2511], %swap3A_2514 {strides = array<i32>} : memref<64xi32, #tpu.memory_space<vmem>>, vector<16xi32>,
      %mul3A_2515 = arith.constant 128 : i32
      %mul3A_2516 = arith.muli %select_n3A_2399, %mul3A_2515 : i32
      %mul3A_2517 = arith.constant 64 : i32
      %mul3A_2518 = arith.muli %select_n3A_2415, %mul3A_2517 : i32
      %add3A_2519 = arith.addi %mul3A_2516, %mul3A_2518 : i32
      %add3A_2520 = arith.constant 48 : i32
      %add3A_2521 = arith.addi %add3A_2519, %add3A_2520 : i32
      %get3A_2522 = arith.index_cast %add3A_2521 : i32 to index
      %get3A_2523 = tpu.vector_load %arg5[%get3A_2522] {strides = array<i32>} : memref<6400xi32, #tpu.memory_space<vmem>>, vector<16xi32>,
      %get3A_2524 = vector.shape_cast %get3A_2523 : vector<16xi32> to vector<16xi32>
      %mul3A_2525 = arith.constant 128 : i32
      %mul3A_2526 = arith.muli %max3A_2419, %mul3A_2525 : i32
      %mul3A_2527 = arith.constant 64 : i32
      %mul3A_2528 = arith.muli %select_n3A_2415, %mul3A_2527 : i32
      %add3A_2529 = arith.addi %mul3A_2526, %mul3A_2528 : i32
      %add3A_2530 = arith.constant 48 : i32
      %add3A_2531 = arith.addi %add3A_2529, %add3A_2530 : i32
      %get3A_2532 = arith.index_cast %add3A_2531 : i32 to index
      %get3A_2533 = tpu.vector_load %arg5[%get3A_2532] {strides = array<i32>} : memref<6400xi32, #tpu.memory_space<vmem>>, vector<16xi32>,
      %get3A_2534 = vector.shape_cast %get3A_2533 : vector<16xi32> to vector<16xi32>
      %mul3A_2535 = arith.constant 256 : i32
      %mul3A_2536 = vector.broadcast %mul3A_2535 : i32 to vector<16xi32>
      %mul3A_2537 = arith.muli %get3A_2534, %mul3A_2536 : vector<16xi32>
      %add3A_2538 = arith.addi %mul3A_2537, %get3A_2524 : vector<16xi32>
      %mul3A_2539 = vector.broadcast %select_n3A_2424 : i32 to vector<16xi32>
      %mul3A_2540 = arith.muli %add3A_2538, %mul3A_2539 : vector<16xi32>
      %swap3A_2541 = arith.constant 48 : index
      %swap3A_2542 = tpu.vector_load %arg10[%swap3A_2541] {strides = array<i32>} : memref<64xi32, #tpu.memory_space<vmem>>, vector<16xi32>,
      %swap3A_2543 = vector.shape_cast %swap3A_2542 : vector<16xi32> to vector<16xi32>
      %swap3A_2544 = vector.shape_cast %mul3A_2540 : vector<16xi32> to vector<16xi32>
      tpu.vector_store %arg10[%swap3A_2541], %swap3A_2544 {strides = array<i32>} : memref<64xi32, #tpu.memory_space<vmem>>, vector<16xi32>,
      %dma_start3A_2545 = arith.constant 0 : i32
      %dma_start3A_2546 = arith.constant 0 : i32
      %dma_start3A_2547 = tpu.memref_slice %arg3[%dma_start3A_2545, %dma_start3A_2546] : memref<65536x256xf32, #tpu.memory_space<hbm>> -> memref<65536x256xf32, #tpu.memory_space<hbm>>
      tpu.enqueue_indirect_dma source(%dma_start3A_2547 : memref<65536x256xf32, #tpu.memory_space<hbm>>) target(%arg16 : memref<64x256xf32, #tpu.memory_space<vmem>>) offsets(%arg10 : memref<64xi32, #tpu.memory_space<vmem>>) semaphore(%arg22 : memref<!tpu.dma_semaphore, #tpu.memory_space<semaphore_mem>>)
      %dma_wait3A_2548 = arith.constant 0 : i32
      %dma_wait3A_2549 = arith.constant 0 : i32
      %dma_wait3A_2550 = tpu.memref_slice %arg3[%dma_wait3A_2548, %dma_wait3A_2549] : memref<65536x256xf32, #tpu.memory_space<hbm>> -> memref<65536x256xf32, #tpu.memory_space<hbm>>
      tpu.wait_indirect_dma semaphore(%arg23 : memref<!tpu.dma_semaphore, #tpu.memory_space<semaphore_mem>>) src(%dma_wait3A_2550 : memref<65536x256xf32, #tpu.memory_space<hbm>>) dst(%arg17 : memref<64x256xf32, #tpu.memory_space<vmem>>)
      %jit3A_2551 = arith.constant 2 : i32
      %div3A_2552 = arith.divsi %add3A_2319, %jit3A_2551 : i32
      %sign3A_2553 = arith.constant 0 : i32
      %sign3A_2554 = arith.cmpi sgt, %add3A_2319, %sign3A_2553 : i32
      %sign3A_2555 = arith.extui %sign3A_2554 : i1 to i32
      %sign3A_2556 = arith.constant 0 : i32
      %sign3A_2557 = arith.cmpi slt, %add3A_2319, %sign3A_2556 : i32
      %sign3A_2558 = arith.extui %sign3A_2557 : i1 to i32
      %sign3A_2559 = arith.subi %sign3A_2555, %sign3A_2558 : i32
      %sign3A_2560 = arith.constant 0 : i32
      %sign3A_2561 = arith.cmpi sgt, %jit3A_2551, %sign3A_2560 : i32
      %sign3A_2562 = arith.extui %sign3A_2561 : i1 to i32
      %sign3A_2563 = arith.constant 0 : i32
      %sign3A_2564 = arith.cmpi slt, %jit3A_2551, %sign3A_2563 : i32
      %sign3A_2565 = arith.extui %sign3A_2564 : i1 to i32
      %sign3A_2566 = arith.subi %sign3A_2562, %sign3A_2565 : i32
      %ne3A_2567 = arith.cmpi ne, %sign3A_2559, %sign3A_2566 : i32
      %rem3A_2568 = arith.remsi %add3A_2319, %jit3A_2551 : i32
      %ne3A_2569 = arith.constant 0 : i32
      %ne3A_2570 = arith.cmpi ne, %rem3A_2568, %ne3A_2569 : i32
      %and3A_2571 = arith.andi %ne3A_2567, %ne3A_2570 : i1
      %sub3A_2572 = arith.constant 1 : i32
      %sub3A_2573 = arith.subi %div3A_2552, %sub3A_2572 : i32
      %select_n3A_2574 = arith.select %and3A_2571, %sub3A_2573, %div3A_2552 : i32
      %mul3A_2575 = arith.constant 4096 : i32
      %mul3A_2576 = arith.muli %select_n3A_2574, %mul3A_2575 : i32
      %add3A_2577 = arith.addi %mul3A_2576, %mul3A_2 : i32
      %jit3A_2578 = arith.constant 2 : i32
      %eq3A_2579 = arith.constant 0 : i32
      %eq3A_2580 = arith.cmpi eq, %jit3A_2578, %eq3A_2579 : i32
      %jit3A_2581 = arith.constant 1 : i32
      %select_n3A_2582 = arith.select %eq3A_2580, %jit3A_2581, %jit3A_2578 : i32
      %rem3A_2583 = arith.remsi %add3A_2319, %select_n3A_2582 : i32
      %ne3A_2584 = arith.constant 0 : i32
      %ne3A_2585 = arith.cmpi ne, %rem3A_2583, %ne3A_2584 : i32
      %lt3A_2586 = arith.constant 0 : i32
      %lt3A_2587 = arith.cmpi slt, %rem3A_2583, %lt3A_2586 : i32
      %lt3A_2588 = arith.constant 0 : i32
      %lt3A_2589 = arith.cmpi slt, %select_n3A_2582, %lt3A_2588 : i32
      %ne3A_2590 = arith.xori %lt3A_2587, %lt3A_2589 : i1
      %and3A_2591 = arith.andi %ne3A_2590, %ne3A_2585 : i1
      %add3A_2592 = arith.addi %rem3A_2583, %select_n3A_2582 : i32
      %select_n3A_2593 = arith.select %and3A_2591, %add3A_2592, %rem3A_2583 : i32
      %mul3A_2594 = arith.constant 64 : i32
      %mul3A_2595 = arith.muli %select_n3A_2593, %mul3A_2594 : i32
      %add3A_2596 = arith.addi %add3A_2577, %mul3A_2595 : i32
      %dma_start3A_2597 = arith.constant 0 : i32
      %dma_start3A_2598 = tpu.memref_slice %arg4[%add3A_2596, %dma_start3A_2597] : memref<204800x256xf32, #tpu.memory_space<hbm>> -> memref<64x256xf32, #tpu.memory_space<hbm>>
      %dma_start3A_2599 = arith.constant 0 : i32
      %dma_start3A_2600 = tpu.memref_slice %arg4[%add3A_2596, %dma_start3A_2599] : memref<204800x256xf32, #tpu.memory_space<hbm>> -> memref<64x256xf32, #tpu.memory_space<hbm>>
      tpu.enqueue_dma source(%arg17 : memref<64x256xf32, #tpu.memory_space<vmem>>) target(%dma_start3A_2600 : memref<64x256xf32, #tpu.memory_space<hbm>>) target_semaphore(%arg29 : memref<!tpu.dma_semaphore, #tpu.memory_space<semaphore_mem>>)
      %mul3A_2601 = arith.constant 6 : i32
      %mul3A_2602 = arith.muli %scan3A_1173, %mul3A_2601 : i32
      %add3A_2603 = arith.constant 1 : i32
      %add3A_2604 = arith.addi %mul3A_2602, %add3A_2603 : i32
      %add3A_2605 = arith.constant 5 : i32
      %add3A_2606 = arith.addi %add3A_2604, %add3A_2605 : i32
      %sub3A_2607 = arith.constant 1 : i32
      %sub3A_2608 = arith.subi %add3A_2606, %sub3A_2607 : i32
      %jit3A_2609 = arith.constant 2 : i32
      %div3A_2610 = arith.divsi %sub3A_2608, %jit3A_2609 : i32
      %sign3A_2611 = arith.constant 0 : i32
      %sign3A_2612 = arith.cmpi sgt, %sub3A_2608, %sign3A_2611 : i32
      %sign3A_2613 = arith.extui %sign3A_2612 : i1 to i32
      %sign3A_2614 = arith.constant 0 : i32
      %sign3A_2615 = arith.cmpi slt, %sub3A_2608, %sign3A_2614 : i32
      %sign3A_2616 = arith.extui %sign3A_2615 : i1 to i32
      %sign3A_2617 = arith.subi %sign3A_2613, %sign3A_2616 : i32
      %sign3A_2618 = arith.constant 0 : i32
      %sign3A_2619 = arith.cmpi sgt, %jit3A_2609, %sign3A_2618 : i32
      %sign3A_2620 = arith.extui %sign3A_2619 : i1 to i32
      %sign3A_2621 = arith.constant 0 : i32
      %sign3A_2622 = arith.cmpi slt, %jit3A_2609, %sign3A_2621 : i32
      %sign3A_2623 = arith.extui %sign3A_2622 : i1 to i32
      %sign3A_2624 = arith.subi %sign3A_2620, %sign3A_2623 : i32
      %ne3A_2625 = arith.cmpi ne, %sign3A_2617, %sign3A_2624 : i32
      %rem3A_2626 = arith.remsi %sub3A_2608, %jit3A_2609 : i32
      %ne3A_2627 = arith.constant 0 : i32
      %ne3A_2628 = arith.cmpi ne, %rem3A_2626, %ne3A_2627 : i32
      %and3A_2629 = arith.andi %ne3A_2625, %ne3A_2628 : i1
      %sub3A_2630 = arith.constant 1 : i32
      %sub3A_2631 = arith.subi %div3A_2610, %sub3A_2630 : i32
      %select_n3A_2632 = arith.select %and3A_2629, %sub3A_2631, %div3A_2610 : i32
      %mul3A_2633 = arith.constant 4096 : i32
      %mul3A_2634 = arith.muli %select_n3A_2632, %mul3A_2633 : i32
      %add3A_2635 = arith.addi %mul3A_2634, %mul3A_2 : i32
      %jit3A_2636 = arith.constant 2 : i32
      %eq3A_2637 = arith.constant 0 : i32
      %eq3A_2638 = arith.cmpi eq, %jit3A_2636, %eq3A_2637 : i32
      %jit3A_2639 = arith.constant 1 : i32
      %select_n3A_2640 = arith.select %eq3A_2638, %jit3A_2639, %jit3A_2636 : i32
      %rem3A_2641 = arith.remsi %sub3A_2608, %select_n3A_2640 : i32
      %ne3A_2642 = arith.constant 0 : i32
      %ne3A_2643 = arith.cmpi ne, %rem3A_2641, %ne3A_2642 : i32
      %lt3A_2644 = arith.constant 0 : i32
      %lt3A_2645 = arith.cmpi slt, %rem3A_2641, %lt3A_2644 : i32
      %lt3A_2646 = arith.constant 0 : i32
      %lt3A_2647 = arith.cmpi slt, %select_n3A_2640, %lt3A_2646 : i32
      %ne3A_2648 = arith.xori %lt3A_2645, %lt3A_2647 : i1
      %and3A_2649 = arith.andi %ne3A_2648, %ne3A_2643 : i1
      %add3A_2650 = arith.addi %rem3A_2641, %select_n3A_2640 : i32
      %select_n3A_2651 = arith.select %and3A_2649, %add3A_2650, %rem3A_2641 : i32
      %mul3A_2652 = arith.constant 64 : i32
      %mul3A_2653 = arith.muli %select_n3A_2651, %mul3A_2652 : i32
      %add3A_2654 = arith.addi %add3A_2635, %mul3A_2653 : i32
      %dma_wait3A_2655 = arith.constant 0 : i32
      %dma_wait3A_2656 = tpu.memref_slice %arg4[%add3A_2654, %dma_wait3A_2655] : memref<204800x256xf32, #tpu.memory_space<hbm>> -> memref<64x256xf32, #tpu.memory_space<hbm>>
      %dma_wait3A_2657 = arith.constant 0 : i32
      %dma_wait3A_2658 = tpu.memref_slice %arg4[%add3A_2654, %dma_wait3A_2657] : memref<204800x256xf32, #tpu.memory_space<hbm>> -> memref<64x256xf32, #tpu.memory_space<hbm>>
      tpu.wait_dma2 semaphore(%arg29 : memref<!tpu.dma_semaphore, #tpu.memory_space<semaphore_mem>>) src(%arg17 : memref<64x256xf32, #tpu.memory_space<vmem>>) dst(%dma_wait3A_2658 : memref<64x256xf32, #tpu.memory_space<hbm>>)
      %add3A_2659 = arith.constant 6 : i32
      %add3A_2660 = arith.addi %add3A_2606, %add3A_2659 : i32
      %sub3A_2661 = arith.constant 1 : i32
      %sub3A_2662 = arith.subi %add3A_2660, %sub3A_2661 : i32
      %jit3A_2663 = arith.constant 2 : i32
      %div3A_2664 = arith.divsi %sub3A_2662, %jit3A_2663 : i32
      %sign3A_2665 = arith.constant 0 : i32
      %sign3A_2666 = arith.cmpi sgt, %sub3A_2662, %sign3A_2665 : i32
      %sign3A_2667 = arith.extui %sign3A_2666 : i1 to i32
      %sign3A_2668 = arith.constant 0 : i32
      %sign3A_2669 = arith.cmpi slt, %sub3A_2662, %sign3A_2668 : i32
      %sign3A_2670 = arith.extui %sign3A_2669 : i1 to i32
      %sign3A_2671 = arith.subi %sign3A_2667, %sign3A_2670 : i32
      %sign3A_2672 = arith.constant 0 : i32
      %sign3A_2673 = arith.cmpi sgt, %jit3A_2663, %sign3A_2672 : i32
      %sign3A_2674 = arith.extui %sign3A_2673 : i1 to i32
      %sign3A_2675 = arith.constant 0 : i32
      %sign3A_2676 = arith.cmpi slt, %jit3A_2663, %sign3A_2675 : i32
      %sign3A_2677 = arith.extui %sign3A_2676 : i1 to i32
      %sign3A_2678 = arith.subi %sign3A_2674, %sign3A_2677 : i32
      %ne3A_2679 = arith.cmpi ne, %sign3A_2671, %sign3A_2678 : i32
      %rem3A_2680 = arith.remsi %sub3A_2662, %jit3A_2663 : i32
      %ne3A_2681 = arith.constant 0 : i32
      %ne3A_2682 = arith.cmpi ne, %rem3A_2680, %ne3A_2681 : i32
      %and3A_2683 = arith.andi %ne3A_2679, %ne3A_2682 : i1
      %sub3A_2684 = arith.constant 1 : i32
      %sub3A_2685 = arith.subi %div3A_2664, %sub3A_2684 : i32
      %select_n3A_2686 = arith.select %and3A_2683, %sub3A_2685, %div3A_2664 : i32
      %jit3A_2687 = arith.constant 2 : i32
      %eq3A_2688 = arith.constant 0 : i32
      %eq3A_2689 = arith.cmpi eq, %jit3A_2687, %eq3A_2688 : i32
      %jit3A_2690 = arith.constant 1 : i32
      %select_n3A_2691 = arith.select %eq3A_2689, %jit3A_2690, %jit3A_2687 : i32
      %rem3A_2692 = arith.remsi %sub3A_2662, %select_n3A_2691 : i32
      %ne3A_2693 = arith.constant 0 : i32
      %ne3A_2694 = arith.cmpi ne, %rem3A_2692, %ne3A_2693 : i32
      %lt3A_2695 = arith.constant 0 : i32
      %lt3A_2696 = arith.cmpi slt, %rem3A_2692, %lt3A_2695 : i32
      %lt3A_2697 = arith.constant 0 : i32
      %lt3A_2698 = arith.cmpi slt, %select_n3A_2691, %lt3A_2697 : i32
      %ne3A_2699 = arith.xori %lt3A_2696, %lt3A_2698 : i1
      %and3A_2700 = arith.andi %ne3A_2699, %ne3A_2694 : i1
      %add3A_2701 = arith.addi %rem3A_2692, %select_n3A_2691 : i32
      %select_n3A_2702 = arith.select %and3A_2700, %add3A_2701, %rem3A_2692 : i32
      %sub3A_2703 = arith.constant 1 : i32
      %sub3A_2704 = arith.subi %select_n3A_2686, %sub3A_2703 : i32
      %max3A_2705 = arith.constant 0 : i32
      %max3A_2706 = arith.maxsi %sub3A_2704, %max3A_2705 : i32
      %eq3A_2707 = arith.constant 0 : i32
      %eq3A_2708 = arith.cmpi eq, %select_n3A_2686, %eq3A_2707 : i32
      %jit3A_2709 = arith.constant 0 : i32
      %jit3A_2710 = arith.constant 1 : i32
      %select_n3A_2711 = arith.select %eq3A_2708, %jit3A_2709, %jit3A_2710 : i32
      %mul3A_2712 = arith.constant 128 : i32
      %mul3A_2713 = arith.muli %select_n3A_2686, %mul3A_2712 : i32
      %mul3A_2714 = arith.constant 64 : i32
      %mul3A_2715 = arith.muli %select_n3A_2702, %mul3A_2714 : i32
      %add3A_2716 = arith.addi %mul3A_2713, %mul3A_2715 : i32
      %add3A_2717 = arith.constant 0 : i32
      %add3A_2718 = arith.addi %add3A_2716, %add3A_2717 : i32
      %get3A_2719 = arith.index_cast %add3A_2718 : i32 to index
      %get3A_2720 = tpu.vector_load %arg5[%get3A_2719] {strides = array<i32>} : memref<6400xi32, #tpu.memory_space<vmem>>, vector<16xi32>,
      %get3A_2721 = vector.shape_cast %get3A_2720 : vector<16xi32> to vector<16xi32>
      %mul3A_2722 = arith.constant 128 : i32
      %mul3A_2723 = arith.muli %max3A_2706, %mul3A_2722 : i32
      %mul3A_2724 = arith.constant 64 : i32
      %mul3A_2725 = arith.muli %select_n3A_2702, %mul3A_2724 : i32
      %add3A_2726 = arith.addi %mul3A_2723, %mul3A_2725 : i32
      %add3A_2727 = arith.constant 0 : i32
      %add3A_2728 = arith.addi %add3A_2726, %add3A_2727 : i32
      %get3A_2729 = arith.index_cast %add3A_2728 : i32 to index
      %get3A_2730 = tpu.vector_load %arg5[%get3A_2729] {strides = array<i32>} : memref<6400xi32, #tpu.memory_space<vmem>>, vector<16xi32>,
      %get3A_2731 = vector.shape_cast %get3A_2730 : vector<16xi32> to vector<16xi32>
      %mul3A_2732 = arith.constant 256 : i32
      %mul3A_2733 = vector.broadcast %mul3A_2732 : i32 to vector<16xi32>
      %mul3A_2734 = arith.muli %get3A_2731, %mul3A_2733 : vector<16xi32>
      %add3A_2735 = arith.addi %mul3A_2734, %get3A_2721 : vector<16xi32>
      %mul3A_2736 = vector.broadcast %select_n3A_2711 : i32 to vector<16xi32>
      %mul3A_2737 = arith.muli %add3A_2735, %mul3A_2736 : vector<16xi32>
      %swap3A_2738 = arith.constant 0 : index
      %swap3A_2739 = tpu.vector_load %arg11[%swap3A_2738] {strides = array<i32>} : memref<64xi32, #tpu.memory_space<vmem>>, vector<16xi32>,
      %swap3A_2740 = vector.shape_cast %swap3A_2739 : vector<16xi32> to vector<16xi32>
      %swap3A_2741 = vector.shape_cast %mul3A_2737 : vector<16xi32> to vector<16xi32>
      tpu.vector_store %arg11[%swap3A_2738], %swap3A_2741 {strides = array<i32>} : memref<64xi32, #tpu.memory_space<vmem>>, vector<16xi32>,
      %mul3A_2742 = arith.constant 128 : i32
      %mul3A_2743 = arith.muli %select_n3A_2686, %mul3A_2742 : i32
      %mul3A_2744 = arith.constant 64 : i32
      %mul3A_2745 = arith.muli %select_n3A_2702, %mul3A_2744 : i32
      %add3A_2746 = arith.addi %mul3A_2743, %mul3A_2745 : i32
      %add3A_2747 = arith.constant 16 : i32
      %add3A_2748 = arith.addi %add3A_2746, %add3A_2747 : i32
      %get3A_2749 = arith.index_cast %add3A_2748 : i32 to index
      %get3A_2750 = tpu.vector_load %arg5[%get3A_2749] {strides = array<i32>} : memref<6400xi32, #tpu.memory_space<vmem>>, vector<16xi32>,
      %get3A_2751 = vector.shape_cast %get3A_2750 : vector<16xi32> to vector<16xi32>
      %mul3A_2752 = arith.constant 128 : i32
      %mul3A_2753 = arith.muli %max3A_2706, %mul3A_2752 : i32
      %mul3A_2754 = arith.constant 64 : i32
      %mul3A_2755 = arith.muli %select_n3A_2702, %mul3A_2754 : i32
      %add3A_2756 = arith.addi %mul3A_2753, %mul3A_2755 : i32
      %add3A_2757 = arith.constant 16 : i32
      %add3A_2758 = arith.addi %add3A_2756, %add3A_2757 : i32
      %get3A_2759 = arith.index_cast %add3A_2758 : i32 to index
      %get3A_2760 = tpu.vector_load %arg5[%get3A_2759] {strides = array<i32>} : memref<6400xi32, #tpu.memory_space<vmem>>, vector<16xi32>,
      %get3A_2761 = vector.shape_cast %get3A_2760 : vector<16xi32> to vector<16xi32>
      %mul3A_2762 = arith.constant 256 : i32
      %mul3A_2763 = vector.broadcast %mul3A_2762 : i32 to vector<16xi32>
      %mul3A_2764 = arith.muli %get3A_2761, %mul3A_2763 : vector<16xi32>
      %add3A_2765 = arith.addi %mul3A_2764, %get3A_2751 : vector<16xi32>
      %mul3A_2766 = vector.broadcast %select_n3A_2711 : i32 to vector<16xi32>
      %mul3A_2767 = arith.muli %add3A_2765, %mul3A_2766 : vector<16xi32>
      %swap3A_2768 = arith.constant 16 : index
      %swap3A_2769 = tpu.vector_load %arg11[%swap3A_2768] {strides = array<i32>} : memref<64xi32, #tpu.memory_space<vmem>>, vector<16xi32>,
      %swap3A_2770 = vector.shape_cast %swap3A_2769 : vector<16xi32> to vector<16xi32>
      %swap3A_2771 = vector.shape_cast %mul3A_2767 : vector<16xi32> to vector<16xi32>
      tpu.vector_store %arg11[%swap3A_2768], %swap3A_2771 {strides = array<i32>} : memref<64xi32, #tpu.memory_space<vmem>>, vector<16xi32>,
      %mul3A_2772 = arith.constant 128 : i32
      %mul3A_2773 = arith.muli %select_n3A_2686, %mul3A_2772 : i32
      %mul3A_2774 = arith.constant 64 : i32
      %mul3A_2775 = arith.muli %select_n3A_2702, %mul3A_2774 : i32
      %add3A_2776 = arith.addi %mul3A_2773, %mul3A_2775 : i32
      %add3A_2777 = arith.constant 32 : i32
      %add3A_2778 = arith.addi %add3A_2776, %add3A_2777 : i32
      %get3A_2779 = arith.index_cast %add3A_2778 : i32 to index
      %get3A_2780 = tpu.vector_load %arg5[%get3A_2779] {strides = array<i32>} : memref<6400xi32, #tpu.memory_space<vmem>>, vector<16xi32>,
      %get3A_2781 = vector.shape_cast %get3A_2780 : vector<16xi32> to vector<16xi32>
      %mul3A_2782 = arith.constant 128 : i32
      %mul3A_2783 = arith.muli %max3A_2706, %mul3A_2782 : i32
      %mul3A_2784 = arith.constant 64 : i32
      %mul3A_2785 = arith.muli %select_n3A_2702, %mul3A_2784 : i32
      %add3A_2786 = arith.addi %mul3A_2783, %mul3A_2785 : i32
      %add3A_2787 = arith.constant 32 : i32
      %add3A_2788 = arith.addi %add3A_2786, %add3A_2787 : i32
      %get3A_2789 = arith.index_cast %add3A_2788 : i32 to index
      %get3A_2790 = tpu.vector_load %arg5[%get3A_2789] {strides = array<i32>} : memref<6400xi32, #tpu.memory_space<vmem>>, vector<16xi32>,
      %get3A_2791 = vector.shape_cast %get3A_2790 : vector<16xi32> to vector<16xi32>
      %mul3A_2792 = arith.constant 256 : i32
      %mul3A_2793 = vector.broadcast %mul3A_2792 : i32 to vector<16xi32>
      %mul3A_2794 = arith.muli %get3A_2791, %mul3A_2793 : vector<16xi32>
      %add3A_2795 = arith.addi %mul3A_2794, %get3A_2781 : vector<16xi32>
      %mul3A_2796 = vector.broadcast %select_n3A_2711 : i32 to vector<16xi32>
      %mul3A_2797 = arith.muli %add3A_2795, %mul3A_2796 : vector<16xi32>
      %swap3A_2798 = arith.constant 32 : index
      %swap3A_2799 = tpu.vector_load %arg11[%swap3A_2798] {strides = array<i32>} : memref<64xi32, #tpu.memory_space<vmem>>, vector<16xi32>,
      %swap3A_2800 = vector.shape_cast %swap3A_2799 : vector<16xi32> to vector<16xi32>
      %swap3A_2801 = vector.shape_cast %mul3A_2797 : vector<16xi32> to vector<16xi32>
      tpu.vector_store %arg11[%swap3A_2798], %swap3A_2801 {strides = array<i32>} : memref<64xi32, #tpu.memory_space<vmem>>, vector<16xi32>,
      %mul3A_2802 = arith.constant 128 : i32
      %mul3A_2803 = arith.muli %select_n3A_2686, %mul3A_2802 : i32
      %mul3A_2804 = arith.constant 64 : i32
      %mul3A_2805 = arith.muli %select_n3A_2702, %mul3A_2804 : i32
      %add3A_2806 = arith.addi %mul3A_2803, %mul3A_2805 : i32
      %add3A_2807 = arith.constant 48 : i32
      %add3A_2808 = arith.addi %add3A_2806, %add3A_2807 : i32
      %get3A_2809 = arith.index_cast %add3A_2808 : i32 to index
      %get3A_2810 = tpu.vector_load %arg5[%get3A_2809] {strides = array<i32>} : memref<6400xi32, #tpu.memory_space<vmem>>, vector<16xi32>,
      %get3A_2811 = vector.shape_cast %get3A_2810 : vector<16xi32> to vector<16xi32>
      %mul3A_2812 = arith.constant 128 : i32
      %mul3A_2813 = arith.muli %max3A_2706, %mul3A_2812 : i32
      %mul3A_2814 = arith.constant 64 : i32
      %mul3A_2815 = arith.muli %select_n3A_2702, %mul3A_2814 : i32
      %add3A_2816 = arith.addi %mul3A_2813, %mul3A_2815 : i32
      %add3A_2817 = arith.constant 48 : i32
      %add3A_2818 = arith.addi %add3A_2816, %add3A_2817 : i32
      %get3A_2819 = arith.index_cast %add3A_2818 : i32 to index
      %get3A_2820 = tpu.vector_load %arg5[%get3A_2819] {strides = array<i32>} : memref<6400xi32, #tpu.memory_space<vmem>>, vector<16xi32>,
      %get3A_2821 = vector.shape_cast %get3A_2820 : vector<16xi32> to vector<16xi32>
      %mul3A_2822 = arith.constant 256 : i32
      %mul3A_2823 = vector.broadcast %mul3A_2822 : i32 to vector<16xi32>
      %mul3A_2824 = arith.muli %get3A_2821, %mul3A_2823 : vector<16xi32>
      %add3A_2825 = arith.addi %mul3A_2824, %get3A_2811 : vector<16xi32>
      %mul3A_2826 = vector.broadcast %select_n3A_2711 : i32 to vector<16xi32>
      %mul3A_2827 = arith.muli %add3A_2825, %mul3A_2826 : vector<16xi32>
      %swap3A_2828 = arith.constant 48 : index
      %swap3A_2829 = tpu.vector_load %arg11[%swap3A_2828] {strides = array<i32>} : memref<64xi32, #tpu.memory_space<vmem>>, vector<16xi32>,
      %swap3A_2830 = vector.shape_cast %swap3A_2829 : vector<16xi32> to vector<16xi32>
      %swap3A_2831 = vector.shape_cast %mul3A_2827 : vector<16xi32> to vector<16xi32>
      tpu.vector_store %arg11[%swap3A_2828], %swap3A_2831 {strides = array<i32>} : memref<64xi32, #tpu.memory_space<vmem>>, vector<16xi32>,
      %dma_start3A_2832 = arith.constant 0 : i32
      %dma_start3A_2833 = arith.constant 0 : i32
      %dma_start3A_2834 = tpu.memref_slice %arg3[%dma_start3A_2832, %dma_start3A_2833] : memref<65536x256xf32, #tpu.memory_space<hbm>> -> memref<65536x256xf32, #tpu.memory_space<hbm>>
      tpu.enqueue_indirect_dma source(%dma_start3A_2834 : memref<65536x256xf32, #tpu.memory_space<hbm>>) target(%arg17 : memref<64x256xf32, #tpu.memory_space<vmem>>) offsets(%arg11 : memref<64xi32, #tpu.memory_space<vmem>>) semaphore(%arg23 : memref<!tpu.dma_semaphore, #tpu.memory_space<semaphore_mem>>)
      %dma_wait3A_2835 = arith.constant 0 : i32
      %dma_wait3A_2836 = arith.constant 0 : i32
      %dma_wait3A_2837 = tpu.memref_slice %arg3[%dma_wait3A_2835, %dma_wait3A_2836] : memref<65536x256xf32, #tpu.memory_space<hbm>> -> memref<65536x256xf32, #tpu.memory_space<hbm>>
      tpu.wait_indirect_dma semaphore(%arg18 : memref<!tpu.dma_semaphore, #tpu.memory_space<semaphore_mem>>) src(%dma_wait3A_2837 : memref<65536x256xf32, #tpu.memory_space<hbm>>) dst(%arg12 : memref<64x256xf32, #tpu.memory_space<vmem>>)
      %jit3A_2838 = arith.constant 2 : i32
      %div3A_2839 = arith.divsi %add3A_2606, %jit3A_2838 : i32
      %sign3A_2840 = arith.constant 0 : i32
      %sign3A_2841 = arith.cmpi sgt, %add3A_2606, %sign3A_2840 : i32
      %sign3A_2842 = arith.extui %sign3A_2841 : i1 to i32
      %sign3A_2843 = arith.constant 0 : i32
      %sign3A_2844 = arith.cmpi slt, %add3A_2606, %sign3A_2843 : i32
      %sign3A_2845 = arith.extui %sign3A_2844 : i1 to i32
      %sign3A_2846 = arith.subi %sign3A_2842, %sign3A_2845 : i32
      %sign3A_2847 = arith.constant 0 : i32
      %sign3A_2848 = arith.cmpi sgt, %jit3A_2838, %sign3A_2847 : i32
      %sign3A_2849 = arith.extui %sign3A_2848 : i1 to i32
      %sign3A_2850 = arith.constant 0 : i32
      %sign3A_2851 = arith.cmpi slt, %jit3A_2838, %sign3A_2850 : i32
      %sign3A_2852 = arith.extui %sign3A_2851 : i1 to i32
      %sign3A_2853 = arith.subi %sign3A_2849, %sign3A_2852 : i32
      %ne3A_2854 = arith.cmpi ne, %sign3A_2846, %sign3A_2853 : i32
      %rem3A_2855 = arith.remsi %add3A_2606, %jit3A_2838 : i32
      %ne3A_2856 = arith.constant 0 : i32
      %ne3A_2857 = arith.cmpi ne, %rem3A_2855, %ne3A_2856 : i32
      %and3A_2858 = arith.andi %ne3A_2854, %ne3A_2857 : i1
      %sub3A_2859 = arith.constant 1 : i32
      %sub3A_2860 = arith.subi %div3A_2839, %sub3A_2859 : i32
      %select_n3A_2861 = arith.select %and3A_2858, %sub3A_2860, %div3A_2839 : i32
      %mul3A_2862 = arith.constant 4096 : i32
      %mul3A_2863 = arith.muli %select_n3A_2861, %mul3A_2862 : i32
      %add3A_2864 = arith.addi %mul3A_2863, %mul3A_2 : i32
      %jit3A_2865 = arith.constant 2 : i32
      %eq3A_2866 = arith.constant 0 : i32
      %eq3A_2867 = arith.cmpi eq, %jit3A_2865, %eq3A_2866 : i32
      %jit3A_2868 = arith.constant 1 : i32
      %select_n3A_2869 = arith.select %eq3A_2867, %jit3A_2868, %jit3A_2865 : i32
      %rem3A_2870 = arith.remsi %add3A_2606, %select_n3A_2869 : i32
      %ne3A_2871 = arith.constant 0 : i32
      %ne3A_2872 = arith.cmpi ne, %rem3A_2870, %ne3A_2871 : i32
      %lt3A_2873 = arith.constant 0 : i32
      %lt3A_2874 = arith.cmpi slt, %rem3A_2870, %lt3A_2873 : i32
      %lt3A_2875 = arith.constant 0 : i32
      %lt3A_2876 = arith.cmpi slt, %select_n3A_2869, %lt3A_2875 : i32
      %ne3A_2877 = arith.xori %lt3A_2874, %lt3A_2876 : i1
      %and3A_2878 = arith.andi %ne3A_2877, %ne3A_2872 : i1
      %add3A_2879 = arith.addi %rem3A_2870, %select_n3A_2869 : i32
      %select_n3A_2880 = arith.select %and3A_2878, %add3A_2879, %rem3A_2870 : i32
      %mul3A_2881 = arith.constant 64 : i32
      %mul3A_2882 = arith.muli %select_n3A_2880, %mul3A_2881 : i32
      %add3A_2883 = arith.addi %add3A_2864, %mul3A_2882 : i32
      %dma_start3A_2884 = arith.constant 0 : i32
      %dma_start3A_2885 = tpu.memref_slice %arg4[%add3A_2883, %dma_start3A_2884] : memref<204800x256xf32, #tpu.memory_space<hbm>> -> memref<64x256xf32, #tpu.memory_space<hbm>>
      %dma_start3A_2886 = arith.constant 0 : i32
      %dma_start3A_2887 = tpu.memref_slice %arg4[%add3A_2883, %dma_start3A_2886] : memref<204800x256xf32, #tpu.memory_space<hbm>> -> memref<64x256xf32, #tpu.memory_space<hbm>>
      tpu.enqueue_dma source(%arg12 : memref<64x256xf32, #tpu.memory_space<vmem>>) target(%dma_start3A_2887 : memref<64x256xf32, #tpu.memory_space<hbm>>) target_semaphore(%arg24 : memref<!tpu.dma_semaphore, #tpu.memory_space<semaphore_mem>>)
    }
    %scan3A_601 = arith.constant 15 : i32
    %add3A_602 = arith.constant 184320 : i32
    %add3A_603 = arith.addi %add3A_602, %mul3A_2 : i32
    %add3A_604 = arith.constant 0 : i32
    %add3A_605 = arith.addi %add3A_603, %add3A_604 : i32
    %dma_wait3A_606 = arith.constant 0 : i32
    %dma_wait3A_607 = tpu.memref_slice %arg4[%add3A_605, %dma_wait3A_606] : memref<204800x256xf32, #tpu.memory_space<hbm>> -> memref<64x256xf32, #tpu.memory_space<hbm>>
    %dma_wait3A_608 = arith.constant 0 : i32
    %dma_wait3A_609 = tpu.memref_slice %arg4[%add3A_605, %dma_wait3A_608] : memref<204800x256xf32, #tpu.memory_space<hbm>> -> memref<64x256xf32, #tpu.memory_space<hbm>>
    tpu.wait_dma2 semaphore(%arg24 : memref<!tpu.dma_semaphore, #tpu.memory_space<semaphore_mem>>) src(%arg12 : memref<64x256xf32, #tpu.memory_space<vmem>>) dst(%dma_wait3A_609 : memref<64x256xf32, #tpu.memory_space<hbm>>)
    %max3A_610 = arith.constant 47 : i32
    %max3A_611 = arith.constant 0 : i32
    %max3A_612 = arith.maxsi %max3A_610, %max3A_611 : i32
    %jit3A_613 = arith.constant false
    %jit3A_614 = arith.constant 0 : i32
    %jit3A_615 = arith.constant 1 : i32
    %select_n3A_616 = arith.select %jit3A_613, %jit3A_614, %jit3A_615 : i32
    %get3A_617 = arith.constant 6144 : index
    %get3A_618 = tpu.vector_load %arg5[%get3A_617] {strides = array<i32>} : memref<6400xi32, #tpu.memory_space<vmem>>, vector<16xi32>,
    %get3A_619 = vector.shape_cast %get3A_618 : vector<16xi32> to vector<16xi32>
    %mul3A_620 = arith.constant 128 : i32
    %mul3A_621 = arith.muli %max3A_612, %mul3A_620 : i32
    %add3A_622 = arith.constant 0 : i32
    %add3A_623 = arith.addi %mul3A_621, %add3A_622 : i32
    %add3A_624 = arith.constant 0 : i32
    %add3A_625 = arith.addi %add3A_623, %add3A_624 : i32
    %get3A_626 = arith.index_cast %add3A_625 : i32 to index
    %get3A_627 = tpu.vector_load %arg5[%get3A_626] {strides = array<i32>} : memref<6400xi32, #tpu.memory_space<vmem>>, vector<16xi32>,
    %get3A_628 = vector.shape_cast %get3A_627 : vector<16xi32> to vector<16xi32>
    %mul3A_629 = arith.constant 256 : i32
    %mul3A_630 = vector.broadcast %mul3A_629 : i32 to vector<16xi32>
    %mul3A_631 = arith.muli %get3A_628, %mul3A_630 : vector<16xi32>
    %add3A_632 = arith.addi %mul3A_631, %get3A_619 : vector<16xi32>
    %mul3A_633 = vector.broadcast %select_n3A_616 : i32 to vector<16xi32>
    %mul3A_634 = arith.muli %add3A_632, %mul3A_633 : vector<16xi32>
    %swap3A_635 = arith.constant 0 : index
    %swap3A_636 = tpu.vector_load %arg6[%swap3A_635] {strides = array<i32>} : memref<64xi32, #tpu.memory_space<vmem>>, vector<16xi32>,
    %swap3A_637 = vector.shape_cast %swap3A_636 : vector<16xi32> to vector<16xi32>
    %swap3A_638 = vector.shape_cast %mul3A_634 : vector<16xi32> to vector<16xi32>
    tpu.vector_store %arg6[%swap3A_635], %swap3A_638 {strides = array<i32>} : memref<64xi32, #tpu.memory_space<vmem>>, vector<16xi32>,
    %get3A_639 = arith.constant 6160 : index
    %get3A_640 = tpu.vector_load %arg5[%get3A_639] {strides = array<i32>} : memref<6400xi32, #tpu.memory_space<vmem>>, vector<16xi32>,
    %get3A_641 = vector.shape_cast %get3A_640 : vector<16xi32> to vector<16xi32>
    %mul3A_642 = arith.constant 128 : i32
    %mul3A_643 = arith.muli %max3A_612, %mul3A_642 : i32
    %add3A_644 = arith.constant 0 : i32
    %add3A_645 = arith.addi %mul3A_643, %add3A_644 : i32
    %add3A_646 = arith.constant 16 : i32
    %add3A_647 = arith.addi %add3A_645, %add3A_646 : i32
    %get3A_648 = arith.index_cast %add3A_647 : i32 to index
    %get3A_649 = tpu.vector_load %arg5[%get3A_648] {strides = array<i32>} : memref<6400xi32, #tpu.memory_space<vmem>>, vector<16xi32>,
    %get3A_650 = vector.shape_cast %get3A_649 : vector<16xi32> to vector<16xi32>
    %mul3A_651 = arith.constant 256 : i32
    %mul3A_652 = vector.broadcast %mul3A_651 : i32 to vector<16xi32>
    %mul3A_653 = arith.muli %get3A_650, %mul3A_652 : vector<16xi32>
    %add3A_654 = arith.addi %mul3A_653, %get3A_641 : vector<16xi32>
    %mul3A_655 = vector.broadcast %select_n3A_616 : i32 to vector<16xi32>
    %mul3A_656 = arith.muli %add3A_654, %mul3A_655 : vector<16xi32>
    %swap3A_657 = arith.constant 16 : index
    %swap3A_658 = tpu.vector_load %arg6[%swap3A_657] {strides = array<i32>} : memref<64xi32, #tpu.memory_space<vmem>>, vector<16xi32>,
    %swap3A_659 = vector.shape_cast %swap3A_658 : vector<16xi32> to vector<16xi32>
    %swap3A_660 = vector.shape_cast %mul3A_656 : vector<16xi32> to vector<16xi32>
    tpu.vector_store %arg6[%swap3A_657], %swap3A_660 {strides = array<i32>} : memref<64xi32, #tpu.memory_space<vmem>>, vector<16xi32>,
    %get3A_661 = arith.constant 6176 : index
    %get3A_662 = tpu.vector_load %arg5[%get3A_661] {strides = array<i32>} : memref<6400xi32, #tpu.memory_space<vmem>>, vector<16xi32>,
    %get3A_663 = vector.shape_cast %get3A_662 : vector<16xi32> to vector<16xi32>
    %mul3A_664 = arith.constant 128 : i32
    %mul3A_665 = arith.muli %max3A_612, %mul3A_664 : i32
    %add3A_666 = arith.constant 0 : i32
    %add3A_667 = arith.addi %mul3A_665, %add3A_666 : i32
    %add3A_668 = arith.constant 32 : i32
    %add3A_669 = arith.addi %add3A_667, %add3A_668 : i32
    %get3A_670 = arith.index_cast %add3A_669 : i32 to index
    %get3A_671 = tpu.vector_load %arg5[%get3A_670] {strides = array<i32>} : memref<6400xi32, #tpu.memory_space<vmem>>, vector<16xi32>,
    %get3A_672 = vector.shape_cast %get3A_671 : vector<16xi32> to vector<16xi32>
    %mul3A_673 = arith.constant 256 : i32
    %mul3A_674 = vector.broadcast %mul3A_673 : i32 to vector<16xi32>
    %mul3A_675 = arith.muli %get3A_672, %mul3A_674 : vector<16xi32>
    %add3A_676 = arith.addi %mul3A_675, %get3A_663 : vector<16xi32>
    %mul3A_677 = vector.broadcast %select_n3A_616 : i32 to vector<16xi32>
    %mul3A_678 = arith.muli %add3A_676, %mul3A_677 : vector<16xi32>
    %swap3A_679 = arith.constant 32 : index
    %swap3A_680 = tpu.vector_load %arg6[%swap3A_679] {strides = array<i32>} : memref<64xi32, #tpu.memory_space<vmem>>, vector<16xi32>,
    %swap3A_681 = vector.shape_cast %swap3A_680 : vector<16xi32> to vector<16xi32>
    %swap3A_682 = vector.shape_cast %mul3A_678 : vector<16xi32> to vector<16xi32>
    tpu.vector_store %arg6[%swap3A_679], %swap3A_682 {strides = array<i32>} : memref<64xi32, #tpu.memory_space<vmem>>, vector<16xi32>,
    %get3A_683 = arith.constant 6192 : index
    %get3A_684 = tpu.vector_load %arg5[%get3A_683] {strides = array<i32>} : memref<6400xi32, #tpu.memory_space<vmem>>, vector<16xi32>,
    %get3A_685 = vector.shape_cast %get3A_684 : vector<16xi32> to vector<16xi32>
    %mul3A_686 = arith.constant 128 : i32
    %mul3A_687 = arith.muli %max3A_612, %mul3A_686 : i32
    %add3A_688 = arith.constant 0 : i32
    %add3A_689 = arith.addi %mul3A_687, %add3A_688 : i32
    %add3A_690 = arith.constant 48 : i32
    %add3A_691 = arith.addi %add3A_689, %add3A_690 : i32
    %get3A_692 = arith.index_cast %add3A_691 : i32 to index
    %get3A_693 = tpu.vector_load %arg5[%get3A_692] {strides = array<i32>} : memref<6400xi32, #tpu.memory_space<vmem>>, vector<16xi32>,
    %get3A_694 = vector.shape_cast %get3A_693 : vector<16xi32> to vector<16xi32>
    %mul3A_695 = arith.constant 256 : i32
    %mul3A_696 = vector.broadcast %mul3A_695 : i32 to vector<16xi32>
    %mul3A_697 = arith.muli %get3A_694, %mul3A_696 : vector<16xi32>
    %add3A_698 = arith.addi %mul3A_697, %get3A_685 : vector<16xi32>
    %mul3A_699 = vector.broadcast %select_n3A_616 : i32 to vector<16xi32>
    %mul3A_700 = arith.muli %add3A_698, %mul3A_699 : vector<16xi32>
    %swap3A_701 = arith.constant 48 : index
    %swap3A_702 = tpu.vector_load %arg6[%swap3A_701] {strides = array<i32>} : memref<64xi32, #tpu.memory_space<vmem>>, vector<16xi32>,
    %swap3A_703 = vector.shape_cast %swap3A_702 : vector<16xi32> to vector<16xi32>
    %swap3A_704 = vector.shape_cast %mul3A_700 : vector<16xi32> to vector<16xi32>
    tpu.vector_store %arg6[%swap3A_701], %swap3A_704 {strides = array<i32>} : memref<64xi32, #tpu.memory_space<vmem>>, vector<16xi32>,
    %dma_start3A_705 = arith.constant 0 : i32
    %dma_start3A_706 = arith.constant 0 : i32
    %dma_start3A_707 = tpu.memref_slice %arg3[%dma_start3A_705, %dma_start3A_706] : memref<65536x256xf32, #tpu.memory_space<hbm>> -> memref<65536x256xf32, #tpu.memory_space<hbm>>
    tpu.enqueue_indirect_dma source(%dma_start3A_707 : memref<65536x256xf32, #tpu.memory_space<hbm>>) target(%arg12 : memref<64x256xf32, #tpu.memory_space<vmem>>) offsets(%arg6 : memref<64xi32, #tpu.memory_space<vmem>>) semaphore(%arg18 : memref<!tpu.dma_semaphore, #tpu.memory_space<semaphore_mem>>)
    %dma_wait3A_708 = arith.constant 0 : i32
    %dma_wait3A_709 = arith.constant 0 : i32
    %dma_wait3A_710 = tpu.memref_slice %arg3[%dma_wait3A_708, %dma_wait3A_709] : memref<65536x256xf32, #tpu.memory_space<hbm>> -> memref<65536x256xf32, #tpu.memory_space<hbm>>
    tpu.wait_indirect_dma semaphore(%arg19 : memref<!tpu.dma_semaphore, #tpu.memory_space<semaphore_mem>>) src(%dma_wait3A_710 : memref<65536x256xf32, #tpu.memory_space<hbm>>) dst(%arg13 : memref<64x256xf32, #tpu.memory_space<vmem>>)
    %add3A_711 = arith.constant 184320 : i32
    %add3A_712 = arith.addi %add3A_711, %mul3A_2 : i32
    %add3A_713 = arith.constant 64 : i32
    %add3A_714 = arith.addi %add3A_712, %add3A_713 : i32
    %dma_start3A_715 = arith.constant 0 : i32
    %dma_start3A_716 = tpu.memref_slice %arg4[%add3A_714, %dma_start3A_715] : memref<204800x256xf32, #tpu.memory_space<hbm>> -> memref<64x256xf32, #tpu.memory_space<hbm>>
    %dma_start3A_717 = arith.constant 0 : i32
    %dma_start3A_718 = tpu.memref_slice %arg4[%add3A_714, %dma_start3A_717] : memref<204800x256xf32, #tpu.memory_space<hbm>> -> memref<64x256xf32, #tpu.memory_space<hbm>>
    tpu.enqueue_dma source(%arg13 : memref<64x256xf32, #tpu.memory_space<vmem>>) target(%dma_start3A_718 : memref<64x256xf32, #tpu.memory_space<hbm>>) target_semaphore(%arg25 : memref<!tpu.dma_semaphore, #tpu.memory_space<semaphore_mem>>)
    %add3A_719 = arith.constant 184320 : i32
    %add3A_720 = arith.addi %add3A_719, %mul3A_2 : i32
    %add3A_721 = arith.constant 64 : i32
    %add3A_722 = arith.addi %add3A_720, %add3A_721 : i32
    %dma_wait3A_723 = arith.constant 0 : i32
    %dma_wait3A_724 = tpu.memref_slice %arg4[%add3A_722, %dma_wait3A_723] : memref<204800x256xf32, #tpu.memory_space<hbm>> -> memref<64x256xf32, #tpu.memory_space<hbm>>
    %dma_wait3A_725 = arith.constant 0 : i32
    %dma_wait3A_726 = tpu.memref_slice %arg4[%add3A_722, %dma_wait3A_725] : memref<204800x256xf32, #tpu.memory_space<hbm>> -> memref<64x256xf32, #tpu.memory_space<hbm>>
    tpu.wait_dma2 semaphore(%arg25 : memref<!tpu.dma_semaphore, #tpu.memory_space<semaphore_mem>>) src(%arg13 : memref<64x256xf32, #tpu.memory_space<vmem>>) dst(%dma_wait3A_726 : memref<64x256xf32, #tpu.memory_space<hbm>>)
    %max3A_727 = arith.constant 47 : i32
    %max3A_728 = arith.constant 0 : i32
    %max3A_729 = arith.maxsi %max3A_727, %max3A_728 : i32
    %jit3A_730 = arith.constant false
    %jit3A_731 = arith.constant 0 : i32
    %jit3A_732 = arith.constant 1 : i32
    %select_n3A_733 = arith.select %jit3A_730, %jit3A_731, %jit3A_732 : i32
    %get3A_734 = arith.constant 6208 : index
    %get3A_735 = tpu.vector_load %arg5[%get3A_734] {strides = array<i32>} : memref<6400xi32, #tpu.memory_space<vmem>>, vector<16xi32>,
    %get3A_736 = vector.shape_cast %get3A_735 : vector<16xi32> to vector<16xi32>
    %mul3A_737 = arith.constant 128 : i32
    %mul3A_738 = arith.muli %max3A_729, %mul3A_737 : i32
    %add3A_739 = arith.constant 64 : i32
    %add3A_740 = arith.addi %mul3A_738, %add3A_739 : i32
    %add3A_741 = arith.constant 0 : i32
    %add3A_742 = arith.addi %add3A_740, %add3A_741 : i32
    %get3A_743 = arith.index_cast %add3A_742 : i32 to index
    %get3A_744 = tpu.vector_load %arg5[%get3A_743] {strides = array<i32>} : memref<6400xi32, #tpu.memory_space<vmem>>, vector<16xi32>,
    %get3A_745 = vector.shape_cast %get3A_744 : vector<16xi32> to vector<16xi32>
    %mul3A_746 = arith.constant 256 : i32
    %mul3A_747 = vector.broadcast %mul3A_746 : i32 to vector<16xi32>
    %mul3A_748 = arith.muli %get3A_745, %mul3A_747 : vector<16xi32>
    %add3A_749 = arith.addi %mul3A_748, %get3A_736 : vector<16xi32>
    %mul3A_750 = vector.broadcast %select_n3A_733 : i32 to vector<16xi32>
    %mul3A_751 = arith.muli %add3A_749, %mul3A_750 : vector<16xi32>
    %swap3A_752 = arith.constant 0 : index
    %swap3A_753 = tpu.vector_load %arg7[%swap3A_752] {strides = array<i32>} : memref<64xi32, #tpu.memory_space<vmem>>, vector<16xi32>,
    %swap3A_754 = vector.shape_cast %swap3A_753 : vector<16xi32> to vector<16xi32>
    %swap3A_755 = vector.shape_cast %mul3A_751 : vector<16xi32> to vector<16xi32>
    tpu.vector_store %arg7[%swap3A_752], %swap3A_755 {strides = array<i32>} : memref<64xi32, #tpu.memory_space<vmem>>, vector<16xi32>,
    %get3A_756 = arith.constant 6224 : index
    %get3A_757 = tpu.vector_load %arg5[%get3A_756] {strides = array<i32>} : memref<6400xi32, #tpu.memory_space<vmem>>, vector<16xi32>,
    %get3A_758 = vector.shape_cast %get3A_757 : vector<16xi32> to vector<16xi32>
    %mul3A_759 = arith.constant 128 : i32
    %mul3A_760 = arith.muli %max3A_729, %mul3A_759 : i32
    %add3A_761 = arith.constant 64 : i32
    %add3A_762 = arith.addi %mul3A_760, %add3A_761 : i32
    %add3A_763 = arith.constant 16 : i32
    %add3A_764 = arith.addi %add3A_762, %add3A_763 : i32
    %get3A_765 = arith.index_cast %add3A_764 : i32 to index
    %get3A_766 = tpu.vector_load %arg5[%get3A_765] {strides = array<i32>} : memref<6400xi32, #tpu.memory_space<vmem>>, vector<16xi32>,
    %get3A_767 = vector.shape_cast %get3A_766 : vector<16xi32> to vector<16xi32>
    %mul3A_768 = arith.constant 256 : i32
    %mul3A_769 = vector.broadcast %mul3A_768 : i32 to vector<16xi32>
    %mul3A_770 = arith.muli %get3A_767, %mul3A_769 : vector<16xi32>
    %add3A_771 = arith.addi %mul3A_770, %get3A_758 : vector<16xi32>
    %mul3A_772 = vector.broadcast %select_n3A_733 : i32 to vector<16xi32>
    %mul3A_773 = arith.muli %add3A_771, %mul3A_772 : vector<16xi32>
    %swap3A_774 = arith.constant 16 : index
    %swap3A_775 = tpu.vector_load %arg7[%swap3A_774] {strides = array<i32>} : memref<64xi32, #tpu.memory_space<vmem>>, vector<16xi32>,
    %swap3A_776 = vector.shape_cast %swap3A_775 : vector<16xi32> to vector<16xi32>
    %swap3A_777 = vector.shape_cast %mul3A_773 : vector<16xi32> to vector<16xi32>
    tpu.vector_store %arg7[%swap3A_774], %swap3A_777 {strides = array<i32>} : memref<64xi32, #tpu.memory_space<vmem>>, vector<16xi32>,
    %get3A_778 = arith.constant 6240 : index
    %get3A_779 = tpu.vector_load %arg5[%get3A_778] {strides = array<i32>} : memref<6400xi32, #tpu.memory_space<vmem>>, vector<16xi32>,
    %get3A_780 = vector.shape_cast %get3A_779 : vector<16xi32> to vector<16xi32>
    %mul3A_781 = arith.constant 128 : i32
    %mul3A_782 = arith.muli %max3A_729, %mul3A_781 : i32
    %add3A_783 = arith.constant 64 : i32
    %add3A_784 = arith.addi %mul3A_782, %add3A_783 : i32
    %add3A_785 = arith.constant 32 : i32
    %add3A_786 = arith.addi %add3A_784, %add3A_785 : i32
    %get3A_787 = arith.index_cast %add3A_786 : i32 to index
    %get3A_788 = tpu.vector_load %arg5[%get3A_787] {strides = array<i32>} : memref<6400xi32, #tpu.memory_space<vmem>>, vector<16xi32>,
    %get3A_789 = vector.shape_cast %get3A_788 : vector<16xi32> to vector<16xi32>
    %mul3A_790 = arith.constant 256 : i32
    %mul3A_791 = vector.broadcast %mul3A_790 : i32 to vector<16xi32>
    %mul3A_792 = arith.muli %get3A_789, %mul3A_791 : vector<16xi32>
    %add3A_793 = arith.addi %mul3A_792, %get3A_780 : vector<16xi32>
    %mul3A_794 = vector.broadcast %select_n3A_733 : i32 to vector<16xi32>
    %mul3A_795 = arith.muli %add3A_793, %mul3A_794 : vector<16xi32>
    %swap3A_796 = arith.constant 32 : index
    %swap3A_797 = tpu.vector_load %arg7[%swap3A_796] {strides = array<i32>} : memref<64xi32, #tpu.memory_space<vmem>>, vector<16xi32>,
    %swap3A_798 = vector.shape_cast %swap3A_797 : vector<16xi32> to vector<16xi32>
    %swap3A_799 = vector.shape_cast %mul3A_795 : vector<16xi32> to vector<16xi32>
    tpu.vector_store %arg7[%swap3A_796], %swap3A_799 {strides = array<i32>} : memref<64xi32, #tpu.memory_space<vmem>>, vector<16xi32>,
    %get3A_800 = arith.constant 6256 : index
    %get3A_801 = tpu.vector_load %arg5[%get3A_800] {strides = array<i32>} : memref<6400xi32, #tpu.memory_space<vmem>>, vector<16xi32>,
    %get3A_802 = vector.shape_cast %get3A_801 : vector<16xi32> to vector<16xi32>
    %mul3A_803 = arith.constant 128 : i32
    %mul3A_804 = arith.muli %max3A_729, %mul3A_803 : i32
    %add3A_805 = arith.constant 64 : i32
    %add3A_806 = arith.addi %mul3A_804, %add3A_805 : i32
    %add3A_807 = arith.constant 48 : i32
    %add3A_808 = arith.addi %add3A_806, %add3A_807 : i32
    %get3A_809 = arith.index_cast %add3A_808 : i32 to index
    %get3A_810 = tpu.vector_load %arg5[%get3A_809] {strides = array<i32>} : memref<6400xi32, #tpu.memory_space<vmem>>, vector<16xi32>,
    %get3A_811 = vector.shape_cast %get3A_810 : vector<16xi32> to vector<16xi32>
    %mul3A_812 = arith.constant 256 : i32
    %mul3A_813 = vector.broadcast %mul3A_812 : i32 to vector<16xi32>
    %mul3A_814 = arith.muli %get3A_811, %mul3A_813 : vector<16xi32>
    %add3A_815 = arith.addi %mul3A_814, %get3A_802 : vector<16xi32>
    %mul3A_816 = vector.broadcast %select_n3A_733 : i32 to vector<16xi32>
    %mul3A_817 = arith.muli %add3A_815, %mul3A_816 : vector<16xi32>
    %swap3A_818 = arith.constant 48 : index
    %swap3A_819 = tpu.vector_load %arg7[%swap3A_818] {strides = array<i32>} : memref<64xi32, #tpu.memory_space<vmem>>, vector<16xi32>,
    %swap3A_820 = vector.shape_cast %swap3A_819 : vector<16xi32> to vector<16xi32>
    %swap3A_821 = vector.shape_cast %mul3A_817 : vector<16xi32> to vector<16xi32>
    tpu.vector_store %arg7[%swap3A_818], %swap3A_821 {strides = array<i32>} : memref<64xi32, #tpu.memory_space<vmem>>, vector<16xi32>,
    %dma_start3A_822 = arith.constant 0 : i32
    %dma_start3A_823 = arith.constant 0 : i32
    %dma_start3A_824 = tpu.memref_slice %arg3[%dma_start3A_822, %dma_start3A_823] : memref<65536x256xf32, #tpu.memory_space<hbm>> -> memref<65536x256xf32, #tpu.memory_space<hbm>>
    tpu.enqueue_indirect_dma source(%dma_start3A_824 : memref<65536x256xf32, #tpu.memory_space<hbm>>) target(%arg13 : memref<64x256xf32, #tpu.memory_space<vmem>>) offsets(%arg7 : memref<64xi32, #tpu.memory_space<vmem>>) semaphore(%arg19 : memref<!tpu.dma_semaphore, #tpu.memory_space<semaphore_mem>>)
    %dma_wait3A_825 = arith.constant 0 : i32
    %dma_wait3A_826 = arith.constant 0 : i32
    %dma_wait3A_827 = tpu.memref_slice %arg3[%dma_wait3A_825, %dma_wait3A_826] : memref<65536x256xf32, #tpu.memory_space<hbm>> -> memref<65536x256xf32, #tpu.memory_space<hbm>>
    tpu.wait_indirect_dma semaphore(%arg20 : memref<!tpu.dma_semaphore, #tpu.memory_space<semaphore_mem>>) src(%dma_wait3A_827 : memref<65536x256xf32, #tpu.memory_space<hbm>>) dst(%arg14 : memref<64x256xf32, #tpu.memory_space<vmem>>)
    %add3A_828 = arith.constant 188416 : i32
    %add3A_829 = arith.addi %add3A_828, %mul3A_2 : i32
    %add3A_830 = arith.constant 0 : i32
    %add3A_831 = arith.addi %add3A_829, %add3A_830 : i32
    %dma_start3A_832 = arith.constant 0 : i32
    %dma_start3A_833 = tpu.memref_slice %arg4[%add3A_831, %dma_start3A_832] : memref<204800x256xf32, #tpu.memory_space<hbm>> -> memref<64x256xf32, #tpu.memory_space<hbm>>
    %dma_start3A_834 = arith.constant 0 : i32
    %dma_start3A_835 = tpu.memref_slice %arg4[%add3A_831, %dma_start3A_834] : memref<204800x256xf32, #tpu.memory_space<hbm>> -> memref<64x256xf32, #tpu.memory_space<hbm>>
    tpu.enqueue_dma source(%arg14 : memref<64x256xf32, #tpu.memory_space<vmem>>) target(%dma_start3A_835 : memref<64x256xf32, #tpu.memory_space<hbm>>) target_semaphore(%arg26 : memref<!tpu.dma_semaphore, #tpu.memory_space<semaphore_mem>>)
    %add3A_836 = arith.constant 188416 : i32
    %add3A_837 = arith.addi %add3A_836, %mul3A_2 : i32
    %add3A_838 = arith.constant 0 : i32
    %add3A_839 = arith.addi %add3A_837, %add3A_838 : i32
    %dma_wait3A_840 = arith.constant 0 : i32
    %dma_wait3A_841 = tpu.memref_slice %arg4[%add3A_839, %dma_wait3A_840] : memref<204800x256xf32, #tpu.memory_space<hbm>> -> memref<64x256xf32, #tpu.memory_space<hbm>>
    %dma_wait3A_842 = arith.constant 0 : i32
    %dma_wait3A_843 = tpu.memref_slice %arg4[%add3A_839, %dma_wait3A_842] : memref<204800x256xf32, #tpu.memory_space<hbm>> -> memref<64x256xf32, #tpu.memory_space<hbm>>
    tpu.wait_dma2 semaphore(%arg26 : memref<!tpu.dma_semaphore, #tpu.memory_space<semaphore_mem>>) src(%arg14 : memref<64x256xf32, #tpu.memory_space<vmem>>) dst(%dma_wait3A_843 : memref<64x256xf32, #tpu.memory_space<hbm>>)
    %max3A_844 = arith.constant 48 : i32
    %max3A_845 = arith.constant 0 : i32
    %max3A_846 = arith.maxsi %max3A_844, %max3A_845 : i32
    %jit3A_847 = arith.constant false
    %jit3A_848 = arith.constant 0 : i32
    %jit3A_849 = arith.constant 1 : i32
    %select_n3A_850 = arith.select %jit3A_847, %jit3A_848, %jit3A_849 : i32
    %get3A_851 = arith.constant 6272 : index
    %get3A_852 = tpu.vector_load %arg5[%get3A_851] {strides = array<i32>} : memref<6400xi32, #tpu.memory_space<vmem>>, vector<16xi32>,
    %get3A_853 = vector.shape_cast %get3A_852 : vector<16xi32> to vector<16xi32>
    %mul3A_854 = arith.constant 128 : i32
    %mul3A_855 = arith.muli %max3A_846, %mul3A_854 : i32
    %add3A_856 = arith.constant 0 : i32
    %add3A_857 = arith.addi %mul3A_855, %add3A_856 : i32
    %add3A_858 = arith.constant 0 : i32
    %add3A_859 = arith.addi %add3A_857, %add3A_858 : i32
    %get3A_860 = arith.index_cast %add3A_859 : i32 to index
    %get3A_861 = tpu.vector_load %arg5[%get3A_860] {strides = array<i32>} : memref<6400xi32, #tpu.memory_space<vmem>>, vector<16xi32>,
    %get3A_862 = vector.shape_cast %get3A_861 : vector<16xi32> to vector<16xi32>
    %mul3A_863 = arith.constant 256 : i32
    %mul3A_864 = vector.broadcast %mul3A_863 : i32 to vector<16xi32>
    %mul3A_865 = arith.muli %get3A_862, %mul3A_864 : vector<16xi32>
    %add3A_866 = arith.addi %mul3A_865, %get3A_853 : vector<16xi32>
    %mul3A_867 = vector.broadcast %select_n3A_850 : i32 to vector<16xi32>
    %mul3A_868 = arith.muli %add3A_866, %mul3A_867 : vector<16xi32>
    %swap3A_869 = arith.constant 0 : index
    %swap3A_870 = tpu.vector_load %arg8[%swap3A_869] {strides = array<i32>} : memref<64xi32, #tpu.memory_space<vmem>>, vector<16xi32>,
    %swap3A_871 = vector.shape_cast %swap3A_870 : vector<16xi32> to vector<16xi32>
    %swap3A_872 = vector.shape_cast %mul3A_868 : vector<16xi32> to vector<16xi32>
    tpu.vector_store %arg8[%swap3A_869], %swap3A_872 {strides = array<i32>} : memref<64xi32, #tpu.memory_space<vmem>>, vector<16xi32>,
    %get3A_873 = arith.constant 6288 : index
    %get3A_874 = tpu.vector_load %arg5[%get3A_873] {strides = array<i32>} : memref<6400xi32, #tpu.memory_space<vmem>>, vector<16xi32>,
    %get3A_875 = vector.shape_cast %get3A_874 : vector<16xi32> to vector<16xi32>
    %mul3A_876 = arith.constant 128 : i32
    %mul3A_877 = arith.muli %max3A_846, %mul3A_876 : i32
    %add3A_878 = arith.constant 0 : i32
    %add3A_879 = arith.addi %mul3A_877, %add3A_878 : i32
    %add3A_880 = arith.constant 16 : i32
    %add3A_881 = arith.addi %add3A_879, %add3A_880 : i32
    %get3A_882 = arith.index_cast %add3A_881 : i32 to index
    %get3A_883 = tpu.vector_load %arg5[%get3A_882] {strides = array<i32>} : memref<6400xi32, #tpu.memory_space<vmem>>, vector<16xi32>,
    %get3A_884 = vector.shape_cast %get3A_883 : vector<16xi32> to vector<16xi32>
    %mul3A_885 = arith.constant 256 : i32
    %mul3A_886 = vector.broadcast %mul3A_885 : i32 to vector<16xi32>
    %mul3A_887 = arith.muli %get3A_884, %mul3A_886 : vector<16xi32>
    %add3A_888 = arith.addi %mul3A_887, %get3A_875 : vector<16xi32>
    %mul3A_889 = vector.broadcast %select_n3A_850 : i32 to vector<16xi32>
    %mul3A_890 = arith.muli %add3A_888, %mul3A_889 : vector<16xi32>
    %swap3A_891 = arith.constant 16 : index
    %swap3A_892 = tpu.vector_load %arg8[%swap3A_891] {strides = array<i32>} : memref<64xi32, #tpu.memory_space<vmem>>, vector<16xi32>,
    %swap3A_893 = vector.shape_cast %swap3A_892 : vector<16xi32> to vector<16xi32>
    %swap3A_894 = vector.shape_cast %mul3A_890 : vector<16xi32> to vector<16xi32>
    tpu.vector_store %arg8[%swap3A_891], %swap3A_894 {strides = array<i32>} : memref<64xi32, #tpu.memory_space<vmem>>, vector<16xi32>,
    %get3A_895 = arith.constant 6304 : index
    %get3A_896 = tpu.vector_load %arg5[%get3A_895] {strides = array<i32>} : memref<6400xi32, #tpu.memory_space<vmem>>, vector<16xi32>,
    %get3A_897 = vector.shape_cast %get3A_896 : vector<16xi32> to vector<16xi32>
    %mul3A_898 = arith.constant 128 : i32
    %mul3A_899 = arith.muli %max3A_846, %mul3A_898 : i32
    %add3A_900 = arith.constant 0 : i32
    %add3A_901 = arith.addi %mul3A_899, %add3A_900 : i32
    %add3A_902 = arith.constant 32 : i32
    %add3A_903 = arith.addi %add3A_901, %add3A_902 : i32
    %get3A_904 = arith.index_cast %add3A_903 : i32 to index
    %get3A_905 = tpu.vector_load %arg5[%get3A_904] {strides = array<i32>} : memref<6400xi32, #tpu.memory_space<vmem>>, vector<16xi32>,
    %get3A_906 = vector.shape_cast %get3A_905 : vector<16xi32> to vector<16xi32>
    %mul3A_907 = arith.constant 256 : i32
    %mul3A_908 = vector.broadcast %mul3A_907 : i32 to vector<16xi32>
    %mul3A_909 = arith.muli %get3A_906, %mul3A_908 : vector<16xi32>
    %add3A_910 = arith.addi %mul3A_909, %get3A_897 : vector<16xi32>
    %mul3A_911 = vector.broadcast %select_n3A_850 : i32 to vector<16xi32>
    %mul3A_912 = arith.muli %add3A_910, %mul3A_911 : vector<16xi32>
    %swap3A_913 = arith.constant 32 : index
    %swap3A_914 = tpu.vector_load %arg8[%swap3A_913] {strides = array<i32>} : memref<64xi32, #tpu.memory_space<vmem>>, vector<16xi32>,
    %swap3A_915 = vector.shape_cast %swap3A_914 : vector<16xi32> to vector<16xi32>
    %swap3A_916 = vector.shape_cast %mul3A_912 : vector<16xi32> to vector<16xi32>
    tpu.vector_store %arg8[%swap3A_913], %swap3A_916 {strides = array<i32>} : memref<64xi32, #tpu.memory_space<vmem>>, vector<16xi32>,
    %get3A_917 = arith.constant 6320 : index
    %get3A_918 = tpu.vector_load %arg5[%get3A_917] {strides = array<i32>} : memref<6400xi32, #tpu.memory_space<vmem>>, vector<16xi32>,
    %get3A_919 = vector.shape_cast %get3A_918 : vector<16xi32> to vector<16xi32>
    %mul3A_920 = arith.constant 128 : i32
    %mul3A_921 = arith.muli %max3A_846, %mul3A_920 : i32
    %add3A_922 = arith.constant 0 : i32
    %add3A_923 = arith.addi %mul3A_921, %add3A_922 : i32
    %add3A_924 = arith.constant 48 : i32
    %add3A_925 = arith.addi %add3A_923, %add3A_924 : i32
    %get3A_926 = arith.index_cast %add3A_925 : i32 to index
    %get3A_927 = tpu.vector_load %arg5[%get3A_926] {strides = array<i32>} : memref<6400xi32, #tpu.memory_space<vmem>>, vector<16xi32>,
    %get3A_928 = vector.shape_cast %get3A_927 : vector<16xi32> to vector<16xi32>
    %mul3A_929 = arith.constant 256 : i32
    %mul3A_930 = vector.broadcast %mul3A_929 : i32 to vector<16xi32>
    %mul3A_931 = arith.muli %get3A_928, %mul3A_930 : vector<16xi32>
    %add3A_932 = arith.addi %mul3A_931, %get3A_919 : vector<16xi32>
    %mul3A_933 = vector.broadcast %select_n3A_850 : i32 to vector<16xi32>
    %mul3A_934 = arith.muli %add3A_932, %mul3A_933 : vector<16xi32>
    %swap3A_935 = arith.constant 48 : index
    %swap3A_936 = tpu.vector_load %arg8[%swap3A_935] {strides = array<i32>} : memref<64xi32, #tpu.memory_space<vmem>>, vector<16xi32>,
    %swap3A_937 = vector.shape_cast %swap3A_936 : vector<16xi32> to vector<16xi32>
    %swap3A_938 = vector.shape_cast %mul3A_934 : vector<16xi32> to vector<16xi32>
    tpu.vector_store %arg8[%swap3A_935], %swap3A_938 {strides = array<i32>} : memref<64xi32, #tpu.memory_space<vmem>>, vector<16xi32>,
    %dma_start3A_939 = arith.constant 0 : i32
    %dma_start3A_940 = arith.constant 0 : i32
    %dma_start3A_941 = tpu.memref_slice %arg3[%dma_start3A_939, %dma_start3A_940] : memref<65536x256xf32, #tpu.memory_space<hbm>> -> memref<65536x256xf32, #tpu.memory_space<hbm>>
    tpu.enqueue_indirect_dma source(%dma_start3A_941 : memref<65536x256xf32, #tpu.memory_space<hbm>>) target(%arg14 : memref<64x256xf32, #tpu.memory_space<vmem>>) offsets(%arg8 : memref<64xi32, #tpu.memory_space<vmem>>) semaphore(%arg20 : memref<!tpu.dma_semaphore, #tpu.memory_space<semaphore_mem>>)
    %dma_wait3A_942 = arith.constant 0 : i32
    %dma_wait3A_943 = arith.constant 0 : i32
    %dma_wait3A_944 = tpu.memref_slice %arg3[%dma_wait3A_942, %dma_wait3A_943] : memref<65536x256xf32, #tpu.memory_space<hbm>> -> memref<65536x256xf32, #tpu.memory_space<hbm>>
    tpu.wait_indirect_dma semaphore(%arg21 : memref<!tpu.dma_semaphore, #tpu.memory_space<semaphore_mem>>) src(%dma_wait3A_944 : memref<65536x256xf32, #tpu.memory_space<hbm>>) dst(%arg15 : memref<64x256xf32, #tpu.memory_space<vmem>>)
    %add3A_945 = arith.constant 188416 : i32
    %add3A_946 = arith.addi %add3A_945, %mul3A_2 : i32
    %add3A_947 = arith.constant 64 : i32
    %add3A_948 = arith.addi %add3A_946, %add3A_947 : i32
    %dma_start3A_949 = arith.constant 0 : i32
    %dma_start3A_950 = tpu.memref_slice %arg4[%add3A_948, %dma_start3A_949] : memref<204800x256xf32, #tpu.memory_space<hbm>> -> memref<64x256xf32, #tpu.memory_space<hbm>>
    %dma_start3A_951 = arith.constant 0 : i32
    %dma_start3A_952 = tpu.memref_slice %arg4[%add3A_948, %dma_start3A_951] : memref<204800x256xf32, #tpu.memory_space<hbm>> -> memref<64x256xf32, #tpu.memory_space<hbm>>
    tpu.enqueue_dma source(%arg15 : memref<64x256xf32, #tpu.memory_space<vmem>>) target(%dma_start3A_952 : memref<64x256xf32, #tpu.memory_space<hbm>>) target_semaphore(%arg27 : memref<!tpu.dma_semaphore, #tpu.memory_space<semaphore_mem>>)
    %add3A_953 = arith.constant 188416 : i32
    %add3A_954 = arith.addi %add3A_953, %mul3A_2 : i32
    %add3A_955 = arith.constant 64 : i32
    %add3A_956 = arith.addi %add3A_954, %add3A_955 : i32
    %dma_wait3A_957 = arith.constant 0 : i32
    %dma_wait3A_958 = tpu.memref_slice %arg4[%add3A_956, %dma_wait3A_957] : memref<204800x256xf32, #tpu.memory_space<hbm>> -> memref<64x256xf32, #tpu.memory_space<hbm>>
    %dma_wait3A_959 = arith.constant 0 : i32
    %dma_wait3A_960 = tpu.memref_slice %arg4[%add3A_956, %dma_wait3A_959] : memref<204800x256xf32, #tpu.memory_space<hbm>> -> memref<64x256xf32, #tpu.memory_space<hbm>>
    tpu.wait_dma2 semaphore(%arg27 : memref<!tpu.dma_semaphore, #tpu.memory_space<semaphore_mem>>) src(%arg15 : memref<64x256xf32, #tpu.memory_space<vmem>>) dst(%dma_wait3A_960 : memref<64x256xf32, #tpu.memory_space<hbm>>)
    %max3A_961 = arith.constant 48 : i32
    %max3A_962 = arith.constant 0 : i32
    %max3A_963 = arith.maxsi %max3A_961, %max3A_962 : i32
    %jit3A_964 = arith.constant false
    %jit3A_965 = arith.constant 0 : i32
    %jit3A_966 = arith.constant 1 : i32
    %select_n3A_967 = arith.select %jit3A_964, %jit3A_965, %jit3A_966 : i32
    %get3A_968 = arith.constant 6336 : index
    %get3A_969 = tpu.vector_load %arg5[%get3A_968] {strides = array<i32>} : memref<6400xi32, #tpu.memory_space<vmem>>, vector<16xi32>,
    %get3A_970 = vector.shape_cast %get3A_969 : vector<16xi32> to vector<16xi32>
    %mul3A_971 = arith.constant 128 : i32
    %mul3A_972 = arith.muli %max3A_963, %mul3A_971 : i32
    %add3A_973 = arith.constant 64 : i32
    %add3A_974 = arith.addi %mul3A_972, %add3A_973 : i32
    %add3A_975 = arith.constant 0 : i32
    %add3A_976 = arith.addi %add3A_974, %add3A_975 : i32
    %get3A_977 = arith.index_cast %add3A_976 : i32 to index
    %get3A_978 = tpu.vector_load %arg5[%get3A_977] {strides = array<i32>} : memref<6400xi32, #tpu.memory_space<vmem>>, vector<16xi32>,
    %get3A_979 = vector.shape_cast %get3A_978 : vector<16xi32> to vector<16xi32>
    %mul3A_980 = arith.constant 256 : i32
    %mul3A_981 = vector.broadcast %mul3A_980 : i32 to vector<16xi32>
    %mul3A_982 = arith.muli %get3A_979, %mul3A_981 : vector<16xi32>
    %add3A_983 = arith.addi %mul3A_982, %get3A_970 : vector<16xi32>
    %mul3A_984 = vector.broadcast %select_n3A_967 : i32 to vector<16xi32>
    %mul3A_985 = arith.muli %add3A_983, %mul3A_984 : vector<16xi32>
    %swap3A_986 = arith.constant 0 : index
    %swap3A_987 = tpu.vector_load %arg9[%swap3A_986] {strides = array<i32>} : memref<64xi32, #tpu.memory_space<vmem>>, vector<16xi32>,
    %swap3A_988 = vector.shape_cast %swap3A_987 : vector<16xi32> to vector<16xi32>
    %swap3A_989 = vector.shape_cast %mul3A_985 : vector<16xi32> to vector<16xi32>
    tpu.vector_store %arg9[%swap3A_986], %swap3A_989 {strides = array<i32>} : memref<64xi32, #tpu.memory_space<vmem>>, vector<16xi32>,
    %get3A_990 = arith.constant 6352 : index
    %get3A_991 = tpu.vector_load %arg5[%get3A_990] {strides = array<i32>} : memref<6400xi32, #tpu.memory_space<vmem>>, vector<16xi32>,
    %get3A_992 = vector.shape_cast %get3A_991 : vector<16xi32> to vector<16xi32>
    %mul3A_993 = arith.constant 128 : i32
    %mul3A_994 = arith.muli %max3A_963, %mul3A_993 : i32
    %add3A_995 = arith.constant 64 : i32
    %add3A_996 = arith.addi %mul3A_994, %add3A_995 : i32
    %add3A_997 = arith.constant 16 : i32
    %add3A_998 = arith.addi %add3A_996, %add3A_997 : i32
    %get3A_999 = arith.index_cast %add3A_998 : i32 to index
    %get3A_1000 = tpu.vector_load %arg5[%get3A_999] {strides = array<i32>} : memref<6400xi32, #tpu.memory_space<vmem>>, vector<16xi32>,
    %get3A_1001 = vector.shape_cast %get3A_1000 : vector<16xi32> to vector<16xi32>
    %mul3A_1002 = arith.constant 256 : i32
    %mul3A_1003 = vector.broadcast %mul3A_1002 : i32 to vector<16xi32>
    %mul3A_1004 = arith.muli %get3A_1001, %mul3A_1003 : vector<16xi32>
    %add3A_1005 = arith.addi %mul3A_1004, %get3A_992 : vector<16xi32>
    %mul3A_1006 = vector.broadcast %select_n3A_967 : i32 to vector<16xi32>
    %mul3A_1007 = arith.muli %add3A_1005, %mul3A_1006 : vector<16xi32>
    %swap3A_1008 = arith.constant 16 : index
    %swap3A_1009 = tpu.vector_load %arg9[%swap3A_1008] {strides = array<i32>} : memref<64xi32, #tpu.memory_space<vmem>>, vector<16xi32>,
    %swap3A_1010 = vector.shape_cast %swap3A_1009 : vector<16xi32> to vector<16xi32>
    %swap3A_1011 = vector.shape_cast %mul3A_1007 : vector<16xi32> to vector<16xi32>
    tpu.vector_store %arg9[%swap3A_1008], %swap3A_1011 {strides = array<i32>} : memref<64xi32, #tpu.memory_space<vmem>>, vector<16xi32>,
    %get3A_1012 = arith.constant 6368 : index
    %get3A_1013 = tpu.vector_load %arg5[%get3A_1012] {strides = array<i32>} : memref<6400xi32, #tpu.memory_space<vmem>>, vector<16xi32>,
    %get3A_1014 = vector.shape_cast %get3A_1013 : vector<16xi32> to vector<16xi32>
    %mul3A_1015 = arith.constant 128 : i32
    %mul3A_1016 = arith.muli %max3A_963, %mul3A_1015 : i32
    %add3A_1017 = arith.constant 64 : i32
    %add3A_1018 = arith.addi %mul3A_1016, %add3A_1017 : i32
    %add3A_1019 = arith.constant 32 : i32
    %add3A_1020 = arith.addi %add3A_1018, %add3A_1019 : i32
    %get3A_1021 = arith.index_cast %add3A_1020 : i32 to index
    %get3A_1022 = tpu.vector_load %arg5[%get3A_1021] {strides = array<i32>} : memref<6400xi32, #tpu.memory_space<vmem>>, vector<16xi32>,
    %get3A_1023 = vector.shape_cast %get3A_1022 : vector<16xi32> to vector<16xi32>
    %mul3A_1024 = arith.constant 256 : i32
    %mul3A_1025 = vector.broadcast %mul3A_1024 : i32 to vector<16xi32>
    %mul3A_1026 = arith.muli %get3A_1023, %mul3A_1025 : vector<16xi32>
    %add3A_1027 = arith.addi %mul3A_1026, %get3A_1014 : vector<16xi32>
    %mul3A_1028 = vector.broadcast %select_n3A_967 : i32 to vector<16xi32>
    %mul3A_1029 = arith.muli %add3A_1027, %mul3A_1028 : vector<16xi32>
    %swap3A_1030 = arith.constant 32 : index
    %swap3A_1031 = tpu.vector_load %arg9[%swap3A_1030] {strides = array<i32>} : memref<64xi32, #tpu.memory_space<vmem>>, vector<16xi32>,
    %swap3A_1032 = vector.shape_cast %swap3A_1031 : vector<16xi32> to vector<16xi32>
    %swap3A_1033 = vector.shape_cast %mul3A_1029 : vector<16xi32> to vector<16xi32>
    tpu.vector_store %arg9[%swap3A_1030], %swap3A_1033 {strides = array<i32>} : memref<64xi32, #tpu.memory_space<vmem>>, vector<16xi32>,
    %get3A_1034 = arith.constant 6384 : index
    %get3A_1035 = tpu.vector_load %arg5[%get3A_1034] {strides = array<i32>} : memref<6400xi32, #tpu.memory_space<vmem>>, vector<16xi32>,
    %get3A_1036 = vector.shape_cast %get3A_1035 : vector<16xi32> to vector<16xi32>
    %mul3A_1037 = arith.constant 128 : i32
    %mul3A_1038 = arith.muli %max3A_963, %mul3A_1037 : i32
    %add3A_1039 = arith.constant 64 : i32
    %add3A_1040 = arith.addi %mul3A_1038, %add3A_1039 : i32
    %add3A_1041 = arith.constant 48 : i32
    %add3A_1042 = arith.addi %add3A_1040, %add3A_1041 : i32
    %get3A_1043 = arith.index_cast %add3A_1042 : i32 to index
    %get3A_1044 = tpu.vector_load %arg5[%get3A_1043] {strides = array<i32>} : memref<6400xi32, #tpu.memory_space<vmem>>, vector<16xi32>,
    %get3A_1045 = vector.shape_cast %get3A_1044 : vector<16xi32> to vector<16xi32>
    %mul3A_1046 = arith.constant 256 : i32
    %mul3A_1047 = vector.broadcast %mul3A_1046 : i32 to vector<16xi32>
    %mul3A_1048 = arith.muli %get3A_1045, %mul3A_1047 : vector<16xi32>
    %add3A_1049 = arith.addi %mul3A_1048, %get3A_1036 : vector<16xi32>
    %mul3A_1050 = vector.broadcast %select_n3A_967 : i32 to vector<16xi32>
    %mul3A_1051 = arith.muli %add3A_1049, %mul3A_1050 : vector<16xi32>
    %swap3A_1052 = arith.constant 48 : index
    %swap3A_1053 = tpu.vector_load %arg9[%swap3A_1052] {strides = array<i32>} : memref<64xi32, #tpu.memory_space<vmem>>, vector<16xi32>,
    %swap3A_1054 = vector.shape_cast %swap3A_1053 : vector<16xi32> to vector<16xi32>
    %swap3A_1055 = vector.shape_cast %mul3A_1051 : vector<16xi32> to vector<16xi32>
    tpu.vector_store %arg9[%swap3A_1052], %swap3A_1055 {strides = array<i32>} : memref<64xi32, #tpu.memory_space<vmem>>, vector<16xi32>,
    %dma_start3A_1056 = arith.constant 0 : i32
    %dma_start3A_1057 = arith.constant 0 : i32
    %dma_start3A_1058 = tpu.memref_slice %arg3[%dma_start3A_1056, %dma_start3A_1057] : memref<65536x256xf32, #tpu.memory_space<hbm>> -> memref<65536x256xf32, #tpu.memory_space<hbm>>
    tpu.enqueue_indirect_dma source(%dma_start3A_1058 : memref<65536x256xf32, #tpu.memory_space<hbm>>) target(%arg15 : memref<64x256xf32, #tpu.memory_space<vmem>>) offsets(%arg9 : memref<64xi32, #tpu.memory_space<vmem>>) semaphore(%arg21 : memref<!tpu.dma_semaphore, #tpu.memory_space<semaphore_mem>>)
    %dma_wait3A_1059 = arith.constant 0 : i32
    %dma_wait3A_1060 = arith.constant 0 : i32
    %dma_wait3A_1061 = tpu.memref_slice %arg3[%dma_wait3A_1059, %dma_wait3A_1060] : memref<65536x256xf32, #tpu.memory_space<hbm>> -> memref<65536x256xf32, #tpu.memory_space<hbm>>
    tpu.wait_indirect_dma semaphore(%arg22 : memref<!tpu.dma_semaphore, #tpu.memory_space<semaphore_mem>>) src(%dma_wait3A_1061 : memref<65536x256xf32, #tpu.memory_space<hbm>>) dst(%arg16 : memref<64x256xf32, #tpu.memory_space<vmem>>)
    %add3A_1062 = arith.constant 192512 : i32
    %add3A_1063 = arith.addi %add3A_1062, %mul3A_2 : i32
    %add3A_1064 = arith.constant 0 : i32
    %add3A_1065 = arith.addi %add3A_1063, %add3A_1064 : i32
    %dma_start3A_1066 = arith.constant 0 : i32
    %dma_start3A_1067 = tpu.memref_slice %arg4[%add3A_1065, %dma_start3A_1066] : memref<204800x256xf32, #tpu.memory_space<hbm>> -> memref<64x256xf32, #tpu.memory_space<hbm>>
    %dma_start3A_1068 = arith.constant 0 : i32
    %dma_start3A_1069 = tpu.memref_slice %arg4[%add3A_1065, %dma_start3A_1068] : memref<204800x256xf32, #tpu.memory_space<hbm>> -> memref<64x256xf32, #tpu.memory_space<hbm>>
    tpu.enqueue_dma source(%arg16 : memref<64x256xf32, #tpu.memory_space<vmem>>) target(%dma_start3A_1069 : memref<64x256xf32, #tpu.memory_space<hbm>>) target_semaphore(%arg28 : memref<!tpu.dma_semaphore, #tpu.memory_space<semaphore_mem>>)
    %add3A_1070 = arith.constant 192512 : i32
    %add3A_1071 = arith.addi %add3A_1070, %mul3A_2 : i32
    %add3A_1072 = arith.constant 0 : i32
    %add3A_1073 = arith.addi %add3A_1071, %add3A_1072 : i32
    %dma_wait3A_1074 = arith.constant 0 : i32
    %dma_wait3A_1075 = tpu.memref_slice %arg4[%add3A_1073, %dma_wait3A_1074] : memref<204800x256xf32, #tpu.memory_space<hbm>> -> memref<64x256xf32, #tpu.memory_space<hbm>>
    %dma_wait3A_1076 = arith.constant 0 : i32
    %dma_wait3A_1077 = tpu.memref_slice %arg4[%add3A_1073, %dma_wait3A_1076] : memref<204800x256xf32, #tpu.memory_space<hbm>> -> memref<64x256xf32, #tpu.memory_space<hbm>>
    tpu.wait_dma2 semaphore(%arg28 : memref<!tpu.dma_semaphore, #tpu.memory_space<semaphore_mem>>) src(%arg16 : memref<64x256xf32, #tpu.memory_space<vmem>>) dst(%dma_wait3A_1077 : memref<64x256xf32, #tpu.memory_space<hbm>>)
    %dma_wait3A_1078 = arith.constant 0 : i32
    %dma_wait3A_1079 = arith.constant 0 : i32
    %dma_wait3A_1080 = tpu.memref_slice %arg3[%dma_wait3A_1078, %dma_wait3A_1079] : memref<65536x256xf32, #tpu.memory_space<hbm>> -> memref<65536x256xf32, #tpu.memory_space<hbm>>
    tpu.wait_indirect_dma semaphore(%arg23 : memref<!tpu.dma_semaphore, #tpu.memory_space<semaphore_mem>>) src(%dma_wait3A_1080 : memref<65536x256xf32, #tpu.memory_space<hbm>>) dst(%arg17 : memref<64x256xf32, #tpu.memory_space<vmem>>)
    %add3A_1081 = arith.constant 192512 : i32
    %add3A_1082 = arith.addi %add3A_1081, %mul3A_2 : i32
    %add3A_1083 = arith.constant 64 : i32
    %add3A_1084 = arith.addi %add3A_1082, %add3A_1083 : i32
    %dma_start3A_1085 = arith.constant 0 : i32
    %dma_start3A_1086 = tpu.memref_slice %arg4[%add3A_1084, %dma_start3A_1085] : memref<204800x256xf32, #tpu.memory_space<hbm>> -> memref<64x256xf32, #tpu.memory_space<hbm>>
    %dma_start3A_1087 = arith.constant 0 : i32
    %dma_start3A_1088 = tpu.memref_slice %arg4[%add3A_1084, %dma_start3A_1087] : memref<204800x256xf32, #tpu.memory_space<hbm>> -> memref<64x256xf32, #tpu.memory_space<hbm>>
    tpu.enqueue_dma source(%arg17 : memref<64x256xf32, #tpu.memory_space<vmem>>) target(%dma_start3A_1088 : memref<64x256xf32, #tpu.memory_space<hbm>>) target_semaphore(%arg29 : memref<!tpu.dma_semaphore, #tpu.memory_space<semaphore_mem>>)
    %add3A_1089 = arith.constant 192512 : i32
    %add3A_1090 = arith.addi %add3A_1089, %mul3A_2 : i32
    %add3A_1091 = arith.constant 64 : i32
    %add3A_1092 = arith.addi %add3A_1090, %add3A_1091 : i32
    %dma_wait3A_1093 = arith.constant 0 : i32
    %dma_wait3A_1094 = tpu.memref_slice %arg4[%add3A_1092, %dma_wait3A_1093] : memref<204800x256xf32, #tpu.memory_space<hbm>> -> memref<64x256xf32, #tpu.memory_space<hbm>>
    %dma_wait3A_1095 = arith.constant 0 : i32
    %dma_wait3A_1096 = tpu.memref_slice %arg4[%add3A_1092, %dma_wait3A_1095] : memref<204800x256xf32, #tpu.memory_space<hbm>> -> memref<64x256xf32, #tpu.memory_space<hbm>>
    tpu.wait_dma2 semaphore(%arg29 : memref<!tpu.dma_semaphore, #tpu.memory_space<semaphore_mem>>) src(%arg17 : memref<64x256xf32, #tpu.memory_space<vmem>>) dst(%dma_wait3A_1096 : memref<64x256xf32, #tpu.memory_space<hbm>>)
    %dma_wait3A_1097 = arith.constant 0 : i32
    %dma_wait3A_1098 = arith.constant 0 : i32
    %dma_wait3A_1099 = tpu.memref_slice %arg3[%dma_wait3A_1097, %dma_wait3A_1098] : memref<65536x256xf32, #tpu.memory_space<hbm>> -> memref<65536x256xf32, #tpu.memory_space<hbm>>
    tpu.wait_indirect_dma semaphore(%arg18 : memref<!tpu.dma_semaphore, #tpu.memory_space<semaphore_mem>>) src(%dma_wait3A_1099 : memref<65536x256xf32, #tpu.memory_space<hbm>>) dst(%arg12 : memref<64x256xf32, #tpu.memory_space<vmem>>)
    %add3A_1100 = arith.constant 196608 : i32
    %add3A_1101 = arith.addi %add3A_1100, %mul3A_2 : i32
    %add3A_1102 = arith.constant 0 : i32
    %add3A_1103 = arith.addi %add3A_1101, %add3A_1102 : i32
    %dma_start3A_1104 = arith.constant 0 : i32
    %dma_start3A_1105 = tpu.memref_slice %arg4[%add3A_1103, %dma_start3A_1104] : memref<204800x256xf32, #tpu.memory_space<hbm>> -> memref<64x256xf32, #tpu.memory_space<hbm>>
    %dma_start3A_1106 = arith.constant 0 : i32
    %dma_start3A_1107 = tpu.memref_slice %arg4[%add3A_1103, %dma_start3A_1106] : memref<204800x256xf32, #tpu.memory_space<hbm>> -> memref<64x256xf32, #tpu.memory_space<hbm>>
    tpu.enqueue_dma source(%arg12 : memref<64x256xf32, #tpu.memory_space<vmem>>) target(%dma_start3A_1107 : memref<64x256xf32, #tpu.memory_space<hbm>>) target_semaphore(%arg24 : memref<!tpu.dma_semaphore, #tpu.memory_space<semaphore_mem>>)
    %add3A_1108 = arith.constant 196608 : i32
    %add3A_1109 = arith.addi %add3A_1108, %mul3A_2 : i32
    %add3A_1110 = arith.constant 0 : i32
    %add3A_1111 = arith.addi %add3A_1109, %add3A_1110 : i32
    %dma_wait3A_1112 = arith.constant 0 : i32
    %dma_wait3A_1113 = tpu.memref_slice %arg4[%add3A_1111, %dma_wait3A_1112] : memref<204800x256xf32, #tpu.memory_space<hbm>> -> memref<64x256xf32, #tpu.memory_space<hbm>>
    %dma_wait3A_1114 = arith.constant 0 : i32
    %dma_wait3A_1115 = tpu.memref_slice %arg4[%add3A_1111, %dma_wait3A_1114] : memref<204800x256xf32, #tpu.memory_space<hbm>> -> memref<64x256xf32, #tpu.memory_space<hbm>>
    tpu.wait_dma2 semaphore(%arg24 : memref<!tpu.dma_semaphore, #tpu.memory_space<semaphore_mem>>) src(%arg12 : memref<64x256xf32, #tpu.memory_space<vmem>>) dst(%dma_wait3A_1115 : memref<64x256xf32, #tpu.memory_space<hbm>>)
    %dma_wait3A_1116 = arith.constant 0 : i32
    %dma_wait3A_1117 = arith.constant 0 : i32
    %dma_wait3A_1118 = tpu.memref_slice %arg3[%dma_wait3A_1116, %dma_wait3A_1117] : memref<65536x256xf32, #tpu.memory_space<hbm>> -> memref<65536x256xf32, #tpu.memory_space<hbm>>
    tpu.wait_indirect_dma semaphore(%arg19 : memref<!tpu.dma_semaphore, #tpu.memory_space<semaphore_mem>>) src(%dma_wait3A_1118 : memref<65536x256xf32, #tpu.memory_space<hbm>>) dst(%arg13 : memref<64x256xf32, #tpu.memory_space<vmem>>)
    %add3A_1119 = arith.constant 196608 : i32
    %add3A_1120 = arith.addi %add3A_1119, %mul3A_2 : i32
    %add3A_1121 = arith.constant 64 : i32
    %add3A_1122 = arith.addi %add3A_1120, %add3A_1121 : i32
    %dma_start3A_1123 = arith.constant 0 : i32
    %dma_start3A_1124 = tpu.memref_slice %arg4[%add3A_1122, %dma_start3A_1123] : memref<204800x256xf32, #tpu.memory_space<hbm>> -> memref<64x256xf32, #tpu.memory_space<hbm>>
    %dma_start3A_1125 = arith.constant 0 : i32
    %dma_start3A_1126 = tpu.memref_slice %arg4[%add3A_1122, %dma_start3A_1125] : memref<204800x256xf32, #tpu.memory_space<hbm>> -> memref<64x256xf32, #tpu.memory_space<hbm>>
    tpu.enqueue_dma source(%arg13 : memref<64x256xf32, #tpu.memory_space<vmem>>) target(%dma_start3A_1126 : memref<64x256xf32, #tpu.memory_space<hbm>>) target_semaphore(%arg25 : memref<!tpu.dma_semaphore, #tpu.memory_space<semaphore_mem>>)
    %add3A_1127 = arith.constant 196608 : i32
    %add3A_1128 = arith.addi %add3A_1127, %mul3A_2 : i32
    %add3A_1129 = arith.constant 64 : i32
    %add3A_1130 = arith.addi %add3A_1128, %add3A_1129 : i32
    %dma_wait3A_1131 = arith.constant 0 : i32
    %dma_wait3A_1132 = tpu.memref_slice %arg4[%add3A_1130, %dma_wait3A_1131] : memref<204800x256xf32, #tpu.memory_space<hbm>> -> memref<64x256xf32, #tpu.memory_space<hbm>>
    %dma_wait3A_1133 = arith.constant 0 : i32
    %dma_wait3A_1134 = tpu.memref_slice %arg4[%add3A_1130, %dma_wait3A_1133] : memref<204800x256xf32, #tpu.memory_space<hbm>> -> memref<64x256xf32, #tpu.memory_space<hbm>>
    tpu.wait_dma2 semaphore(%arg25 : memref<!tpu.dma_semaphore, #tpu.memory_space<semaphore_mem>>) src(%arg13 : memref<64x256xf32, #tpu.memory_space<vmem>>) dst(%dma_wait3A_1134 : memref<64x256xf32, #tpu.memory_space<hbm>>)
    %dma_wait3A_1135 = arith.constant 0 : i32
    %dma_wait3A_1136 = arith.constant 0 : i32
    %dma_wait3A_1137 = tpu.memref_slice %arg3[%dma_wait3A_1135, %dma_wait3A_1136] : memref<65536x256xf32, #tpu.memory_space<hbm>> -> memref<65536x256xf32, #tpu.memory_space<hbm>>
    tpu.wait_indirect_dma semaphore(%arg20 : memref<!tpu.dma_semaphore, #tpu.memory_space<semaphore_mem>>) src(%dma_wait3A_1137 : memref<65536x256xf32, #tpu.memory_space<hbm>>) dst(%arg14 : memref<64x256xf32, #tpu.memory_space<vmem>>)
    %add3A_1138 = arith.constant 200704 : i32
    %add3A_1139 = arith.addi %add3A_1138, %mul3A_2 : i32
    %add3A_1140 = arith.constant 0 : i32
    %add3A_1141 = arith.addi %add3A_1139, %add3A_1140 : i32
    %dma_start3A_1142 = arith.constant 0 : i32
    %dma_start3A_1143 = tpu.memref_slice %arg4[%add3A_1141, %dma_start3A_1142] : memref<204800x256xf32, #tpu.memory_space<hbm>> -> memref<64x256xf32, #tpu.memory_space<hbm>>
    %dma_start3A_1144 = arith.constant 0 : i32
    %dma_start3A_1145 = tpu.memref_slice %arg4[%add3A_1141, %dma_start3A_1144] : memref<204800x256xf32, #tpu.memory_space<hbm>> -> memref<64x256xf32, #tpu.memory_space<hbm>>
    tpu.enqueue_dma source(%arg14 : memref<64x256xf32, #tpu.memory_space<vmem>>) target(%dma_start3A_1145 : memref<64x256xf32, #tpu.memory_space<hbm>>) target_semaphore(%arg26 : memref<!tpu.dma_semaphore, #tpu.memory_space<semaphore_mem>>)
    %add3A_1146 = arith.constant 200704 : i32
    %add3A_1147 = arith.addi %add3A_1146, %mul3A_2 : i32
    %add3A_1148 = arith.constant 0 : i32
    %add3A_1149 = arith.addi %add3A_1147, %add3A_1148 : i32
    %dma_wait3A_1150 = arith.constant 0 : i32
    %dma_wait3A_1151 = tpu.memref_slice %arg4[%add3A_1149, %dma_wait3A_1150] : memref<204800x256xf32, #tpu.memory_space<hbm>> -> memref<64x256xf32, #tpu.memory_space<hbm>>
    %dma_wait3A_1152 = arith.constant 0 : i32
    %dma_wait3A_1153 = tpu.memref_slice %arg4[%add3A_1149, %dma_wait3A_1152] : memref<204800x256xf32, #tpu.memory_space<hbm>> -> memref<64x256xf32, #tpu.memory_space<hbm>>
    tpu.wait_dma2 semaphore(%arg26 : memref<!tpu.dma_semaphore, #tpu.memory_space<semaphore_mem>>) src(%arg14 : memref<64x256xf32, #tpu.memory_space<vmem>>) dst(%dma_wait3A_1153 : memref<64x256xf32, #tpu.memory_space<hbm>>)
    %dma_wait3A_1154 = arith.constant 0 : i32
    %dma_wait3A_1155 = arith.constant 0 : i32
    %dma_wait3A_1156 = tpu.memref_slice %arg3[%dma_wait3A_1154, %dma_wait3A_1155] : memref<65536x256xf32, #tpu.memory_space<hbm>> -> memref<65536x256xf32, #tpu.memory_space<hbm>>
    tpu.wait_indirect_dma semaphore(%arg21 : memref<!tpu.dma_semaphore, #tpu.memory_space<semaphore_mem>>) src(%dma_wait3A_1156 : memref<65536x256xf32, #tpu.memory_space<hbm>>) dst(%arg15 : memref<64x256xf32, #tpu.memory_space<vmem>>)
    %add3A_1157 = arith.constant 200704 : i32
    %add3A_1158 = arith.addi %add3A_1157, %mul3A_2 : i32
    %add3A_1159 = arith.constant 64 : i32
    %add3A_1160 = arith.addi %add3A_1158, %add3A_1159 : i32
    %dma_start3A_1161 = arith.constant 0 : i32
    %dma_start3A_1162 = tpu.memref_slice %arg4[%add3A_1160, %dma_start3A_1161] : memref<204800x256xf32, #tpu.memory_space<hbm>> -> memref<64x256xf32, #tpu.memory_space<hbm>>
    %dma_start3A_1163 = arith.constant 0 : i32
    %dma_start3A_1164 = tpu.memref_slice %arg4[%add3A_1160, %dma_start3A_1163] : memref<204800x256xf32, #tpu.memory_space<hbm>> -> memref<64x256xf32, #tpu.memory_space<hbm>>
    tpu.enqueue_dma source(%arg15 : memref<64x256xf32, #tpu.memory_space<vmem>>) target(%dma_start3A_1164 : memref<64x256xf32, #tpu.memory_space<hbm>>) target_semaphore(%arg27 : memref<!tpu.dma_semaphore, #tpu.memory_space<semaphore_mem>>)
    %add3A_1165 = arith.constant 200704 : i32
    %add3A_1166 = arith.addi %add3A_1165, %mul3A_2 : i32
    %add3A_1167 = arith.constant 64 : i32
    %add3A_1168 = arith.addi %add3A_1166, %add3A_1167 : i32
    %dma_wait3A_1169 = arith.constant 0 : i32
    %dma_wait3A_1170 = tpu.memref_slice %arg4[%add3A_1168, %dma_wait3A_1169] : memref<204800x256xf32, #tpu.memory_space<hbm>> -> memref<64x256xf32, #tpu.memory_space<hbm>>
    %dma_wait3A_1171 = arith.constant 0 : i32
    %dma_wait3A_1172 = tpu.memref_slice %arg4[%add3A_1168, %dma_wait3A_1171] : memref<204800x256xf32, #tpu.memory_space<hbm>> -> memref<64x256xf32, #tpu.memory_space<hbm>>
    tpu.wait_dma2 semaphore(%arg27 : memref<!tpu.dma_semaphore, #tpu.memory_space<semaphore_mem>>) src(%arg15 : memref<64x256xf32, #tpu.memory_space<vmem>>) dst(%dma_wait3A_1172 : memref<64x256xf32, #tpu.memory_space<hbm>>)
    return
  }
}

</mosaic_0001>

<sc_bundles>
// kernel: kernel.3.cloned.1.call-start
scs
__scs_entry_jumppad:
0x0: {  	(pc) =	sbr.rel $0x88, $3  }
0x1: {  	(tag) =	ssettag $0x0;
	lr =	simm.s32 $0x1  }
0x2: {  	[smem:$0x3F9F] =	sst lr;
	_ =	strace $0xD0000000  }
0x3: {  	_ = 	snop  }
0x4: {  	_ = 	snop  }
0x5: {  	_ = 	snop  }
0x6: {  	_ = 	snop  }
0x7: {  	_ = 	snop  }
__scs_overlays_trampoline_lowered:
0x8: {  	[smem:$0x3FAE] =	sst s0  }
0x9: {  	[smem:$0x3FAF] =	sst s1  }
0xa: {  	[smem:$0x3FB0] =	sst s2  }
0xb: {  	[smem:$0x3FB1] =	sst s3  }
0xc: {  	[smem:$0x3FB2] =	sst s4  }
0xd: {  	[smem:$0x3FB3] =	sst s5  }
0xe: {  	[smem:$0x3FB4] =	sst s6  }
0xf: {  	[smem:$0x3FB5] =	sst s7  }
0x10: {  	[smem:$0x3FB6] =	sst s8  }
0x11: {  	[smem:$0x3FB7] =	sst s9;
	s0 =	simm.s32 @!p0 $0x0  }
0x12: {  	s1 =	sld [smem:$0x3F9D];
	s0 =	simm.s32 @p0 $0x1  }
0x13: {  	[smem:$0x3FB8] =	sst s0;
	s0 =	simm.s32 @!p1 $0x0  }
0x14: {  	s2 =	sld [smem:$0x3F9C];
	s0 =	simm.s32 @p1 $0x1  }
0x15: {  	[smem:$0x3FB9] =	sst s0;
	s0 =	simm.s32 @!p2 $0x0  }
0x16: {  	s3 =	sld [smem:$0x3FDB];
	s0 =	simm.s32 @p2 $0x1  }
0x17: {  	s4 =	simm.s32 $0x1BF5;
	[smem:$0x3FBB] =	sst s0  }
0x18: {  	s0 =	sld [smem:$0x3F9E];
	_ =	swait.ge [sflag:s4], $0x0  }
0x19: {  	s7 =	sld [smem:$0x3F9F]  }
0x1a: {  	s8 =	sadd.s32 $0xFFFFE003, lr  }
0x1b: {  	s9 =	sadd.s32 $0xFFFFFEF7, lr;
	s5 =	simm.s32 $0xFFFFFFFF;
	p2 =	slt.u32 s8, $0xFFFFF086  }
0x1c: {  	p1 =	slt.u32 s9, $0xF7A;
	s5 =	simm.s32 @!p2 $0x0  }
0x1d: {  	s5 =	simm.s32 @p1 $0x1;
	p0 =	seq.s32 s7, s2  }
0x1e: {  	s7 =	smul.u32 @!p0 $0xF7A, s2;
	p2 =	seq.s32 @!p0 s5, $0x0  }
0x1f: {  	s9 =	smul.u32 $0xF7A, s1;
	s8 =	simm.s32 @!p0 $0x1BF5;
	p2 =	por !p2, p0  }
0x20: {  	[sflag:s8] =	ssyncset.s32 @!p0 $0xFFFFF086;
	s6 =	sadd.s32 @!p0 s3, s7;
	s7 =	simm.s32 @!p0 $0x108  }
0x21: {  	s3 =	sadd.s32 s3, s9;
	s6 =	sadd.s32 @!p0 $0x88, s6;
	s7 =	simm.s32 @p2 $0x1082  }
0x22: {  	[simem:s7], [sflag:s8] =	dma.local @!p0 [hbm:s6], $0xF7A  }
0x23: {  	s9 =	sor.u32 $0xD0000000, s2;
	s6 =	simm.s32 $0x108;
	_ =	swait.ge @!p0 [sflag:s8], $0x0  }
0x24: {  	s3 =	sadd.s32 $0x88, s3;
	s6 =	simm.s32 @!p1 $0x1082;
	[sflag:s4] =	ssyncset.s32 $0xFFFFF086  }
0x25: {  	[simem:s6], [sflag:s4] =	dma.local [hbm:s3], $0xF7A  }
0x26: {  	[smem:$0x3F9F] =	sst s1;
	(tag) =	ssettag s2;
	_ =	strace s9  }
0x27: {  	s1 =	sld [smem:$0x3FAF]  }
0x28: {  	s2 =	sld [smem:$0x3FB0]  }
0x29: {  	s4 =	sld [smem:$0x3FB2]  }
0x2a: {  	p0 =	seq.s32 s5, $0x0;
	s5 =	sld [smem:$0x3FB3]  }
0x2b: {  	s6 =	sld [smem:$0x3FB4]  }
0x2c: {  	s7 =	sld [smem:$0x3FB5]  }
0x2d: {  	s3 =	simm.s32 $0x108;
	s8 =	sld [smem:$0x3FB6]  }
0x2e: {  	s3 =	simm.s32 @!p0 $0x1082;
	s9 =	sld [smem:$0x3FB7]  }
0x2f: {  	lr =	sadd.s32 s0, s3;
	s0 =	sld [smem:$0x3FAE]  }
0x30: {  	s3 =	sld [smem:$0x3FB1]  }
0x31: {  	[smem:$0x3FBA] =	sst s10  }
0x32: {  	s10 =	sld [smem:$0x3FB8];
	_ =	sdelay $0x3  }
0x33: {  	p0 =	seq.s32 s10, $0x1;
	s10 =	sld [smem:$0x3FBA];
	_ =	sdelay $0x3  }
0x34: {  	[smem:$0x3FBA] =	sst s10  }
0x35: {  	s10 =	sld [smem:$0x3FB9];
	_ =	sdelay $0x3  }
0x36: {  	p1 =	seq.s32 s10, $0x1;
	s10 =	sld [smem:$0x3FBA];
	_ =	sdelay $0x3  }
0x37: {  	[smem:$0x3FBA] =	sst s10  }
0x38: {  	s10 =	sld [smem:$0x3FBB]  }
0x39: {  	_ = 	snop;
	(pc) =	sbr.ind lr, $3  }
0x3a: {  	_ = 	snop  }
0x3b: {  	_ = 	snop  }
0x3c: {  	p2 =	seq.s32 s10, $0x1;
	s10 =	sld [smem:$0x3FBA]  }
0x3d: {  	_ =	shalt  }
0x3e: {  	_ =	shalt  }
0x3f: {  	_ =	shalt  }
0x40: {  	_ =	shalt  }
0x41: {  	_ =	shalt  }
0x42: {  	_ =	shalt  }
0x43: {  	_ =	shalt  }
0x44: {  	_ =	shalt  }
0x45: {  	_ =	shalt  }
0x46: {  	_ =	shalt  }
0x47: {  	_ =	shalt  }
0x48: {  	_ =	shalt  }
0x49: {  	_ =	shalt  }
0x4a: {  	_ =	shalt  }
0x4b: {  	_ =	shalt  }
0x4c: {  	_ =	shalt  }
0x4d: {  	_ =	shalt  }
0x4e: {  	_ =	shalt  }
0x4f: {  	_ =	shalt  }
0x50: {  	_ =	shalt  }
0x51: {  	_ =	shalt  }
0x52: {  	_ =	shalt  }
0x53: {  	_ =	shalt  }
0x54: {  	_ =	shalt  }
0x55: {  	_ =	shalt  }
0x56: {  	_ =	shalt  }
0x57: {  	_ =	shalt  }
0x58: {  	_ =	shalt  }
0x59: {  	_ =	shalt  }
0x5a: {  	_ =	shalt  }
0x5b: {  	_ =	shalt  }
0x5c: {  	_ =	shalt  }
0x5d: {  	_ =	shalt  }
0x5e: {  	_ =	shalt  }
0x5f: {  	_ =	shalt  }
0x60: {  	_ =	shalt  }
0x61: {  	_ =	shalt  }
0x62: {  	_ =	shalt  }
0x63: {  	_ =	shalt  }
0x64: {  	_ =	shalt  }
0x65: {  	_ =	shalt  }
0x66: {  	_ =	shalt  }
0x67: {  	_ =	shalt  }
0x68: {  	_ =	shalt  }
0x69: {  	_ =	shalt  }
0x6a: {  	_ =	shalt  }
0x6b: {  	_ =	shalt  }
0x6c: {  	_ =	shalt  }
0x6d: {  	_ =	shalt  }
0x6e: {  	_ =	shalt  }
0x6f: {  	_ =	shalt  }
0x70: {  	_ =	shalt  }
0x71: {  	_ =	shalt  }
0x72: {  	_ =	shalt  }
0x73: {  	_ =	shalt  }
0x74: {  	_ =	shalt  }
0x75: {  	_ =	shalt  }
0x76: {  	_ =	shalt  }
0x77: {  	_ =	shalt  }
0x78: {  	_ =	shalt  }
0x79: {  	_ =	shalt  }
0x7a: {  	_ =	shalt  }
0x7b: {  	_ =	shalt  }
0x7c: {  	_ =	shalt  }
0x7d: {  	_ =	shalt  }
0x7e: {  	_ =	shalt  }
0x7f: {  	_ =	shalt  }
0x80: {  	_ =	shalt  }
0x81: {  	_ =	shalt  }
0x82: {  	_ =	shalt  }
0x83: {  	_ =	shalt  }
0x84: {  	_ =	shalt  }
0x85: {  	_ =	shalt  }
0x86: {  	_ =	shalt  }
0x87: {  	_ =	shalt  }
.Lfunc_end0:
.L_simem_size_0:
called_computation_lowered:
.L_overlay_start_0:
0x88: {  	s2 =	sld [smem:$0x3FD9]  }
0x89: {  	s3 =	sld [smem:$0x3FFE];
	_ =	sdelay $0x1  }
0x8a: {  	s1 =	srdreg.scid  }
0x8b: {  	s0 =	sand.u32 $0x1, s1  }
0x8c: {  	s17 =	sshll.u32 s0, $0xA;
	s2 =	sadd.s32 s3, s2  }
0x8d: {  	s2 =	sadd.s32 s2, s17  }
0x8e: {  	[smem:$0x3FC6] =	sst s2  }
0x8f: {  	_ = 	snop  }
0x90: {  	s2 =	sld [smem:$0x3FC8]  }
0x91: {  	s18 =	sld [smem:$0x3FD0];
	(tm) =	ssettm $0x1  }
0x92: {  	s4 =	sld [smem:$0x3FFB];
	_ =	sdelay $0x3  }
0x93: {  	_ =	strace s4  }
0x94: {  	s4 =	sld [smem:$0x3FFC];
	_ =	sdelay $0x3  }
0x95: {  	_ =	strace s4  }
0x96: {  	s4 =	sld [smem:$0x3FFD];
	_ =	sdelay $0x3  }
0x97: {  	_ =	strace s4  }
0x98: {  	_ =	strace $0x8FFFFFFF  }
0x99: {  	s19 =	sld [smem:$0x3FDB];
	_ =	sdelay $0x1  }
0x9a: {  	s5 =	simm.s32 $_scs_section_size  }
0x9b: {  	s6 =	simm.s32 $_size__tile_overlayer_lowered;
	s7 =	simm.s32 $_tile_overlayer_lowered  }
0x9c: {  	s22 =	simm.s32 $0x1BFF;
	s21 =	sshll.u32 s7, $0x1;
	s4 =	sadd.s32 s5, s19  }
0x9d: {  	s8 =	simm.s32 $0x0;
	s20 =	sshll.u32 s6, $0x1;
	s6 =	sadd.s32 s21, s4  }
0x9e: {  	[timem:s8], [sflag:s22] =	dma.local [hbm:s6], s20  }
0x9f: {  	_ =	swait.ge [sflag:s22], s20  }
0xa0: {  	s5 =	ssub.s32 $0x0, s20;
	[sflag:s22] =	ssyncset.done $0x0  }
0xa1: {  	[sflag:s22] =	ssyncadd.s32 s5;
	_ =	sdelay $0x1  }
0xa2: {  	s23 =	simm.s32 $0x1B8B  }
0xa3: {  	_ =	swait.ge [sflag:s23], $0x1  }
0xa4: {  	[sflag:s23] =	ssyncset.done $0x0  }
0xa5: {  	s25 =	simm.s32 $0x1B8E;
	s24 =	sld [smem:$0x3FFE];
	[sflag:s23] =	ssyncadd.s32 $0xFFFFFFFF  }
0xa6: {  	s26 =	simm.s32 $execute0_lowered;
	[smem:$0x3FD2] =	sst s25  }
0xa7: {  	s6 =	sshll.u32 s26, $0x1;
	_ =	strace $0x80000046;
	[dreg:$0x1] =	wrdreg $0xFFFFFFFF  }
0xa8: {  	s28 =	simm.s32 $_size_execute0_lowered;
	s4 =	sadd.s32 s4, s6;
	[dreg:$0x0] =	wrdreg $0x0  }
0xa9: {  	s6 =	sshll.u32 s28, $0x1;
	[dreg:$0x2] =	wrdreg s4  }
0xaa: {  	[dreg:$0x3] =	wrdreg s6  }
0xab: {  	[dreg:$0x4] =	wrdreg $0xC0  }
0xac: {  	_ =	task [dreg:s8], $0x5FFFF  }
0xad: {  	[dreg:$0x1] =	wrdreg $0xFFFFFFFF  }
0xae: {  	[dreg:$0x0] =	wrdreg $0x60  }
0xaf: {  	[dreg:$0x2] =	wrdreg s24  }
0xb0: {  	[dreg:$0x3] =	wrdreg s2  }
0xb1: {  	[dreg:$0x4] =	wrdreg s18  }
0xb2: {  	[dreg:$0x5] =	wrdreg $0x9  }
0xb3: {  	_ =	task.clear_ibuf [dreg:s8], $0x6FFFF;
	_ =	strace $0x90000046  }
0xb4: {  	s29 =	simm.s32 $0x9;
	_ =	strace $0x80000048  }
0xb5: {  	_ =	swait.ge [sflag:s29], $0x1  }
0xb6: {  	[sflag:s29] =	ssyncadd.s32 $0xFFFFFFFF  }
0xb7: {  	_ =	strace $0x90000048  }
0xb8: {  	_ =	sfence  }
0xb9: {  	s30 =	sld [smem:$0x0];
	_ =	sdelay $0x2  }
0xba: {  	s31 =	sshll.u32 s1, $0xD;
	s1 =	sshrl.u32 s1, $0x2  }
0xbb: {  	s3 =	sand.u32 $0x4000, s31;
	s1 =	sadd.s32 s1, s30  }
0xbc: {  	s0 =	sor.u32 s3, s0;
	s1 =	sshll.u32 s1, $0x11  }
0xbd: {  	s0 =	sor.u32 s1, s0  }
0xbe: {  	s0 =	sadd.s32 $0x8F2B, s0  }
0xbf: {  	[sflag:s0] =	ssyncadd.remote.s32 $0x1  }
0xc0: {  	_ =	sfence.sel $0xFFFF  }
0xc1: {  	[dreg:$0x0] =	wrdreg $0xFFFFFFFF;
	(pc) =	sbr.abs _section_cstart, $3  }
0xc2: {  	[dreg:$0x1] =	wrdreg $0xFFFFFFFF  }
0xc3: {  	_ =	task.clear_ibuf [dreg:s8], $0x2FFFF;
	_ =	strace $0x9FFFFFFF  }
0xc4: {  	(tm) =	ssettm $0x7FFFFFFF  }
0xc5: {  	_ =	shalt  }
tec
execute0_lowered:
.L_overlay_start_1:
0x0: {  	(tag) =	ssettag $0x1  }
0x1: {  	s0 =	rddreg [dreg:$0x0]  }
0x2: {  	s2 =	rddreg [dreg:$0x1]  }
0x3: {  	s1 =	srdreg.scid;
	s8 =	stileid.u32  }
0x4: {  	s4 =	rddreg [dreg:$0x2];
	s3 =	simm.s32 $0x0;
	s28 =	simm.s32 $0x1  }
0x5: {  	s29 =	simm.s32 $0x2;
	s1 =	sand.u32 $0x1, s1;
	s5 =	sshll.u32 s8, $0x1  }
0x6: {  	s30 =	simm.s32 $0x8;
	s31 =	simm.s32 $0x3;
	s5 =	sor.u32 s1, s5  }
0x7: {  	[smem:$0x7FF] =	sst s3;
	s6 =	smul.u32 $0x320, s5;
	s5 =	sshll.u32 s5, $0xC  }
0x8: {  	s17 =	sshll.u32 s8, $0x10;
	s25 =	sshll.u32 s8, $0xD;
	s9 =	sadd.s32 s4, s5  }
0x9: {  	_ =	strace $0x80000047;
	s12 =	sadd.s32 $0x5A0800, s9;
	[dreg:$0x8] =	wrdreg s9  }
0xa: {  	s8 =	simm.s32 $0xC;
	s13 =	sadd.s32 $0x5C0000, s9;
	[dreg:$0xa] =	wrdreg s12  }
0xb: {  	s7 =	ssub.s32 $0x2, s1;
	s14 =	sadd.s32 $0x5C0800, s9;
	[dreg:$0xb] =	wrdreg s13  }
0xc: {  	s18 =	sshll.u32 s1, $0xF;
	s15 =	sadd.s32 $0x5E0000, s9;
	[dreg:$0xc] =	wrdreg s14  }
0xd: {  	s1 =	sshll.u32 s1, $0xC;
	s16 =	sadd.s32 $0x5E0800, s9;
	[dreg:$0xd] =	wrdreg s15  }
0xe: {  	s10 =	sshrl.u32 s7, $0x1;
	s19 =	sadd.s32 $0x600000, s9;
	[dreg:$0xe] =	wrdreg s16  }
0xf: {  	s11 =	ssub.s32 s7, s10;
	s20 =	sadd.s32 $0x600800, s9;
	[dreg:$0xf] =	wrdreg s19  }
0x10: {  	s10 =	simm.s32 $0x12400;
	s21 =	sadd.s32 $0x620000, s9;
	[dreg:$0x10] =	wrdreg s20  }
0x11: {  	s0 =	sadd.s32 s6, s0;
	s9 =	sadd.s32 $0x620800, s9;
	[dreg:$0x11] =	wrdreg s21  }
0x12: {  	s5 =	smax.u32 s11, $0x1;
	s11 =	simm.s32 $0x12C00;
	[dreg:$0x12] =	wrdreg s9  }
0x13: {  	s0 =	sadd.s32 $0x400, s0;
	[dreg:$0x13] =	wrdreg s5;
	s20 =	simm.s32 $0x5C00  }
0x14: {  	s5 =	simm.s32 $0x9C00;
	s21 =	simm.s32 $0xDC00;
	s12 =	simm.s32 $0x13C00  }
0x15: {  	s14 =	simm.s32 $0x14400;
	s15 =	simm.s32 $0x14C00;
	s16 =	simm.s32 $0x15400  }
0x16: {  	s13 =	simm.s32 $0x16C00;
	s19 =	simm.s32 $0x0;
	[dreg:$0x9] =	wrdreg s0  }
0x17: {  	s0 =	sor.u32 s18, s17;
	s17 =	simm.s32 $0x11C00;
	s18 =	simm.s32 $0x16400  }
0x18: {  	s22 =	sshrl.u32 s0, $0x3;
	s23 =	sor.u32 $0x100000, s0;
	s0 =	sor.u32 $0x200000, s0  }
0x19: {  	s6 =	sadd.s32 s22, s4;
	s7 =	sshrl.u32 s23, $0x3;
	s0 =	sshrl.u32 s0, $0x3  }
0x1a: {  	s22 =	simm.s32 $0x15C00;
	s23 =	simm.s32 $0xA;
	s6 =	sadd.s32 $0x800, s6  }
0x1b: {  	s7 =	sadd.s32 s7, s4;
	s0 =	sadd.s32 s0, s4;
	s4 =	sadd.s32 s25, s4  }
0x1c: {  	v0 =	vimm.s32 $0x0;
	v2 =	vlaneseq.u32;
	s25 =	simm.s32 $0x17400;
	[dreg:$0x4] =	wrdreg s6;
	s24 =	sadd.s32 $0x800, s7  }
0x1d: {  	v1 =	vand.u32 $0x7, v2;
	v3 =	vshrl.u32 v2, $0x3;
	v2 =	vor.u32 $0x8, v2;
	s0 =	sadd.s32 $0x800, s0;
	s26 =	sadd.s32 s1, s4;
	[dreg:$0x5] =	wrdreg s24  }
0x1e: {  	v4 =	vperm.xlane v0, v1;
	v3 =	vmul.u32 $0x8, v3;
	v5 =	vperm.xlane v0, v2;
	s4 =	simm.s32 $0x13400;
	s1 =	simm.s32 $0x4;
	[dreg:$0x6] =	wrdreg s0  }
0x1f: {  	s6 =	simm.s32 $0xB;
	s7 =	simm.s32 $0x6;
	[dreg:$0x7] =	wrdreg s26  }
0x20: {  	vm0 =	vmmov $0xffff;
	v4 =	vadd.s32 v3, v4;
	v5 =	vadd.s32 v3, v5;
	s24 =	simm.s32 $0x7;
	s26 =	simm.s32 $0x9;
	s0 =	simm.s32 $0x5  }
.LBB2_1:
0x21: {  	[dreg:$0x14] =	wrdreg s19  }
0x22: {  	s9 =	rddreg [dreg:$0x9];
	s19 =	simm.s32 $0xD  }
0x23: {  	[tilespmem:s3], [sflag:$0xD] =	stream.linear.gather [hbm4b:s9+s3], $0x1900, $0x38;
	[tilespmem:$0x19C00] =	vst v63  }
0x24: {  	_ =	swait.ge [sflag:s19], $0x1900  }
0x25: {  	[sflag:s19] =	ssyncset.done $0x0  }
0x26: {  	[sflag:s19] =	ssyncadd.s32 $0xFFFFE700  }
0x27: {  	[tilespmem:$0x1900] =	vst v0  }
0x28: {  	[tilespmem:$0x1910] =	vst v0  }
0x29: {  	[tilespmem:$0x1920] =	vst v0  }
0x2a: {  	s19 =	simm.s32 $0x1C00;
	[tilespmem:$0x1930] =	vst v0  }
0x2b: {  	[tilespmem:s19], [sflag:$0x1] =	stream.indirect_vreg.gather [hbm4b:s2+s3], $0x80, v4, vm0, $0xb8;
	[tilespmem:$0x19C00] =	vst v63  }
0x2c: {  	s9 =	simm.s32 $0x2400  }
0x2d: {  	[tilespmem:s9], [sflag:$0x1] =	stream.indirect_vreg.gather [hbm4b:s2+s3], $0x80, v5, vm0, $0xb8;
	[tilespmem:$0x19C00] =	vst v63  }
0x2e: {  	v6 =	vld [tilespmem:$0x1910];
	_ =	sdelay $0x4  }
0x2f: {  	v7 =	vshll.u32 v6, $0x1  }
0x30: {  	v6 =	vand.u32 $0x7, v6;
	v7 =	vand.u32 $0xFFFFFFF0, v7  }
0x31: {  	v6 =	vor.u32 v6, v7  }
0x32: {  	v7 =	vperm.xlane v6, v1;
	_ =	sdelay $0x1  }
0x33: {  	v6 =	vperm.xlane v6, v2;
	v7 =	vadd.s32 v3, v7;
	_ =	sdelay $0x1  }
0x34: {  	v6 =	vadd.s32 v3, v6;
	_ =	sdelay $0x1  }
0x35: {  	s9 =	simm.s32 $0x2C00  }
0x36: {  	[tilespmem:s9], [sflag:$0x1] =	stream.indirect_vreg.gather [hbm4b:s2+s3], $0x80, v7, vm0, $0xb8;
	[tilespmem:$0x19C00] =	vst v63  }
0x37: {  	s9 =	simm.s32 $0x3400  }
0x38: {  	[tilespmem:s9], [sflag:$0x1] =	stream.indirect_vreg.gather [hbm4b:s2+s3], $0x80, v6, vm0, $0xb8;
	[tilespmem:$0x19C00] =	vst v63  }
0x39: {  	v6 =	vld [tilespmem:$0x1920];
	_ =	sdelay $0x4  }
0x3a: {  	v7 =	vshll.u32 v6, $0x1  }
0x3b: {  	v6 =	vand.u32 $0x7, v6;
	v7 =	vand.u32 $0xFFFFFFF0, v7  }
0x3c: {  	v6 =	vor.u32 v6, v7  }
0x3d: {  	v7 =	vperm.xlane v6, v1;
	_ =	sdelay $0x1  }
0x3e: {  	v6 =	vperm.xlane v6, v2;
	v7 =	vadd.s32 v3, v7;
	_ =	sdelay $0x1  }
0x3f: {  	v6 =	vadd.s32 v3, v6;
	_ =	sdelay $0x1  }
0x40: {  	s9 =	simm.s32 $0x3C00  }
0x41: {  	[tilespmem:s9], [sflag:$0x1] =	stream.indirect_vreg.gather [hbm4b:s2+s3], $0x80, v7, vm0, $0xb8;
	[tilespmem:$0x19C00] =	vst v63  }
0x42: {  	s9 =	simm.s32 $0x4400  }
0x43: {  	[tilespmem:s9], [sflag:$0x1] =	stream.indirect_vreg.gather [hbm4b:s2+s3], $0x80, v6, vm0, $0xb8;
	[tilespmem:$0x19C00] =	vst v63  }
0x44: {  	v6 =	vld [tilespmem:$0x1930];
	_ =	sdelay $0x4  }
0x45: {  	v7 =	vshll.u32 v6, $0x1  }
0x46: {  	v6 =	vand.u32 $0x7, v6;
	v7 =	vand.u32 $0xFFFFFFF0, v7  }
0x47: {  	v6 =	vor.u32 v6, v7  }
0x48: {  	v7 =	vperm.xlane v6, v1;
	_ =	sdelay $0x1  }
0x49: {  	v6 =	vperm.xlane v6, v2;
	v7 =	vadd.s32 v3, v7;
	_ =	sdelay $0x1  }
0x4a: {  	v6 =	vadd.s32 v3, v6;
	_ =	sdelay $0x1  }
0x4b: {  	s9 =	simm.s32 $0x4C00  }
0x4c: {  	[tilespmem:s9], [sflag:$0x1] =	stream.indirect_vreg.gather [hbm4b:s2+s3], $0x80, v7, vm0, $0xb8;
	[tilespmem:$0x19C00] =	vst v63  }
0x4d: {  	s9 =	simm.s32 $0x5400  }
0x4e: {  	[tilespmem:s9], [sflag:$0x1] =	stream.indirect_vreg.gather [hbm4b:s2+s3], $0x80, v6, vm0, $0xb8;
	[tilespmem:$0x19C00] =	vst v63  }
0x4f: {  	[tilespmem:$0x1980] =	vst v0  }
0x50: {  	[tilespmem:$0x1990] =	vst v0  }
0x51: {  	[tilespmem:$0x19A0] =	vst v0  }
0x52: {  	[tilespmem:$0x19B0] =	vst v0  }
0x53: {  	[tilespmem:s20], [sflag:$0x2] =	stream.indirect_vreg.gather [hbm4b:s2+s3], $0x80, v4, vm0, $0xb8;
	[tilespmem:$0x19C00] =	vst v63  }
0x54: {  	s20 =	simm.s32 $0x6400  }
0x55: {  	[tilespmem:s20], [sflag:$0x2] =	stream.indirect_vreg.gather [hbm4b:s2+s3], $0x80, v5, vm0, $0xb8;
	[tilespmem:$0x19C00] =	vst v63  }
0x56: {  	v6 =	vld [tilespmem:$0x1990];
	_ =	sdelay $0x4  }
0x57: {  	v7 =	vshll.u32 v6, $0x1  }
0x58: {  	v6 =	vand.u32 $0x7, v6;
	v7 =	vand.u32 $0xFFFFFFF0, v7  }
0x59: {  	v6 =	vor.u32 v6, v7  }
0x5a: {  	v7 =	vperm.xlane v6, v1;
	_ =	sdelay $0x1  }
0x5b: {  	v6 =	vperm.xlane v6, v2;
	v7 =	vadd.s32 v3, v7;
	_ =	sdelay $0x1  }
0x5c: {  	v6 =	vadd.s32 v3, v6;
	_ =	sdelay $0x1  }
0x5d: {  	s20 =	simm.s32 $0x6C00  }
0x5e: {  	[tilespmem:s20], [sflag:$0x2] =	stream.indirect_vreg.gather [hbm4b:s2+s3], $0x80, v7, vm0, $0xb8;
	[tilespmem:$0x19C00] =	vst v63  }
0x5f: {  	s20 =	simm.s32 $0x7400  }
0x60: {  	[tilespmem:s20], [sflag:$0x2] =	stream.indirect_vreg.gather [hbm4b:s2+s3], $0x80, v6, vm0, $0xb8;
	[tilespmem:$0x19C00] =	vst v63  }
0x61: {  	v6 =	vld [tilespmem:$0x19A0];
	_ =	sdelay $0x4  }
0x62: {  	v7 =	vshll.u32 v6, $0x1  }
0x63: {  	v6 =	vand.u32 $0x7, v6;
	v7 =	vand.u32 $0xFFFFFFF0, v7  }
0x64: {  	v6 =	vor.u32 v6, v7  }
0x65: {  	v7 =	vperm.xlane v6, v1;
	_ =	sdelay $0x1  }
0x66: {  	v6 =	vperm.xlane v6, v2;
	v7 =	vadd.s32 v3, v7;
	_ =	sdelay $0x1  }
0x67: {  	v6 =	vadd.s32 v3, v6;
	_ =	sdelay $0x1  }
0x68: {  	s20 =	simm.s32 $0x7C00  }
0x69: {  	[tilespmem:s20], [sflag:$0x2] =	stream.indirect_vreg.gather [hbm4b:s2+s3], $0x80, v7, vm0, $0xb8;
	[tilespmem:$0x19C00] =	vst v63  }
0x6a: {  	s20 =	simm.s32 $0x8400  }
0x6b: {  	[tilespmem:s20], [sflag:$0x2] =	stream.indirect_vreg.gather [hbm4b:s2+s3], $0x80, v6, vm0, $0xb8;
	[tilespmem:$0x19C00] =	vst v63  }
0x6c: {  	v6 =	vld [tilespmem:$0x19B0];
	_ =	sdelay $0x4  }
0x6d: {  	v7 =	vshll.u32 v6, $0x1  }
0x6e: {  	v6 =	vand.u32 $0x7, v6;
	v7 =	vand.u32 $0xFFFFFFF0, v7  }
0x6f: {  	v6 =	vor.u32 v6, v7  }
0x70: {  	v7 =	vperm.xlane v6, v1;
	_ =	sdelay $0x1  }
0x71: {  	v6 =	vperm.xlane v6, v2;
	v7 =	vadd.s32 v3, v7;
	_ =	sdelay $0x1  }
0x72: {  	v6 =	vadd.s32 v3, v6;
	_ =	sdelay $0x1  }
0x73: {  	s20 =	simm.s32 $0x8C00  }
0x74: {  	[tilespmem:s20], [sflag:$0x2] =	stream.indirect_vreg.gather [hbm4b:s2+s3], $0x80, v7, vm0, $0xb8;
	[tilespmem:$0x19C00] =	vst v63  }
0x75: {  	s20 =	simm.s32 $0x9400  }
0x76: {  	[tilespmem:s20], [sflag:$0x2] =	stream.indirect_vreg.gather [hbm4b:s2+s3], $0x80, v6, vm0, $0xb8;
	[tilespmem:$0x19C00] =	vst v63  }
0x77: {  	v6 =	vld [tilespmem:$0x0]  }
0x78: {  	v7 =	vld [tilespmem:$0x80];
	_ =	sdelay $0x3  }
0x79: {  	v8 =	vld [tilespmem:$0x90];
	v6 =	vshll.u32 v6, $0x8  }
0x7a: {  	v9 =	vld [tilespmem:$0x10];
	v6 =	vadd.s32 v7, v6  }
0x7b: {  	v10 =	vld [tilespmem:$0xA0];
	v11 =	vshll.u32 v6, $0x1  }
0x7c: {  	v12 =	vld [tilespmem:$0x20];
	v7 =	vand.u32 $0x7, v7;
	v11 =	vand.u32 $0xFFFFFFF0, v11  }
0x7d: {  	v13 =	vld [tilespmem:$0x30];
	v7 =	vor.u32 v7, v11  }
0x7e: {  	v31 =	vld [tilespmem:$0xB0];
	v14 =	vperm.xlane v7, v1;
	_ =	sdelay $0x1  }
0x7f: {  	v9 =	vshll.u32 v9, $0x8;
	v7 =	vperm.xlane v7, v2;
	v14 =	vadd.s32 v3, v14  }
0x80: {  	v32 =	vshll.u32 v12, $0x8;
	[tilespmem:$0x1A00] =	vst v6;
	v6 =	vadd.s32 v8, v9  }
0x81: {  	v33 =	vshll.u32 v13, $0x8;
	[tilespmem:$0x1A10] =	vst v6;
	v6 =	vadd.s32 v10, v32;
	v7 =	vadd.s32 v3, v7  }
0x82: {  	[tilespmem:$0x1A20] =	vst v6;
	v6 =	vadd.s32 v31, v33  }
0x83: {  	[tilespmem:$0x1A30] =	vst v6  }
0x84: {  	[tilespmem:s5], [sflag:$0x3] =	stream.indirect_vreg.gather [hbm4b:s2+s3], $0x80, v14, vm0, $0xb8;
	[tilespmem:$0x19C00] =	vst v63  }
0x85: {  	s5 =	simm.s32 $0xA400  }
0x86: {  	[tilespmem:s5], [sflag:$0x3] =	stream.indirect_vreg.gather [hbm4b:s2+s3], $0x80, v7, vm0, $0xb8;
	[tilespmem:$0x19C00] =	vst v63  }
0x87: {  	v6 =	vld [tilespmem:$0x1A10];
	_ =	sdelay $0x4  }
0x88: {  	v7 =	vshll.u32 v6, $0x1  }
0x89: {  	v6 =	vand.u32 $0x7, v6;
	v7 =	vand.u32 $0xFFFFFFF0, v7  }
0x8a: {  	v6 =	vor.u32 v6, v7  }
0x8b: {  	v7 =	vperm.xlane v6, v1;
	_ =	sdelay $0x1  }
0x8c: {  	v6 =	vperm.xlane v6, v2;
	v7 =	vadd.s32 v3, v7;
	_ =	sdelay $0x1  }
0x8d: {  	v6 =	vadd.s32 v3, v6;
	_ =	sdelay $0x1  }
0x8e: {  	s20 =	simm.s32 $0xAC00  }
0x8f: {  	[tilespmem:s20], [sflag:$0x3] =	stream.indirect_vreg.gather [hbm4b:s2+s3], $0x80, v7, vm0, $0xb8;
	[tilespmem:$0x19C00] =	vst v63  }
0x90: {  	s5 =	simm.s32 $0xB400  }
0x91: {  	[tilespmem:s5], [sflag:$0x3] =	stream.indirect_vreg.gather [hbm4b:s2+s3], $0x80, v6, vm0, $0xb8;
	[tilespmem:$0x19C00] =	vst v63  }
0x92: {  	v6 =	vld [tilespmem:$0x1A20];
	_ =	sdelay $0x4  }
0x93: {  	v7 =	vshll.u32 v6, $0x1  }
0x94: {  	v6 =	vand.u32 $0x7, v6;
	v7 =	vand.u32 $0xFFFFFFF0, v7  }
0x95: {  	v6 =	vor.u32 v6, v7  }
0x96: {  	v7 =	vperm.xlane v6, v1;
	_ =	sdelay $0x1  }
0x97: {  	v6 =	vperm.xlane v6, v2;
	v7 =	vadd.s32 v3, v7;
	_ =	sdelay $0x1  }
0x98: {  	v6 =	vadd.s32 v3, v6;
	_ =	sdelay $0x1  }
0x99: {  	s20 =	simm.s32 $0xBC00  }
0x9a: {  	[tilespmem:s20], [sflag:$0x3] =	stream.indirect_vreg.gather [hbm4b:s2+s3], $0x80, v7, vm0, $0xb8;
	[tilespmem:$0x19C00] =	vst v63  }
0x9b: {  	s5 =	simm.s32 $0xC400  }
0x9c: {  	[tilespmem:s5], [sflag:$0x3] =	stream.indirect_vreg.gather [hbm4b:s2+s3], $0x80, v6, vm0, $0xb8;
	[tilespmem:$0x19C00] =	vst v63  }
0x9d: {  	v6 =	vld [tilespmem:$0x1A30];
	_ =	sdelay $0x4  }
0x9e: {  	v7 =	vshll.u32 v6, $0x1  }
0x9f: {  	v6 =	vand.u32 $0x7, v6;
	v7 =	vand.u32 $0xFFFFFFF0, v7  }
0xa0: {  	v6 =	vor.u32 v6, v7  }
0xa1: {  	v7 =	vperm.xlane v6, v1;
	_ =	sdelay $0x1  }
0xa2: {  	v6 =	vperm.xlane v6, v2;
	v7 =	vadd.s32 v3, v7;
	_ =	sdelay $0x1  }
0xa3: {  	v6 =	vadd.s32 v3, v6;
	_ =	sdelay $0x1  }
0xa4: {  	s20 =	simm.s32 $0xCC00  }
0xa5: {  	[tilespmem:s20], [sflag:$0x3] =	stream.indirect_vreg.gather [hbm4b:s2+s3], $0x80, v7, vm0, $0xb8;
	[tilespmem:$0x19C00] =	vst v63  }
0xa6: {  	s5 =	simm.s32 $0xD400  }
0xa7: {  	[tilespmem:s5], [sflag:$0x3] =	stream.indirect_vreg.gather [hbm4b:s2+s3], $0x80, v6, vm0, $0xb8;
	[tilespmem:$0x19C00] =	vst v63  }
0xa8: {  	v6 =	vld [tilespmem:$0x40]  }
0xa9: {  	v7 =	vld [tilespmem:$0xC0];
	_ =	sdelay $0x3  }
0xaa: {  	v34 =	vld [tilespmem:$0xD0];
	v6 =	vshll.u32 v6, $0x8  }
0xab: {  	v35 =	vld [tilespmem:$0x50];
	v6 =	vadd.s32 v7, v6  }
0xac: {  	v36 =	vld [tilespmem:$0xE0];
	v37 =	vshll.u32 v6, $0x1  }
0xad: {  	v38 =	vld [tilespmem:$0x60];
	v7 =	vand.u32 $0x7, v7;
	v11 =	vand.u32 $0xFFFFFFF0, v37  }
0xae: {  	v39 =	vld [tilespmem:$0x70];
	v7 =	vor.u32 v7, v11  }
0xaf: {  	v40 =	vld [tilespmem:$0xF0];
	v41 =	vperm.xlane v7, v1;
	_ =	sdelay $0x1  }
0xb0: {  	v9 =	vshll.u32 v35, $0x8;
	v7 =	vperm.xlane v7, v2;
	v14 =	vadd.s32 v3, v41  }
0xb1: {  	v42 =	vshll.u32 v38, $0x8;
	[tilespmem:$0x1A80] =	vst v6;
	v6 =	vadd.s32 v34, v9  }
0xb2: {  	v43 =	vshll.u32 v39, $0x8;
	[tilespmem:$0x1A90] =	vst v6;
	v6 =	vadd.s32 v36, v42;
	v7 =	vadd.s32 v3, v7  }
0xb3: {  	[tilespmem:$0x1AA0] =	vst v6;
	v6 =	vadd.s32 v40, v43  }
0xb4: {  	[tilespmem:$0x1AB0] =	vst v6  }
0xb5: {  	[tilespmem:s21], [sflag:$0x4] =	stream.indirect_vreg.gather [hbm4b:s2+s3], $0x80, v14, vm0, $0xb8;
	[tilespmem:$0x19C00] =	vst v63  }
0xb6: {  	s20 =	simm.s32 $0xE400  }
0xb7: {  	[tilespmem:s20], [sflag:$0x4] =	stream.indirect_vreg.gather [hbm4b:s2+s3], $0x80, v7, vm0, $0xb8;
	[tilespmem:$0x19C00] =	vst v63  }
0xb8: {  	v6 =	vld [tilespmem:$0x1A90];
	_ =	sdelay $0x4  }
0xb9: {  	v7 =	vshll.u32 v6, $0x1  }
0xba: {  	v6 =	vand.u32 $0x7, v6;
	v7 =	vand.u32 $0xFFFFFFF0, v7  }
0xbb: {  	v6 =	vor.u32 v6, v7  }
0xbc: {  	v7 =	vperm.xlane v6, v1;
	_ =	sdelay $0x1  }
0xbd: {  	v6 =	vperm.xlane v6, v2;
	v7 =	vadd.s32 v3, v7;
	_ =	sdelay $0x1  }
0xbe: {  	v6 =	vadd.s32 v3, v6;
	_ =	sdelay $0x1  }
0xbf: {  	s21 =	simm.s32 $0xEC00  }
0xc0: {  	[tilespmem:s21], [sflag:$0x4] =	stream.indirect_vreg.gather [hbm4b:s2+s3], $0x80, v7, vm0, $0xb8;
	[tilespmem:$0x19C00] =	vst v63  }
0xc1: {  	s5 =	simm.s32 $0xF400  }
0xc2: {  	[tilespmem:s5], [sflag:$0x4] =	stream.indirect_vreg.gather [hbm4b:s2+s3], $0x80, v6, vm0, $0xb8;
	[tilespmem:$0x19C00] =	vst v63  }
0xc3: {  	v6 =	vld [tilespmem:$0x1AA0];
	_ =	sdelay $0x4  }
0xc4: {  	v7 =	vshll.u32 v6, $0x1  }
0xc5: {  	v6 =	vand.u32 $0x7, v6;
	v7 =	vand.u32 $0xFFFFFFF0, v7  }
0xc6: {  	v6 =	vor.u32 v6, v7  }
0xc7: {  	v7 =	vperm.xlane v6, v1;
	_ =	sdelay $0x1  }
0xc8: {  	v6 =	vperm.xlane v6, v2;
	v7 =	vadd.s32 v3, v7;
	_ =	sdelay $0x1  }
0xc9: {  	v6 =	vadd.s32 v3, v6;
	_ =	sdelay $0x1  }
0xca: {  	s20 =	simm.s32 $0xFC00  }
0xcb: {  	[tilespmem:s20], [sflag:$0x4] =	stream.indirect_vreg.gather [hbm4b:s2+s3], $0x80, v7, vm0, $0xb8;
	[tilespmem:$0x19C00] =	vst v63  }
0xcc: {  	s21 =	simm.s32 $0x10400  }
0xcd: {  	[tilespmem:s21], [sflag:$0x4] =	stream.indirect_vreg.gather [hbm4b:s2+s3], $0x80, v6, vm0, $0xb8;
	[tilespmem:$0x19C00] =	vst v63  }
0xce: {  	v6 =	vld [tilespmem:$0x1AB0];
	_ =	sdelay $0x4  }
0xcf: {  	v7 =	vshll.u32 v6, $0x1  }
0xd0: {  	v6 =	vand.u32 $0x7, v6;
	v7 =	vand.u32 $0xFFFFFFF0, v7  }
0xd1: {  	v6 =	vor.u32 v6, v7  }
0xd2: {  	v7 =	vperm.xlane v6, v1;
	_ =	sdelay $0x1  }
0xd3: {  	v6 =	vperm.xlane v6, v2;
	v7 =	vadd.s32 v3, v7;
	_ =	sdelay $0x1  }
0xd4: {  	v6 =	vadd.s32 v3, v6;
	_ =	sdelay $0x1  }
0xd5: {  	s5 =	simm.s32 $0x10C00  }
0xd6: {  	[tilespmem:s5], [sflag:$0x4] =	stream.indirect_vreg.gather [hbm4b:s2+s3], $0x80, v7, vm0, $0xb8;
	[tilespmem:$0x19C00] =	vst v63  }
0xd7: {  	s20 =	simm.s32 $0x11400  }
0xd8: {  	[tilespmem:s20], [sflag:$0x4] =	stream.indirect_vreg.gather [hbm4b:s2+s3], $0x80, v6, vm0, $0xb8;
	[tilespmem:$0x19C00] =	vst v63  }
0xd9: {  	v6 =	vld [tilespmem:$0x80]  }
0xda: {  	v7 =	vld [tilespmem:$0x100];
	_ =	sdelay $0x3  }
0xdb: {  	v44 =	vld [tilespmem:$0x110];
	v6 =	vshll.u32 v6, $0x8  }
0xdc: {  	v45 =	vld [tilespmem:$0x90];
	v6 =	vadd.s32 v7, v6  }
0xdd: {  	v46 =	vld [tilespmem:$0x120];
	v47 =	vshll.u32 v6, $0x1  }
0xde: {  	v48 =	vld [tilespmem:$0xA0];
	v7 =	vand.u32 $0x7, v7;
	v11 =	vand.u32 $0xFFFFFFF0, v47  }
0xdf: {  	v49 =	vld [tilespmem:$0xB0];
	v7 =	vor.u32 v7, v11  }
0xe0: {  	v50 =	vld [tilespmem:$0x130];
	v51 =	vperm.xlane v7, v1;
	_ =	sdelay $0x1  }
0xe1: {  	v9 =	vshll.u32 v45, $0x8;
	v7 =	vperm.xlane v7, v2;
	v14 =	vadd.s32 v3, v51  }
0xe2: {  	v52 =	vshll.u32 v48, $0x8;
	[tilespmem:$0x1B00] =	vst v6;
	v6 =	vadd.s32 v44, v9  }
0xe3: {  	v53 =	vshll.u32 v49, $0x8;
	[tilespmem:$0x1B10] =	vst v6;
	v6 =	vadd.s32 v46, v52;
	v7 =	vadd.s32 v3, v7  }
0xe4: {  	[tilespmem:$0x1B20] =	vst v6;
	v6 =	vadd.s32 v50, v53  }
0xe5: {  	[tilespmem:$0x1B30] =	vst v6  }
0xe6: {  	[tilespmem:s17], [sflag:$0x5] =	stream.indirect_vreg.gather [hbm4b:s2+s3], $0x80, v14, vm0, $0xb8;
	[tilespmem:$0x19C00] =	vst v63  }
0xe7: {  	_ = 	snop  }
0xe8: {  	[tilespmem:s10], [sflag:$0x5] =	stream.indirect_vreg.gather [hbm4b:s2+s3], $0x80, v7, vm0, $0xb8;
	[tilespmem:$0x19C00] =	vst v63  }
0xe9: {  	v6 =	vld [tilespmem:$0x1B10];
	_ =	sdelay $0x4  }
0xea: {  	v7 =	vshll.u32 v6, $0x1  }
0xeb: {  	v6 =	vand.u32 $0x7, v6;
	v7 =	vand.u32 $0xFFFFFFF0, v7  }
0xec: {  	v6 =	vor.u32 v6, v7  }
0xed: {  	v7 =	vperm.xlane v6, v1;
	_ =	sdelay $0x1  }
0xee: {  	v6 =	vperm.xlane v6, v2;
	v7 =	vadd.s32 v3, v7;
	_ =	sdelay $0x1  }
0xef: {  	v6 =	vadd.s32 v3, v6;
	_ =	sdelay $0x2  }
0xf0: {  	[tilespmem:s11], [sflag:$0x5] =	stream.indirect_vreg.gather [hbm4b:s2+s3], $0x80, v7, vm0, $0xb8;
	[tilespmem:$0x19C00] =	vst v63  }
0xf1: {  	_ = 	snop  }
0xf2: {  	[tilespmem:s4], [sflag:$0x5] =	stream.indirect_vreg.gather [hbm4b:s2+s3], $0x80, v6, vm0, $0xb8;
	[tilespmem:$0x19C00] =	vst v63  }
0xf3: {  	v6 =	vld [tilespmem:$0x1B20];
	_ =	sdelay $0x4  }
0xf4: {  	v7 =	vshll.u32 v6, $0x1  }
0xf5: {  	v6 =	vand.u32 $0x7, v6;
	v7 =	vand.u32 $0xFFFFFFF0, v7  }
0xf6: {  	v6 =	vor.u32 v6, v7  }
0xf7: {  	v7 =	vperm.xlane v6, v1;
	_ =	sdelay $0x1  }
0xf8: {  	v6 =	vperm.xlane v6, v2;
	v7 =	vadd.s32 v3, v7;
	_ =	sdelay $0x1  }
0xf9: {  	v6 =	vadd.s32 v3, v6;
	_ =	sdelay $0x2  }
0xfa: {  	[tilespmem:s12], [sflag:$0x5] =	stream.indirect_vreg.gather [hbm4b:s2+s3], $0x80, v7, vm0, $0xb8;
	[tilespmem:$0x19C00] =	vst v63  }
0xfb: {  	_ = 	snop  }
0xfc: {  	[tilespmem:s14], [sflag:$0x5] =	stream.indirect_vreg.gather [hbm4b:s2+s3], $0x80, v6, vm0, $0xb8;
	[tilespmem:$0x19C00] =	vst v63  }
0xfd: {  	v6 =	vld [tilespmem:$0x1B30];
	_ =	sdelay $0x4  }
0xfe: {  	v7 =	vshll.u32 v6, $0x1  }
0xff: {  	v6 =	vand.u32 $0x7, v6;
	v7 =	vand.u32 $0xFFFFFFF0, v7  }
0x100: {  	v6 =	vor.u32 v6, v7  }
0x101: {  	v7 =	vperm.xlane v6, v1;
	_ =	sdelay $0x1  }
0x102: {  	v6 =	vperm.xlane v6, v2;
	v7 =	vadd.s32 v3, v7;
	_ =	sdelay $0x1  }
0x103: {  	v6 =	vadd.s32 v3, v6;
	_ =	sdelay $0x2  }
0x104: {  	[tilespmem:s15], [sflag:$0x5] =	stream.indirect_vreg.gather [hbm4b:s2+s3], $0x80, v7, vm0, $0xb8;
	[tilespmem:$0x19C00] =	vst v63  }
0x105: {  	_ = 	snop  }
0x106: {  	[tilespmem:s16], [sflag:$0x5] =	stream.indirect_vreg.gather [hbm4b:s2+s3], $0x80, v6, vm0, $0xb8;
	[tilespmem:$0x19C00] =	vst v63  }
0x107: {  	v6 =	vld [tilespmem:$0xC0]  }
0x108: {  	v7 =	vld [tilespmem:$0x140];
	_ =	sdelay $0x3  }
0x109: {  	v54 =	vld [tilespmem:$0x150];
	v6 =	vshll.u32 v6, $0x8  }
0x10a: {  	v55 =	vld [tilespmem:$0xD0];
	v6 =	vadd.s32 v7, v6  }
0x10b: {  	v56 =	vld [tilespmem:$0x160];
	v57 =	vshll.u32 v6, $0x1  }
0x10c: {  	v58 =	vld [tilespmem:$0xE0];
	v7 =	vand.u32 $0x7, v7;
	v11 =	vand.u32 $0xFFFFFFF0, v57  }
0x10d: {  	v59 =	vld [tilespmem:$0xF0];
	v7 =	vor.u32 v7, v11  }
0x10e: {  	v60 =	vld [tilespmem:$0x170];
	v61 =	vperm.xlane v7, v1;
	_ =	sdelay $0x1  }
0x10f: {  	v9 =	vshll.u32 v55, $0x8;
	v7 =	vperm.xlane v7, v2;
	v14 =	vadd.s32 v3, v61  }
0x110: {  	v62 =	vshll.u32 v58, $0x8;
	[tilespmem:$0x1B80] =	vst v6;
	v6 =	vadd.s32 v54, v9  }
0x111: {  	v63 =	vshll.u32 v59, $0x8;
	[tilespmem:$0x1B90] =	vst v6;
	v6 =	vadd.s32 v56, v62;
	v7 =	vadd.s32 v3, v7  }
0x112: {  	[tilespmem:$0x1BA0] =	vst v6;
	v6 =	vadd.s32 v60, v63  }
0x113: {  	[tilespmem:$0x1BB0] =	vst v6  }
0x114: {  	[tilespmem:s22], [sflag:$0x6] =	stream.indirect_vreg.gather [hbm4b:s2+s3], $0x80, v14, vm0, $0xb8;
	[tilespmem:$0x19C00] =	vst v63  }
0x115: {  	_ = 	snop  }
0x116: {  	[tilespmem:s18], [sflag:$0x6] =	stream.indirect_vreg.gather [hbm4b:s2+s3], $0x80, v7, vm0, $0xb8;
	[tilespmem:$0x19C00] =	vst v63  }
0x117: {  	v6 =	vld [tilespmem:$0x1B90];
	_ =	sdelay $0x4  }
0x118: {  	v7 =	vshll.u32 v6, $0x1  }
0x119: {  	v6 =	vand.u32 $0x7, v6;
	v7 =	vand.u32 $0xFFFFFFF0, v7  }
0x11a: {  	v6 =	vor.u32 v6, v7  }
0x11b: {  	v7 =	vperm.xlane v6, v1;
	_ =	sdelay $0x1  }
0x11c: {  	v6 =	vperm.xlane v6, v2;
	v7 =	vadd.s32 v3, v7;
	_ =	sdelay $0x1  }
0x11d: {  	v6 =	vadd.s32 v3, v6;
	_ =	sdelay $0x2  }
0x11e: {  	[tilespmem:s13], [sflag:$0x6] =	stream.indirect_vreg.gather [hbm4b:s2+s3], $0x80, v7, vm0, $0xb8;
	[tilespmem:$0x19C00] =	vst v63  }
0x11f: {  	_ = 	snop  }
0x120: {  	[tilespmem:s25], [sflag:$0x6] =	stream.indirect_vreg.gather [hbm4b:s2+s3], $0x80, v6, vm0, $0xb8;
	[tilespmem:$0x19C00] =	vst v63  }
0x121: {  	v6 =	vld [tilespmem:$0x1BA0];
	_ =	sdelay $0x4  }
0x122: {  	v7 =	vshll.u32 v6, $0x1  }
0x123: {  	v6 =	vand.u32 $0x7, v6;
	v7 =	vand.u32 $0xFFFFFFF0, v7  }
0x124: {  	v6 =	vor.u32 v6, v7  }
0x125: {  	v7 =	vperm.xlane v6, v1;
	_ =	sdelay $0x1  }
0x126: {  	v6 =	vperm.xlane v6, v2;
	v7 =	vadd.s32 v3, v7;
	_ =	sdelay $0x1  }
0x127: {  	v6 =	vadd.s32 v3, v6;
	_ =	sdelay $0x1  }
0x128: {  	s21 =	simm.s32 $0x17C00  }
0x129: {  	[tilespmem:s21], [sflag:$0x6] =	stream.indirect_vreg.gather [hbm4b:s2+s3], $0x80, v7, vm0, $0xb8;
	[tilespmem:$0x19C00] =	vst v63  }
0x12a: {  	s22 =	simm.s32 $0x18400  }
0x12b: {  	[tilespmem:s22], [sflag:$0x6] =	stream.indirect_vreg.gather [hbm4b:s2+s3], $0x80, v6, vm0, $0xb8;
	[tilespmem:$0x19C00] =	vst v63  }
0x12c: {  	v6 =	vld [tilespmem:$0x1BB0];
	_ =	sdelay $0x4  }
0x12d: {  	v7 =	vshll.u32 v6, $0x1  }
0x12e: {  	v6 =	vand.u32 $0x7, v6;
	v7 =	vand.u32 $0xFFFFFFF0, v7  }
0x12f: {  	v6 =	vor.u32 v6, v7  }
0x130: {  	v7 =	vperm.xlane v6, v1;
	_ =	sdelay $0x1  }
0x131: {  	v6 =	vperm.xlane v6, v2;
	v7 =	vadd.s32 v3, v7;
	_ =	sdelay $0x1  }
0x132: {  	v6 =	vadd.s32 v3, v6;
	_ =	sdelay $0x1  }
0x133: {  	s18 =	simm.s32 $0x18C00  }
0x134: {  	[tilespmem:s18], [sflag:$0x6] =	stream.indirect_vreg.gather [hbm4b:s2+s3], $0x80, v7, vm0, $0xb8;
	[tilespmem:$0x19C00] =	vst v63  }
0x135: {  	s9 =	simm.s32 $0x180;
	s14 =	simm.s32 $0x19400  }
0x136: {  	[tilespmem:s14], [sflag:$0x6] =	stream.indirect_vreg.gather [hbm4b:s2+s3], $0x80, v6, vm0, $0xb8;
	[tilespmem:$0x19C00] =	vst v63  }
0x137: {  	s20 =	simm.s32 $0x15400;
	s10 =	simm.s32 $0x0;
	_ =	swait.ge [sflag:s28], $0x4000  }
0x138: {  	s4 =	simm.s32 $0x13400;
	s15 =	simm.s32 $0x12C00;
	[sflag:s28] =	ssyncset.done $0x0  }
0x139: {  	s16 =	simm.s32 $0x13C00;
	s25 =	rddreg [dreg:$0x8];
	[sflag:s28] =	ssyncadd.s32 $0xFFFFC000  }
0x13a: {  	[hbm4b:s25+s3] =	stream.linear.scatter [tilespmem:s19], [sflag:$0x7], $0x4000, $0x38;
	[tilespmem:$0x19C00] =	vst v63  }
0x13b: {  	s13 =	simm.s32 $0x17400;
	s21 =	simm.s32 $0x16400;
	s19 =	simm.s32 $0x14C00  }
.LBB2_2:
0x13c: {  	_ =	swait.ge [sflag:s24], $0x4000  }
0x13d: {  	[sflag:s24] =	ssyncset.done $0x0  }
0x13e: {  	[sflag:s24] =	ssyncadd.s32 $0xFFFFC000  }
0x13f: {  	v6 =	vld [tilespmem:s9+$0xFFFFFF80]  }
0x140: {  	v7 =	vld [tilespmem:s9+$0x0];
	_ =	sdelay $0x3  }
0x141: {  	v6 =	vshll.u32 v6, $0x8  }
0x142: {  	v6 =	vadd.s32 v7, v6  }
0x143: {  	[tilespmem:$0x1900] =	vst v6  }
0x144: {  	v8 =	vld [tilespmem:s9+$0xFFFFFF90]  }
0x145: {  	v9 =	vld [tilespmem:s9+$0x10];
	_ =	sdelay $0x3  }
0x146: {  	v8 =	vshll.u32 v8, $0x8  }
0x147: {  	v8 =	vadd.s32 v9, v8  }
0x148: {  	[tilespmem:$0x1910] =	vst v8  }
0x149: {  	v8 =	vld [tilespmem:s9+$0xFFFFFFA0]  }
0x14a: {  	v42 =	vld [tilespmem:s9+$0x20];
	_ =	sdelay $0x3  }
0x14b: {  	v8 =	vshll.u32 v8, $0x8  }
0x14c: {  	v6 =	vshll.u32 v6, $0x1;
	v8 =	vadd.s32 v42, v8  }
0x14d: {  	v7 =	vand.u32 $0x7, v7;
	v6 =	vand.u32 $0xFFFFFFF0, v6;
	[tilespmem:$0x1920] =	vst v8  }
0x14e: {  	v6 =	vor.u32 v7, v6;
	v8 =	vld [tilespmem:s9+$0xFFFFFFB0]  }
0x14f: {  	v43 =	vperm.xlane v6, v1;
	v7 =	vld [tilespmem:s9+$0x30];
	_ =	sdelay $0x1  }
0x150: {  	v6 =	vperm.xlane v6, v2;
	v9 =	vadd.s32 v3, v43;
	_ =	sdelay $0x1  }
0x151: {  	v6 =	vadd.s32 v3, v6;
	v8 =	vshll.u32 v8, $0x8  }
0x152: {  	v7 =	vadd.s32 v7, v8  }
0x153: {  	s25 =	simm.s32 $0x1C00;
	[tilespmem:$0x1930] =	vst v7  }
0x154: {  	[tilespmem:s25], [sflag:$0x1] =	stream.indirect_vreg.gather [hbm4b:s2+s3], $0x80, v9, vm0, $0xb8;
	[tilespmem:$0x19C00] =	vst v63  }
0x155: {  	s11 =	simm.s32 $0x2400  }
0x156: {  	[tilespmem:s11], [sflag:$0x1] =	stream.indirect_vreg.gather [hbm4b:s2+s3], $0x80, v6, vm0, $0xb8;
	[tilespmem:$0x19C00] =	vst v63  }
0x157: {  	v6 =	vld [tilespmem:$0x1910];
	_ =	sdelay $0x4  }
0x158: {  	v7 =	vshll.u32 v6, $0x1  }
0x159: {  	v6 =	vand.u32 $0x7, v6;
	v7 =	vand.u32 $0xFFFFFFF0, v7  }
0x15a: {  	v6 =	vor.u32 v6, v7  }
0x15b: {  	v7 =	vperm.xlane v6, v1;
	_ =	sdelay $0x1  }
0x15c: {  	v6 =	vperm.xlane v6, v2;
	v7 =	vadd.s32 v3, v7;
	_ =	sdelay $0x1  }
0x15d: {  	v6 =	vadd.s32 v3, v6;
	_ =	sdelay $0x1  }
0x15e: {  	s22 =	simm.s32 $0x2C00  }
0x15f: {  	[tilespmem:s22], [sflag:$0x1] =	stream.indirect_vreg.gather [hbm4b:s2+s3], $0x80, v7, vm0, $0xb8;
	[tilespmem:$0x19C00] =	vst v63  }
0x160: {  	s5 =	simm.s32 $0x3400  }
0x161: {  	[tilespmem:s5], [sflag:$0x1] =	stream.indirect_vreg.gather [hbm4b:s2+s3], $0x80, v6, vm0, $0xb8;
	[tilespmem:$0x19C00] =	vst v63  }
0x162: {  	v6 =	vld [tilespmem:$0x1920];
	_ =	sdelay $0x4  }
0x163: {  	v7 =	vshll.u32 v6, $0x1  }
0x164: {  	v6 =	vand.u32 $0x7, v6;
	v7 =	vand.u32 $0xFFFFFFF0, v7  }
0x165: {  	v6 =	vor.u32 v6, v7  }
0x166: {  	v7 =	vperm.xlane v6, v1;
	_ =	sdelay $0x1  }
0x167: {  	v6 =	vperm.xlane v6, v2;
	v7 =	vadd.s32 v3, v7;
	_ =	sdelay $0x1  }
0x168: {  	v6 =	vadd.s32 v3, v6;
	_ =	sdelay $0x1  }
0x169: {  	s12 =	simm.s32 $0x3C00  }
0x16a: {  	[tilespmem:s12], [sflag:$0x1] =	stream.indirect_vreg.gather [hbm4b:s2+s3], $0x80, v7, vm0, $0xb8;
	[tilespmem:$0x19C00] =	vst v63  }
0x16b: {  	s17 =	simm.s32 $0x4400  }
0x16c: {  	[tilespmem:s17], [sflag:$0x1] =	stream.indirect_vreg.gather [hbm4b:s2+s3], $0x80, v6, vm0, $0xb8;
	[tilespmem:$0x19C00] =	vst v63  }
0x16d: {  	v6 =	vld [tilespmem:$0x1930];
	_ =	sdelay $0x4  }
0x16e: {  	v7 =	vshll.u32 v6, $0x1  }
0x16f: {  	v6 =	vand.u32 $0x7, v6;
	v7 =	vand.u32 $0xFFFFFFF0, v7  }
0x170: {  	v6 =	vor.u32 v6, v7  }
0x171: {  	v7 =	vperm.xlane v6, v1;
	_ =	sdelay $0x1  }
0x172: {  	v6 =	vperm.xlane v6, v2;
	v7 =	vadd.s32 v3, v7;
	_ =	sdelay $0x1  }
0x173: {  	v6 =	vadd.s32 v3, v6;
	_ =	sdelay $0x1  }
0x174: {  	s22 =	simm.s32 $0x4C00  }
0x175: {  	[tilespmem:s22], [sflag:$0x1] =	stream.indirect_vreg.gather [hbm4b:s2+s3], $0x80, v7, vm0, $0xb8;
	[tilespmem:$0x19C00] =	vst v63  }
0x176: {  	s5 =	simm.s32 $0x5400  }
0x177: {  	[tilespmem:s5], [sflag:$0x1] =	stream.indirect_vreg.gather [hbm4b:s2+s3], $0x80, v6, vm0, $0xb8;
	[tilespmem:$0x19C00] =	vst v63  }
0x178: {  	_ =	swait.ge [sflag:s29], $0x4000  }
0x179: {  	s12 =	rddreg [dreg:$0x4];
	[sflag:s29] =	ssyncset.done $0x0  }
0x17a: {  	[sflag:s29] =	ssyncadd.s32 $0xFFFFC000;
	s11 =	sadd.s32 s10, s12;
	s12 =	simm.s32 $0x5C00  }
0x17b: {  	[hbm4b:s11+s3] =	stream.linear.scatter [tilespmem:s12], [sflag:$0x8], $0x4000, $0x38;
	[tilespmem:$0x19C00] =	vst v63  }
0x17c: {  	_ =	swait.ge [sflag:s30], $0x4000  }
0x17d: {  	[sflag:s30] =	ssyncset.done $0x0  }
0x17e: {  	[sflag:s30] =	ssyncadd.s32 $0xFFFFC000  }
0x17f: {  	v6 =	vld [tilespmem:s9+$0xFFFFFFC0]  }
0x180: {  	v7 =	vld [tilespmem:s9+$0x40];
	_ =	sdelay $0x3  }
0x181: {  	v6 =	vshll.u32 v6, $0x8  }
0x182: {  	v6 =	vadd.s32 v7, v6  }
0x183: {  	[tilespmem:$0x1980] =	vst v6  }
0x184: {  	v44 =	vld [tilespmem:s9+$0xFFFFFFD0]  }
0x185: {  	v45 =	vld [tilespmem:s9+$0x50];
	_ =	sdelay $0x3  }
0x186: {  	v8 =	vshll.u32 v44, $0x8  }
0x187: {  	v8 =	vadd.s32 v45, v8  }
0x188: {  	[tilespmem:$0x1990] =	vst v8  }
0x189: {  	v8 =	vld [tilespmem:s9+$0xFFFFFFE0]  }
0x18a: {  	v46 =	vld [tilespmem:s9+$0x60];
	_ =	sdelay $0x3  }
0x18b: {  	v8 =	vshll.u32 v8, $0x8  }
0x18c: {  	v6 =	vshll.u32 v6, $0x1;
	v8 =	vadd.s32 v46, v8  }
0x18d: {  	v7 =	vand.u32 $0x7, v7;
	v6 =	vand.u32 $0xFFFFFFF0, v6;
	[tilespmem:$0x19A0] =	vst v8  }
0x18e: {  	v6 =	vor.u32 v7, v6;
	v8 =	vld [tilespmem:s9+$0xFFFFFFF0]  }
0x18f: {  	v47 =	vperm.xlane v6, v1;
	v7 =	vld [tilespmem:s9+$0x70];
	_ =	sdelay $0x1  }
0x190: {  	v6 =	vperm.xlane v6, v2;
	v9 =	vadd.s32 v3, v47;
	_ =	sdelay $0x1  }
0x191: {  	v6 =	vadd.s32 v3, v6;
	v8 =	vshll.u32 v8, $0x8  }
0x192: {  	v7 =	vadd.s32 v7, v8  }
0x193: {  	[tilespmem:$0x19B0] =	vst v7  }
0x194: {  	[tilespmem:s12], [sflag:$0x2] =	stream.indirect_vreg.gather [hbm4b:s2+s3], $0x80, v9, vm0, $0xb8;
	[tilespmem:$0x19C00] =	vst v63  }
0x195: {  	s17 =	simm.s32 $0x6400  }
0x196: {  	[tilespmem:s17], [sflag:$0x2] =	stream.indirect_vreg.gather [hbm4b:s2+s3], $0x80, v6, vm0, $0xb8;
	[tilespmem:$0x19C00] =	vst v63  }
0x197: {  	v6 =	vld [tilespmem:$0x1990];
	_ =	sdelay $0x4  }
0x198: {  	v7 =	vshll.u32 v6, $0x1  }
0x199: {  	v6 =	vand.u32 $0x7, v6;
	v7 =	vand.u32 $0xFFFFFFF0, v7  }
0x19a: {  	v6 =	vor.u32 v6, v7  }
0x19b: {  	v7 =	vperm.xlane v6, v1;
	_ =	sdelay $0x1  }
0x19c: {  	v6 =	vperm.xlane v6, v2;
	v7 =	vadd.s32 v3, v7;
	_ =	sdelay $0x1  }
0x19d: {  	v6 =	vadd.s32 v3, v6;
	_ =	sdelay $0x1  }
0x19e: {  	s22 =	simm.s32 $0x6C00  }
0x19f: {  	[tilespmem:s22], [sflag:$0x2] =	stream.indirect_vreg.gather [hbm4b:s2+s3], $0x80, v7, vm0, $0xb8;
	[tilespmem:$0x19C00] =	vst v63  }
0x1a0: {  	s5 =	simm.s32 $0x7400  }
0x1a1: {  	[tilespmem:s5], [sflag:$0x2] =	stream.indirect_vreg.gather [hbm4b:s2+s3], $0x80, v6, vm0, $0xb8;
	[tilespmem:$0x19C00] =	vst v63  }
0x1a2: {  	v6 =	vld [tilespmem:$0x19A0];
	_ =	sdelay $0x4  }
0x1a3: {  	v7 =	vshll.u32 v6, $0x1  }
0x1a4: {  	v6 =	vand.u32 $0x7, v6;
	v7 =	vand.u32 $0xFFFFFFF0, v7  }
0x1a5: {  	v6 =	vor.u32 v6, v7  }
0x1a6: {  	v7 =	vperm.xlane v6, v1;
	_ =	sdelay $0x1  }
0x1a7: {  	v6 =	vperm.xlane v6, v2;
	v7 =	vadd.s32 v3, v7;
	_ =	sdelay $0x1  }
0x1a8: {  	v6 =	vadd.s32 v3, v6;
	_ =	sdelay $0x1  }
0x1a9: {  	s12 =	simm.s32 $0x7C00  }
0x1aa: {  	[tilespmem:s12], [sflag:$0x2] =	stream.indirect_vreg.gather [hbm4b:s2+s3], $0x80, v7, vm0, $0xb8;
	[tilespmem:$0x19C00] =	vst v63  }
0x1ab: {  	s17 =	simm.s32 $0x8400  }
0x1ac: {  	[tilespmem:s17], [sflag:$0x2] =	stream.indirect_vreg.gather [hbm4b:s2+s3], $0x80, v6, vm0, $0xb8;
	[tilespmem:$0x19C00] =	vst v63  }
0x1ad: {  	v6 =	vld [tilespmem:$0x19B0];
	_ =	sdelay $0x4  }
0x1ae: {  	v7 =	vshll.u32 v6, $0x1  }
0x1af: {  	v6 =	vand.u32 $0x7, v6;
	v7 =	vand.u32 $0xFFFFFFF0, v7  }
0x1b0: {  	v6 =	vor.u32 v6, v7  }
0x1b1: {  	v7 =	vperm.xlane v6, v1;
	_ =	sdelay $0x1  }
0x1b2: {  	v6 =	vperm.xlane v6, v2;
	v7 =	vadd.s32 v3, v7;
	_ =	sdelay $0x1  }
0x1b3: {  	v6 =	vadd.s32 v3, v6;
	_ =	sdelay $0x1  }
0x1b4: {  	s22 =	simm.s32 $0x8C00  }
0x1b5: {  	[tilespmem:s22], [sflag:$0x2] =	stream.indirect_vreg.gather [hbm4b:s2+s3], $0x80, v7, vm0, $0xb8;
	[tilespmem:$0x19C00] =	vst v63  }
0x1b6: {  	s5 =	simm.s32 $0x9400  }
0x1b7: {  	[tilespmem:s5], [sflag:$0x2] =	stream.indirect_vreg.gather [hbm4b:s2+s3], $0x80, v6, vm0, $0xb8;
	[tilespmem:$0x19C00] =	vst v63  }
0x1b8: {  	_ =	swait.ge [sflag:s31], $0x4000  }
0x1b9: {  	s12 =	rddreg [dreg:$0x7]  }
0x1ba: {  	[sflag:s31] =	ssyncset.done $0x0;
	s11 =	sadd.s32 s10, s12  }
0x1bb: {  	s5 =	simm.s32 $0x9C00;
	[sflag:s31] =	ssyncadd.s32 $0xFFFFC000;
	s17 =	sadd.s32 $0x20000, s11  }
0x1bc: {  	[hbm4b:s17+s3] =	stream.linear.scatter [tilespmem:s5], [sflag:$0x9], $0x4000, $0x38;
	[tilespmem:$0x19C00] =	vst v63  }
0x1bd: {  	_ =	swait.ge [sflag:s26], $0x4000  }
0x1be: {  	[sflag:s26] =	ssyncset.done $0x0  }
0x1bf: {  	[sflag:s26] =	ssyncadd.s32 $0xFFFFC000  }
0x1c0: {  	v6 =	vld [tilespmem:s9+$0x0]  }
0x1c1: {  	v7 =	vld [tilespmem:s9+$0x80];
	_ =	sdelay $0x3  }
0x1c2: {  	v6 =	vshll.u32 v6, $0x8  }
0x1c3: {  	v6 =	vadd.s32 v7, v6  }
0x1c4: {  	[tilespmem:$0x1A00] =	vst v6  }
0x1c5: {  	v48 =	vld [tilespmem:s9+$0x10]  }
0x1c6: {  	v49 =	vld [tilespmem:s9+$0x90];
	_ =	sdelay $0x3  }
0x1c7: {  	v8 =	vshll.u32 v48, $0x8  }
0x1c8: {  	v8 =	vadd.s32 v49, v8  }
0x1c9: {  	[tilespmem:$0x1A10] =	vst v8  }
0x1ca: {  	v8 =	vld [tilespmem:s9+$0x20]  }
0x1cb: {  	v50 =	vld [tilespmem:s9+$0xA0];
	_ =	sdelay $0x3  }
0x1cc: {  	v8 =	vshll.u32 v8, $0x8  }
0x1cd: {  	v6 =	vshll.u32 v6, $0x1;
	v8 =	vadd.s32 v50, v8  }
0x1ce: {  	v7 =	vand.u32 $0x7, v7;
	v6 =	vand.u32 $0xFFFFFFF0, v6;
	[tilespmem:$0x1A20] =	vst v8  }
0x1cf: {  	v6 =	vor.u32 v7, v6;
	v8 =	vld [tilespmem:s9+$0x30]  }
0x1d0: {  	v51 =	vperm.xlane v6, v1;
	v7 =	vld [tilespmem:s9+$0xB0];
	_ =	sdelay $0x1  }
0x1d1: {  	v6 =	vperm.xlane v6, v2;
	v9 =	vadd.s32 v3, v51;
	_ =	sdelay $0x1  }
0x1d2: {  	v6 =	vadd.s32 v3, v6;
	v8 =	vshll.u32 v8, $0x8  }
0x1d3: {  	v7 =	vadd.s32 v7, v8  }
0x1d4: {  	[tilespmem:$0x1A30] =	vst v7  }
0x1d5: {  	[tilespmem:s5], [sflag:$0x3] =	stream.indirect_vreg.gather [hbm4b:s2+s3], $0x80, v9, vm0, $0xb8;
	[tilespmem:$0x19C00] =	vst v63  }
0x1d6: {  	s22 =	simm.s32 $0xA400  }
0x1d7: {  	[tilespmem:s22], [sflag:$0x3] =	stream.indirect_vreg.gather [hbm4b:s2+s3], $0x80, v6, vm0, $0xb8;
	[tilespmem:$0x19C00] =	vst v63  }
0x1d8: {  	v6 =	vld [tilespmem:$0x1A10];
	_ =	sdelay $0x4  }
0x1d9: {  	v7 =	vshll.u32 v6, $0x1  }
0x1da: {  	v6 =	vand.u32 $0x7, v6;
	v7 =	vand.u32 $0xFFFFFFF0, v7  }
0x1db: {  	v6 =	vor.u32 v6, v7  }
0x1dc: {  	v7 =	vperm.xlane v6, v1;
	_ =	sdelay $0x1  }
0x1dd: {  	v6 =	vperm.xlane v6, v2;
	v7 =	vadd.s32 v3, v7;
	_ =	sdelay $0x1  }
0x1de: {  	v6 =	vadd.s32 v3, v6;
	_ =	sdelay $0x1  }
0x1df: {  	s5 =	simm.s32 $0xAC00  }
0x1e0: {  	[tilespmem:s5], [sflag:$0x3] =	stream.indirect_vreg.gather [hbm4b:s2+s3], $0x80, v7, vm0, $0xb8;
	[tilespmem:$0x19C00] =	vst v63  }
0x1e1: {  	s17 =	simm.s32 $0xB400  }
0x1e2: {  	[tilespmem:s17], [sflag:$0x3] =	stream.indirect_vreg.gather [hbm4b:s2+s3], $0x80, v6, vm0, $0xb8;
	[tilespmem:$0x19C00] =	vst v63  }
0x1e3: {  	v6 =	vld [tilespmem:$0x1A20];
	_ =	sdelay $0x4  }
0x1e4: {  	v7 =	vshll.u32 v6, $0x1  }
0x1e5: {  	v6 =	vand.u32 $0x7, v6;
	v7 =	vand.u32 $0xFFFFFFF0, v7  }
0x1e6: {  	v6 =	vor.u32 v6, v7  }
0x1e7: {  	v7 =	vperm.xlane v6, v1;
	_ =	sdelay $0x1  }
0x1e8: {  	v6 =	vperm.xlane v6, v2;
	v7 =	vadd.s32 v3, v7;
	_ =	sdelay $0x1  }
0x1e9: {  	v6 =	vadd.s32 v3, v6;
	_ =	sdelay $0x1  }
0x1ea: {  	s22 =	simm.s32 $0xBC00  }
0x1eb: {  	[tilespmem:s22], [sflag:$0x3] =	stream.indirect_vreg.gather [hbm4b:s2+s3], $0x80, v7, vm0, $0xb8;
	[tilespmem:$0x19C00] =	vst v63  }
0x1ec: {  	s5 =	simm.s32 $0xC400  }
0x1ed: {  	[tilespmem:s5], [sflag:$0x3] =	stream.indirect_vreg.gather [hbm4b:s2+s3], $0x80, v6, vm0, $0xb8;
	[tilespmem:$0x19C00] =	vst v63  }
0x1ee: {  	v6 =	vld [tilespmem:$0x1A30];
	_ =	sdelay $0x4  }
0x1ef: {  	v7 =	vshll.u32 v6, $0x1  }
0x1f0: {  	v6 =	vand.u32 $0x7, v6;
	v7 =	vand.u32 $0xFFFFFFF0, v7  }
0x1f1: {  	v6 =	vor.u32 v6, v7  }
0x1f2: {  	v7 =	vperm.xlane v6, v1;
	_ =	sdelay $0x1  }
0x1f3: {  	v6 =	vperm.xlane v6, v2;
	v7 =	vadd.s32 v3, v7;
	_ =	sdelay $0x1  }
0x1f4: {  	v6 =	vadd.s32 v3, v6;
	_ =	sdelay $0x1  }
0x1f5: {  	s17 =	simm.s32 $0xCC00  }
0x1f6: {  	[tilespmem:s17], [sflag:$0x3] =	stream.indirect_vreg.gather [hbm4b:s2+s3], $0x80, v7, vm0, $0xb8;
	[tilespmem:$0x19C00] =	vst v63  }
0x1f7: {  	s22 =	simm.s32 $0xD400  }
0x1f8: {  	[tilespmem:s22], [sflag:$0x3] =	stream.indirect_vreg.gather [hbm4b:s2+s3], $0x80, v6, vm0, $0xb8;
	[tilespmem:$0x19C00] =	vst v63  }
0x1f9: {  	_ =	swait.ge [sflag:s1], $0x4000  }
0x1fa: {  	s5 =	rddreg [dreg:$0x5];
	[sflag:s1] =	ssyncset.done $0x0  }
0x1fb: {  	s17 =	simm.s32 $0xDC00;
	[sflag:s1] =	ssyncadd.s32 $0xFFFFC000;
	s12 =	sadd.s32 s10, s5  }
0x1fc: {  	[hbm4b:s12+s3] =	stream.linear.scatter [tilespmem:s17], [sflag:$0xA], $0x4000, $0x38;
	[tilespmem:$0x19C00] =	vst v63  }
0x1fd: {  	_ =	swait.ge [sflag:s23], $0x4000  }
0x1fe: {  	[sflag:s23] =	ssyncset.done $0x0  }
0x1ff: {  	[sflag:s23] =	ssyncadd.s32 $0xFFFFC000  }
0x200: {  	v6 =	vld [tilespmem:s9+$0x40]  }
0x201: {  	v7 =	vld [tilespmem:s9+$0xC0];
	_ =	sdelay $0x3  }
0x202: {  	v6 =	vshll.u32 v6, $0x8  }
0x203: {  	v6 =	vadd.s32 v7, v6  }
0x204: {  	[tilespmem:$0x1A80] =	vst v6  }
0x205: {  	v52 =	vld [tilespmem:s9+$0x50]  }
0x206: {  	v53 =	vld [tilespmem:s9+$0xD0];
	_ =	sdelay $0x3  }
0x207: {  	v8 =	vshll.u32 v52, $0x8  }
0x208: {  	v8 =	vadd.s32 v53, v8  }
0x209: {  	[tilespmem:$0x1A90] =	vst v8  }
0x20a: {  	v8 =	vld [tilespmem:s9+$0x60]  }
0x20b: {  	v54 =	vld [tilespmem:s9+$0xE0];
	_ =	sdelay $0x3  }
0x20c: {  	v8 =	vshll.u32 v8, $0x8  }
0x20d: {  	v6 =	vshll.u32 v6, $0x1;
	v8 =	vadd.s32 v54, v8  }
0x20e: {  	v7 =	vand.u32 $0x7, v7;
	v6 =	vand.u32 $0xFFFFFFF0, v6;
	[tilespmem:$0x1AA0] =	vst v8  }
0x20f: {  	v6 =	vor.u32 v7, v6;
	v8 =	vld [tilespmem:s9+$0x70]  }
0x210: {  	v55 =	vperm.xlane v6, v1;
	v7 =	vld [tilespmem:s9+$0xF0];
	_ =	sdelay $0x1  }
0x211: {  	v6 =	vperm.xlane v6, v2;
	v9 =	vadd.s32 v3, v55;
	_ =	sdelay $0x1  }
0x212: {  	v6 =	vadd.s32 v3, v6;
	v8 =	vshll.u32 v8, $0x8  }
0x213: {  	v7 =	vadd.s32 v7, v8  }
0x214: {  	[tilespmem:$0x1AB0] =	vst v7  }
0x215: {  	[tilespmem:s17], [sflag:$0x4] =	stream.indirect_vreg.gather [hbm4b:s2+s3], $0x80, v9, vm0, $0xb8;
	[tilespmem:$0x19C00] =	vst v63  }
0x216: {  	s22 =	simm.s32 $0xE400  }
0x217: {  	[tilespmem:s22], [sflag:$0x4] =	stream.indirect_vreg.gather [hbm4b:s2+s3], $0x80, v6, vm0, $0xb8;
	[tilespmem:$0x19C00] =	vst v63  }
0x218: {  	v6 =	vld [tilespmem:$0x1A90];
	_ =	sdelay $0x4  }
0x219: {  	v7 =	vshll.u32 v6, $0x1  }
0x21a: {  	v6 =	vand.u32 $0x7, v6;
	v7 =	vand.u32 $0xFFFFFFF0, v7  }
0x21b: {  	v6 =	vor.u32 v6, v7  }
0x21c: {  	v7 =	vperm.xlane v6, v1;
	_ =	sdelay $0x1  }
0x21d: {  	v6 =	vperm.xlane v6, v2;
	v7 =	vadd.s32 v3, v7;
	_ =	sdelay $0x1  }
0x21e: {  	v6 =	vadd.s32 v3, v6;
	_ =	sdelay $0x1  }
0x21f: {  	s5 =	simm.s32 $0xEC00  }
0x220: {  	[tilespmem:s5], [sflag:$0x4] =	stream.indirect_vreg.gather [hbm4b:s2+s3], $0x80, v7, vm0, $0xb8;
	[tilespmem:$0x19C00] =	vst v63  }
0x221: {  	s17 =	simm.s32 $0xF400  }
0x222: {  	[tilespmem:s17], [sflag:$0x4] =	stream.indirect_vreg.gather [hbm4b:s2+s3], $0x80, v6, vm0, $0xb8;
	[tilespmem:$0x19C00] =	vst v63  }
0x223: {  	v6 =	vld [tilespmem:$0x1AA0];
	_ =	sdelay $0x4  }
0x224: {  	v7 =	vshll.u32 v6, $0x1  }
0x225: {  	v6 =	vand.u32 $0x7, v6;
	v7 =	vand.u32 $0xFFFFFFF0, v7  }
0x226: {  	v6 =	vor.u32 v6, v7  }
0x227: {  	v7 =	vperm.xlane v6, v1;
	_ =	sdelay $0x1  }
0x228: {  	v6 =	vperm.xlane v6, v2;
	v7 =	vadd.s32 v3, v7;
	_ =	sdelay $0x1  }
0x229: {  	v6 =	vadd.s32 v3, v6;
	_ =	sdelay $0x1  }
0x22a: {  	s22 =	simm.s32 $0xFC00  }
0x22b: {  	[tilespmem:s22], [sflag:$0x4] =	stream.indirect_vreg.gather [hbm4b:s2+s3], $0x80, v7, vm0, $0xb8;
	[tilespmem:$0x19C00] =	vst v63  }
0x22c: {  	s5 =	simm.s32 $0x10400  }
0x22d: {  	[tilespmem:s5], [sflag:$0x4] =	stream.indirect_vreg.gather [hbm4b:s2+s3], $0x80, v6, vm0, $0xb8;
	[tilespmem:$0x19C00] =	vst v63  }
0x22e: {  	v6 =	vld [tilespmem:$0x1AB0];
	_ =	sdelay $0x4  }
0x22f: {  	v7 =	vshll.u32 v6, $0x1  }
0x230: {  	v6 =	vand.u32 $0x7, v6;
	v7 =	vand.u32 $0xFFFFFFF0, v7  }
0x231: {  	v6 =	vor.u32 v6, v7  }
0x232: {  	v7 =	vperm.xlane v6, v1;
	_ =	sdelay $0x1  }
0x233: {  	v6 =	vperm.xlane v6, v2;
	v7 =	vadd.s32 v3, v7;
	_ =	sdelay $0x1  }
0x234: {  	v6 =	vadd.s32 v3, v6;
	_ =	sdelay $0x1  }
0x235: {  	s17 =	simm.s32 $0x10C00  }
0x236: {  	[tilespmem:s17], [sflag:$0x4] =	stream.indirect_vreg.gather [hbm4b:s2+s3], $0x80, v7, vm0, $0xb8;
	[tilespmem:$0x19C00] =	vst v63  }
0x237: {  	s22 =	simm.s32 $0x11400  }
0x238: {  	[tilespmem:s22], [sflag:$0x4] =	stream.indirect_vreg.gather [hbm4b:s2+s3], $0x80, v6, vm0, $0xb8;
	[tilespmem:$0x19C00] =	vst v63  }
0x239: {  	_ =	swait.ge [sflag:s0], $0x4000  }
0x23a: {  	[sflag:s0] =	ssyncset.done $0x0  }
0x23b: {  	s5 =	sadd.s32 $0x40000, s11;
	s22 =	simm.s32 $0x11C00;
	[sflag:s0] =	ssyncadd.s32 $0xFFFFC000  }
0x23c: {  	[hbm4b:s5+s3] =	stream.linear.scatter [tilespmem:s22], [sflag:$0xB], $0x4000, $0x38;
	[tilespmem:$0x19C00] =	vst v63  }
0x23d: {  	_ =	swait.ge [sflag:s6], $0x4000  }
0x23e: {  	[sflag:s6] =	ssyncset.done $0x0  }
0x23f: {  	[sflag:s6] =	ssyncadd.s32 $0xFFFFC000  }
0x240: {  	v6 =	vld [tilespmem:s9+$0x80]  }
0x241: {  	v7 =	vld [tilespmem:s9+$0x100];
	_ =	sdelay $0x3  }
0x242: {  	v6 =	vshll.u32 v6, $0x8  }
0x243: {  	v6 =	vadd.s32 v7, v6  }
0x244: {  	[tilespmem:$0x1B00] =	vst v6  }
0x245: {  	v56 =	vld [tilespmem:s9+$0x90]  }
0x246: {  	v57 =	vld [tilespmem:s9+$0x110];
	_ =	sdelay $0x3  }
0x247: {  	v8 =	vshll.u32 v56, $0x8  }
0x248: {  	v8 =	vadd.s32 v57, v8  }
0x249: {  	[tilespmem:$0x1B10] =	vst v8  }
0x24a: {  	v8 =	vld [tilespmem:s9+$0xA0]  }
0x24b: {  	v58 =	vld [tilespmem:s9+$0x120];
	_ =	sdelay $0x3  }
0x24c: {  	v8 =	vshll.u32 v8, $0x8  }
0x24d: {  	v6 =	vshll.u32 v6, $0x1;
	v8 =	vadd.s32 v58, v8  }
0x24e: {  	v7 =	vand.u32 $0x7, v7;
	v6 =	vand.u32 $0xFFFFFFF0, v6;
	[tilespmem:$0x1B20] =	vst v8  }
0x24f: {  	v6 =	vor.u32 v7, v6;
	v8 =	vld [tilespmem:s9+$0xB0]  }
0x250: {  	v59 =	vperm.xlane v6, v1;
	v7 =	vld [tilespmem:s9+$0x130];
	_ =	sdelay $0x1  }
0x251: {  	v6 =	vperm.xlane v6, v2;
	v9 =	vadd.s32 v3, v59;
	_ =	sdelay $0x1  }
0x252: {  	v6 =	vadd.s32 v3, v6;
	v8 =	vshll.u32 v8, $0x8  }
0x253: {  	v7 =	vadd.s32 v7, v8  }
0x254: {  	[tilespmem:$0x1B30] =	vst v7  }
0x255: {  	[tilespmem:s22], [sflag:$0x5] =	stream.indirect_vreg.gather [hbm4b:s2+s3], $0x80, v9, vm0, $0xb8;
	[tilespmem:$0x19C00] =	vst v63  }
0x256: {  	s12 =	simm.s32 $0x12400  }
0x257: {  	[tilespmem:s12], [sflag:$0x5] =	stream.indirect_vreg.gather [hbm4b:s2+s3], $0x80, v6, vm0, $0xb8;
	[tilespmem:$0x19C00] =	vst v63  }
0x258: {  	v6 =	vld [tilespmem:$0x1B10];
	_ =	sdelay $0x4  }
0x259: {  	v7 =	vshll.u32 v6, $0x1  }
0x25a: {  	v6 =	vand.u32 $0x7, v6;
	v7 =	vand.u32 $0xFFFFFFF0, v7  }
0x25b: {  	v6 =	vor.u32 v6, v7  }
0x25c: {  	v7 =	vperm.xlane v6, v1;
	_ =	sdelay $0x1  }
0x25d: {  	v6 =	vperm.xlane v6, v2;
	v7 =	vadd.s32 v3, v7;
	_ =	sdelay $0x1  }
0x25e: {  	v6 =	vadd.s32 v3, v6;
	_ =	sdelay $0x2  }
0x25f: {  	[tilespmem:s15], [sflag:$0x5] =	stream.indirect_vreg.gather [hbm4b:s2+s3], $0x80, v7, vm0, $0xb8;
	[tilespmem:$0x19C00] =	vst v63  }
0x260: {  	_ = 	snop  }
0x261: {  	[tilespmem:s4], [sflag:$0x5] =	stream.indirect_vreg.gather [hbm4b:s2+s3], $0x80, v6, vm0, $0xb8;
	[tilespmem:$0x19C00] =	vst v63  }
0x262: {  	v6 =	vld [tilespmem:$0x1B20];
	_ =	sdelay $0x4  }
0x263: {  	v7 =	vshll.u32 v6, $0x1  }
0x264: {  	v6 =	vand.u32 $0x7, v6;
	v7 =	vand.u32 $0xFFFFFFF0, v7  }
0x265: {  	v6 =	vor.u32 v6, v7  }
0x266: {  	v7 =	vperm.xlane v6, v1;
	_ =	sdelay $0x1  }
0x267: {  	v6 =	vperm.xlane v6, v2;
	v7 =	vadd.s32 v3, v7;
	_ =	sdelay $0x1  }
0x268: {  	v6 =	vadd.s32 v3, v6;
	_ =	sdelay $0x2  }
0x269: {  	[tilespmem:s16], [sflag:$0x5] =	stream.indirect_vreg.gather [hbm4b:s2+s3], $0x80, v7, vm0, $0xb8;
	[tilespmem:$0x19C00] =	vst v63  }
0x26a: {  	s22 =	simm.s32 $0x14400  }
0x26b: {  	[tilespmem:s22], [sflag:$0x5] =	stream.indirect_vreg.gather [hbm4b:s2+s3], $0x80, v6, vm0, $0xb8;
	[tilespmem:$0x19C00] =	vst v63  }
0x26c: {  	v6 =	vld [tilespmem:$0x1B30];
	_ =	sdelay $0x4  }
0x26d: {  	v7 =	vshll.u32 v6, $0x1  }
0x26e: {  	v6 =	vand.u32 $0x7, v6;
	v7 =	vand.u32 $0xFFFFFFF0, v7  }
0x26f: {  	v6 =	vor.u32 v6, v7  }
0x270: {  	v7 =	vperm.xlane v6, v1;
	_ =	sdelay $0x1  }
0x271: {  	v6 =	vperm.xlane v6, v2;
	v7 =	vadd.s32 v3, v7;
	_ =	sdelay $0x1  }
0x272: {  	v6 =	vadd.s32 v3, v6;
	_ =	sdelay $0x2  }
0x273: {  	[tilespmem:s19], [sflag:$0x5] =	stream.indirect_vreg.gather [hbm4b:s2+s3], $0x80, v7, vm0, $0xb8;
	[tilespmem:$0x19C00] =	vst v63  }
0x274: {  	_ = 	snop  }
0x275: {  	[tilespmem:s20], [sflag:$0x5] =	stream.indirect_vreg.gather [hbm4b:s2+s3], $0x80, v6, vm0, $0xb8;
	[tilespmem:$0x19C00] =	vst v63  }
0x276: {  	_ =	swait.ge [sflag:s7], $0x4000  }
0x277: {  	s5 =	rddreg [dreg:$0x6];
	[sflag:s7] =	ssyncset.done $0x0  }
0x278: {  	[sflag:s7] =	ssyncadd.s32 $0xFFFFC000;
	s12 =	sadd.s32 s10, s5;
	s5 =	simm.s32 $0x15C00  }
0x279: {  	[hbm4b:s12+s3] =	stream.linear.scatter [tilespmem:s5], [sflag:$0xC], $0x4000, $0x38;
	[tilespmem:$0x19C00] =	vst v63  }
0x27a: {  	_ =	swait.ge [sflag:s8], $0x4000  }
0x27b: {  	[sflag:s8] =	ssyncset.done $0x0  }
0x27c: {  	[sflag:s8] =	ssyncadd.s32 $0xFFFFC000  }
0x27d: {  	v6 =	vld [tilespmem:s9+$0xC0]  }
0x27e: {  	v7 =	vld [tilespmem:s9+$0x140];
	_ =	sdelay $0x3  }
0x27f: {  	v6 =	vshll.u32 v6, $0x8  }
0x280: {  	v6 =	vadd.s32 v7, v6  }
0x281: {  	[tilespmem:$0x1B80] =	vst v6  }
0x282: {  	v60 =	vld [tilespmem:s9+$0xD0]  }
0x283: {  	v61 =	vld [tilespmem:s9+$0x150];
	_ =	sdelay $0x3  }
0x284: {  	v8 =	vshll.u32 v60, $0x8  }
0x285: {  	v8 =	vadd.s32 v61, v8  }
0x286: {  	[tilespmem:$0x1B90] =	vst v8  }
0x287: {  	v8 =	vld [tilespmem:s9+$0xE0]  }
0x288: {  	v62 =	vld [tilespmem:s9+$0x160];
	_ =	sdelay $0x3  }
0x289: {  	v8 =	vshll.u32 v8, $0x8  }
0x28a: {  	v6 =	vshll.u32 v6, $0x1;
	v8 =	vadd.s32 v62, v8  }
0x28b: {  	v7 =	vand.u32 $0x7, v7;
	v6 =	vand.u32 $0xFFFFFFF0, v6;
	[tilespmem:$0x1BA0] =	vst v8  }
0x28c: {  	v6 =	vor.u32 v7, v6;
	v8 =	vld [tilespmem:s9+$0xF0]  }
0x28d: {  	v63 =	vperm.xlane v6, v1;
	v7 =	vld [tilespmem:s9+$0x170];
	_ =	sdelay $0x1  }
0x28e: {  	v6 =	vperm.xlane v6, v2;
	v9 =	vadd.s32 v3, v63;
	_ =	sdelay $0x1  }
0x28f: {  	v6 =	vadd.s32 v3, v6;
	v8 =	vshll.u32 v8, $0x8  }
0x290: {  	v7 =	vadd.s32 v7, v8  }
0x291: {  	[tilespmem:$0x1BB0] =	vst v7  }
0x292: {  	[tilespmem:s5], [sflag:$0x6] =	stream.indirect_vreg.gather [hbm4b:s2+s3], $0x80, v9, vm0, $0xb8;
	[tilespmem:$0x19C00] =	vst v63  }
0x293: {  	_ = 	snop  }
0x294: {  	[tilespmem:s21], [sflag:$0x6] =	stream.indirect_vreg.gather [hbm4b:s2+s3], $0x80, v6, vm0, $0xb8;
	[tilespmem:$0x19C00] =	vst v63  }
0x295: {  	v6 =	vld [tilespmem:$0x1B90];
	_ =	sdelay $0x4  }
0x296: {  	v7 =	vshll.u32 v6, $0x1  }
0x297: {  	v6 =	vand.u32 $0x7, v6;
	v7 =	vand.u32 $0xFFFFFFF0, v7  }
0x298: {  	v6 =	vor.u32 v6, v7  }
0x299: {  	v7 =	vperm.xlane v6, v1;
	_ =	sdelay $0x1  }
0x29a: {  	v6 =	vperm.xlane v6, v2;
	v7 =	vadd.s32 v3, v7;
	_ =	sdelay $0x1  }
0x29b: {  	v6 =	vadd.s32 v3, v6;
	_ =	sdelay $0x1  }
0x29c: {  	s12 =	simm.s32 $0x16C00  }
0x29d: {  	[tilespmem:s12], [sflag:$0x6] =	stream.indirect_vreg.gather [hbm4b:s2+s3], $0x80, v7, vm0, $0xb8;
	[tilespmem:$0x19C00] =	vst v63  }
0x29e: {  	_ = 	snop  }
0x29f: {  	[tilespmem:s13], [sflag:$0x6] =	stream.indirect_vreg.gather [hbm4b:s2+s3], $0x80, v6, vm0, $0xb8;
	[tilespmem:$0x19C00] =	vst v63  }
0x2a0: {  	v6 =	vld [tilespmem:$0x1BA0];
	_ =	sdelay $0x4  }
0x2a1: {  	v7 =	vshll.u32 v6, $0x1  }
0x2a2: {  	v6 =	vand.u32 $0x7, v6;
	v7 =	vand.u32 $0xFFFFFFF0, v7  }
0x2a3: {  	v6 =	vor.u32 v6, v7  }
0x2a4: {  	v7 =	vperm.xlane v6, v1;
	_ =	sdelay $0x1  }
0x2a5: {  	v6 =	vperm.xlane v6, v2;
	v7 =	vadd.s32 v3, v7;
	_ =	sdelay $0x1  }
0x2a6: {  	v6 =	vadd.s32 v3, v6;
	_ =	sdelay $0x1  }
0x2a7: {  	s12 =	simm.s32 $0x17C00  }
0x2a8: {  	[tilespmem:s12], [sflag:$0x6] =	stream.indirect_vreg.gather [hbm4b:s2+s3], $0x80, v7, vm0, $0xb8;
	[tilespmem:$0x19C00] =	vst v63  }
0x2a9: {  	s12 =	simm.s32 $0x18400  }
0x2aa: {  	[tilespmem:s12], [sflag:$0x6] =	stream.indirect_vreg.gather [hbm4b:s2+s3], $0x80, v6, vm0, $0xb8;
	[tilespmem:$0x19C00] =	vst v63  }
0x2ab: {  	v6 =	vld [tilespmem:$0x1BB0];
	_ =	sdelay $0x4  }
0x2ac: {  	v7 =	vshll.u32 v6, $0x1  }
0x2ad: {  	v6 =	vand.u32 $0x7, v6;
	v7 =	vand.u32 $0xFFFFFFF0, v7  }
0x2ae: {  	v6 =	vor.u32 v6, v7  }
0x2af: {  	v7 =	vperm.xlane v6, v1;
	_ =	sdelay $0x1  }
0x2b0: {  	v6 =	vperm.xlane v6, v2;
	v7 =	vadd.s32 v3, v7;
	_ =	sdelay $0x1  }
0x2b1: {  	v6 =	vadd.s32 v3, v6;
	_ =	sdelay $0x2  }
0x2b2: {  	[tilespmem:s18], [sflag:$0x6] =	stream.indirect_vreg.gather [hbm4b:s2+s3], $0x80, v7, vm0, $0xb8;
	[tilespmem:$0x19C00] =	vst v63  }
0x2b3: {  	p0 =	sne.s32 s10, $0x540000  }
0x2b4: {  	[tilespmem:s14], [sflag:$0x6] =	stream.indirect_vreg.gather [hbm4b:s2+s3], $0x80, v6, vm0, $0xb8;
	[tilespmem:$0x19C00] =	vst v63  }
.Ltmp0:
0x2b5: {  	_ = 	snop;
	(pc) =	sbr.rel @p0 .LBB2_2-.Ltmp0, $4  }
0x2b6: {  	s11 =	sadd.s32 $0x60000, s11;
	_ =	swait.ge [sflag:s28], $0x4000  }
0x2b7: {  	s17 =	simm.s32 $0x11C00;
	s22 =	simm.s32 $0x15C00;
	[sflag:s28] =	ssyncset.done $0x0  }
0x2b8: {  	s10 =	sadd.s32 $0x60000, s10;
	s9 =	sadd.s32 $0x180, s9;
	[sflag:s28] =	ssyncadd.s32 $0xFFFFC000  }
0x2b9: {  	[hbm4b:s11+s3] =	stream.linear.scatter [tilespmem:s25], [sflag:$0x7], $0x4000, $0x38;
	[tilespmem:$0x19C00] =	vst v63  }
0x2ba: {  	_ =	swait.ge [sflag:s24], $0x4000  }
0x2bb: {  	[sflag:s24] =	ssyncset.done $0x0  }
0x2bc: {  	[sflag:s24] =	ssyncadd.s32 $0xFFFFC000  }
0x2bd: {  	v6 =	vld [tilespmem:$0x1780]  }
0x2be: {  	v7 =	vld [tilespmem:$0x1800];
	_ =	sdelay $0x3  }
0x2bf: {  	v8 =	vld [tilespmem:$0x1810];
	v6 =	vshll.u32 v6, $0x8  }
0x2c0: {  	v9 =	vld [tilespmem:$0x1790];
	v6 =	vadd.s32 v7, v6  }
0x2c1: {  	v10 =	vld [tilespmem:$0x1820];
	v11 =	vshll.u32 v6, $0x1  }
0x2c2: {  	v12 =	vld [tilespmem:$0x17A0];
	v7 =	vand.u32 $0x7, v7;
	v11 =	vand.u32 $0xFFFFFFF0, v11  }
0x2c3: {  	v13 =	vld [tilespmem:$0x17B0];
	v7 =	vor.u32 v7, v11  }
0x2c4: {  	v31 =	vld [tilespmem:$0x1830];
	v14 =	vperm.xlane v7, v1;
	_ =	sdelay $0x1  }
0x2c5: {  	v9 =	vshll.u32 v9, $0x8;
	v7 =	vperm.xlane v7, v2;
	v14 =	vadd.s32 v3, v14  }
0x2c6: {  	v32 =	vshll.u32 v12, $0x8;
	[tilespmem:$0x1900] =	vst v6;
	v6 =	vadd.s32 v8, v9  }
0x2c7: {  	v33 =	vshll.u32 v13, $0x8;
	[tilespmem:$0x1910] =	vst v6;
	v6 =	vadd.s32 v10, v32;
	v7 =	vadd.s32 v3, v7  }
0x2c8: {  	[tilespmem:$0x1920] =	vst v6;
	v6 =	vadd.s32 v31, v33  }
0x2c9: {  	s10 =	simm.s32 $0x1C00;
	[tilespmem:$0x1930] =	vst v6  }
0x2ca: {  	[tilespmem:s10], [sflag:$0x1] =	stream.indirect_vreg.gather [hbm4b:s2+s3], $0x80, v14, vm0, $0xb8;
	[tilespmem:$0x19C00] =	vst v63  }
0x2cb: {  	s9 =	simm.s32 $0x2400  }
0x2cc: {  	[tilespmem:s9], [sflag:$0x1] =	stream.indirect_vreg.gather [hbm4b:s2+s3], $0x80, v7, vm0, $0xb8;
	[tilespmem:$0x19C00] =	vst v63  }
0x2cd: {  	v6 =	vld [tilespmem:$0x1910];
	_ =	sdelay $0x4  }
0x2ce: {  	v7 =	vshll.u32 v6, $0x1  }
0x2cf: {  	v6 =	vand.u32 $0x7, v6;
	v7 =	vand.u32 $0xFFFFFFF0, v7  }
0x2d0: {  	v6 =	vor.u32 v6, v7  }
0x2d1: {  	v7 =	vperm.xlane v6, v1;
	_ =	sdelay $0x1  }
0x2d2: {  	v6 =	vperm.xlane v6, v2;
	v7 =	vadd.s32 v3, v7;
	_ =	sdelay $0x1  }
0x2d3: {  	v6 =	vadd.s32 v3, v6;
	_ =	sdelay $0x1  }
0x2d4: {  	s16 =	simm.s32 $0x2C00  }
0x2d5: {  	[tilespmem:s16], [sflag:$0x1] =	stream.indirect_vreg.gather [hbm4b:s2+s3], $0x80, v7, vm0, $0xb8;
	[tilespmem:$0x19C00] =	vst v63  }
0x2d6: {  	s18 =	simm.s32 $0x3400  }
0x2d7: {  	[tilespmem:s18], [sflag:$0x1] =	stream.indirect_vreg.gather [hbm4b:s2+s3], $0x80, v6, vm0, $0xb8;
	[tilespmem:$0x19C00] =	vst v63  }
0x2d8: {  	v6 =	vld [tilespmem:$0x1920];
	_ =	sdelay $0x4  }
0x2d9: {  	v7 =	vshll.u32 v6, $0x1  }
0x2da: {  	v6 =	vand.u32 $0x7, v6;
	v7 =	vand.u32 $0xFFFFFFF0, v7  }
0x2db: {  	v6 =	vor.u32 v6, v7  }
0x2dc: {  	v7 =	vperm.xlane v6, v1;
	_ =	sdelay $0x1  }
0x2dd: {  	v6 =	vperm.xlane v6, v2;
	v7 =	vadd.s32 v3, v7;
	_ =	sdelay $0x1  }
0x2de: {  	v6 =	vadd.s32 v3, v6;
	_ =	sdelay $0x1  }
0x2df: {  	s19 =	simm.s32 $0x3C00  }
0x2e0: {  	[tilespmem:s19], [sflag:$0x1] =	stream.indirect_vreg.gather [hbm4b:s2+s3], $0x80, v7, vm0, $0xb8;
	[tilespmem:$0x19C00] =	vst v63  }
0x2e1: {  	s20 =	simm.s32 $0x4400  }
0x2e2: {  	[tilespmem:s20], [sflag:$0x1] =	stream.indirect_vreg.gather [hbm4b:s2+s3], $0x80, v6, vm0, $0xb8;
	[tilespmem:$0x19C00] =	vst v63  }
0x2e3: {  	v6 =	vld [tilespmem:$0x1930];
	_ =	sdelay $0x4  }
0x2e4: {  	v7 =	vshll.u32 v6, $0x1  }
0x2e5: {  	v6 =	vand.u32 $0x7, v6;
	v7 =	vand.u32 $0xFFFFFFF0, v7  }
0x2e6: {  	v6 =	vor.u32 v6, v7  }
0x2e7: {  	v7 =	vperm.xlane v6, v1;
	_ =	sdelay $0x1  }
0x2e8: {  	v6 =	vperm.xlane v6, v2;
	v7 =	vadd.s32 v3, v7;
	_ =	sdelay $0x1  }
0x2e9: {  	v6 =	vadd.s32 v3, v6;
	_ =	sdelay $0x1  }
0x2ea: {  	s21 =	simm.s32 $0x4C00  }
0x2eb: {  	[tilespmem:s21], [sflag:$0x1] =	stream.indirect_vreg.gather [hbm4b:s2+s3], $0x80, v7, vm0, $0xb8;
	[tilespmem:$0x19C00] =	vst v63  }
0x2ec: {  	s25 =	simm.s32 $0x5400  }
0x2ed: {  	[tilespmem:s25], [sflag:$0x1] =	stream.indirect_vreg.gather [hbm4b:s2+s3], $0x80, v6, vm0, $0xb8;
	[tilespmem:$0x19C00] =	vst v63  }
0x2ee: {  	_ =	swait.ge [sflag:s29], $0x4000  }
0x2ef: {  	[sflag:s29] =	ssyncset.done $0x0  }
0x2f0: {  	s11 =	simm.s32 $0x5C00;
	s4 =	rddreg [dreg:$0xa];
	[sflag:s29] =	ssyncadd.s32 $0xFFFFC000  }
0x2f1: {  	[hbm4b:s4+s3] =	stream.linear.scatter [tilespmem:s11], [sflag:$0x8], $0x4000, $0x38;
	[tilespmem:$0x19C00] =	vst v63  }
0x2f2: {  	_ =	swait.ge [sflag:s30], $0x4000  }
0x2f3: {  	[sflag:s30] =	ssyncset.done $0x0  }
0x2f4: {  	[sflag:s30] =	ssyncadd.s32 $0xFFFFC000  }
0x2f5: {  	v6 =	vld [tilespmem:$0x17C0]  }
0x2f6: {  	v7 =	vld [tilespmem:$0x1840];
	_ =	sdelay $0x3  }
0x2f7: {  	v34 =	vld [tilespmem:$0x1850];
	v6 =	vshll.u32 v6, $0x8  }
0x2f8: {  	v35 =	vld [tilespmem:$0x17D0];
	v6 =	vadd.s32 v7, v6  }
0x2f9: {  	v36 =	vld [tilespmem:$0x1860];
	v37 =	vshll.u32 v6, $0x1  }
0x2fa: {  	v38 =	vld [tilespmem:$0x17E0];
	v7 =	vand.u32 $0x7, v7;
	v11 =	vand.u32 $0xFFFFFFF0, v37  }
0x2fb: {  	v39 =	vld [tilespmem:$0x17F0];
	v7 =	vor.u32 v7, v11  }
0x2fc: {  	v40 =	vld [tilespmem:$0x1870];
	v41 =	vperm.xlane v7, v1;
	_ =	sdelay $0x1  }
0x2fd: {  	v9 =	vshll.u32 v35, $0x8;
	v7 =	vperm.xlane v7, v2;
	v14 =	vadd.s32 v3, v41  }
0x2fe: {  	v42 =	vshll.u32 v38, $0x8;
	[tilespmem:$0x1980] =	vst v6;
	v6 =	vadd.s32 v34, v9  }
0x2ff: {  	v43 =	vshll.u32 v39, $0x8;
	[tilespmem:$0x1990] =	vst v6;
	v6 =	vadd.s32 v36, v42;
	v7 =	vadd.s32 v3, v7  }
0x300: {  	[tilespmem:$0x19A0] =	vst v6;
	v6 =	vadd.s32 v40, v43  }
0x301: {  	[tilespmem:$0x19B0] =	vst v6  }
0x302: {  	[tilespmem:s11], [sflag:$0x2] =	stream.indirect_vreg.gather [hbm4b:s2+s3], $0x80, v14, vm0, $0xb8;
	[tilespmem:$0x19C00] =	vst v63  }
0x303: {  	s5 =	simm.s32 $0x6400  }
0x304: {  	[tilespmem:s5], [sflag:$0x2] =	stream.indirect_vreg.gather [hbm4b:s2+s3], $0x80, v7, vm0, $0xb8;
	[tilespmem:$0x19C00] =	vst v63  }
0x305: {  	v6 =	vld [tilespmem:$0x1990];
	_ =	sdelay $0x4  }
0x306: {  	v7 =	vshll.u32 v6, $0x1  }
0x307: {  	v6 =	vand.u32 $0x7, v6;
	v7 =	vand.u32 $0xFFFFFFF0, v7  }
0x308: {  	v6 =	vor.u32 v6, v7  }
0x309: {  	v7 =	vperm.xlane v6, v1;
	_ =	sdelay $0x1  }
0x30a: {  	v6 =	vperm.xlane v6, v2;
	v7 =	vadd.s32 v3, v7;
	_ =	sdelay $0x1  }
0x30b: {  	v6 =	vadd.s32 v3, v6;
	_ =	sdelay $0x1  }
0x30c: {  	s12 =	simm.s32 $0x6C00  }
0x30d: {  	[tilespmem:s12], [sflag:$0x2] =	stream.indirect_vreg.gather [hbm4b:s2+s3], $0x80, v7, vm0, $0xb8;
	[tilespmem:$0x19C00] =	vst v63  }
0x30e: {  	s13 =	simm.s32 $0x7400  }
0x30f: {  	[tilespmem:s13], [sflag:$0x2] =	stream.indirect_vreg.gather [hbm4b:s2+s3], $0x80, v6, vm0, $0xb8;
	[tilespmem:$0x19C00] =	vst v63  }
0x310: {  	v6 =	vld [tilespmem:$0x19A0];
	_ =	sdelay $0x4  }
0x311: {  	v7 =	vshll.u32 v6, $0x1  }
0x312: {  	v6 =	vand.u32 $0x7, v6;
	v7 =	vand.u32 $0xFFFFFFF0, v7  }
0x313: {  	v6 =	vor.u32 v6, v7  }
0x314: {  	v7 =	vperm.xlane v6, v1;
	_ =	sdelay $0x1  }
0x315: {  	v6 =	vperm.xlane v6, v2;
	v7 =	vadd.s32 v3, v7;
	_ =	sdelay $0x1  }
0x316: {  	v6 =	vadd.s32 v3, v6;
	_ =	sdelay $0x1  }
0x317: {  	s14 =	simm.s32 $0x7C00  }
0x318: {  	[tilespmem:s14], [sflag:$0x2] =	stream.indirect_vreg.gather [hbm4b:s2+s3], $0x80, v7, vm0, $0xb8;
	[tilespmem:$0x19C00] =	vst v63  }
0x319: {  	s15 =	simm.s32 $0x8400  }
0x31a: {  	[tilespmem:s15], [sflag:$0x2] =	stream.indirect_vreg.gather [hbm4b:s2+s3], $0x80, v6, vm0, $0xb8;
	[tilespmem:$0x19C00] =	vst v63  }
0x31b: {  	v6 =	vld [tilespmem:$0x19B0];
	_ =	sdelay $0x4  }
0x31c: {  	v7 =	vshll.u32 v6, $0x1  }
0x31d: {  	v6 =	vand.u32 $0x7, v6;
	v7 =	vand.u32 $0xFFFFFFF0, v7  }
0x31e: {  	v6 =	vor.u32 v6, v7  }
0x31f: {  	v7 =	vperm.xlane v6, v1;
	_ =	sdelay $0x1  }
0x320: {  	v6 =	vperm.xlane v6, v2;
	v7 =	vadd.s32 v3, v7;
	_ =	sdelay $0x1  }
0x321: {  	v6 =	vadd.s32 v3, v6;
	_ =	sdelay $0x1  }
0x322: {  	s16 =	simm.s32 $0x8C00  }
0x323: {  	[tilespmem:s16], [sflag:$0x2] =	stream.indirect_vreg.gather [hbm4b:s2+s3], $0x80, v7, vm0, $0xb8;
	[tilespmem:$0x19C00] =	vst v63  }
0x324: {  	s18 =	simm.s32 $0x9400  }
0x325: {  	[tilespmem:s18], [sflag:$0x2] =	stream.indirect_vreg.gather [hbm4b:s2+s3], $0x80, v6, vm0, $0xb8;
	[tilespmem:$0x19C00] =	vst v63  }
0x326: {  	_ =	swait.ge [sflag:s31], $0x4000  }
0x327: {  	[sflag:s31] =	ssyncset.done $0x0  }
0x328: {  	s12 =	simm.s32 $0x9C00;
	s19 =	rddreg [dreg:$0xb];
	[sflag:s31] =	ssyncadd.s32 $0xFFFFC000  }
0x329: {  	[hbm4b:s19+s3] =	stream.linear.scatter [tilespmem:s12], [sflag:$0x9], $0x4000, $0x38;
	[tilespmem:$0x19C00] =	vst v63  }
0x32a: {  	_ =	swait.ge [sflag:s26], $0x4000  }
0x32b: {  	[sflag:s26] =	ssyncset.done $0x0  }
0x32c: {  	[sflag:s26] =	ssyncadd.s32 $0xFFFFC000  }
0x32d: {  	v6 =	vld [tilespmem:$0x1800]  }
0x32e: {  	v7 =	vld [tilespmem:$0x1880];
	_ =	sdelay $0x3  }
0x32f: {  	v44 =	vld [tilespmem:$0x1890];
	v6 =	vshll.u32 v6, $0x8  }
0x330: {  	v45 =	vld [tilespmem:$0x1810];
	v6 =	vadd.s32 v7, v6  }
0x331: {  	v46 =	vld [tilespmem:$0x18A0];
	v47 =	vshll.u32 v6, $0x1  }
0x332: {  	v48 =	vld [tilespmem:$0x1820];
	v7 =	vand.u32 $0x7, v7;
	v11 =	vand.u32 $0xFFFFFFF0, v47  }
0x333: {  	v49 =	vld [tilespmem:$0x1830];
	v7 =	vor.u32 v7, v11  }
0x334: {  	v50 =	vld [tilespmem:$0x18B0];
	v51 =	vperm.xlane v7, v1;
	_ =	sdelay $0x1  }
0x335: {  	v9 =	vshll.u32 v45, $0x8;
	v7 =	vperm.xlane v7, v2;
	v14 =	vadd.s32 v3, v51  }
0x336: {  	v52 =	vshll.u32 v48, $0x8;
	[tilespmem:$0x1A00] =	vst v6;
	v6 =	vadd.s32 v44, v9  }
0x337: {  	v53 =	vshll.u32 v49, $0x8;
	[tilespmem:$0x1A10] =	vst v6;
	v6 =	vadd.s32 v46, v52;
	v7 =	vadd.s32 v3, v7  }
0x338: {  	[tilespmem:$0x1A20] =	vst v6;
	v6 =	vadd.s32 v50, v53  }
0x339: {  	[tilespmem:$0x1A30] =	vst v6  }
0x33a: {  	[tilespmem:s12], [sflag:$0x3] =	stream.indirect_vreg.gather [hbm4b:s2+s3], $0x80, v14, vm0, $0xb8;
	[tilespmem:$0x19C00] =	vst v63  }
0x33b: {  	s20 =	simm.s32 $0xA400  }
0x33c: {  	[tilespmem:s20], [sflag:$0x3] =	stream.indirect_vreg.gather [hbm4b:s2+s3], $0x80, v7, vm0, $0xb8;
	[tilespmem:$0x19C00] =	vst v63  }
0x33d: {  	v6 =	vld [tilespmem:$0x1A10];
	_ =	sdelay $0x4  }
0x33e: {  	v7 =	vshll.u32 v6, $0x1  }
0x33f: {  	v6 =	vand.u32 $0x7, v6;
	v7 =	vand.u32 $0xFFFFFFF0, v7  }
0x340: {  	v6 =	vor.u32 v6, v7  }
0x341: {  	v7 =	vperm.xlane v6, v1;
	_ =	sdelay $0x1  }
0x342: {  	v6 =	vperm.xlane v6, v2;
	v7 =	vadd.s32 v3, v7;
	_ =	sdelay $0x1  }
0x343: {  	v6 =	vadd.s32 v3, v6;
	_ =	sdelay $0x1  }
0x344: {  	s21 =	simm.s32 $0xAC00  }
0x345: {  	[tilespmem:s21], [sflag:$0x3] =	stream.indirect_vreg.gather [hbm4b:s2+s3], $0x80, v7, vm0, $0xb8;
	[tilespmem:$0x19C00] =	vst v63  }
0x346: {  	s25 =	simm.s32 $0xB400  }
0x347: {  	[tilespmem:s25], [sflag:$0x3] =	stream.indirect_vreg.gather [hbm4b:s2+s3], $0x80, v6, vm0, $0xb8;
	[tilespmem:$0x19C00] =	vst v63  }
0x348: {  	v6 =	vld [tilespmem:$0x1A20];
	_ =	sdelay $0x4  }
0x349: {  	v7 =	vshll.u32 v6, $0x1  }
0x34a: {  	v6 =	vand.u32 $0x7, v6;
	v7 =	vand.u32 $0xFFFFFFF0, v7  }
0x34b: {  	v6 =	vor.u32 v6, v7  }
0x34c: {  	v7 =	vperm.xlane v6, v1;
	_ =	sdelay $0x1  }
0x34d: {  	v6 =	vperm.xlane v6, v2;
	v7 =	vadd.s32 v3, v7;
	_ =	sdelay $0x1  }
0x34e: {  	v6 =	vadd.s32 v3, v6;
	_ =	sdelay $0x1  }
0x34f: {  	s4 =	simm.s32 $0xBC00  }
0x350: {  	[tilespmem:s4], [sflag:$0x3] =	stream.indirect_vreg.gather [hbm4b:s2+s3], $0x80, v7, vm0, $0xb8;
	[tilespmem:$0x19C00] =	vst v63  }
0x351: {  	s5 =	simm.s32 $0xC400  }
0x352: {  	[tilespmem:s5], [sflag:$0x3] =	stream.indirect_vreg.gather [hbm4b:s2+s3], $0x80, v6, vm0, $0xb8;
	[tilespmem:$0x19C00] =	vst v63  }
0x353: {  	v6 =	vld [tilespmem:$0x1A30];
	_ =	sdelay $0x4  }
0x354: {  	v7 =	vshll.u32 v6, $0x1  }
0x355: {  	v6 =	vand.u32 $0x7, v6;
	v7 =	vand.u32 $0xFFFFFFF0, v7  }
0x356: {  	v6 =	vor.u32 v6, v7  }
0x357: {  	v7 =	vperm.xlane v6, v1;
	_ =	sdelay $0x1  }
0x358: {  	v6 =	vperm.xlane v6, v2;
	v7 =	vadd.s32 v3, v7;
	_ =	sdelay $0x1  }
0x359: {  	v6 =	vadd.s32 v3, v6;
	_ =	sdelay $0x1  }
0x35a: {  	s13 =	simm.s32 $0xCC00  }
0x35b: {  	[tilespmem:s13], [sflag:$0x3] =	stream.indirect_vreg.gather [hbm4b:s2+s3], $0x80, v7, vm0, $0xb8;
	[tilespmem:$0x19C00] =	vst v63  }
0x35c: {  	s14 =	simm.s32 $0xD400  }
0x35d: {  	[tilespmem:s14], [sflag:$0x3] =	stream.indirect_vreg.gather [hbm4b:s2+s3], $0x80, v6, vm0, $0xb8;
	[tilespmem:$0x19C00] =	vst v63  }
0x35e: {  	_ =	swait.ge [sflag:s1], $0x4000  }
0x35f: {  	[sflag:s1] =	ssyncset.done $0x0  }
0x360: {  	s13 =	simm.s32 $0xDC00;
	s15 =	rddreg [dreg:$0xc];
	[sflag:s1] =	ssyncadd.s32 $0xFFFFC000  }
0x361: {  	[hbm4b:s15+s3] =	stream.linear.scatter [tilespmem:s13], [sflag:$0xA], $0x4000, $0x38;
	[tilespmem:$0x19C00] =	vst v63  }
0x362: {  	_ =	swait.ge [sflag:s23], $0x4000  }
0x363: {  	[sflag:s23] =	ssyncset.done $0x0  }
0x364: {  	[sflag:s23] =	ssyncadd.s32 $0xFFFFC000  }
0x365: {  	v6 =	vld [tilespmem:$0x1840]  }
0x366: {  	v7 =	vld [tilespmem:$0x18C0];
	_ =	sdelay $0x3  }
0x367: {  	v54 =	vld [tilespmem:$0x18D0];
	v6 =	vshll.u32 v6, $0x8  }
0x368: {  	v55 =	vld [tilespmem:$0x1850];
	v6 =	vadd.s32 v7, v6  }
0x369: {  	v56 =	vld [tilespmem:$0x18E0];
	v57 =	vshll.u32 v6, $0x1  }
0x36a: {  	v58 =	vld [tilespmem:$0x1860];
	v7 =	vand.u32 $0x7, v7;
	v11 =	vand.u32 $0xFFFFFFF0, v57  }
0x36b: {  	v59 =	vld [tilespmem:$0x1870];
	v7 =	vor.u32 v7, v11  }
0x36c: {  	v60 =	vld [tilespmem:$0x18F0];
	v61 =	vperm.xlane v7, v1;
	_ =	sdelay $0x1  }
0x36d: {  	v9 =	vshll.u32 v55, $0x8;
	v7 =	vperm.xlane v7, v2;
	v14 =	vadd.s32 v3, v61  }
0x36e: {  	v62 =	vshll.u32 v58, $0x8;
	[tilespmem:$0x1A80] =	vst v6;
	v6 =	vadd.s32 v54, v9  }
0x36f: {  	v63 =	vshll.u32 v59, $0x8;
	[tilespmem:$0x1A90] =	vst v6;
	v6 =	vadd.s32 v56, v62;
	v7 =	vadd.s32 v3, v7  }
0x370: {  	[tilespmem:$0x1AA0] =	vst v6;
	v6 =	vadd.s32 v60, v63  }
0x371: {  	[tilespmem:$0x1AB0] =	vst v6  }
0x372: {  	[tilespmem:s13], [sflag:$0x4] =	stream.indirect_vreg.gather [hbm4b:s2+s3], $0x80, v14, vm0, $0xb8;
	[tilespmem:$0x19C00] =	vst v63  }
0x373: {  	s16 =	simm.s32 $0xE400  }
0x374: {  	[tilespmem:s16], [sflag:$0x4] =	stream.indirect_vreg.gather [hbm4b:s2+s3], $0x80, v7, vm0, $0xb8;
	[tilespmem:$0x19C00] =	vst v63  }
0x375: {  	v6 =	vld [tilespmem:$0x1A90];
	_ =	sdelay $0x4  }
0x376: {  	v7 =	vshll.u32 v6, $0x1  }
0x377: {  	v6 =	vand.u32 $0x7, v6;
	v7 =	vand.u32 $0xFFFFFFF0, v7  }
0x378: {  	v6 =	vor.u32 v6, v7  }
0x379: {  	v7 =	vperm.xlane v6, v1;
	_ =	sdelay $0x1  }
0x37a: {  	v6 =	vperm.xlane v6, v2;
	v7 =	vadd.s32 v3, v7;
	_ =	sdelay $0x1  }
0x37b: {  	v6 =	vadd.s32 v3, v6;
	_ =	sdelay $0x1  }
0x37c: {  	s18 =	simm.s32 $0xEC00  }
0x37d: {  	[tilespmem:s18], [sflag:$0x4] =	stream.indirect_vreg.gather [hbm4b:s2+s3], $0x80, v7, vm0, $0xb8;
	[tilespmem:$0x19C00] =	vst v63  }
0x37e: {  	s4 =	simm.s32 $0xF400  }
0x37f: {  	[tilespmem:s4], [sflag:$0x4] =	stream.indirect_vreg.gather [hbm4b:s2+s3], $0x80, v6, vm0, $0xb8;
	[tilespmem:$0x19C00] =	vst v63  }
0x380: {  	v6 =	vld [tilespmem:$0x1AA0];
	_ =	sdelay $0x4  }
0x381: {  	v7 =	vshll.u32 v6, $0x1  }
0x382: {  	v6 =	vand.u32 $0x7, v6;
	v7 =	vand.u32 $0xFFFFFFF0, v7  }
0x383: {  	v6 =	vor.u32 v6, v7  }
0x384: {  	v7 =	vperm.xlane v6, v1;
	_ =	sdelay $0x1  }
0x385: {  	v6 =	vperm.xlane v6, v2;
	v7 =	vadd.s32 v3, v7;
	_ =	sdelay $0x1  }
0x386: {  	v6 =	vadd.s32 v3, v6;
	_ =	sdelay $0x1  }
0x387: {  	s19 =	simm.s32 $0xFC00  }
0x388: {  	[tilespmem:s19], [sflag:$0x4] =	stream.indirect_vreg.gather [hbm4b:s2+s3], $0x80, v7, vm0, $0xb8;
	[tilespmem:$0x19C00] =	vst v63  }
0x389: {  	s20 =	simm.s32 $0x10400  }
0x38a: {  	[tilespmem:s20], [sflag:$0x4] =	stream.indirect_vreg.gather [hbm4b:s2+s3], $0x80, v6, vm0, $0xb8;
	[tilespmem:$0x19C00] =	vst v63  }
0x38b: {  	v6 =	vld [tilespmem:$0x1AB0];
	_ =	sdelay $0x4  }
0x38c: {  	v7 =	vshll.u32 v6, $0x1  }
0x38d: {  	v6 =	vand.u32 $0x7, v6;
	v7 =	vand.u32 $0xFFFFFFF0, v7  }
0x38e: {  	v6 =	vor.u32 v6, v7  }
0x38f: {  	v7 =	vperm.xlane v6, v1;
	_ =	sdelay $0x1  }
0x390: {  	v6 =	vperm.xlane v6, v2;
	v7 =	vadd.s32 v3, v7;
	_ =	sdelay $0x1  }
0x391: {  	v6 =	vadd.s32 v3, v6;
	_ =	sdelay $0x1  }
0x392: {  	s21 =	simm.s32 $0x10C00  }
0x393: {  	[tilespmem:s21], [sflag:$0x4] =	stream.indirect_vreg.gather [hbm4b:s2+s3], $0x80, v7, vm0, $0xb8;
	[tilespmem:$0x19C00] =	vst v63  }
0x394: {  	s25 =	simm.s32 $0x11400  }
0x395: {  	[tilespmem:s25], [sflag:$0x4] =	stream.indirect_vreg.gather [hbm4b:s2+s3], $0x80, v6, vm0, $0xb8;
	[tilespmem:$0x19C00] =	vst v63  }
0x396: {  	_ =	swait.ge [sflag:s0], $0x4000  }
0x397: {  	[sflag:s0] =	ssyncset.done $0x0  }
0x398: {  	s5 =	rddreg [dreg:$0xd];
	[sflag:s0] =	ssyncadd.s32 $0xFFFFC000  }
0x399: {  	[hbm4b:s5+s3] =	stream.linear.scatter [tilespmem:s17], [sflag:$0xB], $0x4000, $0x38;
	[tilespmem:$0x19C00] =	vst v63  }
0x39a: {  	_ =	swait.ge [sflag:s6], $0x4000  }
0x39b: {  	[sflag:s6] =	ssyncset.done $0x0  }
0x39c: {  	[sflag:s6] =	ssyncadd.s32 $0xFFFFC000  }
0x39d: {  	_ =	swait.ge [sflag:s7], $0x4000  }
0x39e: {  	[sflag:s7] =	ssyncset.done $0x0  }
0x39f: {  	s14 =	rddreg [dreg:$0xe];
	[sflag:s7] =	ssyncadd.s32 $0xFFFFC000  }
0x3a0: {  	[hbm4b:s14+s3] =	stream.linear.scatter [tilespmem:s22], [sflag:$0xC], $0x4000, $0x38;
	[tilespmem:$0x19C00] =	vst v63  }
0x3a1: {  	_ =	swait.ge [sflag:s8], $0x4000  }
0x3a2: {  	[sflag:s8] =	ssyncset.done $0x0  }
0x3a3: {  	[sflag:s8] =	ssyncadd.s32 $0xFFFFC000  }
0x3a4: {  	_ =	swait.ge [sflag:s28], $0x4000  }
0x3a5: {  	[sflag:s28] =	ssyncset.done $0x0  }
0x3a6: {  	s15 =	rddreg [dreg:$0xf];
	[sflag:s28] =	ssyncadd.s32 $0xFFFFC000  }
0x3a7: {  	[hbm4b:s15+s3] =	stream.linear.scatter [tilespmem:s10], [sflag:$0x7], $0x4000, $0x38;
	[tilespmem:$0x19C00] =	vst v63  }
0x3a8: {  	_ =	swait.ge [sflag:s24], $0x4000  }
0x3a9: {  	[sflag:s24] =	ssyncset.done $0x0  }
0x3aa: {  	[sflag:s24] =	ssyncadd.s32 $0xFFFFC000  }
0x3ab: {  	_ =	swait.ge [sflag:s29], $0x4000  }
0x3ac: {  	[sflag:s29] =	ssyncset.done $0x0  }
0x3ad: {  	s16 =	rddreg [dreg:$0x10];
	[sflag:s29] =	ssyncadd.s32 $0xFFFFC000  }
0x3ae: {  	[hbm4b:s16+s3] =	stream.linear.scatter [tilespmem:s11], [sflag:$0x8], $0x4000, $0x38;
	[tilespmem:$0x19C00] =	vst v63  }
0x3af: {  	_ =	swait.ge [sflag:s30], $0x4000  }
0x3b0: {  	[sflag:s30] =	ssyncset.done $0x0  }
0x3b1: {  	[sflag:s30] =	ssyncadd.s32 $0xFFFFC000  }
0x3b2: {  	_ =	swait.ge [sflag:s31], $0x4000  }
0x3b3: {  	[sflag:s31] =	ssyncset.done $0x0  }
0x3b4: {  	s18 =	rddreg [dreg:$0x11];
	[sflag:s31] =	ssyncadd.s32 $0xFFFFC000  }
0x3b5: {  	[hbm4b:s18+s3] =	stream.linear.scatter [tilespmem:s12], [sflag:$0x9], $0x4000, $0x38;
	[tilespmem:$0x19C00] =	vst v63  }
0x3b6: {  	_ =	swait.ge [sflag:s26], $0x4000  }
0x3b7: {  	[sflag:s26] =	ssyncset.done $0x0  }
0x3b8: {  	[sflag:s26] =	ssyncadd.s32 $0xFFFFC000  }
0x3b9: {  	_ =	swait.ge [sflag:s1], $0x4000  }
0x3ba: {  	[sflag:s1] =	ssyncset.done $0x0  }
0x3bb: {  	s19 =	rddreg [dreg:$0x12];
	[sflag:s1] =	ssyncadd.s32 $0xFFFFC000  }
0x3bc: {  	[hbm4b:s19+s3] =	stream.linear.scatter [tilespmem:s13], [sflag:$0xA], $0x4000, $0x38;
	[tilespmem:$0x19C00] =	vst v63  }
0x3bd: {  	_ =	swait.ge [sflag:s23], $0x4000  }
0x3be: {  	s19 =	rddreg [dreg:$0x14]  }
0x3bf: {  	s25 =	rddreg [dreg:$0x13];
	s19 =	sadd.s32 $0x1, s19  }
0x3c0: {  	s4 =	simm.s32 $0x13400;
	p0 =	sne.s32 s19, s25  }
.Ltmp1:
0x3c1: {  	s20 =	simm.s32 $0x5C00;
	s21 =	simm.s32 $0xDC00;
	(pc) =	sbr.rel @p0 .LBB2_1-.Ltmp1, $4  }
0x3c2: {  	s5 =	simm.s32 $0x9C00;
	s14 =	simm.s32 $0x14400;
	s10 =	simm.s32 $0x12400  }
0x3c3: {  	s15 =	simm.s32 $0x14C00;
	s11 =	simm.s32 $0x12C00;
	s16 =	simm.s32 $0x15400  }
0x3c4: {  	s12 =	simm.s32 $0x13C00;
	s18 =	simm.s32 $0x16400;
	[sflag:s23] =	ssyncset.done $0x0  }
0x3c5: {  	s13 =	simm.s32 $0x16C00;
	[sflag:s23] =	ssyncadd.s32 $0xFFFFC000;
	s25 =	simm.s32 $0x17400  }
0x3c6: {  	_ =	sfence.sel $0x180000  }
0x3c7: {  	[bflag:$0x0] =	sbarrier.arrive $0xFFFF  }
0x3c8: {  	_ =	strace $0x90000047  }
0x3c9: {  	s0 =	stileid.u32;
	[bflag:$0x2] =	sbarrier.arrive $0xFFFF  }
0x3ca: {  	p0 =	sne.s32 s0, $0x0;
	s0 =	rddreg [dreg:$0x3]  }
0x3cb: {  	s0 =	sadd.s32 @!p0 $0x100000, s0  }
0x3cc: {  	[sflag:s0] =	ssyncadd.tile.s32 @!p0 $0x1;
	_ =	shalt  }
.Lfunc_end2:
_tile_overlayer_lowered:
.L_overlay_start_2:
0x3cd: {  	(tag) =	ssettag $0x2  }
0x3ce: {  	s0 =	rddreg [dreg:$0x0];
	s2 =	stileid.u32  }
0x3cf: {  	s1 =	rddreg [dreg:$0x1];
	p0 =	sne.s32 s2, $0x0  }
0x3d0: {  	s3 =	rddreg [dreg:$0x2];
	[bflag:$0x3] =	sbarrier.arrive $0xFFFF;
	s2 =	simm.s32 @!p0 $0x1C0D  }
0x3d1: {  	[timem:s3], [sflag:s2] =	dma.local @!p0 [hbm:s0], s1  }
0x3d2: {  	s0 =	simm.s32 @!p0 $0xD  }
0x3d3: {  	_ =	swait.ge @!p0 [sflag:s0], s1  }
0x3d4: {  	s1 =	ssub.s32 @!p0 $0x0, s1;
	[sflag:s0] =	ssyncset.done @!p0 $0x0  }
0x3d5: {  	[sflag:s0] =	ssyncadd.s32 @!p0 s1  }
0x3d6: {  	[bflag:$0x3] =	sbarrier.arrive $0xFFFF  }
0x3d7: {  	_ =	shalt  }

</sc_bundles>
